<compile_context>
chip_gen: v7x
topology: tpu7x:2x2x1
jax: 0.10.2.dev20260603
libtpu: 0.0.44.dev20260713+nightly
codegen_flags: <defaults>
</compile_context>

<pallas_src>
import functools

import jax
import jax.numpy as jnp
from jax import lax
from jax.experimental import pallas as pl
from jax.experimental.pallas import tpu as pltpu
from jax.experimental.pallas import tpu_sc as plsc

NC = 2
NS = 16
NW = NC * NS
L = 16
CH = 128
G = 16


def _make_sc_agg(n_nodes, w0, w1, d, with_deg):
    zrows = 8 * (-(-n_nodes // (8 * NS)))
    n_rows = zrows * NS
    outw = 8 * (n_nodes // (8 * NS))
    outw_last = n_nodes - outw * (NS - 1)
    mesh = plsc.VectorSubcoreMesh(core_axis_name="c", subcore_axis_name="s")

    out_type = [jax.ShapeDtypeStruct((NC, n_nodes, d), jnp.float32)]
    scratch = [
        pltpu.VMEM((G, CH), jnp.int32),
        pltpu.VMEM((G, CH), jnp.int32),
        pltpu.VMEM((CH, d), jnp.float32),
        pltpu.VMEM((CH, d), jnp.float32),
        pltpu.VMEM_SHARED((n_rows, d), jnp.float32),
        pltpu.SemaphoreType.DMA,
        pltpu.SemaphoreType.DMA,
        pltpu.SemaphoreType.DMA,
        pltpu.SemaphoreType.DMA,
    ]
    if with_deg:
        out_type.append(jax.ShapeDtypeStruct((NC, NS, zrows), jnp.float32))
        scratch += [
            pltpu.VMEM((CH,), jnp.float32),
            pltpu.VMEM((CH,), jnp.float32),
            pltpu.VMEM_SHARED((n_rows,), jnp.float32),
            pltpu.SemaphoreType.DMA,
        ]

    def body(x_hbm, src_hbm, dst_hbm, *rest):
        if with_deg:
            (agg_hbm, deg_hbm, src_v, dst_v, rows0, rows1, accum,
             gsem0, gsem1, ssem0, ssem1,
             ones_v, zdeg_v, degacc, dsem) = rest
        else:
            (agg_hbm, src_v, dst_v, rows0, rows1, accum,
             gsem0, gsem1, ssem0, ssem1) = rest
        rows_v = rows0
        rbuf = (rows0, rows1)
        gsem = (gsem0, gsem1)
        ssem = (ssem0, ssem1)
        cid = lax.axis_index("c")
        sid = lax.axis_index("s")

        @pl.loop(0, CH)
        def _(i):
            for j in range(d // L):
                rows_v[i, pl.ds(j * L, L)] = jnp.zeros((L,), jnp.float32)

        if with_deg:
            for j in range(CH // L):
                ones_v[pl.ds(j * L, L)] = jnp.ones((L,), jnp.float32)
                zdeg_v[pl.ds(j * L, L)] = jnp.zeros((L,), jnp.float32)

        zbase = pl.multiple_of(sid * zrows, 8)
        nfull = zrows // CH
        for k in range(nfull):
            pltpu.sync_copy(rows_v, accum.at[pl.ds(zbase + k * CH, CH)])
        rem = zrows - nfull * CH
        if rem:
            pltpu.sync_copy(rows_v.at[pl.ds(0, rem)],
                            accum.at[pl.ds(zbase + nfull * CH, rem)])
        if with_deg:
            for k in range(nfull):
                pltpu.sync_copy(zdeg_v, degacc.at[pl.ds(zbase + k * CH, CH)])
            if rem:
                pltpu.sync_copy(zdeg_v.at[pl.ds(0, rem)],
                                degacc.at[pl.ds(zbase + nfull * CH, rem)])

        plsc.subcore_barrier()

        def run_chunks(nchunks, start):
            @pl.loop(0, nchunks // G)
            def _(g):
                gbase = pl.multiple_of(start + g * G, 8)
                pltpu.sync_copy(src_hbm.at[pl.ds(gbase, G)], src_v)
                pltpu.sync_copy(dst_hbm.at[pl.ds(gbase, G)], dst_v)

                gd = [None] * G
                sd = [None] * G
                dd = []
                for i in range(G):
                    b = i & 1
                    if i >= 2:
                        sd[i - 2].wait()
                    gd[i] = pltpu.async_copy(x_hbm.at[src_v.at[i]], rbuf[b],
                                             gsem[b])
                    if i >= 1:
                        gd[i - 1].wait()
                        sd[i - 1] = pltpu.async_copy(
                            rbuf[1 - b], accum.at[dst_v.at[i - 1]], ssem[1 - b],
                            add=True)
                        if with_deg:
                            dd.append(pltpu.async_copy(
                                ones_v, degacc.at[dst_v.at[i - 1]], dsem,
                                add=True))
                bl = (G - 1) & 1
                gd[G - 1].wait()
                sd[G - 1] = pltpu.async_copy(
                    rbuf[bl], accum.at[dst_v.at[G - 1]], ssem[bl], add=True)
                if with_deg:
                    dd.append(pltpu.async_copy(
                        ones_v, degacc.at[dst_v.at[G - 1]], dsem, add=True))
                sd[G - 2].wait()
                sd[G - 1].wait()
                for dsc in dd:
                    dsc.wait()

        if w0:
            @pl.when(cid == 0)
            def _():
                run_chunks(w0, pl.multiple_of(sid * w0, 8))
        if w1:
            @pl.when(cid == 1)
            def _():
                run_chunks(w1, pl.multiple_of(NS * w0 + sid * w1, 8))

        plsc.subcore_barrier()

        obase = pl.multiple_of(sid * outw, 8)

        @pl.when(sid < NS - 1)
        def _():
            pltpu.sync_copy(accum.at[pl.ds(obase, outw)],
                            agg_hbm.at[cid, pl.ds(obase, outw)])

        @pl.when(sid == NS - 1)
        def _():
            base = (NS - 1) * outw
            pltpu.sync_copy(accum.at[pl.ds(base, outw_last)],
                            agg_hbm.at[cid, pl.ds(base, outw_last)])

        if with_deg:
            pltpu.sync_copy(degacc.at[pl.ds(zbase, zrows)],
                            deg_hbm.at[cid, sid])

    return pl.kernel(
        body, out_type=out_type, mesh=mesh, scratch_types=scratch,
        compiler_params=pltpu.CompilerParams(use_tc_tiling_on_sc=False))


def _dense_body(aggp, degp, x, wl, b, wr, o):
    agg = aggp[0] + aggp[1]
    mean = agg * (1.0 / jnp.maximum(degp[...], 1.0))
    h = (jnp.dot(mean, wl[...], preferred_element_type=jnp.float32)
         + b[...]
         + jnp.dot(x[...], wr[...], preferred_element_type=jnp.float32))
    o[...] = jnp.maximum(h, 0.0)


def _dense_head_body(aggp, degp, x, wl, b, wr, wc, bc, o):
    agg = aggp[0] + aggp[1]
    mean = agg * (1.0 / jnp.maximum(degp[...], 1.0))
    h = (jnp.dot(mean, wl[...], preferred_element_type=jnp.float32)
         + b[...]
         + jnp.dot(x[...], wr[...], preferred_element_type=jnp.float32))
    h = jnp.maximum(h, 0.0)
    o[...] = jnp.dot(h, wc[...], preferred_element_type=jnp.float32) + bc[...]


def _dense(aggp, degp, x, wl, b, wr, br):
    n, d = x.shape
    grid = (n // br,)
    return pl.pallas_call(
        _dense_body,
        grid=grid,
        in_specs=[
            pl.BlockSpec((NC, br, d), lambda i: (0, i, 0)),
            pl.BlockSpec((br, 1), lambda i: (i, 0)),
            pl.BlockSpec((br, d), lambda i: (i, 0)),
            pl.BlockSpec((d, d), lambda i: (0, 0)),
            pl.BlockSpec((1, d), lambda i: (0, 0)),
            pl.BlockSpec((d, d), lambda i: (0, 0)),
        ],
        out_specs=pl.BlockSpec((br, d), lambda i: (i, 0)),
        out_shape=jax.ShapeDtypeStruct((n, d), jnp.float32),
    )(aggp, degp, x, wl, b, wr)


def _dense_head(aggp, degp, x, wl, b, wr, wc, bc, br):
    n, d = x.shape
    c = wc.shape[1]
    grid = (n // br,)
    return pl.pallas_call(
        _dense_head_body,
        grid=grid,
        in_specs=[
            pl.BlockSpec((NC, br, d), lambda i: (0, i, 0)),
            pl.BlockSpec((br, 1), lambda i: (i, 0)),
            pl.BlockSpec((br, d), lambda i: (i, 0)),
            pl.BlockSpec((d, d), lambda i: (0, 0)),
            pl.BlockSpec((1, d), lambda i: (0, 0)),
            pl.BlockSpec((d, d), lambda i: (0, 0)),
            pl.BlockSpec((d, c), lambda i: (0, 0)),
            pl.BlockSpec((1, c), lambda i: (0, 0)),
        ],
        out_specs=pl.BlockSpec((br, c), lambda i: (i, 0)),
        out_shape=jax.ShapeDtypeStruct((n, c), jnp.float32),
    )(aggp, degp, x, wl, b, wr, wc, bc)


def kernel(x, edge_index, W1_l, b1_l, W1_r, W2_l, b2_l, W2_r, W_c, b_c):
    n, d = x.shape
    e = edge_index.shape[1]
    nch = G * (-(-e // (NW * CH * G)))
    w1 = G * (((2 * nch) // 5) // G)
    w0 = 2 * nch - w1
    pad = NS * (w0 + w1) * CH - e

    src = jnp.concatenate(
        [edge_index[0], jnp.zeros((pad,), jnp.int32)]).reshape(-1, CH)
    dst = jnp.concatenate(
        [edge_index[1], jnp.full((pad,), n, jnp.int32)]).reshape(-1, CH)

    agg_deg = _make_sc_agg(n, w0, w1, d, with_deg=True)
    agg_only = _make_sc_agg(n, w0, w1, d, with_deg=False)

    b1 = b1_l.reshape(1, -1)
    b2 = b2_l.reshape(1, -1)
    bc = b_c.reshape(1, -1)

    agg1p, degp = agg_deg(x, src, dst)
    deg = (degp[0] + degp[1]).reshape(-1)[:n].reshape(n, 1)
    h = _dense(agg1p, deg, x, W1_l.T, b1, W1_r.T, br=1000)
    agg2p = agg_only(h, src, dst)
    if isinstance(agg2p, (list, tuple)):
        agg2p = agg2p[0]
    out = _dense_head(agg2p, deg, h, W2_l.T, b2, W2_r.T, W_c.T, bc, br=1000)
    return out

# --- scband reference (transcript-rebuilt; emitter-appended) ---
"""Pipeline reference for scband-graph-sage-12850542150066 (READ-ONLY COPY).

The authoritative reference and input builder live on the scoring server;
editing this copy changes nothing except your own understanding.
"""

import jax, jax.numpy as jnp
import numpy as np

N = 10000
E = 320000
D = 128
H = 128
C = 2


def setup_inputs(seed: int = 0) -> dict:
    key = jax.random.key(seed)
    ks = jax.random.split(key, 12)
    x = jax.random.normal(ks[0], (N, D), dtype=jnp.float32)
    edge_index = jax.random.randint(ks[1], (2, E), 0, N, dtype=jnp.int32)
    s1 = 1.0 / np.sqrt(D)
    s2 = 1.0 / np.sqrt(H)
    W1_l = jax.random.uniform(ks[2], (H, D), jnp.float32, -s1, s1)
    b1_l = jax.random.uniform(ks[3], (H,), jnp.float32, -s1, s1)
    W1_r = jax.random.uniform(ks[4], (H, D), jnp.float32, -s1, s1)
    W2_l = jax.random.uniform(ks[5], (H, H), jnp.float32, -s2, s2)
    b2_l = jax.random.uniform(ks[6], (H,), jnp.float32, -s2, s2)
    W2_r = jax.random.uniform(ks[7], (H, H), jnp.float32, -s2, s2)
    W_c = jax.random.uniform(ks[8], (C, H), jnp.float32, -s2, s2)
    b_c = jax.random.uniform(ks[9], (C,), jnp.float32, -s2, s2)
    return {"x": x, "edge_index": edge_index, "W1_l": W1_l, "b1_l": b1_l, "W1_r": W1_r, "W2_l": W2_l, "b2_l": b2_l, "W2_r": W2_r, "W_c": W_c, "b_c": b_c}


def _sage_conv(x, edge_index, W_l, b_l, W_r):
    # PyG-style SAGEConv with mean aggregation:
    #   out = lin_l(mean_{j in N(i)} x_j) + lin_r(x_i)
    src = edge_index[0]
    dst = edge_index[1]
    msg = x[src]
    agg = jax.ops.segment_sum(msg, dst, num_segments=N)
    deg = jax.ops.segment_sum(jnp.ones((edge_index.shape[1],), x.dtype), dst, num_segments=N)
    agg = agg / jnp.clip(deg, 1.0)[:, None]
    return agg @ W_l.T + b_l + x @ W_r.T


def reference(x, edge_index, W1_l, b1_l, W1_r, W2_l, b2_l, W2_r, W_c, b_c):
    h = _sage_conv(x, edge_index, W1_l, b1_l, W1_r)
    h = jax.nn.relu(h)
    h = _sage_conv(h, edge_index, W2_l, b2_l, W2_r)
    h = jax.nn.relu(h)
    out = h @ W_c.T + b_c
    return out

if __name__ == "__main__":
    import jax
    _d = setup_inputs()
    print(jax.jit(kernel)(*tuple(_d.values())))

</pallas_src>

<mosaic_0001>
#map = affine_map<(d0, d1) -> (0, 0)>
#map1 = affine_map<(d0, d1) -> (0, 0, 0)>
module attributes {stable_mosaic.version = 14 : i64} {
  func.func @body(%arg0: i32, %arg1: i32, %arg2: memref<10000x128xf32, #tpu.memory_space<hbm>>, %arg3: memref<2560x128xi32, #tpu.memory_space<hbm>>, %arg4: memref<2560x128xi32, #tpu.memory_space<hbm>>, %arg5: memref<2x10000x128xf32, #tpu.memory_space<hbm>>, %arg6: memref<2x16x632xf32, #tpu.memory_space<hbm>>, %arg7: memref<16x128xi32, #tpu.memory_space<vmem>>, %arg8: memref<16x128xi32, #tpu.memory_space<vmem>>, %arg9: memref<128x128xf32, #tpu.memory_space<vmem>>, %arg10: memref<128x128xf32, #tpu.memory_space<vmem>>, %arg11: memref<10112x128xf32, #tpu.memory_space<vmem_shared>>, %arg12: memref<!tpu.dma_semaphore, #tpu.memory_space<semaphore_mem>>, %arg13: memref<!tpu.dma_semaphore, #tpu.memory_space<semaphore_mem>>, %arg14: memref<!tpu.dma_semaphore, #tpu.memory_space<semaphore_mem>>, %arg15: memref<!tpu.dma_semaphore, #tpu.memory_space<semaphore_mem>>, %arg16: memref<128xf32, #tpu.memory_space<vmem>>, %arg17: memref<128xf32, #tpu.memory_space<vmem>>, %arg18: memref<10112xf32, #tpu.memory_space<vmem_shared>>, %arg19: memref<!tpu.dma_semaphore, #tpu.memory_space<semaphore_mem>>) attributes {dimension_semantics = [#tpu.dimension_semantics<core_parallel>, #tpu.dimension_semantics<subcore_parallel>], iteration_bounds = array<i64: 2, 16>, scalar_prefetch = 0 : i64, scratch_operands = 13 : i64, tpu.core_type = #tpu.core_type<sc_vector_subcore>, window_params = [{transform_indices = #map}, {transform_indices = #map}, {transform_indices = #map}, {transform_indices = #map1}, {transform_indices = #map1}]} {
    %scan3A = arith.constant 0 : i32
    %scan3A_0 = arith.constant 128 : i32
    %scan3A_1 = arith.addi %scan3A, %scan3A_0 : i32
    %scan3A_2 = arith.constant 1 : i32
    scf.for %scan3A_138 = %scan3A to %scan3A_1 step %scan3A_2  : i32 {
      %mul3A_139 = arith.constant 1 : i32
      %mul3A_140 = arith.muli %scan3A_138, %mul3A_139 : i32
      %add3A_141 = arith.constant 0 : i32
      %add3A_142 = arith.addi %add3A_141, %mul3A_140 : i32
      %broadcast_in_dim3A_143 = arith.constant 0.000000e+00 : f32
      %broadcast_in_dim3A_144 = vector.broadcast %broadcast_in_dim3A_143 : f32 to vector<16xf32>
      %swap3A_145 = arith.index_cast %add3A_142 : i32 to index
      %swap3A_146 = arith.constant 0 : index
      %swap3A_147 = tpu.vector_load %arg9[%swap3A_145, %swap3A_146] {strides = array<i32>} : memref<128x128xf32, #tpu.memory_space<vmem>>, vector<1x16xf32>,
      %swap3A_148 = vector.shape_cast %swap3A_147 : vector<1x16xf32> to vector<16xf32>
      %swap3A_149 = vector.shape_cast %broadcast_in_dim3A_144 : vector<16xf32> to vector<1x16xf32>
      tpu.vector_store %arg9[%swap3A_145, %swap3A_146], %swap3A_149 {strides = array<i32>} : memref<128x128xf32, #tpu.memory_space<vmem>>, vector<1x16xf32>,
      %broadcast_in_dim3A_150 = arith.constant 0.000000e+00 : f32
      %broadcast_in_dim3A_151 = vector.broadcast %broadcast_in_dim3A_150 : f32 to vector<16xf32>
      %swap3A_152 = arith.index_cast %add3A_142 : i32 to index
      %swap3A_153 = arith.constant 16 : index
      %swap3A_154 = tpu.vector_load %arg9[%swap3A_152, %swap3A_153] {strides = array<i32>} : memref<128x128xf32, #tpu.memory_space<vmem>>, vector<1x16xf32>,
      %swap3A_155 = vector.shape_cast %swap3A_154 : vector<1x16xf32> to vector<16xf32>
      %swap3A_156 = vector.shape_cast %broadcast_in_dim3A_151 : vector<16xf32> to vector<1x16xf32>
      tpu.vector_store %arg9[%swap3A_152, %swap3A_153], %swap3A_156 {strides = array<i32>} : memref<128x128xf32, #tpu.memory_space<vmem>>, vector<1x16xf32>,
      %broadcast_in_dim3A_157 = arith.constant 0.000000e+00 : f32
      %broadcast_in_dim3A_158 = vector.broadcast %broadcast_in_dim3A_157 : f32 to vector<16xf32>
      %swap3A_159 = arith.index_cast %add3A_142 : i32 to index
      %swap3A_160 = arith.constant 32 : index
      %swap3A_161 = tpu.vector_load %arg9[%swap3A_159, %swap3A_160] {strides = array<i32>} : memref<128x128xf32, #tpu.memory_space<vmem>>, vector<1x16xf32>,
      %swap3A_162 = vector.shape_cast %swap3A_161 : vector<1x16xf32> to vector<16xf32>
      %swap3A_163 = vector.shape_cast %broadcast_in_dim3A_158 : vector<16xf32> to vector<1x16xf32>
      tpu.vector_store %arg9[%swap3A_159, %swap3A_160], %swap3A_163 {strides = array<i32>} : memref<128x128xf32, #tpu.memory_space<vmem>>, vector<1x16xf32>,
      %broadcast_in_dim3A_164 = arith.constant 0.000000e+00 : f32
      %broadcast_in_dim3A_165 = vector.broadcast %broadcast_in_dim3A_164 : f32 to vector<16xf32>
      %swap3A_166 = arith.index_cast %add3A_142 : i32 to index
      %swap3A_167 = arith.constant 48 : index
      %swap3A_168 = tpu.vector_load %arg9[%swap3A_166, %swap3A_167] {strides = array<i32>} : memref<128x128xf32, #tpu.memory_space<vmem>>, vector<1x16xf32>,
      %swap3A_169 = vector.shape_cast %swap3A_168 : vector<1x16xf32> to vector<16xf32>
      %swap3A_170 = vector.shape_cast %broadcast_in_dim3A_165 : vector<16xf32> to vector<1x16xf32>
      tpu.vector_store %arg9[%swap3A_166, %swap3A_167], %swap3A_170 {strides = array<i32>} : memref<128x128xf32, #tpu.memory_space<vmem>>, vector<1x16xf32>,
      %broadcast_in_dim3A_171 = arith.constant 0.000000e+00 : f32
      %broadcast_in_dim3A_172 = vector.broadcast %broadcast_in_dim3A_171 : f32 to vector<16xf32>
      %swap3A_173 = arith.index_cast %add3A_142 : i32 to index
      %swap3A_174 = arith.constant 64 : index
      %swap3A_175 = tpu.vector_load %arg9[%swap3A_173, %swap3A_174] {strides = array<i32>} : memref<128x128xf32, #tpu.memory_space<vmem>>, vector<1x16xf32>,
      %swap3A_176 = vector.shape_cast %swap3A_175 : vector<1x16xf32> to vector<16xf32>
      %swap3A_177 = vector.shape_cast %broadcast_in_dim3A_172 : vector<16xf32> to vector<1x16xf32>
      tpu.vector_store %arg9[%swap3A_173, %swap3A_174], %swap3A_177 {strides = array<i32>} : memref<128x128xf32, #tpu.memory_space<vmem>>, vector<1x16xf32>,
      %broadcast_in_dim3A_178 = arith.constant 0.000000e+00 : f32
      %broadcast_in_dim3A_179 = vector.broadcast %broadcast_in_dim3A_178 : f32 to vector<16xf32>
      %swap3A_180 = arith.index_cast %add3A_142 : i32 to index
      %swap3A_181 = arith.constant 80 : index
      %swap3A_182 = tpu.vector_load %arg9[%swap3A_180, %swap3A_181] {strides = array<i32>} : memref<128x128xf32, #tpu.memory_space<vmem>>, vector<1x16xf32>,
      %swap3A_183 = vector.shape_cast %swap3A_182 : vector<1x16xf32> to vector<16xf32>
      %swap3A_184 = vector.shape_cast %broadcast_in_dim3A_179 : vector<16xf32> to vector<1x16xf32>
      tpu.vector_store %arg9[%swap3A_180, %swap3A_181], %swap3A_184 {strides = array<i32>} : memref<128x128xf32, #tpu.memory_space<vmem>>, vector<1x16xf32>,
      %broadcast_in_dim3A_185 = arith.constant 0.000000e+00 : f32
      %broadcast_in_dim3A_186 = vector.broadcast %broadcast_in_dim3A_185 : f32 to vector<16xf32>
      %swap3A_187 = arith.index_cast %add3A_142 : i32 to index
      %swap3A_188 = arith.constant 96 : index
      %swap3A_189 = tpu.vector_load %arg9[%swap3A_187, %swap3A_188] {strides = array<i32>} : memref<128x128xf32, #tpu.memory_space<vmem>>, vector<1x16xf32>,
      %swap3A_190 = vector.shape_cast %swap3A_189 : vector<1x16xf32> to vector<16xf32>
      %swap3A_191 = vector.shape_cast %broadcast_in_dim3A_186 : vector<16xf32> to vector<1x16xf32>
      tpu.vector_store %arg9[%swap3A_187, %swap3A_188], %swap3A_191 {strides = array<i32>} : memref<128x128xf32, #tpu.memory_space<vmem>>, vector<1x16xf32>,
      %broadcast_in_dim3A_192 = arith.constant 0.000000e+00 : f32
      %broadcast_in_dim3A_193 = vector.broadcast %broadcast_in_dim3A_192 : f32 to vector<16xf32>
      %swap3A_194 = arith.index_cast %add3A_142 : i32 to index
      %swap3A_195 = arith.constant 112 : index
      %swap3A_196 = tpu.vector_load %arg9[%swap3A_194, %swap3A_195] {strides = array<i32>} : memref<128x128xf32, #tpu.memory_space<vmem>>, vector<1x16xf32>,
      %swap3A_197 = vector.shape_cast %swap3A_196 : vector<1x16xf32> to vector<16xf32>
      %swap3A_198 = vector.shape_cast %broadcast_in_dim3A_193 : vector<16xf32> to vector<1x16xf32>
      tpu.vector_store %arg9[%swap3A_194, %swap3A_195], %swap3A_198 {strides = array<i32>} : memref<128x128xf32, #tpu.memory_space<vmem>>, vector<1x16xf32>,
    }
    %scan3A_3 = arith.constant 128 : i32
    %broadcast_in_dim3A = arith.constant 1.000000e+00 : f32
    %broadcast_in_dim3A_4 = vector.broadcast %broadcast_in_dim3A : f32 to vector<16xf32>
    %swap3A = arith.constant 0 : index
    %swap3A_5 = tpu.vector_load %arg16[%swap3A] {strides = array<i32>} : memref<128xf32, #tpu.memory_space<vmem>>, vector<16xf32>,
    %swap3A_6 = vector.shape_cast %swap3A_5 : vector<16xf32> to vector<16xf32>
    %swap3A_7 = vector.shape_cast %broadcast_in_dim3A_4 : vector<16xf32> to vector<16xf32>
    tpu.vector_store %arg16[%swap3A], %swap3A_7 {strides = array<i32>} : memref<128xf32, #tpu.memory_space<vmem>>, vector<16xf32>,
    %broadcast_in_dim3A_8 = arith.constant 0.000000e+00 : f32
    %broadcast_in_dim3A_9 = vector.broadcast %broadcast_in_dim3A_8 : f32 to vector<16xf32>
    %swap3A_10 = arith.constant 0 : index
    %swap3A_11 = tpu.vector_load %arg17[%swap3A_10] {strides = array<i32>} : memref<128xf32, #tpu.memory_space<vmem>>, vector<16xf32>,
    %swap3A_12 = vector.shape_cast %swap3A_11 : vector<16xf32> to vector<16xf32>
    %swap3A_13 = vector.shape_cast %broadcast_in_dim3A_9 : vector<16xf32> to vector<16xf32>
    tpu.vector_store %arg17[%swap3A_10], %swap3A_13 {strides = array<i32>} : memref<128xf32, #tpu.memory_space<vmem>>, vector<16xf32>,
    %broadcast_in_dim3A_14 = arith.constant 1.000000e+00 : f32
    %broadcast_in_dim3A_15 = vector.broadcast %broadcast_in_dim3A_14 : f32 to vector<16xf32>
    %swap3A_16 = arith.constant 16 : index
    %swap3A_17 = tpu.vector_load %arg16[%swap3A_16] {strides = array<i32>} : memref<128xf32, #tpu.memory_space<vmem>>, vector<16xf32>,
    %swap3A_18 = vector.shape_cast %swap3A_17 : vector<16xf32> to vector<16xf32>
    %swap3A_19 = vector.shape_cast %broadcast_in_dim3A_15 : vector<16xf32> to vector<16xf32>
    tpu.vector_store %arg16[%swap3A_16], %swap3A_19 {strides = array<i32>} : memref<128xf32, #tpu.memory_space<vmem>>, vector<16xf32>,
    %broadcast_in_dim3A_20 = arith.constant 0.000000e+00 : f32
    %broadcast_in_dim3A_21 = vector.broadcast %broadcast_in_dim3A_20 : f32 to vector<16xf32>
    %swap3A_22 = arith.constant 16 : index
    %swap3A_23 = tpu.vector_load %arg17[%swap3A_22] {strides = array<i32>} : memref<128xf32, #tpu.memory_space<vmem>>, vector<16xf32>,
    %swap3A_24 = vector.shape_cast %swap3A_23 : vector<16xf32> to vector<16xf32>
    %swap3A_25 = vector.shape_cast %broadcast_in_dim3A_21 : vector<16xf32> to vector<16xf32>
    tpu.vector_store %arg17[%swap3A_22], %swap3A_25 {strides = array<i32>} : memref<128xf32, #tpu.memory_space<vmem>>, vector<16xf32>,
    %broadcast_in_dim3A_26 = arith.constant 1.000000e+00 : f32
    %broadcast_in_dim3A_27 = vector.broadcast %broadcast_in_dim3A_26 : f32 to vector<16xf32>
    %swap3A_28 = arith.constant 32 : index
    %swap3A_29 = tpu.vector_load %arg16[%swap3A_28] {strides = array<i32>} : memref<128xf32, #tpu.memory_space<vmem>>, vector<16xf32>,
    %swap3A_30 = vector.shape_cast %swap3A_29 : vector<16xf32> to vector<16xf32>
    %swap3A_31 = vector.shape_cast %broadcast_in_dim3A_27 : vector<16xf32> to vector<16xf32>
    tpu.vector_store %arg16[%swap3A_28], %swap3A_31 {strides = array<i32>} : memref<128xf32, #tpu.memory_space<vmem>>, vector<16xf32>,
    %broadcast_in_dim3A_32 = arith.constant 0.000000e+00 : f32
    %broadcast_in_dim3A_33 = vector.broadcast %broadcast_in_dim3A_32 : f32 to vector<16xf32>
    %swap3A_34 = arith.constant 32 : index
    %swap3A_35 = tpu.vector_load %arg17[%swap3A_34] {strides = array<i32>} : memref<128xf32, #tpu.memory_space<vmem>>, vector<16xf32>,
    %swap3A_36 = vector.shape_cast %swap3A_35 : vector<16xf32> to vector<16xf32>
    %swap3A_37 = vector.shape_cast %broadcast_in_dim3A_33 : vector<16xf32> to vector<16xf32>
    tpu.vector_store %arg17[%swap3A_34], %swap3A_37 {strides = array<i32>} : memref<128xf32, #tpu.memory_space<vmem>>, vector<16xf32>,
    %broadcast_in_dim3A_38 = arith.constant 1.000000e+00 : f32
    %broadcast_in_dim3A_39 = vector.broadcast %broadcast_in_dim3A_38 : f32 to vector<16xf32>
    %swap3A_40 = arith.constant 48 : index
    %swap3A_41 = tpu.vector_load %arg16[%swap3A_40] {strides = array<i32>} : memref<128xf32, #tpu.memory_space<vmem>>, vector<16xf32>,
    %swap3A_42 = vector.shape_cast %swap3A_41 : vector<16xf32> to vector<16xf32>
    %swap3A_43 = vector.shape_cast %broadcast_in_dim3A_39 : vector<16xf32> to vector<16xf32>
    tpu.vector_store %arg16[%swap3A_40], %swap3A_43 {strides = array<i32>} : memref<128xf32, #tpu.memory_space<vmem>>, vector<16xf32>,
    %broadcast_in_dim3A_44 = arith.constant 0.000000e+00 : f32
    %broadcast_in_dim3A_45 = vector.broadcast %broadcast_in_dim3A_44 : f32 to vector<16xf32>
    %swap3A_46 = arith.constant 48 : index
    %swap3A_47 = tpu.vector_load %arg17[%swap3A_46] {strides = array<i32>} : memref<128xf32, #tpu.memory_space<vmem>>, vector<16xf32>,
    %swap3A_48 = vector.shape_cast %swap3A_47 : vector<16xf32> to vector<16xf32>
    %swap3A_49 = vector.shape_cast %broadcast_in_dim3A_45 : vector<16xf32> to vector<16xf32>
    tpu.vector_store %arg17[%swap3A_46], %swap3A_49 {strides = array<i32>} : memref<128xf32, #tpu.memory_space<vmem>>, vector<16xf32>,
    %broadcast_in_dim3A_50 = arith.constant 1.000000e+00 : f32
    %broadcast_in_dim3A_51 = vector.broadcast %broadcast_in_dim3A_50 : f32 to vector<16xf32>
    %swap3A_52 = arith.constant 64 : index
    %swap3A_53 = tpu.vector_load %arg16[%swap3A_52] {strides = array<i32>} : memref<128xf32, #tpu.memory_space<vmem>>, vector<16xf32>,
    %swap3A_54 = vector.shape_cast %swap3A_53 : vector<16xf32> to vector<16xf32>
    %swap3A_55 = vector.shape_cast %broadcast_in_dim3A_51 : vector<16xf32> to vector<16xf32>
    tpu.vector_store %arg16[%swap3A_52], %swap3A_55 {strides = array<i32>} : memref<128xf32, #tpu.memory_space<vmem>>, vector<16xf32>,
    %broadcast_in_dim3A_56 = arith.constant 0.000000e+00 : f32
    %broadcast_in_dim3A_57 = vector.broadcast %broadcast_in_dim3A_56 : f32 to vector<16xf32>
    %swap3A_58 = arith.constant 64 : index
    %swap3A_59 = tpu.vector_load %arg17[%swap3A_58] {strides = array<i32>} : memref<128xf32, #tpu.memory_space<vmem>>, vector<16xf32>,
    %swap3A_60 = vector.shape_cast %swap3A_59 : vector<16xf32> to vector<16xf32>
    %swap3A_61 = vector.shape_cast %broadcast_in_dim3A_57 : vector<16xf32> to vector<16xf32>
    tpu.vector_store %arg17[%swap3A_58], %swap3A_61 {strides = array<i32>} : memref<128xf32, #tpu.memory_space<vmem>>, vector<16xf32>,
    %broadcast_in_dim3A_62 = arith.constant 1.000000e+00 : f32
    %broadcast_in_dim3A_63 = vector.broadcast %broadcast_in_dim3A_62 : f32 to vector<16xf32>
    %swap3A_64 = arith.constant 80 : index
    %swap3A_65 = tpu.vector_load %arg16[%swap3A_64] {strides = array<i32>} : memref<128xf32, #tpu.memory_space<vmem>>, vector<16xf32>,
    %swap3A_66 = vector.shape_cast %swap3A_65 : vector<16xf32> to vector<16xf32>
    %swap3A_67 = vector.shape_cast %broadcast_in_dim3A_63 : vector<16xf32> to vector<16xf32>
    tpu.vector_store %arg16[%swap3A_64], %swap3A_67 {strides = array<i32>} : memref<128xf32, #tpu.memory_space<vmem>>, vector<16xf32>,
    %broadcast_in_dim3A_68 = arith.constant 0.000000e+00 : f32
    %broadcast_in_dim3A_69 = vector.broadcast %broadcast_in_dim3A_68 : f32 to vector<16xf32>
    %swap3A_70 = arith.constant 80 : index
    %swap3A_71 = tpu.vector_load %arg17[%swap3A_70] {strides = array<i32>} : memref<128xf32, #tpu.memory_space<vmem>>, vector<16xf32>,
    %swap3A_72 = vector.shape_cast %swap3A_71 : vector<16xf32> to vector<16xf32>
    %swap3A_73 = vector.shape_cast %broadcast_in_dim3A_69 : vector<16xf32> to vector<16xf32>
    tpu.vector_store %arg17[%swap3A_70], %swap3A_73 {strides = array<i32>} : memref<128xf32, #tpu.memory_space<vmem>>, vector<16xf32>,
    %broadcast_in_dim3A_74 = arith.constant 1.000000e+00 : f32
    %broadcast_in_dim3A_75 = vector.broadcast %broadcast_in_dim3A_74 : f32 to vector<16xf32>
    %swap3A_76 = arith.constant 96 : index
    %swap3A_77 = tpu.vector_load %arg16[%swap3A_76] {strides = array<i32>} : memref<128xf32, #tpu.memory_space<vmem>>, vector<16xf32>,
    %swap3A_78 = vector.shape_cast %swap3A_77 : vector<16xf32> to vector<16xf32>
    %swap3A_79 = vector.shape_cast %broadcast_in_dim3A_75 : vector<16xf32> to vector<16xf32>
    tpu.vector_store %arg16[%swap3A_76], %swap3A_79 {strides = array<i32>} : memref<128xf32, #tpu.memory_space<vmem>>, vector<16xf32>,
    %broadcast_in_dim3A_80 = arith.constant 0.000000e+00 : f32
    %broadcast_in_dim3A_81 = vector.broadcast %broadcast_in_dim3A_80 : f32 to vector<16xf32>
    %swap3A_82 = arith.constant 96 : index
    %swap3A_83 = tpu.vector_load %arg17[%swap3A_82] {strides = array<i32>} : memref<128xf32, #tpu.memory_space<vmem>>, vector<16xf32>,
    %swap3A_84 = vector.shape_cast %swap3A_83 : vector<16xf32> to vector<16xf32>
    %swap3A_85 = vector.shape_cast %broadcast_in_dim3A_81 : vector<16xf32> to vector<16xf32>
    tpu.vector_store %arg17[%swap3A_82], %swap3A_85 {strides = array<i32>} : memref<128xf32, #tpu.memory_space<vmem>>, vector<16xf32>,
    %broadcast_in_dim3A_86 = arith.constant 1.000000e+00 : f32
    %broadcast_in_dim3A_87 = vector.broadcast %broadcast_in_dim3A_86 : f32 to vector<16xf32>
    %swap3A_88 = arith.constant 112 : index
    %swap3A_89 = tpu.vector_load %arg16[%swap3A_88] {strides = array<i32>} : memref<128xf32, #tpu.memory_space<vmem>>, vector<16xf32>,
    %swap3A_90 = vector.shape_cast %swap3A_89 : vector<16xf32> to vector<16xf32>
    %swap3A_91 = vector.shape_cast %broadcast_in_dim3A_87 : vector<16xf32> to vector<16xf32>
    tpu.vector_store %arg16[%swap3A_88], %swap3A_91 {strides = array<i32>} : memref<128xf32, #tpu.memory_space<vmem>>, vector<16xf32>,
    %broadcast_in_dim3A_92 = arith.constant 0.000000e+00 : f32
    %broadcast_in_dim3A_93 = vector.broadcast %broadcast_in_dim3A_92 : f32 to vector<16xf32>
    %swap3A_94 = arith.constant 112 : index
    %swap3A_95 = tpu.vector_load %arg17[%swap3A_94] {strides = array<i32>} : memref<128xf32, #tpu.memory_space<vmem>>, vector<16xf32>,
    %swap3A_96 = vector.shape_cast %swap3A_95 : vector<16xf32> to vector<16xf32>
    %swap3A_97 = vector.shape_cast %broadcast_in_dim3A_93 : vector<16xf32> to vector<16xf32>
    tpu.vector_store %arg17[%swap3A_94], %swap3A_97 {strides = array<i32>} : memref<128xf32, #tpu.memory_space<vmem>>, vector<16xf32>,
    %mul3A = arith.constant 632 : i32
    %mul3A_98 = arith.muli %arg1, %mul3A : i32
    %multiple_of3A = tpu.assume_multiple %mul3A_98, 8 : i32
    %add3A = arith.constant 0 : i32
    %add3A_99 = arith.addi %multiple_of3A, %add3A : i32
    "tpu.region"() ({
      %run_scoped3A = tpu.sem_alloc : memref<!tpu.dma_semaphore, #tpu.memory_space<semaphore_mem>>
      %dma_start3A = arith.constant 0 : i32
      %dma_start3A_138 = tpu.memref_slice %arg11[%add3A_99, %dma_start3A] : memref<10112x128xf32, #tpu.memory_space<vmem_shared>> -> memref<128x128xf32, #tpu.memory_space<vmem_shared>>
      %dma_start3A_139 = arith.constant 0 : i32
      %dma_start3A_140 = tpu.memref_slice %arg11[%add3A_99, %dma_start3A_139] : memref<10112x128xf32, #tpu.memory_space<vmem_shared>> -> memref<128x128xf32, #tpu.memory_space<vmem_shared>>
      tpu.enqueue_dma source(%arg9 : memref<128x128xf32, #tpu.memory_space<vmem>>) target(%dma_start3A_140 : memref<128x128xf32, #tpu.memory_space<vmem_shared>>) target_semaphore(%run_scoped3A : memref<!tpu.dma_semaphore, #tpu.memory_space<semaphore_mem>>)
      %dma_wait3A = arith.constant 0 : i32
      %dma_wait3A_141 = tpu.memref_slice %arg11[%add3A_99, %dma_wait3A] : memref<10112x128xf32, #tpu.memory_space<vmem_shared>> -> memref<128x128xf32, #tpu.memory_space<vmem_shared>>
      %dma_wait3A_142 = arith.constant 0 : i32
      %dma_wait3A_143 = tpu.memref_slice %arg11[%add3A_99, %dma_wait3A_142] : memref<10112x128xf32, #tpu.memory_space<vmem_shared>> -> memref<128x128xf32, #tpu.memory_space<vmem_shared>>
      tpu.wait_dma2 semaphore(%run_scoped3A : memref<!tpu.dma_semaphore, #tpu.memory_space<semaphore_mem>>) src(%arg9 : memref<128x128xf32, #tpu.memory_space<vmem>>) dst(%dma_wait3A_143 : memref<128x128xf32, #tpu.memory_space<vmem_shared>>)
      tpu.yield
    }) : () -> ()
    %add3A_100 = arith.constant 128 : i32
    %add3A_101 = arith.addi %multiple_of3A, %add3A_100 : i32
    "tpu.region"() ({
      %run_scoped3A = tpu.sem_alloc : memref<!tpu.dma_semaphore, #tpu.memory_space<semaphore_mem>>
      %dma_start3A = arith.constant 0 : i32
      %dma_start3A_138 = tpu.memref_slice %arg11[%add3A_101, %dma_start3A] : memref<10112x128xf32, #tpu.memory_space<vmem_shared>> -> memref<128x128xf32, #tpu.memory_space<vmem_shared>>
      %dma_start3A_139 = arith.constant 0 : i32
      %dma_start3A_140 = tpu.memref_slice %arg11[%add3A_101, %dma_start3A_139] : memref<10112x128xf32, #tpu.memory_space<vmem_shared>> -> memref<128x128xf32, #tpu.memory_space<vmem_shared>>
      tpu.enqueue_dma source(%arg9 : memref<128x128xf32, #tpu.memory_space<vmem>>) target(%dma_start3A_140 : memref<128x128xf32, #tpu.memory_space<vmem_shared>>) target_semaphore(%run_scoped3A : memref<!tpu.dma_semaphore, #tpu.memory_space<semaphore_mem>>)
      %dma_wait3A = arith.constant 0 : i32
      %dma_wait3A_141 = tpu.memref_slice %arg11[%add3A_101, %dma_wait3A] : memref<10112x128xf32, #tpu.memory_space<vmem_shared>> -> memref<128x128xf32, #tpu.memory_space<vmem_shared>>
      %dma_wait3A_142 = arith.constant 0 : i32
      %dma_wait3A_143 = tpu.memref_slice %arg11[%add3A_101, %dma_wait3A_142] : memref<10112x128xf32, #tpu.memory_space<vmem_shared>> -> memref<128x128xf32, #tpu.memory_space<vmem_shared>>
      tpu.wait_dma2 semaphore(%run_scoped3A : memref<!tpu.dma_semaphore, #tpu.memory_space<semaphore_mem>>) src(%arg9 : memref<128x128xf32, #tpu.memory_space<vmem>>) dst(%dma_wait3A_143 : memref<128x128xf32, #tpu.memory_space<vmem_shared>>)
      tpu.yield
    }) : () -> ()
    %add3A_102 = arith.constant 256 : i32
    %add3A_103 = arith.addi %multiple_of3A, %add3A_102 : i32
    "tpu.region"() ({
      %run_scoped3A = tpu.sem_alloc : memref<!tpu.dma_semaphore, #tpu.memory_space<semaphore_mem>>
      %dma_start3A = arith.constant 0 : i32
      %dma_start3A_138 = tpu.memref_slice %arg11[%add3A_103, %dma_start3A] : memref<10112x128xf32, #tpu.memory_space<vmem_shared>> -> memref<128x128xf32, #tpu.memory_space<vmem_shared>>
      %dma_start3A_139 = arith.constant 0 : i32
      %dma_start3A_140 = tpu.memref_slice %arg11[%add3A_103, %dma_start3A_139] : memref<10112x128xf32, #tpu.memory_space<vmem_shared>> -> memref<128x128xf32, #tpu.memory_space<vmem_shared>>
      tpu.enqueue_dma source(%arg9 : memref<128x128xf32, #tpu.memory_space<vmem>>) target(%dma_start3A_140 : memref<128x128xf32, #tpu.memory_space<vmem_shared>>) target_semaphore(%run_scoped3A : memref<!tpu.dma_semaphore, #tpu.memory_space<semaphore_mem>>)
      %dma_wait3A = arith.constant 0 : i32
      %dma_wait3A_141 = tpu.memref_slice %arg11[%add3A_103, %dma_wait3A] : memref<10112x128xf32, #tpu.memory_space<vmem_shared>> -> memref<128x128xf32, #tpu.memory_space<vmem_shared>>
      %dma_wait3A_142 = arith.constant 0 : i32
      %dma_wait3A_143 = tpu.memref_slice %arg11[%add3A_103, %dma_wait3A_142] : memref<10112x128xf32, #tpu.memory_space<vmem_shared>> -> memref<128x128xf32, #tpu.memory_space<vmem_shared>>
      tpu.wait_dma2 semaphore(%run_scoped3A : memref<!tpu.dma_semaphore, #tpu.memory_space<semaphore_mem>>) src(%arg9 : memref<128x128xf32, #tpu.memory_space<vmem>>) dst(%dma_wait3A_143 : memref<128x128xf32, #tpu.memory_space<vmem_shared>>)
      tpu.yield
    }) : () -> ()
    %add3A_104 = arith.constant 384 : i32
    %add3A_105 = arith.addi %multiple_of3A, %add3A_104 : i32
    "tpu.region"() ({
      %run_scoped3A = tpu.sem_alloc : memref<!tpu.dma_semaphore, #tpu.memory_space<semaphore_mem>>
      %dma_start3A = arith.constant 0 : i32
      %dma_start3A_138 = tpu.memref_slice %arg11[%add3A_105, %dma_start3A] : memref<10112x128xf32, #tpu.memory_space<vmem_shared>> -> memref<128x128xf32, #tpu.memory_space<vmem_shared>>
      %dma_start3A_139 = arith.constant 0 : i32
      %dma_start3A_140 = tpu.memref_slice %arg11[%add3A_105, %dma_start3A_139] : memref<10112x128xf32, #tpu.memory_space<vmem_shared>> -> memref<128x128xf32, #tpu.memory_space<vmem_shared>>
      tpu.enqueue_dma source(%arg9 : memref<128x128xf32, #tpu.memory_space<vmem>>) target(%dma_start3A_140 : memref<128x128xf32, #tpu.memory_space<vmem_shared>>) target_semaphore(%run_scoped3A : memref<!tpu.dma_semaphore, #tpu.memory_space<semaphore_mem>>)
      %dma_wait3A = arith.constant 0 : i32
      %dma_wait3A_141 = tpu.memref_slice %arg11[%add3A_105, %dma_wait3A] : memref<10112x128xf32, #tpu.memory_space<vmem_shared>> -> memref<128x128xf32, #tpu.memory_space<vmem_shared>>
      %dma_wait3A_142 = arith.constant 0 : i32
      %dma_wait3A_143 = tpu.memref_slice %arg11[%add3A_105, %dma_wait3A_142] : memref<10112x128xf32, #tpu.memory_space<vmem_shared>> -> memref<128x128xf32, #tpu.memory_space<vmem_shared>>
      tpu.wait_dma2 semaphore(%run_scoped3A : memref<!tpu.dma_semaphore, #tpu.memory_space<semaphore_mem>>) src(%arg9 : memref<128x128xf32, #tpu.memory_space<vmem>>) dst(%dma_wait3A_143 : memref<128x128xf32, #tpu.memory_space<vmem_shared>>)
      tpu.yield
    }) : () -> ()
    %add3A_106 = arith.constant 512 : i32
    %add3A_107 = arith.addi %multiple_of3A, %add3A_106 : i32
    "tpu.region"() ({
      %run_scoped3A = tpu.sem_alloc : memref<!tpu.dma_semaphore, #tpu.memory_space<semaphore_mem>>
      %dma_start3A = arith.constant 0 : i32
      %dma_start3A_138 = arith.constant 0 : i32
      %dma_start3A_139 = tpu.memref_slice %arg9[%dma_start3A, %dma_start3A_138] : memref<128x128xf32, #tpu.memory_space<vmem>> -> memref<120x128xf32, #tpu.memory_space<vmem>>
      %dma_start3A_140 = arith.constant 0 : i32
      %dma_start3A_141 = tpu.memref_slice %arg11[%add3A_107, %dma_start3A_140] : memref<10112x128xf32, #tpu.memory_space<vmem_shared>> -> memref<120x128xf32, #tpu.memory_space<vmem_shared>>
      %dma_start3A_142 = arith.constant 0 : i32
      %dma_start3A_143 = tpu.memref_slice %arg11[%add3A_107, %dma_start3A_142] : memref<10112x128xf32, #tpu.memory_space<vmem_shared>> -> memref<120x128xf32, #tpu.memory_space<vmem_shared>>
      %dma_start3A_144 = arith.constant 0 : i32
      %dma_start3A_145 = arith.constant 0 : i32
      %dma_start3A_146 = tpu.memref_slice %arg9[%dma_start3A_144, %dma_start3A_145] : memref<128x128xf32, #tpu.memory_space<vmem>> -> memref<120x128xf32, #tpu.memory_space<vmem>>
      tpu.enqueue_dma source(%dma_start3A_146 : memref<120x128xf32, #tpu.memory_space<vmem>>) target(%dma_start3A_143 : memref<120x128xf32, #tpu.memory_space<vmem_shared>>) target_semaphore(%run_scoped3A : memref<!tpu.dma_semaphore, #tpu.memory_space<semaphore_mem>>)
      %dma_wait3A = arith.constant 0 : i32
      %dma_wait3A_147 = arith.constant 0 : i32
      %dma_wait3A_148 = tpu.memref_slice %arg9[%dma_wait3A, %dma_wait3A_147] : memref<128x128xf32, #tpu.memory_space<vmem>> -> memref<120x128xf32, #tpu.memory_space<vmem>>
      %dma_wait3A_149 = arith.constant 0 : i32
      %dma_wait3A_150 = tpu.memref_slice %arg11[%add3A_107, %dma_wait3A_149] : memref<10112x128xf32, #tpu.memory_space<vmem_shared>> -> memref<120x128xf32, #tpu.memory_space<vmem_shared>>
      %dma_wait3A_151 = arith.constant 0 : i32
      %dma_wait3A_152 = tpu.memref_slice %arg11[%add3A_107, %dma_wait3A_151] : memref<10112x128xf32, #tpu.memory_space<vmem_shared>> -> memref<120x128xf32, #tpu.memory_space<vmem_shared>>
      %dma_wait3A_153 = arith.constant 0 : i32
      %dma_wait3A_154 = arith.constant 0 : i32
      %dma_wait3A_155 = tpu.memref_slice %arg9[%dma_wait3A_153, %dma_wait3A_154] : memref<128x128xf32, #tpu.memory_space<vmem>> -> memref<120x128xf32, #tpu.memory_space<vmem>>
      tpu.wait_dma2 semaphore(%run_scoped3A : memref<!tpu.dma_semaphore, #tpu.memory_space<semaphore_mem>>) src(%dma_wait3A_155 : memref<120x128xf32, #tpu.memory_space<vmem>>) dst(%dma_wait3A_152 : memref<120x128xf32, #tpu.memory_space<vmem_shared>>)
      tpu.yield
    }) : () -> ()
    %add3A_108 = arith.constant 0 : i32
    %add3A_109 = arith.addi %multiple_of3A, %add3A_108 : i32
    "tpu.region"() ({
      %run_scoped3A = tpu.sem_alloc : memref<!tpu.dma_semaphore, #tpu.memory_space<semaphore_mem>>
      %dma_start3A = tpu.memref_slice %arg18[%add3A_109] : memref<10112xf32, #tpu.memory_space<vmem_shared>> -> memref<128xf32, #tpu.memory_space<vmem_shared>>
      %dma_start3A_138 = tpu.memref_slice %arg18[%add3A_109] : memref<10112xf32, #tpu.memory_space<vmem_shared>> -> memref<128xf32, #tpu.memory_space<vmem_shared>>
      tpu.enqueue_dma source(%arg17 : memref<128xf32, #tpu.memory_space<vmem>>) target(%dma_start3A_138 : memref<128xf32, #tpu.memory_space<vmem_shared>>) target_semaphore(%run_scoped3A : memref<!tpu.dma_semaphore, #tpu.memory_space<semaphore_mem>>)
      %dma_wait3A = tpu.memref_slice %arg18[%add3A_109] : memref<10112xf32, #tpu.memory_space<vmem_shared>> -> memref<128xf32, #tpu.memory_space<vmem_shared>>
      %dma_wait3A_139 = tpu.memref_slice %arg18[%add3A_109] : memref<10112xf32, #tpu.memory_space<vmem_shared>> -> memref<128xf32, #tpu.memory_space<vmem_shared>>
      tpu.wait_dma2 semaphore(%run_scoped3A : memref<!tpu.dma_semaphore, #tpu.memory_space<semaphore_mem>>) src(%arg17 : memref<128xf32, #tpu.memory_space<vmem>>) dst(%dma_wait3A_139 : memref<128xf32, #tpu.memory_space<vmem_shared>>)
      tpu.yield
    }) : () -> ()
    %add3A_110 = arith.constant 128 : i32
    %add3A_111 = arith.addi %multiple_of3A, %add3A_110 : i32
    "tpu.region"() ({
      %run_scoped3A = tpu.sem_alloc : memref<!tpu.dma_semaphore, #tpu.memory_space<semaphore_mem>>
      %dma_start3A = tpu.memref_slice %arg18[%add3A_111] : memref<10112xf32, #tpu.memory_space<vmem_shared>> -> memref<128xf32, #tpu.memory_space<vmem_shared>>
      %dma_start3A_138 = tpu.memref_slice %arg18[%add3A_111] : memref<10112xf32, #tpu.memory_space<vmem_shared>> -> memref<128xf32, #tpu.memory_space<vmem_shared>>
      tpu.enqueue_dma source(%arg17 : memref<128xf32, #tpu.memory_space<vmem>>) target(%dma_start3A_138 : memref<128xf32, #tpu.memory_space<vmem_shared>>) target_semaphore(%run_scoped3A : memref<!tpu.dma_semaphore, #tpu.memory_space<semaphore_mem>>)
      %dma_wait3A = tpu.memref_slice %arg18[%add3A_111] : memref<10112xf32, #tpu.memory_space<vmem_shared>> -> memref<128xf32, #tpu.memory_space<vmem_shared>>
      %dma_wait3A_139 = tpu.memref_slice %arg18[%add3A_111] : memref<10112xf32, #tpu.memory_space<vmem_shared>> -> memref<128xf32, #tpu.memory_space<vmem_shared>>
      tpu.wait_dma2 semaphore(%run_scoped3A : memref<!tpu.dma_semaphore, #tpu.memory_space<semaphore_mem>>) src(%arg17 : memref<128xf32, #tpu.memory_space<vmem>>) dst(%dma_wait3A_139 : memref<128xf32, #tpu.memory_space<vmem_shared>>)
      tpu.yield
    }) : () -> ()
    %add3A_112 = arith.constant 256 : i32
    %add3A_113 = arith.addi %multiple_of3A, %add3A_112 : i32
    "tpu.region"() ({
      %run_scoped3A = tpu.sem_alloc : memref<!tpu.dma_semaphore, #tpu.memory_space<semaphore_mem>>
      %dma_start3A = tpu.memref_slice %arg18[%add3A_113] : memref<10112xf32, #tpu.memory_space<vmem_shared>> -> memref<128xf32, #tpu.memory_space<vmem_shared>>
      %dma_start3A_138 = tpu.memref_slice %arg18[%add3A_113] : memref<10112xf32, #tpu.memory_space<vmem_shared>> -> memref<128xf32, #tpu.memory_space<vmem_shared>>
      tpu.enqueue_dma source(%arg17 : memref<128xf32, #tpu.memory_space<vmem>>) target(%dma_start3A_138 : memref<128xf32, #tpu.memory_space<vmem_shared>>) target_semaphore(%run_scoped3A : memref<!tpu.dma_semaphore, #tpu.memory_space<semaphore_mem>>)
      %dma_wait3A = tpu.memref_slice %arg18[%add3A_113] : memref<10112xf32, #tpu.memory_space<vmem_shared>> -> memref<128xf32, #tpu.memory_space<vmem_shared>>
      %dma_wait3A_139 = tpu.memref_slice %arg18[%add3A_113] : memref<10112xf32, #tpu.memory_space<vmem_shared>> -> memref<128xf32, #tpu.memory_space<vmem_shared>>
      tpu.wait_dma2 semaphore(%run_scoped3A : memref<!tpu.dma_semaphore, #tpu.memory_space<semaphore_mem>>) src(%arg17 : memref<128xf32, #tpu.memory_space<vmem>>) dst(%dma_wait3A_139 : memref<128xf32, #tpu.memory_space<vmem_shared>>)
      tpu.yield
    }) : () -> ()
    %add3A_114 = arith.constant 384 : i32
    %add3A_115 = arith.addi %multiple_of3A, %add3A_114 : i32
    "tpu.region"() ({
      %run_scoped3A = tpu.sem_alloc : memref<!tpu.dma_semaphore, #tpu.memory_space<semaphore_mem>>
      %dma_start3A = tpu.memref_slice %arg18[%add3A_115] : memref<10112xf32, #tpu.memory_space<vmem_shared>> -> memref<128xf32, #tpu.memory_space<vmem_shared>>
      %dma_start3A_138 = tpu.memref_slice %arg18[%add3A_115] : memref<10112xf32, #tpu.memory_space<vmem_shared>> -> memref<128xf32, #tpu.memory_space<vmem_shared>>
      tpu.enqueue_dma source(%arg17 : memref<128xf32, #tpu.memory_space<vmem>>) target(%dma_start3A_138 : memref<128xf32, #tpu.memory_space<vmem_shared>>) target_semaphore(%run_scoped3A : memref<!tpu.dma_semaphore, #tpu.memory_space<semaphore_mem>>)
      %dma_wait3A = tpu.memref_slice %arg18[%add3A_115] : memref<10112xf32, #tpu.memory_space<vmem_shared>> -> memref<128xf32, #tpu.memory_space<vmem_shared>>
      %dma_wait3A_139 = tpu.memref_slice %arg18[%add3A_115] : memref<10112xf32, #tpu.memory_space<vmem_shared>> -> memref<128xf32, #tpu.memory_space<vmem_shared>>
      tpu.wait_dma2 semaphore(%run_scoped3A : memref<!tpu.dma_semaphore, #tpu.memory_space<semaphore_mem>>) src(%arg17 : memref<128xf32, #tpu.memory_space<vmem>>) dst(%dma_wait3A_139 : memref<128xf32, #tpu.memory_space<vmem_shared>>)
      tpu.yield
    }) : () -> ()
    %add3A_116 = arith.constant 512 : i32
    %add3A_117 = arith.addi %multiple_of3A, %add3A_116 : i32
    "tpu.region"() ({
      %run_scoped3A = tpu.sem_alloc : memref<!tpu.dma_semaphore, #tpu.memory_space<semaphore_mem>>
      %dma_start3A = arith.constant 0 : i32
      %dma_start3A_138 = tpu.memref_slice %arg17[%dma_start3A] : memref<128xf32, #tpu.memory_space<vmem>> -> memref<120xf32, #tpu.memory_space<vmem>>
      %dma_start3A_139 = tpu.memref_slice %arg18[%add3A_117] : memref<10112xf32, #tpu.memory_space<vmem_shared>> -> memref<120xf32, #tpu.memory_space<vmem_shared>>
      %dma_start3A_140 = tpu.memref_slice %arg18[%add3A_117] : memref<10112xf32, #tpu.memory_space<vmem_shared>> -> memref<120xf32, #tpu.memory_space<vmem_shared>>
      %dma_start3A_141 = arith.constant 0 : i32
      %dma_start3A_142 = tpu.memref_slice %arg17[%dma_start3A_141] : memref<128xf32, #tpu.memory_space<vmem>> -> memref<120xf32, #tpu.memory_space<vmem>>
      tpu.enqueue_dma source(%dma_start3A_142 : memref<120xf32, #tpu.memory_space<vmem>>) target(%dma_start3A_140 : memref<120xf32, #tpu.memory_space<vmem_shared>>) target_semaphore(%run_scoped3A : memref<!tpu.dma_semaphore, #tpu.memory_space<semaphore_mem>>)
      %dma_wait3A = arith.constant 0 : i32
      %dma_wait3A_143 = tpu.memref_slice %arg17[%dma_wait3A] : memref<128xf32, #tpu.memory_space<vmem>> -> memref<120xf32, #tpu.memory_space<vmem>>
      %dma_wait3A_144 = tpu.memref_slice %arg18[%add3A_117] : memref<10112xf32, #tpu.memory_space<vmem_shared>> -> memref<120xf32, #tpu.memory_space<vmem_shared>>
      %dma_wait3A_145 = tpu.memref_slice %arg18[%add3A_117] : memref<10112xf32, #tpu.memory_space<vmem_shared>> -> memref<120xf32, #tpu.memory_space<vmem_shared>>
      %dma_wait3A_146 = arith.constant 0 : i32
      %dma_wait3A_147 = tpu.memref_slice %arg17[%dma_wait3A_146] : memref<128xf32, #tpu.memory_space<vmem>> -> memref<120xf32, #tpu.memory_space<vmem>>
      tpu.wait_dma2 semaphore(%run_scoped3A : memref<!tpu.dma_semaphore, #tpu.memory_space<semaphore_mem>>) src(%dma_wait3A_147 : memref<120xf32, #tpu.memory_space<vmem>>) dst(%dma_wait3A_145 : memref<120xf32, #tpu.memory_space<vmem_shared>>)
      tpu.yield
    }) : () -> ()
    %barrier3A = arith.constant 0 : index
    tpu.barrier barrier_id(%barrier3A)
    %eq3A = arith.constant 0 : i32
    %eq3A_118 = arith.cmpi eq, %arg0, %eq3A : i32
    %convert_element_type3A = arith.extui %eq3A_118 : i1 to i32
    %cond3A = arith.constant 0 : i32
    %cond3A_119 = arith.cmpi ne, %convert_element_type3A, %cond3A : i32
    scf.if %cond3A_119 {
      %mul3A_138 = arith.constant 128 : i32
      %mul3A_139 = arith.muli %arg1, %mul3A_138 : i32
      %multiple_of3A_140 = tpu.assume_multiple %mul3A_139, 8 : i32
      %scan3A_141 = arith.constant 0 : i32
      %scan3A_142 = arith.constant 8 : i32
      %scan3A_143 = arith.addi %scan3A_141, %scan3A_142 : i32
      %scan3A_144 = arith.constant 1 : i32
      scf.for %scan3A_146 = %scan3A_141 to %scan3A_143 step %scan3A_144  : i32 {
        %mul3A_147 = arith.constant 1 : i32
        %mul3A_148 = arith.muli %scan3A_146, %mul3A_147 : i32
        %add3A_149 = arith.constant 0 : i32
        %add3A_150 = arith.addi %add3A_149, %mul3A_148 : i32
        %mul3A_151 = arith.constant 16 : i32
        %mul3A_152 = arith.muli %add3A_150, %mul3A_151 : i32
        %add3A_153 = arith.addi %multiple_of3A_140, %mul3A_152 : i32
        %multiple_of3A_154 = tpu.assume_multiple %add3A_153, 8 : i32
        "tpu.region"() ({
          %run_scoped3A = tpu.sem_alloc : memref<!tpu.dma_semaphore, #tpu.memory_space<semaphore_mem>>
          %dma_start3A_793 = arith.constant 0 : i32
          %dma_start3A_794 = tpu.memref_slice %arg3[%multiple_of3A_154, %dma_start3A_793] : memref<2560x128xi32, #tpu.memory_space<hbm>> -> memref<16x128xi32, #tpu.memory_space<hbm>>
          %dma_start3A_795 = arith.constant 0 : i32
          %dma_start3A_796 = tpu.memref_slice %arg3[%multiple_of3A_154, %dma_start3A_795] : memref<2560x128xi32, #tpu.memory_space<hbm>> -> memref<16x128xi32, #tpu.memory_space<hbm>>
          tpu.enqueue_dma source(%dma_start3A_796 : memref<16x128xi32, #tpu.memory_space<hbm>>) target(%arg7 : memref<16x128xi32, #tpu.memory_space<vmem>>) target_semaphore(%run_scoped3A : memref<!tpu.dma_semaphore, #tpu.memory_space<semaphore_mem>>)
          %dma_wait3A_797 = arith.constant 0 : i32
          %dma_wait3A_798 = tpu.memref_slice %arg3[%multiple_of3A_154, %dma_wait3A_797] : memref<2560x128xi32, #tpu.memory_space<hbm>> -> memref<16x128xi32, #tpu.memory_space<hbm>>
          %dma_wait3A_799 = arith.constant 0 : i32
          %dma_wait3A_800 = tpu.memref_slice %arg3[%multiple_of3A_154, %dma_wait3A_799] : memref<2560x128xi32, #tpu.memory_space<hbm>> -> memref<16x128xi32, #tpu.memory_space<hbm>>
          tpu.wait_dma2 semaphore(%run_scoped3A : memref<!tpu.dma_semaphore, #tpu.memory_space<semaphore_mem>>) src(%dma_wait3A_800 : memref<16x128xi32, #tpu.memory_space<hbm>>) dst(%arg7 : memref<16x128xi32, #tpu.memory_space<vmem>>)
          tpu.yield
        }) : () -> ()
        "tpu.region"() ({
          %run_scoped3A = tpu.sem_alloc : memref<!tpu.dma_semaphore, #tpu.memory_space<semaphore_mem>>
          %dma_start3A_793 = arith.constant 0 : i32
          %dma_start3A_794 = tpu.memref_slice %arg4[%multiple_of3A_154, %dma_start3A_793] : memref<2560x128xi32, #tpu.memory_space<hbm>> -> memref<16x128xi32, #tpu.memory_space<hbm>>
          %dma_start3A_795 = arith.constant 0 : i32
          %dma_start3A_796 = tpu.memref_slice %arg4[%multiple_of3A_154, %dma_start3A_795] : memref<2560x128xi32, #tpu.memory_space<hbm>> -> memref<16x128xi32, #tpu.memory_space<hbm>>
          tpu.enqueue_dma source(%dma_start3A_796 : memref<16x128xi32, #tpu.memory_space<hbm>>) target(%arg8 : memref<16x128xi32, #tpu.memory_space<vmem>>) target_semaphore(%run_scoped3A : memref<!tpu.dma_semaphore, #tpu.memory_space<semaphore_mem>>)
          %dma_wait3A_797 = arith.constant 0 : i32
          %dma_wait3A_798 = tpu.memref_slice %arg4[%multiple_of3A_154, %dma_wait3A_797] : memref<2560x128xi32, #tpu.memory_space<hbm>> -> memref<16x128xi32, #tpu.memory_space<hbm>>
          %dma_wait3A_799 = arith.constant 0 : i32
          %dma_wait3A_800 = tpu.memref_slice %arg4[%multiple_of3A_154, %dma_wait3A_799] : memref<2560x128xi32, #tpu.memory_space<hbm>> -> memref<16x128xi32, #tpu.memory_space<hbm>>
          tpu.wait_dma2 semaphore(%run_scoped3A : memref<!tpu.dma_semaphore, #tpu.memory_space<semaphore_mem>>) src(%dma_wait3A_800 : memref<16x128xi32, #tpu.memory_space<hbm>>) dst(%arg8 : memref<16x128xi32, #tpu.memory_space<vmem>>)
          tpu.yield
        }) : () -> ()
        %dma_start3A = arith.constant 0 : i32
        %dma_start3A_155 = arith.constant 0 : i32
        %dma_start3A_156 = tpu.memref_slice %arg7[%dma_start3A, %dma_start3A_155] : memref<16x128xi32, #tpu.memory_space<vmem>> -> memref<1x128xi32, #tpu.memory_space<vmem>>
        %dma_start3A_157 = tpu.memref_squeeze %dma_start3A_156 : memref<1x128xi32, #tpu.memory_space<vmem>> -> memref<128xi32, #tpu.memory_space<vmem>>
        %dma_start3A_158 = arith.constant 0 : i32
        %dma_start3A_159 = arith.constant 0 : i32
        %dma_start3A_160 = tpu.memref_slice %arg2[%dma_start3A_158, %dma_start3A_159] : memref<10000x128xf32, #tpu.memory_space<hbm>> -> memref<10000x128xf32, #tpu.memory_space<hbm>>
        tpu.enqueue_indirect_dma source(%dma_start3A_160 : memref<10000x128xf32, #tpu.memory_space<hbm>>) target(%arg9 : memref<128x128xf32, #tpu.memory_space<vmem>>) offsets(%dma_start3A_157 : memref<128xi32, #tpu.memory_space<vmem>>) semaphore(%arg12 : memref<!tpu.dma_semaphore, #tpu.memory_space<semaphore_mem>>)
        %dma_start3A_161 = arith.constant 1 : i32
        %dma_start3A_162 = arith.constant 0 : i32
        %dma_start3A_163 = tpu.memref_slice %arg7[%dma_start3A_161, %dma_start3A_162] : memref<16x128xi32, #tpu.memory_space<vmem>> -> memref<1x128xi32, #tpu.memory_space<vmem>>
        %dma_start3A_164 = tpu.memref_squeeze %dma_start3A_163 : memref<1x128xi32, #tpu.memory_space<vmem>> -> memref<128xi32, #tpu.memory_space<vmem>>
        %dma_start3A_165 = arith.constant 0 : i32
        %dma_start3A_166 = arith.constant 0 : i32
        %dma_start3A_167 = tpu.memref_slice %arg2[%dma_start3A_165, %dma_start3A_166] : memref<10000x128xf32, #tpu.memory_space<hbm>> -> memref<10000x128xf32, #tpu.memory_space<hbm>>
        tpu.enqueue_indirect_dma source(%dma_start3A_167 : memref<10000x128xf32, #tpu.memory_space<hbm>>) target(%arg10 : memref<128x128xf32, #tpu.memory_space<vmem>>) offsets(%dma_start3A_164 : memref<128xi32, #tpu.memory_space<vmem>>) semaphore(%arg13 : memref<!tpu.dma_semaphore, #tpu.memory_space<semaphore_mem>>)
        %dma_wait3A = arith.constant 0 : i32
        %dma_wait3A_168 = arith.constant 0 : i32
        %dma_wait3A_169 = tpu.memref_slice %arg7[%dma_wait3A, %dma_wait3A_168] : memref<16x128xi32, #tpu.memory_space<vmem>> -> memref<1x128xi32, #tpu.memory_space<vmem>>
        %dma_wait3A_170 = tpu.memref_squeeze %dma_wait3A_169 : memref<1x128xi32, #tpu.memory_space<vmem>> -> memref<128xi32, #tpu.memory_space<vmem>>
        %dma_wait3A_171 = arith.constant 0 : i32
        %dma_wait3A_172 = arith.constant 0 : i32
        %dma_wait3A_173 = tpu.memref_slice %arg2[%dma_wait3A_171, %dma_wait3A_172] : memref<10000x128xf32, #tpu.memory_space<hbm>> -> memref<10000x128xf32, #tpu.memory_space<hbm>>
        tpu.wait_indirect_dma semaphore(%arg12 : memref<!tpu.dma_semaphore, #tpu.memory_space<semaphore_mem>>) src(%dma_wait3A_173 : memref<10000x128xf32, #tpu.memory_space<hbm>>) dst(%arg9 : memref<128x128xf32, #tpu.memory_space<vmem>>)
        %dma_start3A_174 = arith.constant 0 : i32
        %dma_start3A_175 = arith.constant 0 : i32
        %dma_start3A_176 = tpu.memref_slice %arg8[%dma_start3A_174, %dma_start3A_175] : memref<16x128xi32, #tpu.memory_space<vmem>> -> memref<1x128xi32, #tpu.memory_space<vmem>>
        %dma_start3A_177 = tpu.memref_squeeze %dma_start3A_176 : memref<1x128xi32, #tpu.memory_space<vmem>> -> memref<128xi32, #tpu.memory_space<vmem>>
        %dma_start3A_178 = arith.constant 0 : i32
        %dma_start3A_179 = arith.constant 0 : i32
        %dma_start3A_180 = tpu.memref_slice %arg11[%dma_start3A_178, %dma_start3A_179] : memref<10112x128xf32, #tpu.memory_space<vmem_shared>> -> memref<10112x128xf32, #tpu.memory_space<vmem_shared>>
        tpu.enqueue_indirect_dma source(%arg9 : memref<128x128xf32, #tpu.memory_space<vmem>>) target(%dma_start3A_180 : memref<10112x128xf32, #tpu.memory_space<vmem_shared>>) offsets(%dma_start3A_177 : memref<128xi32, #tpu.memory_space<vmem>>) semaphore(%arg14 : memref<!tpu.dma_semaphore, #tpu.memory_space<semaphore_mem>>) {add = true}
        %dma_start3A_181 = arith.constant 0 : i32
        %dma_start3A_182 = arith.constant 0 : i32
        %dma_start3A_183 = tpu.memref_slice %arg8[%dma_start3A_181, %dma_start3A_182] : memref<16x128xi32, #tpu.memory_space<vmem>> -> memref<1x128xi32, #tpu.memory_space<vmem>>
        %dma_start3A_184 = tpu.memref_squeeze %dma_start3A_183 : memref<1x128xi32, #tpu.memory_space<vmem>> -> memref<128xi32, #tpu.memory_space<vmem>>
        %dma_start3A_185 = arith.constant 0 : i32
        %dma_start3A_186 = tpu.memref_slice %arg18[%dma_start3A_185] : memref<10112xf32, #tpu.memory_space<vmem_shared>> -> memref<10112xf32, #tpu.memory_space<vmem_shared>>
        tpu.enqueue_indirect_dma source(%arg16 : memref<128xf32, #tpu.memory_space<vmem>>) target(%dma_start3A_186 : memref<10112xf32, #tpu.memory_space<vmem_shared>>) offsets(%dma_start3A_184 : memref<128xi32, #tpu.memory_space<vmem>>) semaphore(%arg19 : memref<!tpu.dma_semaphore, #tpu.memory_space<semaphore_mem>>) {add = true}
        %dma_wait3A_187 = arith.constant 0 : i32
        %dma_wait3A_188 = arith.constant 0 : i32
        %dma_wait3A_189 = tpu.memref_slice %arg8[%dma_wait3A_187, %dma_wait3A_188] : memref<16x128xi32, #tpu.memory_space<vmem>> -> memref<1x128xi32, #tpu.memory_space<vmem>>
        %dma_wait3A_190 = tpu.memref_squeeze %dma_wait3A_189 : memref<1x128xi32, #tpu.memory_space<vmem>> -> memref<128xi32, #tpu.memory_space<vmem>>
        %dma_wait3A_191 = arith.constant 0 : i32
        %dma_wait3A_192 = arith.constant 0 : i32
        %dma_wait3A_193 = tpu.memref_slice %arg11[%dma_wait3A_191, %dma_wait3A_192] : memref<10112x128xf32, #tpu.memory_space<vmem_shared>> -> memref<10112x128xf32, #tpu.memory_space<vmem_shared>>
        tpu.wait_indirect_dma semaphore(%arg14 : memref<!tpu.dma_semaphore, #tpu.memory_space<semaphore_mem>>) src(%arg9 : memref<128x128xf32, #tpu.memory_space<vmem>>) dst(%dma_wait3A_193 : memref<10112x128xf32, #tpu.memory_space<vmem_shared>>)
        %dma_start3A_194 = arith.constant 2 : i32
        %dma_start3A_195 = arith.constant 0 : i32
        %dma_start3A_196 = tpu.memref_slice %arg7[%dma_start3A_194, %dma_start3A_195] : memref<16x128xi32, #tpu.memory_space<vmem>> -> memref<1x128xi32, #tpu.memory_space<vmem>>
        %dma_start3A_197 = tpu.memref_squeeze %dma_start3A_196 : memref<1x128xi32, #tpu.memory_space<vmem>> -> memref<128xi32, #tpu.memory_space<vmem>>
        %dma_start3A_198 = arith.constant 0 : i32
        %dma_start3A_199 = arith.constant 0 : i32
        %dma_start3A_200 = tpu.memref_slice %arg2[%dma_start3A_198, %dma_start3A_199] : memref<10000x128xf32, #tpu.memory_space<hbm>> -> memref<10000x128xf32, #tpu.memory_space<hbm>>
        tpu.enqueue_indirect_dma source(%dma_start3A_200 : memref<10000x128xf32, #tpu.memory_space<hbm>>) target(%arg9 : memref<128x128xf32, #tpu.memory_space<vmem>>) offsets(%dma_start3A_197 : memref<128xi32, #tpu.memory_space<vmem>>) semaphore(%arg12 : memref<!tpu.dma_semaphore, #tpu.memory_space<semaphore_mem>>)
        %dma_wait3A_201 = arith.constant 1 : i32
        %dma_wait3A_202 = arith.constant 0 : i32
        %dma_wait3A_203 = tpu.memref_slice %arg7[%dma_wait3A_201, %dma_wait3A_202] : memref<16x128xi32, #tpu.memory_space<vmem>> -> memref<1x128xi32, #tpu.memory_space<vmem>>
        %dma_wait3A_204 = tpu.memref_squeeze %dma_wait3A_203 : memref<1x128xi32, #tpu.memory_space<vmem>> -> memref<128xi32, #tpu.memory_space<vmem>>
        %dma_wait3A_205 = arith.constant 0 : i32
        %dma_wait3A_206 = arith.constant 0 : i32
        %dma_wait3A_207 = tpu.memref_slice %arg2[%dma_wait3A_205, %dma_wait3A_206] : memref<10000x128xf32, #tpu.memory_space<hbm>> -> memref<10000x128xf32, #tpu.memory_space<hbm>>
        tpu.wait_indirect_dma semaphore(%arg13 : memref<!tpu.dma_semaphore, #tpu.memory_space<semaphore_mem>>) src(%dma_wait3A_207 : memref<10000x128xf32, #tpu.memory_space<hbm>>) dst(%arg10 : memref<128x128xf32, #tpu.memory_space<vmem>>)
        %dma_start3A_208 = arith.constant 1 : i32
        %dma_start3A_209 = arith.constant 0 : i32
        %dma_start3A_210 = tpu.memref_slice %arg8[%dma_start3A_208, %dma_start3A_209] : memref<16x128xi32, #tpu.memory_space<vmem>> -> memref<1x128xi32, #tpu.memory_space<vmem>>
        %dma_start3A_211 = tpu.memref_squeeze %dma_start3A_210 : memref<1x128xi32, #tpu.memory_space<vmem>> -> memref<128xi32, #tpu.memory_space<vmem>>
        %dma_start3A_212 = arith.constant 0 : i32
        %dma_start3A_213 = arith.constant 0 : i32
        %dma_start3A_214 = tpu.memref_slice %arg11[%dma_start3A_212, %dma_start3A_213] : memref<10112x128xf32, #tpu.memory_space<vmem_shared>> -> memref<10112x128xf32, #tpu.memory_space<vmem_shared>>
        tpu.enqueue_indirect_dma source(%arg10 : memref<128x128xf32, #tpu.memory_space<vmem>>) target(%dma_start3A_214 : memref<10112x128xf32, #tpu.memory_space<vmem_shared>>) offsets(%dma_start3A_211 : memref<128xi32, #tpu.memory_space<vmem>>) semaphore(%arg15 : memref<!tpu.dma_semaphore, #tpu.memory_space<semaphore_mem>>) {add = true}
        %dma_start3A_215 = arith.constant 1 : i32
        %dma_start3A_216 = arith.constant 0 : i32
        %dma_start3A_217 = tpu.memref_slice %arg8[%dma_start3A_215, %dma_start3A_216] : memref<16x128xi32, #tpu.memory_space<vmem>> -> memref<1x128xi32, #tpu.memory_space<vmem>>
        %dma_start3A_218 = tpu.memref_squeeze %dma_start3A_217 : memref<1x128xi32, #tpu.memory_space<vmem>> -> memref<128xi32, #tpu.memory_space<vmem>>
        %dma_start3A_219 = arith.constant 0 : i32
        %dma_start3A_220 = tpu.memref_slice %arg18[%dma_start3A_219] : memref<10112xf32, #tpu.memory_space<vmem_shared>> -> memref<10112xf32, #tpu.memory_space<vmem_shared>>
        tpu.enqueue_indirect_dma source(%arg16 : memref<128xf32, #tpu.memory_space<vmem>>) target(%dma_start3A_220 : memref<10112xf32, #tpu.memory_space<vmem_shared>>) offsets(%dma_start3A_218 : memref<128xi32, #tpu.memory_space<vmem>>) semaphore(%arg19 : memref<!tpu.dma_semaphore, #tpu.memory_space<semaphore_mem>>) {add = true}
        %dma_wait3A_221 = arith.constant 1 : i32
        %dma_wait3A_222 = arith.constant 0 : i32
        %dma_wait3A_223 = tpu.memref_slice %arg8[%dma_wait3A_221, %dma_wait3A_222] : memref<16x128xi32, #tpu.memory_space<vmem>> -> memref<1x128xi32, #tpu.memory_space<vmem>>
        %dma_wait3A_224 = tpu.memref_squeeze %dma_wait3A_223 : memref<1x128xi32, #tpu.memory_space<vmem>> -> memref<128xi32, #tpu.memory_space<vmem>>
        %dma_wait3A_225 = arith.constant 0 : i32
        %dma_wait3A_226 = arith.constant 0 : i32
        %dma_wait3A_227 = tpu.memref_slice %arg11[%dma_wait3A_225, %dma_wait3A_226] : memref<10112x128xf32, #tpu.memory_space<vmem_shared>> -> memref<10112x128xf32, #tpu.memory_space<vmem_shared>>
        tpu.wait_indirect_dma semaphore(%arg15 : memref<!tpu.dma_semaphore, #tpu.memory_space<semaphore_mem>>) src(%arg10 : memref<128x128xf32, #tpu.memory_space<vmem>>) dst(%dma_wait3A_227 : memref<10112x128xf32, #tpu.memory_space<vmem_shared>>)
        %dma_start3A_228 = arith.constant 3 : i32
        %dma_start3A_229 = arith.constant 0 : i32
        %dma_start3A_230 = tpu.memref_slice %arg7[%dma_start3A_228, %dma_start3A_229] : memref<16x128xi32, #tpu.memory_space<vmem>> -> memref<1x128xi32, #tpu.memory_space<vmem>>
        %dma_start3A_231 = tpu.memref_squeeze %dma_start3A_230 : memref<1x128xi32, #tpu.memory_space<vmem>> -> memref<128xi32, #tpu.memory_space<vmem>>
        %dma_start3A_232 = arith.constant 0 : i32
        %dma_start3A_233 = arith.constant 0 : i32
        %dma_start3A_234 = tpu.memref_slice %arg2[%dma_start3A_232, %dma_start3A_233] : memref<10000x128xf32, #tpu.memory_space<hbm>> -> memref<10000x128xf32, #tpu.memory_space<hbm>>
        tpu.enqueue_indirect_dma source(%dma_start3A_234 : memref<10000x128xf32, #tpu.memory_space<hbm>>) target(%arg10 : memref<128x128xf32, #tpu.memory_space<vmem>>) offsets(%dma_start3A_231 : memref<128xi32, #tpu.memory_space<vmem>>) semaphore(%arg13 : memref<!tpu.dma_semaphore, #tpu.memory_space<semaphore_mem>>)
        %dma_wait3A_235 = arith.constant 2 : i32
        %dma_wait3A_236 = arith.constant 0 : i32
        %dma_wait3A_237 = tpu.memref_slice %arg7[%dma_wait3A_235, %dma_wait3A_236] : memref<16x128xi32, #tpu.memory_space<vmem>> -> memref<1x128xi32, #tpu.memory_space<vmem>>
        %dma_wait3A_238 = tpu.memref_squeeze %dma_wait3A_237 : memref<1x128xi32, #tpu.memory_space<vmem>> -> memref<128xi32, #tpu.memory_space<vmem>>
        %dma_wait3A_239 = arith.constant 0 : i32
        %dma_wait3A_240 = arith.constant 0 : i32
        %dma_wait3A_241 = tpu.memref_slice %arg2[%dma_wait3A_239, %dma_wait3A_240] : memref<10000x128xf32, #tpu.memory_space<hbm>> -> memref<10000x128xf32, #tpu.memory_space<hbm>>
        tpu.wait_indirect_dma semaphore(%arg12 : memref<!tpu.dma_semaphore, #tpu.memory_space<semaphore_mem>>) src(%dma_wait3A_241 : memref<10000x128xf32, #tpu.memory_space<hbm>>) dst(%arg9 : memref<128x128xf32, #tpu.memory_space<vmem>>)
        %dma_start3A_242 = arith.constant 2 : i32
        %dma_start3A_243 = arith.constant 0 : i32
        %dma_start3A_244 = tpu.memref_slice %arg8[%dma_start3A_242, %dma_start3A_243] : memref<16x128xi32, #tpu.memory_space<vmem>> -> memref<1x128xi32, #tpu.memory_space<vmem>>
        %dma_start3A_245 = tpu.memref_squeeze %dma_start3A_244 : memref<1x128xi32, #tpu.memory_space<vmem>> -> memref<128xi32, #tpu.memory_space<vmem>>
        %dma_start3A_246 = arith.constant 0 : i32
        %dma_start3A_247 = arith.constant 0 : i32
        %dma_start3A_248 = tpu.memref_slice %arg11[%dma_start3A_246, %dma_start3A_247] : memref<10112x128xf32, #tpu.memory_space<vmem_shared>> -> memref<10112x128xf32, #tpu.memory_space<vmem_shared>>
        tpu.enqueue_indirect_dma source(%arg9 : memref<128x128xf32, #tpu.memory_space<vmem>>) target(%dma_start3A_248 : memref<10112x128xf32, #tpu.memory_space<vmem_shared>>) offsets(%dma_start3A_245 : memref<128xi32, #tpu.memory_space<vmem>>) semaphore(%arg14 : memref<!tpu.dma_semaphore, #tpu.memory_space<semaphore_mem>>) {add = true}
        %dma_start3A_249 = arith.constant 2 : i32
        %dma_start3A_250 = arith.constant 0 : i32
        %dma_start3A_251 = tpu.memref_slice %arg8[%dma_start3A_249, %dma_start3A_250] : memref<16x128xi32, #tpu.memory_space<vmem>> -> memref<1x128xi32, #tpu.memory_space<vmem>>
        %dma_start3A_252 = tpu.memref_squeeze %dma_start3A_251 : memref<1x128xi32, #tpu.memory_space<vmem>> -> memref<128xi32, #tpu.memory_space<vmem>>
        %dma_start3A_253 = arith.constant 0 : i32
        %dma_start3A_254 = tpu.memref_slice %arg18[%dma_start3A_253] : memref<10112xf32, #tpu.memory_space<vmem_shared>> -> memref<10112xf32, #tpu.memory_space<vmem_shared>>
        tpu.enqueue_indirect_dma source(%arg16 : memref<128xf32, #tpu.memory_space<vmem>>) target(%dma_start3A_254 : memref<10112xf32, #tpu.memory_space<vmem_shared>>) offsets(%dma_start3A_252 : memref<128xi32, #tpu.memory_space<vmem>>) semaphore(%arg19 : memref<!tpu.dma_semaphore, #tpu.memory_space<semaphore_mem>>) {add = true}
        %dma_wait3A_255 = arith.constant 2 : i32
        %dma_wait3A_256 = arith.constant 0 : i32
        %dma_wait3A_257 = tpu.memref_slice %arg8[%dma_wait3A_255, %dma_wait3A_256] : memref<16x128xi32, #tpu.memory_space<vmem>> -> memref<1x128xi32, #tpu.memory_space<vmem>>
        %dma_wait3A_258 = tpu.memref_squeeze %dma_wait3A_257 : memref<1x128xi32, #tpu.memory_space<vmem>> -> memref<128xi32, #tpu.memory_space<vmem>>
        %dma_wait3A_259 = arith.constant 0 : i32
        %dma_wait3A_260 = arith.constant 0 : i32
        %dma_wait3A_261 = tpu.memref_slice %arg11[%dma_wait3A_259, %dma_wait3A_260] : memref<10112x128xf32, #tpu.memory_space<vmem_shared>> -> memref<10112x128xf32, #tpu.memory_space<vmem_shared>>
        tpu.wait_indirect_dma semaphore(%arg14 : memref<!tpu.dma_semaphore, #tpu.memory_space<semaphore_mem>>) src(%arg9 : memref<128x128xf32, #tpu.memory_space<vmem>>) dst(%dma_wait3A_261 : memref<10112x128xf32, #tpu.memory_space<vmem_shared>>)
        %dma_start3A_262 = arith.constant 4 : i32
        %dma_start3A_263 = arith.constant 0 : i32
        %dma_start3A_264 = tpu.memref_slice %arg7[%dma_start3A_262, %dma_start3A_263] : memref<16x128xi32, #tpu.memory_space<vmem>> -> memref<1x128xi32, #tpu.memory_space<vmem>>
        %dma_start3A_265 = tpu.memref_squeeze %dma_start3A_264 : memref<1x128xi32, #tpu.memory_space<vmem>> -> memref<128xi32, #tpu.memory_space<vmem>>
        %dma_start3A_266 = arith.constant 0 : i32
        %dma_start3A_267 = arith.constant 0 : i32
        %dma_start3A_268 = tpu.memref_slice %arg2[%dma_start3A_266, %dma_start3A_267] : memref<10000x128xf32, #tpu.memory_space<hbm>> -> memref<10000x128xf32, #tpu.memory_space<hbm>>
        tpu.enqueue_indirect_dma source(%dma_start3A_268 : memref<10000x128xf32, #tpu.memory_space<hbm>>) target(%arg9 : memref<128x128xf32, #tpu.memory_space<vmem>>) offsets(%dma_start3A_265 : memref<128xi32, #tpu.memory_space<vmem>>) semaphore(%arg12 : memref<!tpu.dma_semaphore, #tpu.memory_space<semaphore_mem>>)
        %dma_wait3A_269 = arith.constant 3 : i32
        %dma_wait3A_270 = arith.constant 0 : i32
        %dma_wait3A_271 = tpu.memref_slice %arg7[%dma_wait3A_269, %dma_wait3A_270] : memref<16x128xi32, #tpu.memory_space<vmem>> -> memref<1x128xi32, #tpu.memory_space<vmem>>
        %dma_wait3A_272 = tpu.memref_squeeze %dma_wait3A_271 : memref<1x128xi32, #tpu.memory_space<vmem>> -> memref<128xi32, #tpu.memory_space<vmem>>
        %dma_wait3A_273 = arith.constant 0 : i32
        %dma_wait3A_274 = arith.constant 0 : i32
        %dma_wait3A_275 = tpu.memref_slice %arg2[%dma_wait3A_273, %dma_wait3A_274] : memref<10000x128xf32, #tpu.memory_space<hbm>> -> memref<10000x128xf32, #tpu.memory_space<hbm>>
        tpu.wait_indirect_dma semaphore(%arg13 : memref<!tpu.dma_semaphore, #tpu.memory_space<semaphore_mem>>) src(%dma_wait3A_275 : memref<10000x128xf32, #tpu.memory_space<hbm>>) dst(%arg10 : memref<128x128xf32, #tpu.memory_space<vmem>>)
        %dma_start3A_276 = arith.constant 3 : i32
        %dma_start3A_277 = arith.constant 0 : i32
        %dma_start3A_278 = tpu.memref_slice %arg8[%dma_start3A_276, %dma_start3A_277] : memref<16x128xi32, #tpu.memory_space<vmem>> -> memref<1x128xi32, #tpu.memory_space<vmem>>
        %dma_start3A_279 = tpu.memref_squeeze %dma_start3A_278 : memref<1x128xi32, #tpu.memory_space<vmem>> -> memref<128xi32, #tpu.memory_space<vmem>>
        %dma_start3A_280 = arith.constant 0 : i32
        %dma_start3A_281 = arith.constant 0 : i32
        %dma_start3A_282 = tpu.memref_slice %arg11[%dma_start3A_280, %dma_start3A_281] : memref<10112x128xf32, #tpu.memory_space<vmem_shared>> -> memref<10112x128xf32, #tpu.memory_space<vmem_shared>>
        tpu.enqueue_indirect_dma source(%arg10 : memref<128x128xf32, #tpu.memory_space<vmem>>) target(%dma_start3A_282 : memref<10112x128xf32, #tpu.memory_space<vmem_shared>>) offsets(%dma_start3A_279 : memref<128xi32, #tpu.memory_space<vmem>>) semaphore(%arg15 : memref<!tpu.dma_semaphore, #tpu.memory_space<semaphore_mem>>) {add = true}
        %dma_start3A_283 = arith.constant 3 : i32
        %dma_start3A_284 = arith.constant 0 : i32
        %dma_start3A_285 = tpu.memref_slice %arg8[%dma_start3A_283, %dma_start3A_284] : memref<16x128xi32, #tpu.memory_space<vmem>> -> memref<1x128xi32, #tpu.memory_space<vmem>>
        %dma_start3A_286 = tpu.memref_squeeze %dma_start3A_285 : memref<1x128xi32, #tpu.memory_space<vmem>> -> memref<128xi32, #tpu.memory_space<vmem>>
        %dma_start3A_287 = arith.constant 0 : i32
        %dma_start3A_288 = tpu.memref_slice %arg18[%dma_start3A_287] : memref<10112xf32, #tpu.memory_space<vmem_shared>> -> memref<10112xf32, #tpu.memory_space<vmem_shared>>
        tpu.enqueue_indirect_dma source(%arg16 : memref<128xf32, #tpu.memory_space<vmem>>) target(%dma_start3A_288 : memref<10112xf32, #tpu.memory_space<vmem_shared>>) offsets(%dma_start3A_286 : memref<128xi32, #tpu.memory_space<vmem>>) semaphore(%arg19 : memref<!tpu.dma_semaphore, #tpu.memory_space<semaphore_mem>>) {add = true}
        %dma_wait3A_289 = arith.constant 3 : i32
        %dma_wait3A_290 = arith.constant 0 : i32
        %dma_wait3A_291 = tpu.memref_slice %arg8[%dma_wait3A_289, %dma_wait3A_290] : memref<16x128xi32, #tpu.memory_space<vmem>> -> memref<1x128xi32, #tpu.memory_space<vmem>>
        %dma_wait3A_292 = tpu.memref_squeeze %dma_wait3A_291 : memref<1x128xi32, #tpu.memory_space<vmem>> -> memref<128xi32, #tpu.memory_space<vmem>>
        %dma_wait3A_293 = arith.constant 0 : i32
        %dma_wait3A_294 = arith.constant 0 : i32
        %dma_wait3A_295 = tpu.memref_slice %arg11[%dma_wait3A_293, %dma_wait3A_294] : memref<10112x128xf32, #tpu.memory_space<vmem_shared>> -> memref<10112x128xf32, #tpu.memory_space<vmem_shared>>
        tpu.wait_indirect_dma semaphore(%arg15 : memref<!tpu.dma_semaphore, #tpu.memory_space<semaphore_mem>>) src(%arg10 : memref<128x128xf32, #tpu.memory_space<vmem>>) dst(%dma_wait3A_295 : memref<10112x128xf32, #tpu.memory_space<vmem_shared>>)
        %dma_start3A_296 = arith.constant 5 : i32
        %dma_start3A_297 = arith.constant 0 : i32
        %dma_start3A_298 = tpu.memref_slice %arg7[%dma_start3A_296, %dma_start3A_297] : memref<16x128xi32, #tpu.memory_space<vmem>> -> memref<1x128xi32, #tpu.memory_space<vmem>>
        %dma_start3A_299 = tpu.memref_squeeze %dma_start3A_298 : memref<1x128xi32, #tpu.memory_space<vmem>> -> memref<128xi32, #tpu.memory_space<vmem>>
        %dma_start3A_300 = arith.constant 0 : i32
        %dma_start3A_301 = arith.constant 0 : i32
        %dma_start3A_302 = tpu.memref_slice %arg2[%dma_start3A_300, %dma_start3A_301] : memref<10000x128xf32, #tpu.memory_space<hbm>> -> memref<10000x128xf32, #tpu.memory_space<hbm>>
        tpu.enqueue_indirect_dma source(%dma_start3A_302 : memref<10000x128xf32, #tpu.memory_space<hbm>>) target(%arg10 : memref<128x128xf32, #tpu.memory_space<vmem>>) offsets(%dma_start3A_299 : memref<128xi32, #tpu.memory_space<vmem>>) semaphore(%arg13 : memref<!tpu.dma_semaphore, #tpu.memory_space<semaphore_mem>>)
        %dma_wait3A_303 = arith.constant 4 : i32
        %dma_wait3A_304 = arith.constant 0 : i32
        %dma_wait3A_305 = tpu.memref_slice %arg7[%dma_wait3A_303, %dma_wait3A_304] : memref<16x128xi32, #tpu.memory_space<vmem>> -> memref<1x128xi32, #tpu.memory_space<vmem>>
        %dma_wait3A_306 = tpu.memref_squeeze %dma_wait3A_305 : memref<1x128xi32, #tpu.memory_space<vmem>> -> memref<128xi32, #tpu.memory_space<vmem>>
        %dma_wait3A_307 = arith.constant 0 : i32
        %dma_wait3A_308 = arith.constant 0 : i32
        %dma_wait3A_309 = tpu.memref_slice %arg2[%dma_wait3A_307, %dma_wait3A_308] : memref<10000x128xf32, #tpu.memory_space<hbm>> -> memref<10000x128xf32, #tpu.memory_space<hbm>>
        tpu.wait_indirect_dma semaphore(%arg12 : memref<!tpu.dma_semaphore, #tpu.memory_space<semaphore_mem>>) src(%dma_wait3A_309 : memref<10000x128xf32, #tpu.memory_space<hbm>>) dst(%arg9 : memref<128x128xf32, #tpu.memory_space<vmem>>)
        %dma_start3A_310 = arith.constant 4 : i32
        %dma_start3A_311 = arith.constant 0 : i32
        %dma_start3A_312 = tpu.memref_slice %arg8[%dma_start3A_310, %dma_start3A_311] : memref<16x128xi32, #tpu.memory_space<vmem>> -> memref<1x128xi32, #tpu.memory_space<vmem>>
        %dma_start3A_313 = tpu.memref_squeeze %dma_start3A_312 : memref<1x128xi32, #tpu.memory_space<vmem>> -> memref<128xi32, #tpu.memory_space<vmem>>
        %dma_start3A_314 = arith.constant 0 : i32
        %dma_start3A_315 = arith.constant 0 : i32
        %dma_start3A_316 = tpu.memref_slice %arg11[%dma_start3A_314, %dma_start3A_315] : memref<10112x128xf32, #tpu.memory_space<vmem_shared>> -> memref<10112x128xf32, #tpu.memory_space<vmem_shared>>
        tpu.enqueue_indirect_dma source(%arg9 : memref<128x128xf32, #tpu.memory_space<vmem>>) target(%dma_start3A_316 : memref<10112x128xf32, #tpu.memory_space<vmem_shared>>) offsets(%dma_start3A_313 : memref<128xi32, #tpu.memory_space<vmem>>) semaphore(%arg14 : memref<!tpu.dma_semaphore, #tpu.memory_space<semaphore_mem>>) {add = true}
        %dma_start3A_317 = arith.constant 4 : i32
        %dma_start3A_318 = arith.constant 0 : i32
        %dma_start3A_319 = tpu.memref_slice %arg8[%dma_start3A_317, %dma_start3A_318] : memref<16x128xi32, #tpu.memory_space<vmem>> -> memref<1x128xi32, #tpu.memory_space<vmem>>
        %dma_start3A_320 = tpu.memref_squeeze %dma_start3A_319 : memref<1x128xi32, #tpu.memory_space<vmem>> -> memref<128xi32, #tpu.memory_space<vmem>>
        %dma_start3A_321 = arith.constant 0 : i32
        %dma_start3A_322 = tpu.memref_slice %arg18[%dma_start3A_321] : memref<10112xf32, #tpu.memory_space<vmem_shared>> -> memref<10112xf32, #tpu.memory_space<vmem_shared>>
        tpu.enqueue_indirect_dma source(%arg16 : memref<128xf32, #tpu.memory_space<vmem>>) target(%dma_start3A_322 : memref<10112xf32, #tpu.memory_space<vmem_shared>>) offsets(%dma_start3A_320 : memref<128xi32, #tpu.memory_space<vmem>>) semaphore(%arg19 : memref<!tpu.dma_semaphore, #tpu.memory_space<semaphore_mem>>) {add = true}
        %dma_wait3A_323 = arith.constant 4 : i32
        %dma_wait3A_324 = arith.constant 0 : i32
        %dma_wait3A_325 = tpu.memref_slice %arg8[%dma_wait3A_323, %dma_wait3A_324] : memref<16x128xi32, #tpu.memory_space<vmem>> -> memref<1x128xi32, #tpu.memory_space<vmem>>
        %dma_wait3A_326 = tpu.memref_squeeze %dma_wait3A_325 : memref<1x128xi32, #tpu.memory_space<vmem>> -> memref<128xi32, #tpu.memory_space<vmem>>
        %dma_wait3A_327 = arith.constant 0 : i32
        %dma_wait3A_328 = arith.constant 0 : i32
        %dma_wait3A_329 = tpu.memref_slice %arg11[%dma_wait3A_327, %dma_wait3A_328] : memref<10112x128xf32, #tpu.memory_space<vmem_shared>> -> memref<10112x128xf32, #tpu.memory_space<vmem_shared>>
        tpu.wait_indirect_dma semaphore(%arg14 : memref<!tpu.dma_semaphore, #tpu.memory_space<semaphore_mem>>) src(%arg9 : memref<128x128xf32, #tpu.memory_space<vmem>>) dst(%dma_wait3A_329 : memref<10112x128xf32, #tpu.memory_space<vmem_shared>>)
        %dma_start3A_330 = arith.constant 6 : i32
        %dma_start3A_331 = arith.constant 0 : i32
        %dma_start3A_332 = tpu.memref_slice %arg7[%dma_start3A_330, %dma_start3A_331] : memref<16x128xi32, #tpu.memory_space<vmem>> -> memref<1x128xi32, #tpu.memory_space<vmem>>
        %dma_start3A_333 = tpu.memref_squeeze %dma_start3A_332 : memref<1x128xi32, #tpu.memory_space<vmem>> -> memref<128xi32, #tpu.memory_space<vmem>>
        %dma_start3A_334 = arith.constant 0 : i32
        %dma_start3A_335 = arith.constant 0 : i32
        %dma_start3A_336 = tpu.memref_slice %arg2[%dma_start3A_334, %dma_start3A_335] : memref<10000x128xf32, #tpu.memory_space<hbm>> -> memref<10000x128xf32, #tpu.memory_space<hbm>>
        tpu.enqueue_indirect_dma source(%dma_start3A_336 : memref<10000x128xf32, #tpu.memory_space<hbm>>) target(%arg9 : memref<128x128xf32, #tpu.memory_space<vmem>>) offsets(%dma_start3A_333 : memref<128xi32, #tpu.memory_space<vmem>>) semaphore(%arg12 : memref<!tpu.dma_semaphore, #tpu.memory_space<semaphore_mem>>)
        %dma_wait3A_337 = arith.constant 5 : i32
        %dma_wait3A_338 = arith.constant 0 : i32
        %dma_wait3A_339 = tpu.memref_slice %arg7[%dma_wait3A_337, %dma_wait3A_338] : memref<16x128xi32, #tpu.memory_space<vmem>> -> memref<1x128xi32, #tpu.memory_space<vmem>>
        %dma_wait3A_340 = tpu.memref_squeeze %dma_wait3A_339 : memref<1x128xi32, #tpu.memory_space<vmem>> -> memref<128xi32, #tpu.memory_space<vmem>>
        %dma_wait3A_341 = arith.constant 0 : i32
        %dma_wait3A_342 = arith.constant 0 : i32
        %dma_wait3A_343 = tpu.memref_slice %arg2[%dma_wait3A_341, %dma_wait3A_342] : memref<10000x128xf32, #tpu.memory_space<hbm>> -> memref<10000x128xf32, #tpu.memory_space<hbm>>
        tpu.wait_indirect_dma semaphore(%arg13 : memref<!tpu.dma_semaphore, #tpu.memory_space<semaphore_mem>>) src(%dma_wait3A_343 : memref<10000x128xf32, #tpu.memory_space<hbm>>) dst(%arg10 : memref<128x128xf32, #tpu.memory_space<vmem>>)
        %dma_start3A_344 = arith.constant 5 : i32
        %dma_start3A_345 = arith.constant 0 : i32
        %dma_start3A_346 = tpu.memref_slice %arg8[%dma_start3A_344, %dma_start3A_345] : memref<16x128xi32, #tpu.memory_space<vmem>> -> memref<1x128xi32, #tpu.memory_space<vmem>>
        %dma_start3A_347 = tpu.memref_squeeze %dma_start3A_346 : memref<1x128xi32, #tpu.memory_space<vmem>> -> memref<128xi32, #tpu.memory_space<vmem>>
        %dma_start3A_348 = arith.constant 0 : i32
        %dma_start3A_349 = arith.constant 0 : i32
        %dma_start3A_350 = tpu.memref_slice %arg11[%dma_start3A_348, %dma_start3A_349] : memref<10112x128xf32, #tpu.memory_space<vmem_shared>> -> memref<10112x128xf32, #tpu.memory_space<vmem_shared>>
        tpu.enqueue_indirect_dma source(%arg10 : memref<128x128xf32, #tpu.memory_space<vmem>>) target(%dma_start3A_350 : memref<10112x128xf32, #tpu.memory_space<vmem_shared>>) offsets(%dma_start3A_347 : memref<128xi32, #tpu.memory_space<vmem>>) semaphore(%arg15 : memref<!tpu.dma_semaphore, #tpu.memory_space<semaphore_mem>>) {add = true}
        %dma_start3A_351 = arith.constant 5 : i32
        %dma_start3A_352 = arith.constant 0 : i32
        %dma_start3A_353 = tpu.memref_slice %arg8[%dma_start3A_351, %dma_start3A_352] : memref<16x128xi32, #tpu.memory_space<vmem>> -> memref<1x128xi32, #tpu.memory_space<vmem>>
        %dma_start3A_354 = tpu.memref_squeeze %dma_start3A_353 : memref<1x128xi32, #tpu.memory_space<vmem>> -> memref<128xi32, #tpu.memory_space<vmem>>
        %dma_start3A_355 = arith.constant 0 : i32
        %dma_start3A_356 = tpu.memref_slice %arg18[%dma_start3A_355] : memref<10112xf32, #tpu.memory_space<vmem_shared>> -> memref<10112xf32, #tpu.memory_space<vmem_shared>>
        tpu.enqueue_indirect_dma source(%arg16 : memref<128xf32, #tpu.memory_space<vmem>>) target(%dma_start3A_356 : memref<10112xf32, #tpu.memory_space<vmem_shared>>) offsets(%dma_start3A_354 : memref<128xi32, #tpu.memory_space<vmem>>) semaphore(%arg19 : memref<!tpu.dma_semaphore, #tpu.memory_space<semaphore_mem>>) {add = true}
        %dma_wait3A_357 = arith.constant 5 : i32
        %dma_wait3A_358 = arith.constant 0 : i32
        %dma_wait3A_359 = tpu.memref_slice %arg8[%dma_wait3A_357, %dma_wait3A_358] : memref<16x128xi32, #tpu.memory_space<vmem>> -> memref<1x128xi32, #tpu.memory_space<vmem>>
        %dma_wait3A_360 = tpu.memref_squeeze %dma_wait3A_359 : memref<1x128xi32, #tpu.memory_space<vmem>> -> memref<128xi32, #tpu.memory_space<vmem>>
        %dma_wait3A_361 = arith.constant 0 : i32
        %dma_wait3A_362 = arith.constant 0 : i32
        %dma_wait3A_363 = tpu.memref_slice %arg11[%dma_wait3A_361, %dma_wait3A_362] : memref<10112x128xf32, #tpu.memory_space<vmem_shared>> -> memref<10112x128xf32, #tpu.memory_space<vmem_shared>>
        tpu.wait_indirect_dma semaphore(%arg15 : memref<!tpu.dma_semaphore, #tpu.memory_space<semaphore_mem>>) src(%arg10 : memref<128x128xf32, #tpu.memory_space<vmem>>) dst(%dma_wait3A_363 : memref<10112x128xf32, #tpu.memory_space<vmem_shared>>)
        %dma_start3A_364 = arith.constant 7 : i32
        %dma_start3A_365 = arith.constant 0 : i32
        %dma_start3A_366 = tpu.memref_slice %arg7[%dma_start3A_364, %dma_start3A_365] : memref<16x128xi32, #tpu.memory_space<vmem>> -> memref<1x128xi32, #tpu.memory_space<vmem>>
        %dma_start3A_367 = tpu.memref_squeeze %dma_start3A_366 : memref<1x128xi32, #tpu.memory_space<vmem>> -> memref<128xi32, #tpu.memory_space<vmem>>
        %dma_start3A_368 = arith.constant 0 : i32
        %dma_start3A_369 = arith.constant 0 : i32
        %dma_start3A_370 = tpu.memref_slice %arg2[%dma_start3A_368, %dma_start3A_369] : memref<10000x128xf32, #tpu.memory_space<hbm>> -> memref<10000x128xf32, #tpu.memory_space<hbm>>
        tpu.enqueue_indirect_dma source(%dma_start3A_370 : memref<10000x128xf32, #tpu.memory_space<hbm>>) target(%arg10 : memref<128x128xf32, #tpu.memory_space<vmem>>) offsets(%dma_start3A_367 : memref<128xi32, #tpu.memory_space<vmem>>) semaphore(%arg13 : memref<!tpu.dma_semaphore, #tpu.memory_space<semaphore_mem>>)
        %dma_wait3A_371 = arith.constant 6 : i32
        %dma_wait3A_372 = arith.constant 0 : i32
        %dma_wait3A_373 = tpu.memref_slice %arg7[%dma_wait3A_371, %dma_wait3A_372] : memref<16x128xi32, #tpu.memory_space<vmem>> -> memref<1x128xi32, #tpu.memory_space<vmem>>
        %dma_wait3A_374 = tpu.memref_squeeze %dma_wait3A_373 : memref<1x128xi32, #tpu.memory_space<vmem>> -> memref<128xi32, #tpu.memory_space<vmem>>
        %dma_wait3A_375 = arith.constant 0 : i32
        %dma_wait3A_376 = arith.constant 0 : i32
        %dma_wait3A_377 = tpu.memref_slice %arg2[%dma_wait3A_375, %dma_wait3A_376] : memref<10000x128xf32, #tpu.memory_space<hbm>> -> memref<10000x128xf32, #tpu.memory_space<hbm>>
        tpu.wait_indirect_dma semaphore(%arg12 : memref<!tpu.dma_semaphore, #tpu.memory_space<semaphore_mem>>) src(%dma_wait3A_377 : memref<10000x128xf32, #tpu.memory_space<hbm>>) dst(%arg9 : memref<128x128xf32, #tpu.memory_space<vmem>>)
        %dma_start3A_378 = arith.constant 6 : i32
        %dma_start3A_379 = arith.constant 0 : i32
        %dma_start3A_380 = tpu.memref_slice %arg8[%dma_start3A_378, %dma_start3A_379] : memref<16x128xi32, #tpu.memory_space<vmem>> -> memref<1x128xi32, #tpu.memory_space<vmem>>
        %dma_start3A_381 = tpu.memref_squeeze %dma_start3A_380 : memref<1x128xi32, #tpu.memory_space<vmem>> -> memref<128xi32, #tpu.memory_space<vmem>>
        %dma_start3A_382 = arith.constant 0 : i32
        %dma_start3A_383 = arith.constant 0 : i32
        %dma_start3A_384 = tpu.memref_slice %arg11[%dma_start3A_382, %dma_start3A_383] : memref<10112x128xf32, #tpu.memory_space<vmem_shared>> -> memref<10112x128xf32, #tpu.memory_space<vmem_shared>>
        tpu.enqueue_indirect_dma source(%arg9 : memref<128x128xf32, #tpu.memory_space<vmem>>) target(%dma_start3A_384 : memref<10112x128xf32, #tpu.memory_space<vmem_shared>>) offsets(%dma_start3A_381 : memref<128xi32, #tpu.memory_space<vmem>>) semaphore(%arg14 : memref<!tpu.dma_semaphore, #tpu.memory_space<semaphore_mem>>) {add = true}
        %dma_start3A_385 = arith.constant 6 : i32
        %dma_start3A_386 = arith.constant 0 : i32
        %dma_start3A_387 = tpu.memref_slice %arg8[%dma_start3A_385, %dma_start3A_386] : memref<16x128xi32, #tpu.memory_space<vmem>> -> memref<1x128xi32, #tpu.memory_space<vmem>>
        %dma_start3A_388 = tpu.memref_squeeze %dma_start3A_387 : memref<1x128xi32, #tpu.memory_space<vmem>> -> memref<128xi32, #tpu.memory_space<vmem>>
        %dma_start3A_389 = arith.constant 0 : i32
        %dma_start3A_390 = tpu.memref_slice %arg18[%dma_start3A_389] : memref<10112xf32, #tpu.memory_space<vmem_shared>> -> memref<10112xf32, #tpu.memory_space<vmem_shared>>
        tpu.enqueue_indirect_dma source(%arg16 : memref<128xf32, #tpu.memory_space<vmem>>) target(%dma_start3A_390 : memref<10112xf32, #tpu.memory_space<vmem_shared>>) offsets(%dma_start3A_388 : memref<128xi32, #tpu.memory_space<vmem>>) semaphore(%arg19 : memref<!tpu.dma_semaphore, #tpu.memory_space<semaphore_mem>>) {add = true}
        %dma_wait3A_391 = arith.constant 6 : i32
        %dma_wait3A_392 = arith.constant 0 : i32
        %dma_wait3A_393 = tpu.memref_slice %arg8[%dma_wait3A_391, %dma_wait3A_392] : memref<16x128xi32, #tpu.memory_space<vmem>> -> memref<1x128xi32, #tpu.memory_space<vmem>>
        %dma_wait3A_394 = tpu.memref_squeeze %dma_wait3A_393 : memref<1x128xi32, #tpu.memory_space<vmem>> -> memref<128xi32, #tpu.memory_space<vmem>>
        %dma_wait3A_395 = arith.constant 0 : i32
        %dma_wait3A_396 = arith.constant 0 : i32
        %dma_wait3A_397 = tpu.memref_slice %arg11[%dma_wait3A_395, %dma_wait3A_396] : memref<10112x128xf32, #tpu.memory_space<vmem_shared>> -> memref<10112x128xf32, #tpu.memory_space<vmem_shared>>
        tpu.wait_indirect_dma semaphore(%arg14 : memref<!tpu.dma_semaphore, #tpu.memory_space<semaphore_mem>>) src(%arg9 : memref<128x128xf32, #tpu.memory_space<vmem>>) dst(%dma_wait3A_397 : memref<10112x128xf32, #tpu.memory_space<vmem_shared>>)
        %dma_start3A_398 = arith.constant 8 : i32
        %dma_start3A_399 = arith.constant 0 : i32
        %dma_start3A_400 = tpu.memref_slice %arg7[%dma_start3A_398, %dma_start3A_399] : memref<16x128xi32, #tpu.memory_space<vmem>> -> memref<1x128xi32, #tpu.memory_space<vmem>>
        %dma_start3A_401 = tpu.memref_squeeze %dma_start3A_400 : memref<1x128xi32, #tpu.memory_space<vmem>> -> memref<128xi32, #tpu.memory_space<vmem>>
        %dma_start3A_402 = arith.constant 0 : i32
        %dma_start3A_403 = arith.constant 0 : i32
        %dma_start3A_404 = tpu.memref_slice %arg2[%dma_start3A_402, %dma_start3A_403] : memref<10000x128xf32, #tpu.memory_space<hbm>> -> memref<10000x128xf32, #tpu.memory_space<hbm>>
        tpu.enqueue_indirect_dma source(%dma_start3A_404 : memref<10000x128xf32, #tpu.memory_space<hbm>>) target(%arg9 : memref<128x128xf32, #tpu.memory_space<vmem>>) offsets(%dma_start3A_401 : memref<128xi32, #tpu.memory_space<vmem>>) semaphore(%arg12 : memref<!tpu.dma_semaphore, #tpu.memory_space<semaphore_mem>>)
        %dma_wait3A_405 = arith.constant 7 : i32
        %dma_wait3A_406 = arith.constant 0 : i32
        %dma_wait3A_407 = tpu.memref_slice %arg7[%dma_wait3A_405, %dma_wait3A_406] : memref<16x128xi32, #tpu.memory_space<vmem>> -> memref<1x128xi32, #tpu.memory_space<vmem>>
        %dma_wait3A_408 = tpu.memref_squeeze %dma_wait3A_407 : memref<1x128xi32, #tpu.memory_space<vmem>> -> memref<128xi32, #tpu.memory_space<vmem>>
        %dma_wait3A_409 = arith.constant 0 : i32
        %dma_wait3A_410 = arith.constant 0 : i32
        %dma_wait3A_411 = tpu.memref_slice %arg2[%dma_wait3A_409, %dma_wait3A_410] : memref<10000x128xf32, #tpu.memory_space<hbm>> -> memref<10000x128xf32, #tpu.memory_space<hbm>>
        tpu.wait_indirect_dma semaphore(%arg13 : memref<!tpu.dma_semaphore, #tpu.memory_space<semaphore_mem>>) src(%dma_wait3A_411 : memref<10000x128xf32, #tpu.memory_space<hbm>>) dst(%arg10 : memref<128x128xf32, #tpu.memory_space<vmem>>)
        %dma_start3A_412 = arith.constant 7 : i32
        %dma_start3A_413 = arith.constant 0 : i32
        %dma_start3A_414 = tpu.memref_slice %arg8[%dma_start3A_412, %dma_start3A_413] : memref<16x128xi32, #tpu.memory_space<vmem>> -> memref<1x128xi32, #tpu.memory_space<vmem>>
        %dma_start3A_415 = tpu.memref_squeeze %dma_start3A_414 : memref<1x128xi32, #tpu.memory_space<vmem>> -> memref<128xi32, #tpu.memory_space<vmem>>
        %dma_start3A_416 = arith.constant 0 : i32
        %dma_start3A_417 = arith.constant 0 : i32
        %dma_start3A_418 = tpu.memref_slice %arg11[%dma_start3A_416, %dma_start3A_417] : memref<10112x128xf32, #tpu.memory_space<vmem_shared>> -> memref<10112x128xf32, #tpu.memory_space<vmem_shared>>
        tpu.enqueue_indirect_dma source(%arg10 : memref<128x128xf32, #tpu.memory_space<vmem>>) target(%dma_start3A_418 : memref<10112x128xf32, #tpu.memory_space<vmem_shared>>) offsets(%dma_start3A_415 : memref<128xi32, #tpu.memory_space<vmem>>) semaphore(%arg15 : memref<!tpu.dma_semaphore, #tpu.memory_space<semaphore_mem>>) {add = true}
        %dma_start3A_419 = arith.constant 7 : i32
        %dma_start3A_420 = arith.constant 0 : i32
        %dma_start3A_421 = tpu.memref_slice %arg8[%dma_start3A_419, %dma_start3A_420] : memref<16x128xi32, #tpu.memory_space<vmem>> -> memref<1x128xi32, #tpu.memory_space<vmem>>
        %dma_start3A_422 = tpu.memref_squeeze %dma_start3A_421 : memref<1x128xi32, #tpu.memory_space<vmem>> -> memref<128xi32, #tpu.memory_space<vmem>>
        %dma_start3A_423 = arith.constant 0 : i32
        %dma_start3A_424 = tpu.memref_slice %arg18[%dma_start3A_423] : memref<10112xf32, #tpu.memory_space<vmem_shared>> -> memref<10112xf32, #tpu.memory_space<vmem_shared>>
        tpu.enqueue_indirect_dma source(%arg16 : memref<128xf32, #tpu.memory_space<vmem>>) target(%dma_start3A_424 : memref<10112xf32, #tpu.memory_space<vmem_shared>>) offsets(%dma_start3A_422 : memref<128xi32, #tpu.memory_space<vmem>>) semaphore(%arg19 : memref<!tpu.dma_semaphore, #tpu.memory_space<semaphore_mem>>) {add = true}
        %dma_wait3A_425 = arith.constant 7 : i32
        %dma_wait3A_426 = arith.constant 0 : i32
        %dma_wait3A_427 = tpu.memref_slice %arg8[%dma_wait3A_425, %dma_wait3A_426] : memref<16x128xi32, #tpu.memory_space<vmem>> -> memref<1x128xi32, #tpu.memory_space<vmem>>
        %dma_wait3A_428 = tpu.memref_squeeze %dma_wait3A_427 : memref<1x128xi32, #tpu.memory_space<vmem>> -> memref<128xi32, #tpu.memory_space<vmem>>
        %dma_wait3A_429 = arith.constant 0 : i32
        %dma_wait3A_430 = arith.constant 0 : i32
        %dma_wait3A_431 = tpu.memref_slice %arg11[%dma_wait3A_429, %dma_wait3A_430] : memref<10112x128xf32, #tpu.memory_space<vmem_shared>> -> memref<10112x128xf32, #tpu.memory_space<vmem_shared>>
        tpu.wait_indirect_dma semaphore(%arg15 : memref<!tpu.dma_semaphore, #tpu.memory_space<semaphore_mem>>) src(%arg10 : memref<128x128xf32, #tpu.memory_space<vmem>>) dst(%dma_wait3A_431 : memref<10112x128xf32, #tpu.memory_space<vmem_shared>>)
        %dma_start3A_432 = arith.constant 9 : i32
        %dma_start3A_433 = arith.constant 0 : i32
        %dma_start3A_434 = tpu.memref_slice %arg7[%dma_start3A_432, %dma_start3A_433] : memref<16x128xi32, #tpu.memory_space<vmem>> -> memref<1x128xi32, #tpu.memory_space<vmem>>
        %dma_start3A_435 = tpu.memref_squeeze %dma_start3A_434 : memref<1x128xi32, #tpu.memory_space<vmem>> -> memref<128xi32, #tpu.memory_space<vmem>>
        %dma_start3A_436 = arith.constant 0 : i32
        %dma_start3A_437 = arith.constant 0 : i32
        %dma_start3A_438 = tpu.memref_slice %arg2[%dma_start3A_436, %dma_start3A_437] : memref<10000x128xf32, #tpu.memory_space<hbm>> -> memref<10000x128xf32, #tpu.memory_space<hbm>>
        tpu.enqueue_indirect_dma source(%dma_start3A_438 : memref<10000x128xf32, #tpu.memory_space<hbm>>) target(%arg10 : memref<128x128xf32, #tpu.memory_space<vmem>>) offsets(%dma_start3A_435 : memref<128xi32, #tpu.memory_space<vmem>>) semaphore(%arg13 : memref<!tpu.dma_semaphore, #tpu.memory_space<semaphore_mem>>)
        %dma_wait3A_439 = arith.constant 8 : i32
        %dma_wait3A_440 = arith.constant 0 : i32
        %dma_wait3A_441 = tpu.memref_slice %arg7[%dma_wait3A_439, %dma_wait3A_440] : memref<16x128xi32, #tpu.memory_space<vmem>> -> memref<1x128xi32, #tpu.memory_space<vmem>>
        %dma_wait3A_442 = tpu.memref_squeeze %dma_wait3A_441 : memref<1x128xi32, #tpu.memory_space<vmem>> -> memref<128xi32, #tpu.memory_space<vmem>>
        %dma_wait3A_443 = arith.constant 0 : i32
        %dma_wait3A_444 = arith.constant 0 : i32
        %dma_wait3A_445 = tpu.memref_slice %arg2[%dma_wait3A_443, %dma_wait3A_444] : memref<10000x128xf32, #tpu.memory_space<hbm>> -> memref<10000x128xf32, #tpu.memory_space<hbm>>
        tpu.wait_indirect_dma semaphore(%arg12 : memref<!tpu.dma_semaphore, #tpu.memory_space<semaphore_mem>>) src(%dma_wait3A_445 : memref<10000x128xf32, #tpu.memory_space<hbm>>) dst(%arg9 : memref<128x128xf32, #tpu.memory_space<vmem>>)
        %dma_start3A_446 = arith.constant 8 : i32
        %dma_start3A_447 = arith.constant 0 : i32
        %dma_start3A_448 = tpu.memref_slice %arg8[%dma_start3A_446, %dma_start3A_447] : memref<16x128xi32, #tpu.memory_space<vmem>> -> memref<1x128xi32, #tpu.memory_space<vmem>>
        %dma_start3A_449 = tpu.memref_squeeze %dma_start3A_448 : memref<1x128xi32, #tpu.memory_space<vmem>> -> memref<128xi32, #tpu.memory_space<vmem>>
        %dma_start3A_450 = arith.constant 0 : i32
        %dma_start3A_451 = arith.constant 0 : i32
        %dma_start3A_452 = tpu.memref_slice %arg11[%dma_start3A_450, %dma_start3A_451] : memref<10112x128xf32, #tpu.memory_space<vmem_shared>> -> memref<10112x128xf32, #tpu.memory_space<vmem_shared>>
        tpu.enqueue_indirect_dma source(%arg9 : memref<128x128xf32, #tpu.memory_space<vmem>>) target(%dma_start3A_452 : memref<10112x128xf32, #tpu.memory_space<vmem_shared>>) offsets(%dma_start3A_449 : memref<128xi32, #tpu.memory_space<vmem>>) semaphore(%arg14 : memref<!tpu.dma_semaphore, #tpu.memory_space<semaphore_mem>>) {add = true}
        %dma_start3A_453 = arith.constant 8 : i32
        %dma_start3A_454 = arith.constant 0 : i32
        %dma_start3A_455 = tpu.memref_slice %arg8[%dma_start3A_453, %dma_start3A_454] : memref<16x128xi32, #tpu.memory_space<vmem>> -> memref<1x128xi32, #tpu.memory_space<vmem>>
        %dma_start3A_456 = tpu.memref_squeeze %dma_start3A_455 : memref<1x128xi32, #tpu.memory_space<vmem>> -> memref<128xi32, #tpu.memory_space<vmem>>
        %dma_start3A_457 = arith.constant 0 : i32
        %dma_start3A_458 = tpu.memref_slice %arg18[%dma_start3A_457] : memref<10112xf32, #tpu.memory_space<vmem_shared>> -> memref<10112xf32, #tpu.memory_space<vmem_shared>>
        tpu.enqueue_indirect_dma source(%arg16 : memref<128xf32, #tpu.memory_space<vmem>>) target(%dma_start3A_458 : memref<10112xf32, #tpu.memory_space<vmem_shared>>) offsets(%dma_start3A_456 : memref<128xi32, #tpu.memory_space<vmem>>) semaphore(%arg19 : memref<!tpu.dma_semaphore, #tpu.memory_space<semaphore_mem>>) {add = true}
        %dma_wait3A_459 = arith.constant 8 : i32
        %dma_wait3A_460 = arith.constant 0 : i32
        %dma_wait3A_461 = tpu.memref_slice %arg8[%dma_wait3A_459, %dma_wait3A_460] : memref<16x128xi32, #tpu.memory_space<vmem>> -> memref<1x128xi32, #tpu.memory_space<vmem>>
        %dma_wait3A_462 = tpu.memref_squeeze %dma_wait3A_461 : memref<1x128xi32, #tpu.memory_space<vmem>> -> memref<128xi32, #tpu.memory_space<vmem>>
        %dma_wait3A_463 = arith.constant 0 : i32
        %dma_wait3A_464 = arith.constant 0 : i32
        %dma_wait3A_465 = tpu.memref_slice %arg11[%dma_wait3A_463, %dma_wait3A_464] : memref<10112x128xf32, #tpu.memory_space<vmem_shared>> -> memref<10112x128xf32, #tpu.memory_space<vmem_shared>>
        tpu.wait_indirect_dma semaphore(%arg14 : memref<!tpu.dma_semaphore, #tpu.memory_space<semaphore_mem>>) src(%arg9 : memref<128x128xf32, #tpu.memory_space<vmem>>) dst(%dma_wait3A_465 : memref<10112x128xf32, #tpu.memory_space<vmem_shared>>)
        %dma_start3A_466 = arith.constant 10 : i32
        %dma_start3A_467 = arith.constant 0 : i32
        %dma_start3A_468 = tpu.memref_slice %arg7[%dma_start3A_466, %dma_start3A_467] : memref<16x128xi32, #tpu.memory_space<vmem>> -> memref<1x128xi32, #tpu.memory_space<vmem>>
        %dma_start3A_469 = tpu.memref_squeeze %dma_start3A_468 : memref<1x128xi32, #tpu.memory_space<vmem>> -> memref<128xi32, #tpu.memory_space<vmem>>
        %dma_start3A_470 = arith.constant 0 : i32
        %dma_start3A_471 = arith.constant 0 : i32
        %dma_start3A_472 = tpu.memref_slice %arg2[%dma_start3A_470, %dma_start3A_471] : memref<10000x128xf32, #tpu.memory_space<hbm>> -> memref<10000x128xf32, #tpu.memory_space<hbm>>
        tpu.enqueue_indirect_dma source(%dma_start3A_472 : memref<10000x128xf32, #tpu.memory_space<hbm>>) target(%arg9 : memref<128x128xf32, #tpu.memory_space<vmem>>) offsets(%dma_start3A_469 : memref<128xi32, #tpu.memory_space<vmem>>) semaphore(%arg12 : memref<!tpu.dma_semaphore, #tpu.memory_space<semaphore_mem>>)
        %dma_wait3A_473 = arith.constant 9 : i32
        %dma_wait3A_474 = arith.constant 0 : i32
        %dma_wait3A_475 = tpu.memref_slice %arg7[%dma_wait3A_473, %dma_wait3A_474] : memref<16x128xi32, #tpu.memory_space<vmem>> -> memref<1x128xi32, #tpu.memory_space<vmem>>
        %dma_wait3A_476 = tpu.memref_squeeze %dma_wait3A_475 : memref<1x128xi32, #tpu.memory_space<vmem>> -> memref<128xi32, #tpu.memory_space<vmem>>
        %dma_wait3A_477 = arith.constant 0 : i32
        %dma_wait3A_478 = arith.constant 0 : i32
        %dma_wait3A_479 = tpu.memref_slice %arg2[%dma_wait3A_477, %dma_wait3A_478] : memref<10000x128xf32, #tpu.memory_space<hbm>> -> memref<10000x128xf32, #tpu.memory_space<hbm>>
        tpu.wait_indirect_dma semaphore(%arg13 : memref<!tpu.dma_semaphore, #tpu.memory_space<semaphore_mem>>) src(%dma_wait3A_479 : memref<10000x128xf32, #tpu.memory_space<hbm>>) dst(%arg10 : memref<128x128xf32, #tpu.memory_space<vmem>>)
        %dma_start3A_480 = arith.constant 9 : i32
        %dma_start3A_481 = arith.constant 0 : i32
        %dma_start3A_482 = tpu.memref_slice %arg8[%dma_start3A_480, %dma_start3A_481] : memref<16x128xi32, #tpu.memory_space<vmem>> -> memref<1x128xi32, #tpu.memory_space<vmem>>
        %dma_start3A_483 = tpu.memref_squeeze %dma_start3A_482 : memref<1x128xi32, #tpu.memory_space<vmem>> -> memref<128xi32, #tpu.memory_space<vmem>>
        %dma_start3A_484 = arith.constant 0 : i32
        %dma_start3A_485 = arith.constant 0 : i32
        %dma_start3A_486 = tpu.memref_slice %arg11[%dma_start3A_484, %dma_start3A_485] : memref<10112x128xf32, #tpu.memory_space<vmem_shared>> -> memref<10112x128xf32, #tpu.memory_space<vmem_shared>>
        tpu.enqueue_indirect_dma source(%arg10 : memref<128x128xf32, #tpu.memory_space<vmem>>) target(%dma_start3A_486 : memref<10112x128xf32, #tpu.memory_space<vmem_shared>>) offsets(%dma_start3A_483 : memref<128xi32, #tpu.memory_space<vmem>>) semaphore(%arg15 : memref<!tpu.dma_semaphore, #tpu.memory_space<semaphore_mem>>) {add = true}
        %dma_start3A_487 = arith.constant 9 : i32
        %dma_start3A_488 = arith.constant 0 : i32
        %dma_start3A_489 = tpu.memref_slice %arg8[%dma_start3A_487, %dma_start3A_488] : memref<16x128xi32, #tpu.memory_space<vmem>> -> memref<1x128xi32, #tpu.memory_space<vmem>>
        %dma_start3A_490 = tpu.memref_squeeze %dma_start3A_489 : memref<1x128xi32, #tpu.memory_space<vmem>> -> memref<128xi32, #tpu.memory_space<vmem>>
        %dma_start3A_491 = arith.constant 0 : i32
        %dma_start3A_492 = tpu.memref_slice %arg18[%dma_start3A_491] : memref<10112xf32, #tpu.memory_space<vmem_shared>> -> memref<10112xf32, #tpu.memory_space<vmem_shared>>
        tpu.enqueue_indirect_dma source(%arg16 : memref<128xf32, #tpu.memory_space<vmem>>) target(%dma_start3A_492 : memref<10112xf32, #tpu.memory_space<vmem_shared>>) offsets(%dma_start3A_490 : memref<128xi32, #tpu.memory_space<vmem>>) semaphore(%arg19 : memref<!tpu.dma_semaphore, #tpu.memory_space<semaphore_mem>>) {add = true}
        %dma_wait3A_493 = arith.constant 9 : i32
        %dma_wait3A_494 = arith.constant 0 : i32
        %dma_wait3A_495 = tpu.memref_slice %arg8[%dma_wait3A_493, %dma_wait3A_494] : memref<16x128xi32, #tpu.memory_space<vmem>> -> memref<1x128xi32, #tpu.memory_space<vmem>>
        %dma_wait3A_496 = tpu.memref_squeeze %dma_wait3A_495 : memref<1x128xi32, #tpu.memory_space<vmem>> -> memref<128xi32, #tpu.memory_space<vmem>>
        %dma_wait3A_497 = arith.constant 0 : i32
        %dma_wait3A_498 = arith.constant 0 : i32
        %dma_wait3A_499 = tpu.memref_slice %arg11[%dma_wait3A_497, %dma_wait3A_498] : memref<10112x128xf32, #tpu.memory_space<vmem_shared>> -> memref<10112x128xf32, #tpu.memory_space<vmem_shared>>
        tpu.wait_indirect_dma semaphore(%arg15 : memref<!tpu.dma_semaphore, #tpu.memory_space<semaphore_mem>>) src(%arg10 : memref<128x128xf32, #tpu.memory_space<vmem>>) dst(%dma_wait3A_499 : memref<10112x128xf32, #tpu.memory_space<vmem_shared>>)
        %dma_start3A_500 = arith.constant 11 : i32
        %dma_start3A_501 = arith.constant 0 : i32
        %dma_start3A_502 = tpu.memref_slice %arg7[%dma_start3A_500, %dma_start3A_501] : memref<16x128xi32, #tpu.memory_space<vmem>> -> memref<1x128xi32, #tpu.memory_space<vmem>>
        %dma_start3A_503 = tpu.memref_squeeze %dma_start3A_502 : memref<1x128xi32, #tpu.memory_space<vmem>> -> memref<128xi32, #tpu.memory_space<vmem>>
        %dma_start3A_504 = arith.constant 0 : i32
        %dma_start3A_505 = arith.constant 0 : i32
        %dma_start3A_506 = tpu.memref_slice %arg2[%dma_start3A_504, %dma_start3A_505] : memref<10000x128xf32, #tpu.memory_space<hbm>> -> memref<10000x128xf32, #tpu.memory_space<hbm>>
        tpu.enqueue_indirect_dma source(%dma_start3A_506 : memref<10000x128xf32, #tpu.memory_space<hbm>>) target(%arg10 : memref<128x128xf32, #tpu.memory_space<vmem>>) offsets(%dma_start3A_503 : memref<128xi32, #tpu.memory_space<vmem>>) semaphore(%arg13 : memref<!tpu.dma_semaphore, #tpu.memory_space<semaphore_mem>>)
        %dma_wait3A_507 = arith.constant 10 : i32
        %dma_wait3A_508 = arith.constant 0 : i32
        %dma_wait3A_509 = tpu.memref_slice %arg7[%dma_wait3A_507, %dma_wait3A_508] : memref<16x128xi32, #tpu.memory_space<vmem>> -> memref<1x128xi32, #tpu.memory_space<vmem>>
        %dma_wait3A_510 = tpu.memref_squeeze %dma_wait3A_509 : memref<1x128xi32, #tpu.memory_space<vmem>> -> memref<128xi32, #tpu.memory_space<vmem>>
        %dma_wait3A_511 = arith.constant 0 : i32
        %dma_wait3A_512 = arith.constant 0 : i32
        %dma_wait3A_513 = tpu.memref_slice %arg2[%dma_wait3A_511, %dma_wait3A_512] : memref<10000x128xf32, #tpu.memory_space<hbm>> -> memref<10000x128xf32, #tpu.memory_space<hbm>>
        tpu.wait_indirect_dma semaphore(%arg12 : memref<!tpu.dma_semaphore, #tpu.memory_space<semaphore_mem>>) src(%dma_wait3A_513 : memref<10000x128xf32, #tpu.memory_space<hbm>>) dst(%arg9 : memref<128x128xf32, #tpu.memory_space<vmem>>)
        %dma_start3A_514 = arith.constant 10 : i32
        %dma_start3A_515 = arith.constant 0 : i32
        %dma_start3A_516 = tpu.memref_slice %arg8[%dma_start3A_514, %dma_start3A_515] : memref<16x128xi32, #tpu.memory_space<vmem>> -> memref<1x128xi32, #tpu.memory_space<vmem>>
        %dma_start3A_517 = tpu.memref_squeeze %dma_start3A_516 : memref<1x128xi32, #tpu.memory_space<vmem>> -> memref<128xi32, #tpu.memory_space<vmem>>
        %dma_start3A_518 = arith.constant 0 : i32
        %dma_start3A_519 = arith.constant 0 : i32
        %dma_start3A_520 = tpu.memref_slice %arg11[%dma_start3A_518, %dma_start3A_519] : memref<10112x128xf32, #tpu.memory_space<vmem_shared>> -> memref<10112x128xf32, #tpu.memory_space<vmem_shared>>
        tpu.enqueue_indirect_dma source(%arg9 : memref<128x128xf32, #tpu.memory_space<vmem>>) target(%dma_start3A_520 : memref<10112x128xf32, #tpu.memory_space<vmem_shared>>) offsets(%dma_start3A_517 : memref<128xi32, #tpu.memory_space<vmem>>) semaphore(%arg14 : memref<!tpu.dma_semaphore, #tpu.memory_space<semaphore_mem>>) {add = true}
        %dma_start3A_521 = arith.constant 10 : i32
        %dma_start3A_522 = arith.constant 0 : i32
        %dma_start3A_523 = tpu.memref_slice %arg8[%dma_start3A_521, %dma_start3A_522] : memref<16x128xi32, #tpu.memory_space<vmem>> -> memref<1x128xi32, #tpu.memory_space<vmem>>
        %dma_start3A_524 = tpu.memref_squeeze %dma_start3A_523 : memref<1x128xi32, #tpu.memory_space<vmem>> -> memref<128xi32, #tpu.memory_space<vmem>>
        %dma_start3A_525 = arith.constant 0 : i32
        %dma_start3A_526 = tpu.memref_slice %arg18[%dma_start3A_525] : memref<10112xf32, #tpu.memory_space<vmem_shared>> -> memref<10112xf32, #tpu.memory_space<vmem_shared>>
        tpu.enqueue_indirect_dma source(%arg16 : memref<128xf32, #tpu.memory_space<vmem>>) target(%dma_start3A_526 : memref<10112xf32, #tpu.memory_space<vmem_shared>>) offsets(%dma_start3A_524 : memref<128xi32, #tpu.memory_space<vmem>>) semaphore(%arg19 : memref<!tpu.dma_semaphore, #tpu.memory_space<semaphore_mem>>) {add = true}
        %dma_wait3A_527 = arith.constant 10 : i32
        %dma_wait3A_528 = arith.constant 0 : i32
        %dma_wait3A_529 = tpu.memref_slice %arg8[%dma_wait3A_527, %dma_wait3A_528] : memref<16x128xi32, #tpu.memory_space<vmem>> -> memref<1x128xi32, #tpu.memory_space<vmem>>
        %dma_wait3A_530 = tpu.memref_squeeze %dma_wait3A_529 : memref<1x128xi32, #tpu.memory_space<vmem>> -> memref<128xi32, #tpu.memory_space<vmem>>
        %dma_wait3A_531 = arith.constant 0 : i32
        %dma_wait3A_532 = arith.constant 0 : i32
        %dma_wait3A_533 = tpu.memref_slice %arg11[%dma_wait3A_531, %dma_wait3A_532] : memref<10112x128xf32, #tpu.memory_space<vmem_shared>> -> memref<10112x128xf32, #tpu.memory_space<vmem_shared>>
        tpu.wait_indirect_dma semaphore(%arg14 : memref<!tpu.dma_semaphore, #tpu.memory_space<semaphore_mem>>) src(%arg9 : memref<128x128xf32, #tpu.memory_space<vmem>>) dst(%dma_wait3A_533 : memref<10112x128xf32, #tpu.memory_space<vmem_shared>>)
        %dma_start3A_534 = arith.constant 12 : i32
        %dma_start3A_535 = arith.constant 0 : i32
        %dma_start3A_536 = tpu.memref_slice %arg7[%dma_start3A_534, %dma_start3A_535] : memref<16x128xi32, #tpu.memory_space<vmem>> -> memref<1x128xi32, #tpu.memory_space<vmem>>
        %dma_start3A_537 = tpu.memref_squeeze %dma_start3A_536 : memref<1x128xi32, #tpu.memory_space<vmem>> -> memref<128xi32, #tpu.memory_space<vmem>>
        %dma_start3A_538 = arith.constant 0 : i32
        %dma_start3A_539 = arith.constant 0 : i32
        %dma_start3A_540 = tpu.memref_slice %arg2[%dma_start3A_538, %dma_start3A_539] : memref<10000x128xf32, #tpu.memory_space<hbm>> -> memref<10000x128xf32, #tpu.memory_space<hbm>>
        tpu.enqueue_indirect_dma source(%dma_start3A_540 : memref<10000x128xf32, #tpu.memory_space<hbm>>) target(%arg9 : memref<128x128xf32, #tpu.memory_space<vmem>>) offsets(%dma_start3A_537 : memref<128xi32, #tpu.memory_space<vmem>>) semaphore(%arg12 : memref<!tpu.dma_semaphore, #tpu.memory_space<semaphore_mem>>)
        %dma_wait3A_541 = arith.constant 11 : i32
        %dma_wait3A_542 = arith.constant 0 : i32
        %dma_wait3A_543 = tpu.memref_slice %arg7[%dma_wait3A_541, %dma_wait3A_542] : memref<16x128xi32, #tpu.memory_space<vmem>> -> memref<1x128xi32, #tpu.memory_space<vmem>>
        %dma_wait3A_544 = tpu.memref_squeeze %dma_wait3A_543 : memref<1x128xi32, #tpu.memory_space<vmem>> -> memref<128xi32, #tpu.memory_space<vmem>>
        %dma_wait3A_545 = arith.constant 0 : i32
        %dma_wait3A_546 = arith.constant 0 : i32
        %dma_wait3A_547 = tpu.memref_slice %arg2[%dma_wait3A_545, %dma_wait3A_546] : memref<10000x128xf32, #tpu.memory_space<hbm>> -> memref<10000x128xf32, #tpu.memory_space<hbm>>
        tpu.wait_indirect_dma semaphore(%arg13 : memref<!tpu.dma_semaphore, #tpu.memory_space<semaphore_mem>>) src(%dma_wait3A_547 : memref<10000x128xf32, #tpu.memory_space<hbm>>) dst(%arg10 : memref<128x128xf32, #tpu.memory_space<vmem>>)
        %dma_start3A_548 = arith.constant 11 : i32
        %dma_start3A_549 = arith.constant 0 : i32
        %dma_start3A_550 = tpu.memref_slice %arg8[%dma_start3A_548, %dma_start3A_549] : memref<16x128xi32, #tpu.memory_space<vmem>> -> memref<1x128xi32, #tpu.memory_space<vmem>>
        %dma_start3A_551 = tpu.memref_squeeze %dma_start3A_550 : memref<1x128xi32, #tpu.memory_space<vmem>> -> memref<128xi32, #tpu.memory_space<vmem>>
        %dma_start3A_552 = arith.constant 0 : i32
        %dma_start3A_553 = arith.constant 0 : i32
        %dma_start3A_554 = tpu.memref_slice %arg11[%dma_start3A_552, %dma_start3A_553] : memref<10112x128xf32, #tpu.memory_space<vmem_shared>> -> memref<10112x128xf32, #tpu.memory_space<vmem_shared>>
        tpu.enqueue_indirect_dma source(%arg10 : memref<128x128xf32, #tpu.memory_space<vmem>>) target(%dma_start3A_554 : memref<10112x128xf32, #tpu.memory_space<vmem_shared>>) offsets(%dma_start3A_551 : memref<128xi32, #tpu.memory_space<vmem>>) semaphore(%arg15 : memref<!tpu.dma_semaphore, #tpu.memory_space<semaphore_mem>>) {add = true}
        %dma_start3A_555 = arith.constant 11 : i32
        %dma_start3A_556 = arith.constant 0 : i32
        %dma_start3A_557 = tpu.memref_slice %arg8[%dma_start3A_555, %dma_start3A_556] : memref<16x128xi32, #tpu.memory_space<vmem>> -> memref<1x128xi32, #tpu.memory_space<vmem>>
        %dma_start3A_558 = tpu.memref_squeeze %dma_start3A_557 : memref<1x128xi32, #tpu.memory_space<vmem>> -> memref<128xi32, #tpu.memory_space<vmem>>
        %dma_start3A_559 = arith.constant 0 : i32
        %dma_start3A_560 = tpu.memref_slice %arg18[%dma_start3A_559] : memref<10112xf32, #tpu.memory_space<vmem_shared>> -> memref<10112xf32, #tpu.memory_space<vmem_shared>>
        tpu.enqueue_indirect_dma source(%arg16 : memref<128xf32, #tpu.memory_space<vmem>>) target(%dma_start3A_560 : memref<10112xf32, #tpu.memory_space<vmem_shared>>) offsets(%dma_start3A_558 : memref<128xi32, #tpu.memory_space<vmem>>) semaphore(%arg19 : memref<!tpu.dma_semaphore, #tpu.memory_space<semaphore_mem>>) {add = true}
        %dma_wait3A_561 = arith.constant 11 : i32
        %dma_wait3A_562 = arith.constant 0 : i32
        %dma_wait3A_563 = tpu.memref_slice %arg8[%dma_wait3A_561, %dma_wait3A_562] : memref<16x128xi32, #tpu.memory_space<vmem>> -> memref<1x128xi32, #tpu.memory_space<vmem>>
        %dma_wait3A_564 = tpu.memref_squeeze %dma_wait3A_563 : memref<1x128xi32, #tpu.memory_space<vmem>> -> memref<128xi32, #tpu.memory_space<vmem>>
        %dma_wait3A_565 = arith.constant 0 : i32
        %dma_wait3A_566 = arith.constant 0 : i32
        %dma_wait3A_567 = tpu.memref_slice %arg11[%dma_wait3A_565, %dma_wait3A_566] : memref<10112x128xf32, #tpu.memory_space<vmem_shared>> -> memref<10112x128xf32, #tpu.memory_space<vmem_shared>>
        tpu.wait_indirect_dma semaphore(%arg15 : memref<!tpu.dma_semaphore, #tpu.memory_space<semaphore_mem>>) src(%arg10 : memref<128x128xf32, #tpu.memory_space<vmem>>) dst(%dma_wait3A_567 : memref<10112x128xf32, #tpu.memory_space<vmem_shared>>)
        %dma_start3A_568 = arith.constant 13 : i32
        %dma_start3A_569 = arith.constant 0 : i32
        %dma_start3A_570 = tpu.memref_slice %arg7[%dma_start3A_568, %dma_start3A_569] : memref<16x128xi32, #tpu.memory_space<vmem>> -> memref<1x128xi32, #tpu.memory_space<vmem>>
        %dma_start3A_571 = tpu.memref_squeeze %dma_start3A_570 : memref<1x128xi32, #tpu.memory_space<vmem>> -> memref<128xi32, #tpu.memory_space<vmem>>
        %dma_start3A_572 = arith.constant 0 : i32
        %dma_start3A_573 = arith.constant 0 : i32
        %dma_start3A_574 = tpu.memref_slice %arg2[%dma_start3A_572, %dma_start3A_573] : memref<10000x128xf32, #tpu.memory_space<hbm>> -> memref<10000x128xf32, #tpu.memory_space<hbm>>
        tpu.enqueue_indirect_dma source(%dma_start3A_574 : memref<10000x128xf32, #tpu.memory_space<hbm>>) target(%arg10 : memref<128x128xf32, #tpu.memory_space<vmem>>) offsets(%dma_start3A_571 : memref<128xi32, #tpu.memory_space<vmem>>) semaphore(%arg13 : memref<!tpu.dma_semaphore, #tpu.memory_space<semaphore_mem>>)
        %dma_wait3A_575 = arith.constant 12 : i32
        %dma_wait3A_576 = arith.constant 0 : i32
        %dma_wait3A_577 = tpu.memref_slice %arg7[%dma_wait3A_575, %dma_wait3A_576] : memref<16x128xi32, #tpu.memory_space<vmem>> -> memref<1x128xi32, #tpu.memory_space<vmem>>
        %dma_wait3A_578 = tpu.memref_squeeze %dma_wait3A_577 : memref<1x128xi32, #tpu.memory_space<vmem>> -> memref<128xi32, #tpu.memory_space<vmem>>
        %dma_wait3A_579 = arith.constant 0 : i32
        %dma_wait3A_580 = arith.constant 0 : i32
        %dma_wait3A_581 = tpu.memref_slice %arg2[%dma_wait3A_579, %dma_wait3A_580] : memref<10000x128xf32, #tpu.memory_space<hbm>> -> memref<10000x128xf32, #tpu.memory_space<hbm>>
        tpu.wait_indirect_dma semaphore(%arg12 : memref<!tpu.dma_semaphore, #tpu.memory_space<semaphore_mem>>) src(%dma_wait3A_581 : memref<10000x128xf32, #tpu.memory_space<hbm>>) dst(%arg9 : memref<128x128xf32, #tpu.memory_space<vmem>>)
        %dma_start3A_582 = arith.constant 12 : i32
        %dma_start3A_583 = arith.constant 0 : i32
        %dma_start3A_584 = tpu.memref_slice %arg8[%dma_start3A_582, %dma_start3A_583] : memref<16x128xi32, #tpu.memory_space<vmem>> -> memref<1x128xi32, #tpu.memory_space<vmem>>
        %dma_start3A_585 = tpu.memref_squeeze %dma_start3A_584 : memref<1x128xi32, #tpu.memory_space<vmem>> -> memref<128xi32, #tpu.memory_space<vmem>>
        %dma_start3A_586 = arith.constant 0 : i32
        %dma_start3A_587 = arith.constant 0 : i32
        %dma_start3A_588 = tpu.memref_slice %arg11[%dma_start3A_586, %dma_start3A_587] : memref<10112x128xf32, #tpu.memory_space<vmem_shared>> -> memref<10112x128xf32, #tpu.memory_space<vmem_shared>>
        tpu.enqueue_indirect_dma source(%arg9 : memref<128x128xf32, #tpu.memory_space<vmem>>) target(%dma_start3A_588 : memref<10112x128xf32, #tpu.memory_space<vmem_shared>>) offsets(%dma_start3A_585 : memref<128xi32, #tpu.memory_space<vmem>>) semaphore(%arg14 : memref<!tpu.dma_semaphore, #tpu.memory_space<semaphore_mem>>) {add = true}
        %dma_start3A_589 = arith.constant 12 : i32
        %dma_start3A_590 = arith.constant 0 : i32
        %dma_start3A_591 = tpu.memref_slice %arg8[%dma_start3A_589, %dma_start3A_590] : memref<16x128xi32, #tpu.memory_space<vmem>> -> memref<1x128xi32, #tpu.memory_space<vmem>>
        %dma_start3A_592 = tpu.memref_squeeze %dma_start3A_591 : memref<1x128xi32, #tpu.memory_space<vmem>> -> memref<128xi32, #tpu.memory_space<vmem>>
        %dma_start3A_593 = arith.constant 0 : i32
        %dma_start3A_594 = tpu.memref_slice %arg18[%dma_start3A_593] : memref<10112xf32, #tpu.memory_space<vmem_shared>> -> memref<10112xf32, #tpu.memory_space<vmem_shared>>
        tpu.enqueue_indirect_dma source(%arg16 : memref<128xf32, #tpu.memory_space<vmem>>) target(%dma_start3A_594 : memref<10112xf32, #tpu.memory_space<vmem_shared>>) offsets(%dma_start3A_592 : memref<128xi32, #tpu.memory_space<vmem>>) semaphore(%arg19 : memref<!tpu.dma_semaphore, #tpu.memory_space<semaphore_mem>>) {add = true}
        %dma_wait3A_595 = arith.constant 12 : i32
        %dma_wait3A_596 = arith.constant 0 : i32
        %dma_wait3A_597 = tpu.memref_slice %arg8[%dma_wait3A_595, %dma_wait3A_596] : memref<16x128xi32, #tpu.memory_space<vmem>> -> memref<1x128xi32, #tpu.memory_space<vmem>>
        %dma_wait3A_598 = tpu.memref_squeeze %dma_wait3A_597 : memref<1x128xi32, #tpu.memory_space<vmem>> -> memref<128xi32, #tpu.memory_space<vmem>>
        %dma_wait3A_599 = arith.constant 0 : i32
        %dma_wait3A_600 = arith.constant 0 : i32
        %dma_wait3A_601 = tpu.memref_slice %arg11[%dma_wait3A_599, %dma_wait3A_600] : memref<10112x128xf32, #tpu.memory_space<vmem_shared>> -> memref<10112x128xf32, #tpu.memory_space<vmem_shared>>
        tpu.wait_indirect_dma semaphore(%arg14 : memref<!tpu.dma_semaphore, #tpu.memory_space<semaphore_mem>>) src(%arg9 : memref<128x128xf32, #tpu.memory_space<vmem>>) dst(%dma_wait3A_601 : memref<10112x128xf32, #tpu.memory_space<vmem_shared>>)
        %dma_start3A_602 = arith.constant 14 : i32
        %dma_start3A_603 = arith.constant 0 : i32
        %dma_start3A_604 = tpu.memref_slice %arg7[%dma_start3A_602, %dma_start3A_603] : memref<16x128xi32, #tpu.memory_space<vmem>> -> memref<1x128xi32, #tpu.memory_space<vmem>>
        %dma_start3A_605 = tpu.memref_squeeze %dma_start3A_604 : memref<1x128xi32, #tpu.memory_space<vmem>> -> memref<128xi32, #tpu.memory_space<vmem>>
        %dma_start3A_606 = arith.constant 0 : i32
        %dma_start3A_607 = arith.constant 0 : i32
        %dma_start3A_608 = tpu.memref_slice %arg2[%dma_start3A_606, %dma_start3A_607] : memref<10000x128xf32, #tpu.memory_space<hbm>> -> memref<10000x128xf32, #tpu.memory_space<hbm>>
        tpu.enqueue_indirect_dma source(%dma_start3A_608 : memref<10000x128xf32, #tpu.memory_space<hbm>>) target(%arg9 : memref<128x128xf32, #tpu.memory_space<vmem>>) offsets(%dma_start3A_605 : memref<128xi32, #tpu.memory_space<vmem>>) semaphore(%arg12 : memref<!tpu.dma_semaphore, #tpu.memory_space<semaphore_mem>>)
        %dma_wait3A_609 = arith.constant 13 : i32
        %dma_wait3A_610 = arith.constant 0 : i32
        %dma_wait3A_611 = tpu.memref_slice %arg7[%dma_wait3A_609, %dma_wait3A_610] : memref<16x128xi32, #tpu.memory_space<vmem>> -> memref<1x128xi32, #tpu.memory_space<vmem>>
        %dma_wait3A_612 = tpu.memref_squeeze %dma_wait3A_611 : memref<1x128xi32, #tpu.memory_space<vmem>> -> memref<128xi32, #tpu.memory_space<vmem>>
        %dma_wait3A_613 = arith.constant 0 : i32
        %dma_wait3A_614 = arith.constant 0 : i32
        %dma_wait3A_615 = tpu.memref_slice %arg2[%dma_wait3A_613, %dma_wait3A_614] : memref<10000x128xf32, #tpu.memory_space<hbm>> -> memref<10000x128xf32, #tpu.memory_space<hbm>>
        tpu.wait_indirect_dma semaphore(%arg13 : memref<!tpu.dma_semaphore, #tpu.memory_space<semaphore_mem>>) src(%dma_wait3A_615 : memref<10000x128xf32, #tpu.memory_space<hbm>>) dst(%arg10 : memref<128x128xf32, #tpu.memory_space<vmem>>)
        %dma_start3A_616 = arith.constant 13 : i32
        %dma_start3A_617 = arith.constant 0 : i32
        %dma_start3A_618 = tpu.memref_slice %arg8[%dma_start3A_616, %dma_start3A_617] : memref<16x128xi32, #tpu.memory_space<vmem>> -> memref<1x128xi32, #tpu.memory_space<vmem>>
        %dma_start3A_619 = tpu.memref_squeeze %dma_start3A_618 : memref<1x128xi32, #tpu.memory_space<vmem>> -> memref<128xi32, #tpu.memory_space<vmem>>
        %dma_start3A_620 = arith.constant 0 : i32
        %dma_start3A_621 = arith.constant 0 : i32
        %dma_start3A_622 = tpu.memref_slice %arg11[%dma_start3A_620, %dma_start3A_621] : memref<10112x128xf32, #tpu.memory_space<vmem_shared>> -> memref<10112x128xf32, #tpu.memory_space<vmem_shared>>
        tpu.enqueue_indirect_dma source(%arg10 : memref<128x128xf32, #tpu.memory_space<vmem>>) target(%dma_start3A_622 : memref<10112x128xf32, #tpu.memory_space<vmem_shared>>) offsets(%dma_start3A_619 : memref<128xi32, #tpu.memory_space<vmem>>) semaphore(%arg15 : memref<!tpu.dma_semaphore, #tpu.memory_space<semaphore_mem>>) {add = true}
        %dma_start3A_623 = arith.constant 13 : i32
        %dma_start3A_624 = arith.constant 0 : i32
        %dma_start3A_625 = tpu.memref_slice %arg8[%dma_start3A_623, %dma_start3A_624] : memref<16x128xi32, #tpu.memory_space<vmem>> -> memref<1x128xi32, #tpu.memory_space<vmem>>
        %dma_start3A_626 = tpu.memref_squeeze %dma_start3A_625 : memref<1x128xi32, #tpu.memory_space<vmem>> -> memref<128xi32, #tpu.memory_space<vmem>>
        %dma_start3A_627 = arith.constant 0 : i32
        %dma_start3A_628 = tpu.memref_slice %arg18[%dma_start3A_627] : memref<10112xf32, #tpu.memory_space<vmem_shared>> -> memref<10112xf32, #tpu.memory_space<vmem_shared>>
        tpu.enqueue_indirect_dma source(%arg16 : memref<128xf32, #tpu.memory_space<vmem>>) target(%dma_start3A_628 : memref<10112xf32, #tpu.memory_space<vmem_shared>>) offsets(%dma_start3A_626 : memref<128xi32, #tpu.memory_space<vmem>>) semaphore(%arg19 : memref<!tpu.dma_semaphore, #tpu.memory_space<semaphore_mem>>) {add = true}
        %dma_wait3A_629 = arith.constant 13 : i32
        %dma_wait3A_630 = arith.constant 0 : i32
        %dma_wait3A_631 = tpu.memref_slice %arg8[%dma_wait3A_629, %dma_wait3A_630] : memref<16x128xi32, #tpu.memory_space<vmem>> -> memref<1x128xi32, #tpu.memory_space<vmem>>
        %dma_wait3A_632 = tpu.memref_squeeze %dma_wait3A_631 : memref<1x128xi32, #tpu.memory_space<vmem>> -> memref<128xi32, #tpu.memory_space<vmem>>
        %dma_wait3A_633 = arith.constant 0 : i32
        %dma_wait3A_634 = arith.constant 0 : i32
        %dma_wait3A_635 = tpu.memref_slice %arg11[%dma_wait3A_633, %dma_wait3A_634] : memref<10112x128xf32, #tpu.memory_space<vmem_shared>> -> memref<10112x128xf32, #tpu.memory_space<vmem_shared>>
        tpu.wait_indirect_dma semaphore(%arg15 : memref<!tpu.dma_semaphore, #tpu.memory_space<semaphore_mem>>) src(%arg10 : memref<128x128xf32, #tpu.memory_space<vmem>>) dst(%dma_wait3A_635 : memref<10112x128xf32, #tpu.memory_space<vmem_shared>>)
        %dma_start3A_636 = arith.constant 15 : i32
        %dma_start3A_637 = arith.constant 0 : i32
        %dma_start3A_638 = tpu.memref_slice %arg7[%dma_start3A_636, %dma_start3A_637] : memref<16x128xi32, #tpu.memory_space<vmem>> -> memref<1x128xi32, #tpu.memory_space<vmem>>
        %dma_start3A_639 = tpu.memref_squeeze %dma_start3A_638 : memref<1x128xi32, #tpu.memory_space<vmem>> -> memref<128xi32, #tpu.memory_space<vmem>>
        %dma_start3A_640 = arith.constant 0 : i32
        %dma_start3A_641 = arith.constant 0 : i32
        %dma_start3A_642 = tpu.memref_slice %arg2[%dma_start3A_640, %dma_start3A_641] : memref<10000x128xf32, #tpu.memory_space<hbm>> -> memref<10000x128xf32, #tpu.memory_space<hbm>>
        tpu.enqueue_indirect_dma source(%dma_start3A_642 : memref<10000x128xf32, #tpu.memory_space<hbm>>) target(%arg10 : memref<128x128xf32, #tpu.memory_space<vmem>>) offsets(%dma_start3A_639 : memref<128xi32, #tpu.memory_space<vmem>>) semaphore(%arg13 : memref<!tpu.dma_semaphore, #tpu.memory_space<semaphore_mem>>)
        %dma_wait3A_643 = arith.constant 14 : i32
        %dma_wait3A_644 = arith.constant 0 : i32
        %dma_wait3A_645 = tpu.memref_slice %arg7[%dma_wait3A_643, %dma_wait3A_644] : memref<16x128xi32, #tpu.memory_space<vmem>> -> memref<1x128xi32, #tpu.memory_space<vmem>>
        %dma_wait3A_646 = tpu.memref_squeeze %dma_wait3A_645 : memref<1x128xi32, #tpu.memory_space<vmem>> -> memref<128xi32, #tpu.memory_space<vmem>>
        %dma_wait3A_647 = arith.constant 0 : i32
        %dma_wait3A_648 = arith.constant 0 : i32
        %dma_wait3A_649 = tpu.memref_slice %arg2[%dma_wait3A_647, %dma_wait3A_648] : memref<10000x128xf32, #tpu.memory_space<hbm>> -> memref<10000x128xf32, #tpu.memory_space<hbm>>
        tpu.wait_indirect_dma semaphore(%arg12 : memref<!tpu.dma_semaphore, #tpu.memory_space<semaphore_mem>>) src(%dma_wait3A_649 : memref<10000x128xf32, #tpu.memory_space<hbm>>) dst(%arg9 : memref<128x128xf32, #tpu.memory_space<vmem>>)
        %dma_start3A_650 = arith.constant 14 : i32
        %dma_start3A_651 = arith.constant 0 : i32
        %dma_start3A_652 = tpu.memref_slice %arg8[%dma_start3A_650, %dma_start3A_651] : memref<16x128xi32, #tpu.memory_space<vmem>> -> memref<1x128xi32, #tpu.memory_space<vmem>>
        %dma_start3A_653 = tpu.memref_squeeze %dma_start3A_652 : memref<1x128xi32, #tpu.memory_space<vmem>> -> memref<128xi32, #tpu.memory_space<vmem>>
        %dma_start3A_654 = arith.constant 0 : i32
        %dma_start3A_655 = arith.constant 0 : i32
        %dma_start3A_656 = tpu.memref_slice %arg11[%dma_start3A_654, %dma_start3A_655] : memref<10112x128xf32, #tpu.memory_space<vmem_shared>> -> memref<10112x128xf32, #tpu.memory_space<vmem_shared>>
        tpu.enqueue_indirect_dma source(%arg9 : memref<128x128xf32, #tpu.memory_space<vmem>>) target(%dma_start3A_656 : memref<10112x128xf32, #tpu.memory_space<vmem_shared>>) offsets(%dma_start3A_653 : memref<128xi32, #tpu.memory_space<vmem>>) semaphore(%arg14 : memref<!tpu.dma_semaphore, #tpu.memory_space<semaphore_mem>>) {add = true}
        %dma_start3A_657 = arith.constant 14 : i32
        %dma_start3A_658 = arith.constant 0 : i32
        %dma_start3A_659 = tpu.memref_slice %arg8[%dma_start3A_657, %dma_start3A_658] : memref<16x128xi32, #tpu.memory_space<vmem>> -> memref<1x128xi32, #tpu.memory_space<vmem>>
        %dma_start3A_660 = tpu.memref_squeeze %dma_start3A_659 : memref<1x128xi32, #tpu.memory_space<vmem>> -> memref<128xi32, #tpu.memory_space<vmem>>
        %dma_start3A_661 = arith.constant 0 : i32
        %dma_start3A_662 = tpu.memref_slice %arg18[%dma_start3A_661] : memref<10112xf32, #tpu.memory_space<vmem_shared>> -> memref<10112xf32, #tpu.memory_space<vmem_shared>>
        tpu.enqueue_indirect_dma source(%arg16 : memref<128xf32, #tpu.memory_space<vmem>>) target(%dma_start3A_662 : memref<10112xf32, #tpu.memory_space<vmem_shared>>) offsets(%dma_start3A_660 : memref<128xi32, #tpu.memory_space<vmem>>) semaphore(%arg19 : memref<!tpu.dma_semaphore, #tpu.memory_space<semaphore_mem>>) {add = true}
        %dma_wait3A_663 = arith.constant 15 : i32
        %dma_wait3A_664 = arith.constant 0 : i32
        %dma_wait3A_665 = tpu.memref_slice %arg7[%dma_wait3A_663, %dma_wait3A_664] : memref<16x128xi32, #tpu.memory_space<vmem>> -> memref<1x128xi32, #tpu.memory_space<vmem>>
        %dma_wait3A_666 = tpu.memref_squeeze %dma_wait3A_665 : memref<1x128xi32, #tpu.memory_space<vmem>> -> memref<128xi32, #tpu.memory_space<vmem>>
        %dma_wait3A_667 = arith.constant 0 : i32
        %dma_wait3A_668 = arith.constant 0 : i32
        %dma_wait3A_669 = tpu.memref_slice %arg2[%dma_wait3A_667, %dma_wait3A_668] : memref<10000x128xf32, #tpu.memory_space<hbm>> -> memref<10000x128xf32, #tpu.memory_space<hbm>>
        tpu.wait_indirect_dma semaphore(%arg13 : memref<!tpu.dma_semaphore, #tpu.memory_space<semaphore_mem>>) src(%dma_wait3A_669 : memref<10000x128xf32, #tpu.memory_space<hbm>>) dst(%arg10 : memref<128x128xf32, #tpu.memory_space<vmem>>)
        %dma_start3A_670 = arith.constant 15 : i32
        %dma_start3A_671 = arith.constant 0 : i32
        %dma_start3A_672 = tpu.memref_slice %arg8[%dma_start3A_670, %dma_start3A_671] : memref<16x128xi32, #tpu.memory_space<vmem>> -> memref<1x128xi32, #tpu.memory_space<vmem>>
        %dma_start3A_673 = tpu.memref_squeeze %dma_start3A_672 : memref<1x128xi32, #tpu.memory_space<vmem>> -> memref<128xi32, #tpu.memory_space<vmem>>
        %dma_start3A_674 = arith.constant 0 : i32
        %dma_start3A_675 = arith.constant 0 : i32
        %dma_start3A_676 = tpu.memref_slice %arg11[%dma_start3A_674, %dma_start3A_675] : memref<10112x128xf32, #tpu.memory_space<vmem_shared>> -> memref<10112x128xf32, #tpu.memory_space<vmem_shared>>
        tpu.enqueue_indirect_dma source(%arg10 : memref<128x128xf32, #tpu.memory_space<vmem>>) target(%dma_start3A_676 : memref<10112x128xf32, #tpu.memory_space<vmem_shared>>) offsets(%dma_start3A_673 : memref<128xi32, #tpu.memory_space<vmem>>) semaphore(%arg15 : memref<!tpu.dma_semaphore, #tpu.memory_space<semaphore_mem>>) {add = true}
        %dma_start3A_677 = arith.constant 15 : i32
        %dma_start3A_678 = arith.constant 0 : i32
        %dma_start3A_679 = tpu.memref_slice %arg8[%dma_start3A_677, %dma_start3A_678] : memref<16x128xi32, #tpu.memory_space<vmem>> -> memref<1x128xi32, #tpu.memory_space<vmem>>
        %dma_start3A_680 = tpu.memref_squeeze %dma_start3A_679 : memref<1x128xi32, #tpu.memory_space<vmem>> -> memref<128xi32, #tpu.memory_space<vmem>>
        %dma_start3A_681 = arith.constant 0 : i32
        %dma_start3A_682 = tpu.memref_slice %arg18[%dma_start3A_681] : memref<10112xf32, #tpu.memory_space<vmem_shared>> -> memref<10112xf32, #tpu.memory_space<vmem_shared>>
        tpu.enqueue_indirect_dma source(%arg16 : memref<128xf32, #tpu.memory_space<vmem>>) target(%dma_start3A_682 : memref<10112xf32, #tpu.memory_space<vmem_shared>>) offsets(%dma_start3A_680 : memref<128xi32, #tpu.memory_space<vmem>>) semaphore(%arg19 : memref<!tpu.dma_semaphore, #tpu.memory_space<semaphore_mem>>) {add = true}
        %dma_wait3A_683 = arith.constant 14 : i32
        %dma_wait3A_684 = arith.constant 0 : i32
        %dma_wait3A_685 = tpu.memref_slice %arg8[%dma_wait3A_683, %dma_wait3A_684] : memref<16x128xi32, #tpu.memory_space<vmem>> -> memref<1x128xi32, #tpu.memory_space<vmem>>
        %dma_wait3A_686 = tpu.memref_squeeze %dma_wait3A_685 : memref<1x128xi32, #tpu.memory_space<vmem>> -> memref<128xi32, #tpu.memory_space<vmem>>
        %dma_wait3A_687 = arith.constant 0 : i32
        %dma_wait3A_688 = arith.constant 0 : i32
        %dma_wait3A_689 = tpu.memref_slice %arg11[%dma_wait3A_687, %dma_wait3A_688] : memref<10112x128xf32, #tpu.memory_space<vmem_shared>> -> memref<10112x128xf32, #tpu.memory_space<vmem_shared>>
        tpu.wait_indirect_dma semaphore(%arg14 : memref<!tpu.dma_semaphore, #tpu.memory_space<semaphore_mem>>) src(%arg9 : memref<128x128xf32, #tpu.memory_space<vmem>>) dst(%dma_wait3A_689 : memref<10112x128xf32, #tpu.memory_space<vmem_shared>>)
        %dma_wait3A_690 = arith.constant 15 : i32
        %dma_wait3A_691 = arith.constant 0 : i32
        %dma_wait3A_692 = tpu.memref_slice %arg8[%dma_wait3A_690, %dma_wait3A_691] : memref<16x128xi32, #tpu.memory_space<vmem>> -> memref<1x128xi32, #tpu.memory_space<vmem>>
        %dma_wait3A_693 = tpu.memref_squeeze %dma_wait3A_692 : memref<1x128xi32, #tpu.memory_space<vmem>> -> memref<128xi32, #tpu.memory_space<vmem>>
        %dma_wait3A_694 = arith.constant 0 : i32
        %dma_wait3A_695 = arith.constant 0 : i32
        %dma_wait3A_696 = tpu.memref_slice %arg11[%dma_wait3A_694, %dma_wait3A_695] : memref<10112x128xf32, #tpu.memory_space<vmem_shared>> -> memref<10112x128xf32, #tpu.memory_space<vmem_shared>>
        tpu.wait_indirect_dma semaphore(%arg15 : memref<!tpu.dma_semaphore, #tpu.memory_space<semaphore_mem>>) src(%arg10 : memref<128x128xf32, #tpu.memory_space<vmem>>) dst(%dma_wait3A_696 : memref<10112x128xf32, #tpu.memory_space<vmem_shared>>)
        %dma_wait3A_697 = arith.constant 0 : i32
        %dma_wait3A_698 = arith.constant 0 : i32
        %dma_wait3A_699 = tpu.memref_slice %arg8[%dma_wait3A_697, %dma_wait3A_698] : memref<16x128xi32, #tpu.memory_space<vmem>> -> memref<1x128xi32, #tpu.memory_space<vmem>>
        %dma_wait3A_700 = tpu.memref_squeeze %dma_wait3A_699 : memref<1x128xi32, #tpu.memory_space<vmem>> -> memref<128xi32, #tpu.memory_space<vmem>>
        %dma_wait3A_701 = arith.constant 0 : i32
        %dma_wait3A_702 = tpu.memref_slice %arg18[%dma_wait3A_701] : memref<10112xf32, #tpu.memory_space<vmem_shared>> -> memref<10112xf32, #tpu.memory_space<vmem_shared>>
        tpu.wait_indirect_dma semaphore(%arg19 : memref<!tpu.dma_semaphore, #tpu.memory_space<semaphore_mem>>) src(%arg16 : memref<128xf32, #tpu.memory_space<vmem>>) dst(%dma_wait3A_702 : memref<10112xf32, #tpu.memory_space<vmem_shared>>)
        %dma_wait3A_703 = arith.constant 1 : i32
        %dma_wait3A_704 = arith.constant 0 : i32
        %dma_wait3A_705 = tpu.memref_slice %arg8[%dma_wait3A_703, %dma_wait3A_704] : memref<16x128xi32, #tpu.memory_space<vmem>> -> memref<1x128xi32, #tpu.memory_space<vmem>>
        %dma_wait3A_706 = tpu.memref_squeeze %dma_wait3A_705 : memref<1x128xi32, #tpu.memory_space<vmem>> -> memref<128xi32, #tpu.memory_space<vmem>>
        %dma_wait3A_707 = arith.constant 0 : i32
        %dma_wait3A_708 = tpu.memref_slice %arg18[%dma_wait3A_707] : memref<10112xf32, #tpu.memory_space<vmem_shared>> -> memref<10112xf32, #tpu.memory_space<vmem_shared>>
        tpu.wait_indirect_dma semaphore(%arg19 : memref<!tpu.dma_semaphore, #tpu.memory_space<semaphore_mem>>) src(%arg16 : memref<128xf32, #tpu.memory_space<vmem>>) dst(%dma_wait3A_708 : memref<10112xf32, #tpu.memory_space<vmem_shared>>)
        %dma_wait3A_709 = arith.constant 2 : i32
        %dma_wait3A_710 = arith.constant 0 : i32
        %dma_wait3A_711 = tpu.memref_slice %arg8[%dma_wait3A_709, %dma_wait3A_710] : memref<16x128xi32, #tpu.memory_space<vmem>> -> memref<1x128xi32, #tpu.memory_space<vmem>>
        %dma_wait3A_712 = tpu.memref_squeeze %dma_wait3A_711 : memref<1x128xi32, #tpu.memory_space<vmem>> -> memref<128xi32, #tpu.memory_space<vmem>>
        %dma_wait3A_713 = arith.constant 0 : i32
        %dma_wait3A_714 = tpu.memref_slice %arg18[%dma_wait3A_713] : memref<10112xf32, #tpu.memory_space<vmem_shared>> -> memref<10112xf32, #tpu.memory_space<vmem_shared>>
        tpu.wait_indirect_dma semaphore(%arg19 : memref<!tpu.dma_semaphore, #tpu.memory_space<semaphore_mem>>) src(%arg16 : memref<128xf32, #tpu.memory_space<vmem>>) dst(%dma_wait3A_714 : memref<10112xf32, #tpu.memory_space<vmem_shared>>)
        %dma_wait3A_715 = arith.constant 3 : i32
        %dma_wait3A_716 = arith.constant 0 : i32
        %dma_wait3A_717 = tpu.memref_slice %arg8[%dma_wait3A_715, %dma_wait3A_716] : memref<16x128xi32, #tpu.memory_space<vmem>> -> memref<1x128xi32, #tpu.memory_space<vmem>>
        %dma_wait3A_718 = tpu.memref_squeeze %dma_wait3A_717 : memref<1x128xi32, #tpu.memory_space<vmem>> -> memref<128xi32, #tpu.memory_space<vmem>>
        %dma_wait3A_719 = arith.constant 0 : i32
        %dma_wait3A_720 = tpu.memref_slice %arg18[%dma_wait3A_719] : memref<10112xf32, #tpu.memory_space<vmem_shared>> -> memref<10112xf32, #tpu.memory_space<vmem_shared>>
        tpu.wait_indirect_dma semaphore(%arg19 : memref<!tpu.dma_semaphore, #tpu.memory_space<semaphore_mem>>) src(%arg16 : memref<128xf32, #tpu.memory_space<vmem>>) dst(%dma_wait3A_720 : memref<10112xf32, #tpu.memory_space<vmem_shared>>)
        %dma_wait3A_721 = arith.constant 4 : i32
        %dma_wait3A_722 = arith.constant 0 : i32
        %dma_wait3A_723 = tpu.memref_slice %arg8[%dma_wait3A_721, %dma_wait3A_722] : memref<16x128xi32, #tpu.memory_space<vmem>> -> memref<1x128xi32, #tpu.memory_space<vmem>>
        %dma_wait3A_724 = tpu.memref_squeeze %dma_wait3A_723 : memref<1x128xi32, #tpu.memory_space<vmem>> -> memref<128xi32, #tpu.memory_space<vmem>>
        %dma_wait3A_725 = arith.constant 0 : i32
        %dma_wait3A_726 = tpu.memref_slice %arg18[%dma_wait3A_725] : memref<10112xf32, #tpu.memory_space<vmem_shared>> -> memref<10112xf32, #tpu.memory_space<vmem_shared>>
        tpu.wait_indirect_dma semaphore(%arg19 : memref<!tpu.dma_semaphore, #tpu.memory_space<semaphore_mem>>) src(%arg16 : memref<128xf32, #tpu.memory_space<vmem>>) dst(%dma_wait3A_726 : memref<10112xf32, #tpu.memory_space<vmem_shared>>)
        %dma_wait3A_727 = arith.constant 5 : i32
        %dma_wait3A_728 = arith.constant 0 : i32
        %dma_wait3A_729 = tpu.memref_slice %arg8[%dma_wait3A_727, %dma_wait3A_728] : memref<16x128xi32, #tpu.memory_space<vmem>> -> memref<1x128xi32, #tpu.memory_space<vmem>>
        %dma_wait3A_730 = tpu.memref_squeeze %dma_wait3A_729 : memref<1x128xi32, #tpu.memory_space<vmem>> -> memref<128xi32, #tpu.memory_space<vmem>>
        %dma_wait3A_731 = arith.constant 0 : i32
        %dma_wait3A_732 = tpu.memref_slice %arg18[%dma_wait3A_731] : memref<10112xf32, #tpu.memory_space<vmem_shared>> -> memref<10112xf32, #tpu.memory_space<vmem_shared>>
        tpu.wait_indirect_dma semaphore(%arg19 : memref<!tpu.dma_semaphore, #tpu.memory_space<semaphore_mem>>) src(%arg16 : memref<128xf32, #tpu.memory_space<vmem>>) dst(%dma_wait3A_732 : memref<10112xf32, #tpu.memory_space<vmem_shared>>)
        %dma_wait3A_733 = arith.constant 6 : i32
        %dma_wait3A_734 = arith.constant 0 : i32
        %dma_wait3A_735 = tpu.memref_slice %arg8[%dma_wait3A_733, %dma_wait3A_734] : memref<16x128xi32, #tpu.memory_space<vmem>> -> memref<1x128xi32, #tpu.memory_space<vmem>>
        %dma_wait3A_736 = tpu.memref_squeeze %dma_wait3A_735 : memref<1x128xi32, #tpu.memory_space<vmem>> -> memref<128xi32, #tpu.memory_space<vmem>>
        %dma_wait3A_737 = arith.constant 0 : i32
        %dma_wait3A_738 = tpu.memref_slice %arg18[%dma_wait3A_737] : memref<10112xf32, #tpu.memory_space<vmem_shared>> -> memref<10112xf32, #tpu.memory_space<vmem_shared>>
        tpu.wait_indirect_dma semaphore(%arg19 : memref<!tpu.dma_semaphore, #tpu.memory_space<semaphore_mem>>) src(%arg16 : memref<128xf32, #tpu.memory_space<vmem>>) dst(%dma_wait3A_738 : memref<10112xf32, #tpu.memory_space<vmem_shared>>)
        %dma_wait3A_739 = arith.constant 7 : i32
        %dma_wait3A_740 = arith.constant 0 : i32
        %dma_wait3A_741 = tpu.memref_slice %arg8[%dma_wait3A_739, %dma_wait3A_740] : memref<16x128xi32, #tpu.memory_space<vmem>> -> memref<1x128xi32, #tpu.memory_space<vmem>>
        %dma_wait3A_742 = tpu.memref_squeeze %dma_wait3A_741 : memref<1x128xi32, #tpu.memory_space<vmem>> -> memref<128xi32, #tpu.memory_space<vmem>>
        %dma_wait3A_743 = arith.constant 0 : i32
        %dma_wait3A_744 = tpu.memref_slice %arg18[%dma_wait3A_743] : memref<10112xf32, #tpu.memory_space<vmem_shared>> -> memref<10112xf32, #tpu.memory_space<vmem_shared>>
        tpu.wait_indirect_dma semaphore(%arg19 : memref<!tpu.dma_semaphore, #tpu.memory_space<semaphore_mem>>) src(%arg16 : memref<128xf32, #tpu.memory_space<vmem>>) dst(%dma_wait3A_744 : memref<10112xf32, #tpu.memory_space<vmem_shared>>)
        %dma_wait3A_745 = arith.constant 8 : i32
        %dma_wait3A_746 = arith.constant 0 : i32
        %dma_wait3A_747 = tpu.memref_slice %arg8[%dma_wait3A_745, %dma_wait3A_746] : memref<16x128xi32, #tpu.memory_space<vmem>> -> memref<1x128xi32, #tpu.memory_space<vmem>>
        %dma_wait3A_748 = tpu.memref_squeeze %dma_wait3A_747 : memref<1x128xi32, #tpu.memory_space<vmem>> -> memref<128xi32, #tpu.memory_space<vmem>>
        %dma_wait3A_749 = arith.constant 0 : i32
        %dma_wait3A_750 = tpu.memref_slice %arg18[%dma_wait3A_749] : memref<10112xf32, #tpu.memory_space<vmem_shared>> -> memref<10112xf32, #tpu.memory_space<vmem_shared>>
        tpu.wait_indirect_dma semaphore(%arg19 : memref<!tpu.dma_semaphore, #tpu.memory_space<semaphore_mem>>) src(%arg16 : memref<128xf32, #tpu.memory_space<vmem>>) dst(%dma_wait3A_750 : memref<10112xf32, #tpu.memory_space<vmem_shared>>)
        %dma_wait3A_751 = arith.constant 9 : i32
        %dma_wait3A_752 = arith.constant 0 : i32
        %dma_wait3A_753 = tpu.memref_slice %arg8[%dma_wait3A_751, %dma_wait3A_752] : memref<16x128xi32, #tpu.memory_space<vmem>> -> memref<1x128xi32, #tpu.memory_space<vmem>>
        %dma_wait3A_754 = tpu.memref_squeeze %dma_wait3A_753 : memref<1x128xi32, #tpu.memory_space<vmem>> -> memref<128xi32, #tpu.memory_space<vmem>>
        %dma_wait3A_755 = arith.constant 0 : i32
        %dma_wait3A_756 = tpu.memref_slice %arg18[%dma_wait3A_755] : memref<10112xf32, #tpu.memory_space<vmem_shared>> -> memref<10112xf32, #tpu.memory_space<vmem_shared>>
        tpu.wait_indirect_dma semaphore(%arg19 : memref<!tpu.dma_semaphore, #tpu.memory_space<semaphore_mem>>) src(%arg16 : memref<128xf32, #tpu.memory_space<vmem>>) dst(%dma_wait3A_756 : memref<10112xf32, #tpu.memory_space<vmem_shared>>)
        %dma_wait3A_757 = arith.constant 10 : i32
        %dma_wait3A_758 = arith.constant 0 : i32
        %dma_wait3A_759 = tpu.memref_slice %arg8[%dma_wait3A_757, %dma_wait3A_758] : memref<16x128xi32, #tpu.memory_space<vmem>> -> memref<1x128xi32, #tpu.memory_space<vmem>>
        %dma_wait3A_760 = tpu.memref_squeeze %dma_wait3A_759 : memref<1x128xi32, #tpu.memory_space<vmem>> -> memref<128xi32, #tpu.memory_space<vmem>>
        %dma_wait3A_761 = arith.constant 0 : i32
        %dma_wait3A_762 = tpu.memref_slice %arg18[%dma_wait3A_761] : memref<10112xf32, #tpu.memory_space<vmem_shared>> -> memref<10112xf32, #tpu.memory_space<vmem_shared>>
        tpu.wait_indirect_dma semaphore(%arg19 : memref<!tpu.dma_semaphore, #tpu.memory_space<semaphore_mem>>) src(%arg16 : memref<128xf32, #tpu.memory_space<vmem>>) dst(%dma_wait3A_762 : memref<10112xf32, #tpu.memory_space<vmem_shared>>)
        %dma_wait3A_763 = arith.constant 11 : i32
        %dma_wait3A_764 = arith.constant 0 : i32
        %dma_wait3A_765 = tpu.memref_slice %arg8[%dma_wait3A_763, %dma_wait3A_764] : memref<16x128xi32, #tpu.memory_space<vmem>> -> memref<1x128xi32, #tpu.memory_space<vmem>>
        %dma_wait3A_766 = tpu.memref_squeeze %dma_wait3A_765 : memref<1x128xi32, #tpu.memory_space<vmem>> -> memref<128xi32, #tpu.memory_space<vmem>>
        %dma_wait3A_767 = arith.constant 0 : i32
        %dma_wait3A_768 = tpu.memref_slice %arg18[%dma_wait3A_767] : memref<10112xf32, #tpu.memory_space<vmem_shared>> -> memref<10112xf32, #tpu.memory_space<vmem_shared>>
        tpu.wait_indirect_dma semaphore(%arg19 : memref<!tpu.dma_semaphore, #tpu.memory_space<semaphore_mem>>) src(%arg16 : memref<128xf32, #tpu.memory_space<vmem>>) dst(%dma_wait3A_768 : memref<10112xf32, #tpu.memory_space<vmem_shared>>)
        %dma_wait3A_769 = arith.constant 12 : i32
        %dma_wait3A_770 = arith.constant 0 : i32
        %dma_wait3A_771 = tpu.memref_slice %arg8[%dma_wait3A_769, %dma_wait3A_770] : memref<16x128xi32, #tpu.memory_space<vmem>> -> memref<1x128xi32, #tpu.memory_space<vmem>>
        %dma_wait3A_772 = tpu.memref_squeeze %dma_wait3A_771 : memref<1x128xi32, #tpu.memory_space<vmem>> -> memref<128xi32, #tpu.memory_space<vmem>>
        %dma_wait3A_773 = arith.constant 0 : i32
        %dma_wait3A_774 = tpu.memref_slice %arg18[%dma_wait3A_773] : memref<10112xf32, #tpu.memory_space<vmem_shared>> -> memref<10112xf32, #tpu.memory_space<vmem_shared>>
        tpu.wait_indirect_dma semaphore(%arg19 : memref<!tpu.dma_semaphore, #tpu.memory_space<semaphore_mem>>) src(%arg16 : memref<128xf32, #tpu.memory_space<vmem>>) dst(%dma_wait3A_774 : memref<10112xf32, #tpu.memory_space<vmem_shared>>)
        %dma_wait3A_775 = arith.constant 13 : i32
        %dma_wait3A_776 = arith.constant 0 : i32
        %dma_wait3A_777 = tpu.memref_slice %arg8[%dma_wait3A_775, %dma_wait3A_776] : memref<16x128xi32, #tpu.memory_space<vmem>> -> memref<1x128xi32, #tpu.memory_space<vmem>>
        %dma_wait3A_778 = tpu.memref_squeeze %dma_wait3A_777 : memref<1x128xi32, #tpu.memory_space<vmem>> -> memref<128xi32, #tpu.memory_space<vmem>>
        %dma_wait3A_779 = arith.constant 0 : i32
        %dma_wait3A_780 = tpu.memref_slice %arg18[%dma_wait3A_779] : memref<10112xf32, #tpu.memory_space<vmem_shared>> -> memref<10112xf32, #tpu.memory_space<vmem_shared>>
        tpu.wait_indirect_dma semaphore(%arg19 : memref<!tpu.dma_semaphore, #tpu.memory_space<semaphore_mem>>) src(%arg16 : memref<128xf32, #tpu.memory_space<vmem>>) dst(%dma_wait3A_780 : memref<10112xf32, #tpu.memory_space<vmem_shared>>)
        %dma_wait3A_781 = arith.constant 14 : i32
        %dma_wait3A_782 = arith.constant 0 : i32
        %dma_wait3A_783 = tpu.memref_slice %arg8[%dma_wait3A_781, %dma_wait3A_782] : memref<16x128xi32, #tpu.memory_space<vmem>> -> memref<1x128xi32, #tpu.memory_space<vmem>>
        %dma_wait3A_784 = tpu.memref_squeeze %dma_wait3A_783 : memref<1x128xi32, #tpu.memory_space<vmem>> -> memref<128xi32, #tpu.memory_space<vmem>>
        %dma_wait3A_785 = arith.constant 0 : i32
        %dma_wait3A_786 = tpu.memref_slice %arg18[%dma_wait3A_785] : memref<10112xf32, #tpu.memory_space<vmem_shared>> -> memref<10112xf32, #tpu.memory_space<vmem_shared>>
        tpu.wait_indirect_dma semaphore(%arg19 : memref<!tpu.dma_semaphore, #tpu.memory_space<semaphore_mem>>) src(%arg16 : memref<128xf32, #tpu.memory_space<vmem>>) dst(%dma_wait3A_786 : memref<10112xf32, #tpu.memory_space<vmem_shared>>)
        %dma_wait3A_787 = arith.constant 15 : i32
        %dma_wait3A_788 = arith.constant 0 : i32
        %dma_wait3A_789 = tpu.memref_slice %arg8[%dma_wait3A_787, %dma_wait3A_788] : memref<16x128xi32, #tpu.memory_space<vmem>> -> memref<1x128xi32, #tpu.memory_space<vmem>>
        %dma_wait3A_790 = tpu.memref_squeeze %dma_wait3A_789 : memref<1x128xi32, #tpu.memory_space<vmem>> -> memref<128xi32, #tpu.memory_space<vmem>>
        %dma_wait3A_791 = arith.constant 0 : i32
        %dma_wait3A_792 = tpu.memref_slice %arg18[%dma_wait3A_791] : memref<10112xf32, #tpu.memory_space<vmem_shared>> -> memref<10112xf32, #tpu.memory_space<vmem_shared>>
        tpu.wait_indirect_dma semaphore(%arg19 : memref<!tpu.dma_semaphore, #tpu.memory_space<semaphore_mem>>) src(%arg16 : memref<128xf32, #tpu.memory_space<vmem>>) dst(%dma_wait3A_792 : memref<10112xf32, #tpu.memory_space<vmem_shared>>)
      }
      %scan3A_145 = arith.constant 8 : i32
    } else {
    }
    %eq3A_120 = arith.constant 1 : i32
    %eq3A_121 = arith.cmpi eq, %arg0, %eq3A_120 : i32
    %convert_element_type3A_122 = arith.extui %eq3A_121 : i1 to i32
    %cond3A_123 = arith.constant 0 : i32
    %cond3A_124 = arith.cmpi ne, %convert_element_type3A_122, %cond3A_123 : i32
    scf.if %cond3A_124 {
      %mul3A_138 = arith.constant 32 : i32
      %mul3A_139 = arith.muli %arg1, %mul3A_138 : i32
      %add3A_140 = arith.constant 2048 : i32
      %add3A_141 = arith.addi %add3A_140, %mul3A_139 : i32
      %multiple_of3A_142 = tpu.assume_multiple %add3A_141, 8 : i32
      %scan3A_143 = arith.constant 0 : i32
      %scan3A_144 = arith.constant 2 : i32
      %scan3A_145 = arith.addi %scan3A_143, %scan3A_144 : i32
      %scan3A_146 = arith.constant 1 : i32
      scf.for %scan3A_148 = %scan3A_143 to %scan3A_145 step %scan3A_146  : i32 {
        %mul3A_149 = arith.constant 1 : i32
        %mul3A_150 = arith.muli %scan3A_148, %mul3A_149 : i32
        %add3A_151 = arith.constant 0 : i32
        %add3A_152 = arith.addi %add3A_151, %mul3A_150 : i32
        %mul3A_153 = arith.constant 16 : i32
        %mul3A_154 = arith.muli %add3A_152, %mul3A_153 : i32
        %add3A_155 = arith.addi %multiple_of3A_142, %mul3A_154 : i32
        %multiple_of3A_156 = tpu.assume_multiple %add3A_155, 8 : i32
        "tpu.region"() ({
          %run_scoped3A = tpu.sem_alloc : memref<!tpu.dma_semaphore, #tpu.memory_space<semaphore_mem>>
          %dma_start3A_795 = arith.constant 0 : i32
          %dma_start3A_796 = tpu.memref_slice %arg3[%multiple_of3A_156, %dma_start3A_795] : memref<2560x128xi32, #tpu.memory_space<hbm>> -> memref<16x128xi32, #tpu.memory_space<hbm>>
          %dma_start3A_797 = arith.constant 0 : i32
          %dma_start3A_798 = tpu.memref_slice %arg3[%multiple_of3A_156, %dma_start3A_797] : memref<2560x128xi32, #tpu.memory_space<hbm>> -> memref<16x128xi32, #tpu.memory_space<hbm>>
          tpu.enqueue_dma source(%dma_start3A_798 : memref<16x128xi32, #tpu.memory_space<hbm>>) target(%arg7 : memref<16x128xi32, #tpu.memory_space<vmem>>) target_semaphore(%run_scoped3A : memref<!tpu.dma_semaphore, #tpu.memory_space<semaphore_mem>>)
          %dma_wait3A_799 = arith.constant 0 : i32
          %dma_wait3A_800 = tpu.memref_slice %arg3[%multiple_of3A_156, %dma_wait3A_799] : memref<2560x128xi32, #tpu.memory_space<hbm>> -> memref<16x128xi32, #tpu.memory_space<hbm>>
          %dma_wait3A_801 = arith.constant 0 : i32
          %dma_wait3A_802 = tpu.memref_slice %arg3[%multiple_of3A_156, %dma_wait3A_801] : memref<2560x128xi32, #tpu.memory_space<hbm>> -> memref<16x128xi32, #tpu.memory_space<hbm>>
          tpu.wait_dma2 semaphore(%run_scoped3A : memref<!tpu.dma_semaphore, #tpu.memory_space<semaphore_mem>>) src(%dma_wait3A_802 : memref<16x128xi32, #tpu.memory_space<hbm>>) dst(%arg7 : memref<16x128xi32, #tpu.memory_space<vmem>>)
          tpu.yield
        }) : () -> ()
        "tpu.region"() ({
          %run_scoped3A = tpu.sem_alloc : memref<!tpu.dma_semaphore, #tpu.memory_space<semaphore_mem>>
          %dma_start3A_795 = arith.constant 0 : i32
          %dma_start3A_796 = tpu.memref_slice %arg4[%multiple_of3A_156, %dma_start3A_795] : memref<2560x128xi32, #tpu.memory_space<hbm>> -> memref<16x128xi32, #tpu.memory_space<hbm>>
          %dma_start3A_797 = arith.constant 0 : i32
          %dma_start3A_798 = tpu.memref_slice %arg4[%multiple_of3A_156, %dma_start3A_797] : memref<2560x128xi32, #tpu.memory_space<hbm>> -> memref<16x128xi32, #tpu.memory_space<hbm>>
          tpu.enqueue_dma source(%dma_start3A_798 : memref<16x128xi32, #tpu.memory_space<hbm>>) target(%arg8 : memref<16x128xi32, #tpu.memory_space<vmem>>) target_semaphore(%run_scoped3A : memref<!tpu.dma_semaphore, #tpu.memory_space<semaphore_mem>>)
          %dma_wait3A_799 = arith.constant 0 : i32
          %dma_wait3A_800 = tpu.memref_slice %arg4[%multiple_of3A_156, %dma_wait3A_799] : memref<2560x128xi32, #tpu.memory_space<hbm>> -> memref<16x128xi32, #tpu.memory_space<hbm>>
          %dma_wait3A_801 = arith.constant 0 : i32
          %dma_wait3A_802 = tpu.memref_slice %arg4[%multiple_of3A_156, %dma_wait3A_801] : memref<2560x128xi32, #tpu.memory_space<hbm>> -> memref<16x128xi32, #tpu.memory_space<hbm>>
          tpu.wait_dma2 semaphore(%run_scoped3A : memref<!tpu.dma_semaphore, #tpu.memory_space<semaphore_mem>>) src(%dma_wait3A_802 : memref<16x128xi32, #tpu.memory_space<hbm>>) dst(%arg8 : memref<16x128xi32, #tpu.memory_space<vmem>>)
          tpu.yield
        }) : () -> ()
        %dma_start3A = arith.constant 0 : i32
        %dma_start3A_157 = arith.constant 0 : i32
        %dma_start3A_158 = tpu.memref_slice %arg7[%dma_start3A, %dma_start3A_157] : memref<16x128xi32, #tpu.memory_space<vmem>> -> memref<1x128xi32, #tpu.memory_space<vmem>>
        %dma_start3A_159 = tpu.memref_squeeze %dma_start3A_158 : memref<1x128xi32, #tpu.memory_space<vmem>> -> memref<128xi32, #tpu.memory_space<vmem>>
        %dma_start3A_160 = arith.constant 0 : i32
        %dma_start3A_161 = arith.constant 0 : i32
        %dma_start3A_162 = tpu.memref_slice %arg2[%dma_start3A_160, %dma_start3A_161] : memref<10000x128xf32, #tpu.memory_space<hbm>> -> memref<10000x128xf32, #tpu.memory_space<hbm>>
        tpu.enqueue_indirect_dma source(%dma_start3A_162 : memref<10000x128xf32, #tpu.memory_space<hbm>>) target(%arg9 : memref<128x128xf32, #tpu.memory_space<vmem>>) offsets(%dma_start3A_159 : memref<128xi32, #tpu.memory_space<vmem>>) semaphore(%arg12 : memref<!tpu.dma_semaphore, #tpu.memory_space<semaphore_mem>>)
        %dma_start3A_163 = arith.constant 1 : i32
        %dma_start3A_164 = arith.constant 0 : i32
        %dma_start3A_165 = tpu.memref_slice %arg7[%dma_start3A_163, %dma_start3A_164] : memref<16x128xi32, #tpu.memory_space<vmem>> -> memref<1x128xi32, #tpu.memory_space<vmem>>
        %dma_start3A_166 = tpu.memref_squeeze %dma_start3A_165 : memref<1x128xi32, #tpu.memory_space<vmem>> -> memref<128xi32, #tpu.memory_space<vmem>>
        %dma_start3A_167 = arith.constant 0 : i32
        %dma_start3A_168 = arith.constant 0 : i32
        %dma_start3A_169 = tpu.memref_slice %arg2[%dma_start3A_167, %dma_start3A_168] : memref<10000x128xf32, #tpu.memory_space<hbm>> -> memref<10000x128xf32, #tpu.memory_space<hbm>>
        tpu.enqueue_indirect_dma source(%dma_start3A_169 : memref<10000x128xf32, #tpu.memory_space<hbm>>) target(%arg10 : memref<128x128xf32, #tpu.memory_space<vmem>>) offsets(%dma_start3A_166 : memref<128xi32, #tpu.memory_space<vmem>>) semaphore(%arg13 : memref<!tpu.dma_semaphore, #tpu.memory_space<semaphore_mem>>)
        %dma_wait3A = arith.constant 0 : i32
        %dma_wait3A_170 = arith.constant 0 : i32
        %dma_wait3A_171 = tpu.memref_slice %arg7[%dma_wait3A, %dma_wait3A_170] : memref<16x128xi32, #tpu.memory_space<vmem>> -> memref<1x128xi32, #tpu.memory_space<vmem>>
        %dma_wait3A_172 = tpu.memref_squeeze %dma_wait3A_171 : memref<1x128xi32, #tpu.memory_space<vmem>> -> memref<128xi32, #tpu.memory_space<vmem>>
        %dma_wait3A_173 = arith.constant 0 : i32
        %dma_wait3A_174 = arith.constant 0 : i32
        %dma_wait3A_175 = tpu.memref_slice %arg2[%dma_wait3A_173, %dma_wait3A_174] : memref<10000x128xf32, #tpu.memory_space<hbm>> -> memref<10000x128xf32, #tpu.memory_space<hbm>>
        tpu.wait_indirect_dma semaphore(%arg12 : memref<!tpu.dma_semaphore, #tpu.memory_space<semaphore_mem>>) src(%dma_wait3A_175 : memref<10000x128xf32, #tpu.memory_space<hbm>>) dst(%arg9 : memref<128x128xf32, #tpu.memory_space<vmem>>)
        %dma_start3A_176 = arith.constant 0 : i32
        %dma_start3A_177 = arith.constant 0 : i32
        %dma_start3A_178 = tpu.memref_slice %arg8[%dma_start3A_176, %dma_start3A_177] : memref<16x128xi32, #tpu.memory_space<vmem>> -> memref<1x128xi32, #tpu.memory_space<vmem>>
        %dma_start3A_179 = tpu.memref_squeeze %dma_start3A_178 : memref<1x128xi32, #tpu.memory_space<vmem>> -> memref<128xi32, #tpu.memory_space<vmem>>
        %dma_start3A_180 = arith.constant 0 : i32
        %dma_start3A_181 = arith.constant 0 : i32
        %dma_start3A_182 = tpu.memref_slice %arg11[%dma_start3A_180, %dma_start3A_181] : memref<10112x128xf32, #tpu.memory_space<vmem_shared>> -> memref<10112x128xf32, #tpu.memory_space<vmem_shared>>
        tpu.enqueue_indirect_dma source(%arg9 : memref<128x128xf32, #tpu.memory_space<vmem>>) target(%dma_start3A_182 : memref<10112x128xf32, #tpu.memory_space<vmem_shared>>) offsets(%dma_start3A_179 : memref<128xi32, #tpu.memory_space<vmem>>) semaphore(%arg14 : memref<!tpu.dma_semaphore, #tpu.memory_space<semaphore_mem>>) {add = true}
        %dma_start3A_183 = arith.constant 0 : i32
        %dma_start3A_184 = arith.constant 0 : i32
        %dma_start3A_185 = tpu.memref_slice %arg8[%dma_start3A_183, %dma_start3A_184] : memref<16x128xi32, #tpu.memory_space<vmem>> -> memref<1x128xi32, #tpu.memory_space<vmem>>
        %dma_start3A_186 = tpu.memref_squeeze %dma_start3A_185 : memref<1x128xi32, #tpu.memory_space<vmem>> -> memref<128xi32, #tpu.memory_space<vmem>>
        %dma_start3A_187 = arith.constant 0 : i32
        %dma_start3A_188 = tpu.memref_slice %arg18[%dma_start3A_187] : memref<10112xf32, #tpu.memory_space<vmem_shared>> -> memref<10112xf32, #tpu.memory_space<vmem_shared>>
        tpu.enqueue_indirect_dma source(%arg16 : memref<128xf32, #tpu.memory_space<vmem>>) target(%dma_start3A_188 : memref<10112xf32, #tpu.memory_space<vmem_shared>>) offsets(%dma_start3A_186 : memref<128xi32, #tpu.memory_space<vmem>>) semaphore(%arg19 : memref<!tpu.dma_semaphore, #tpu.memory_space<semaphore_mem>>) {add = true}
        %dma_wait3A_189 = arith.constant 0 : i32
        %dma_wait3A_190 = arith.constant 0 : i32
        %dma_wait3A_191 = tpu.memref_slice %arg8[%dma_wait3A_189, %dma_wait3A_190] : memref<16x128xi32, #tpu.memory_space<vmem>> -> memref<1x128xi32, #tpu.memory_space<vmem>>
        %dma_wait3A_192 = tpu.memref_squeeze %dma_wait3A_191 : memref<1x128xi32, #tpu.memory_space<vmem>> -> memref<128xi32, #tpu.memory_space<vmem>>
        %dma_wait3A_193 = arith.constant 0 : i32
        %dma_wait3A_194 = arith.constant 0 : i32
        %dma_wait3A_195 = tpu.memref_slice %arg11[%dma_wait3A_193, %dma_wait3A_194] : memref<10112x128xf32, #tpu.memory_space<vmem_shared>> -> memref<10112x128xf32, #tpu.memory_space<vmem_shared>>
        tpu.wait_indirect_dma semaphore(%arg14 : memref<!tpu.dma_semaphore, #tpu.memory_space<semaphore_mem>>) src(%arg9 : memref<128x128xf32, #tpu.memory_space<vmem>>) dst(%dma_wait3A_195 : memref<10112x128xf32, #tpu.memory_space<vmem_shared>>)
        %dma_start3A_196 = arith.constant 2 : i32
        %dma_start3A_197 = arith.constant 0 : i32
        %dma_start3A_198 = tpu.memref_slice %arg7[%dma_start3A_196, %dma_start3A_197] : memref<16x128xi32, #tpu.memory_space<vmem>> -> memref<1x128xi32, #tpu.memory_space<vmem>>
        %dma_start3A_199 = tpu.memref_squeeze %dma_start3A_198 : memref<1x128xi32, #tpu.memory_space<vmem>> -> memref<128xi32, #tpu.memory_space<vmem>>
        %dma_start3A_200 = arith.constant 0 : i32
        %dma_start3A_201 = arith.constant 0 : i32
        %dma_start3A_202 = tpu.memref_slice %arg2[%dma_start3A_200, %dma_start3A_201] : memref<10000x128xf32, #tpu.memory_space<hbm>> -> memref<10000x128xf32, #tpu.memory_space<hbm>>
        tpu.enqueue_indirect_dma source(%dma_start3A_202 : memref<10000x128xf32, #tpu.memory_space<hbm>>) target(%arg9 : memref<128x128xf32, #tpu.memory_space<vmem>>) offsets(%dma_start3A_199 : memref<128xi32, #tpu.memory_space<vmem>>) semaphore(%arg12 : memref<!tpu.dma_semaphore, #tpu.memory_space<semaphore_mem>>)
        %dma_wait3A_203 = arith.constant 1 : i32
        %dma_wait3A_204 = arith.constant 0 : i32
        %dma_wait3A_205 = tpu.memref_slice %arg7[%dma_wait3A_203, %dma_wait3A_204] : memref<16x128xi32, #tpu.memory_space<vmem>> -> memref<1x128xi32, #tpu.memory_space<vmem>>
        %dma_wait3A_206 = tpu.memref_squeeze %dma_wait3A_205 : memref<1x128xi32, #tpu.memory_space<vmem>> -> memref<128xi32, #tpu.memory_space<vmem>>
        %dma_wait3A_207 = arith.constant 0 : i32
        %dma_wait3A_208 = arith.constant 0 : i32
        %dma_wait3A_209 = tpu.memref_slice %arg2[%dma_wait3A_207, %dma_wait3A_208] : memref<10000x128xf32, #tpu.memory_space<hbm>> -> memref<10000x128xf32, #tpu.memory_space<hbm>>
        tpu.wait_indirect_dma semaphore(%arg13 : memref<!tpu.dma_semaphore, #tpu.memory_space<semaphore_mem>>) src(%dma_wait3A_209 : memref<10000x128xf32, #tpu.memory_space<hbm>>) dst(%arg10 : memref<128x128xf32, #tpu.memory_space<vmem>>)
        %dma_start3A_210 = arith.constant 1 : i32
        %dma_start3A_211 = arith.constant 0 : i32
        %dma_start3A_212 = tpu.memref_slice %arg8[%dma_start3A_210, %dma_start3A_211] : memref<16x128xi32, #tpu.memory_space<vmem>> -> memref<1x128xi32, #tpu.memory_space<vmem>>
        %dma_start3A_213 = tpu.memref_squeeze %dma_start3A_212 : memref<1x128xi32, #tpu.memory_space<vmem>> -> memref<128xi32, #tpu.memory_space<vmem>>
        %dma_start3A_214 = arith.constant 0 : i32
        %dma_start3A_215 = arith.constant 0 : i32
        %dma_start3A_216 = tpu.memref_slice %arg11[%dma_start3A_214, %dma_start3A_215] : memref<10112x128xf32, #tpu.memory_space<vmem_shared>> -> memref<10112x128xf32, #tpu.memory_space<vmem_shared>>
        tpu.enqueue_indirect_dma source(%arg10 : memref<128x128xf32, #tpu.memory_space<vmem>>) target(%dma_start3A_216 : memref<10112x128xf32, #tpu.memory_space<vmem_shared>>) offsets(%dma_start3A_213 : memref<128xi32, #tpu.memory_space<vmem>>) semaphore(%arg15 : memref<!tpu.dma_semaphore, #tpu.memory_space<semaphore_mem>>) {add = true}
        %dma_start3A_217 = arith.constant 1 : i32
        %dma_start3A_218 = arith.constant 0 : i32
        %dma_start3A_219 = tpu.memref_slice %arg8[%dma_start3A_217, %dma_start3A_218] : memref<16x128xi32, #tpu.memory_space<vmem>> -> memref<1x128xi32, #tpu.memory_space<vmem>>
        %dma_start3A_220 = tpu.memref_squeeze %dma_start3A_219 : memref<1x128xi32, #tpu.memory_space<vmem>> -> memref<128xi32, #tpu.memory_space<vmem>>
        %dma_start3A_221 = arith.constant 0 : i32
        %dma_start3A_222 = tpu.memref_slice %arg18[%dma_start3A_221] : memref<10112xf32, #tpu.memory_space<vmem_shared>> -> memref<10112xf32, #tpu.memory_space<vmem_shared>>
        tpu.enqueue_indirect_dma source(%arg16 : memref<128xf32, #tpu.memory_space<vmem>>) target(%dma_start3A_222 : memref<10112xf32, #tpu.memory_space<vmem_shared>>) offsets(%dma_start3A_220 : memref<128xi32, #tpu.memory_space<vmem>>) semaphore(%arg19 : memref<!tpu.dma_semaphore, #tpu.memory_space<semaphore_mem>>) {add = true}
        %dma_wait3A_223 = arith.constant 1 : i32
        %dma_wait3A_224 = arith.constant 0 : i32
        %dma_wait3A_225 = tpu.memref_slice %arg8[%dma_wait3A_223, %dma_wait3A_224] : memref<16x128xi32, #tpu.memory_space<vmem>> -> memref<1x128xi32, #tpu.memory_space<vmem>>
        %dma_wait3A_226 = tpu.memref_squeeze %dma_wait3A_225 : memref<1x128xi32, #tpu.memory_space<vmem>> -> memref<128xi32, #tpu.memory_space<vmem>>
        %dma_wait3A_227 = arith.constant 0 : i32
        %dma_wait3A_228 = arith.constant 0 : i32
        %dma_wait3A_229 = tpu.memref_slice %arg11[%dma_wait3A_227, %dma_wait3A_228] : memref<10112x128xf32, #tpu.memory_space<vmem_shared>> -> memref<10112x128xf32, #tpu.memory_space<vmem_shared>>
        tpu.wait_indirect_dma semaphore(%arg15 : memref<!tpu.dma_semaphore, #tpu.memory_space<semaphore_mem>>) src(%arg10 : memref<128x128xf32, #tpu.memory_space<vmem>>) dst(%dma_wait3A_229 : memref<10112x128xf32, #tpu.memory_space<vmem_shared>>)
        %dma_start3A_230 = arith.constant 3 : i32
        %dma_start3A_231 = arith.constant 0 : i32
        %dma_start3A_232 = tpu.memref_slice %arg7[%dma_start3A_230, %dma_start3A_231] : memref<16x128xi32, #tpu.memory_space<vmem>> -> memref<1x128xi32, #tpu.memory_space<vmem>>
        %dma_start3A_233 = tpu.memref_squeeze %dma_start3A_232 : memref<1x128xi32, #tpu.memory_space<vmem>> -> memref<128xi32, #tpu.memory_space<vmem>>
        %dma_start3A_234 = arith.constant 0 : i32
        %dma_start3A_235 = arith.constant 0 : i32
        %dma_start3A_236 = tpu.memref_slice %arg2[%dma_start3A_234, %dma_start3A_235] : memref<10000x128xf32, #tpu.memory_space<hbm>> -> memref<10000x128xf32, #tpu.memory_space<hbm>>
        tpu.enqueue_indirect_dma source(%dma_start3A_236 : memref<10000x128xf32, #tpu.memory_space<hbm>>) target(%arg10 : memref<128x128xf32, #tpu.memory_space<vmem>>) offsets(%dma_start3A_233 : memref<128xi32, #tpu.memory_space<vmem>>) semaphore(%arg13 : memref<!tpu.dma_semaphore, #tpu.memory_space<semaphore_mem>>)
        %dma_wait3A_237 = arith.constant 2 : i32
        %dma_wait3A_238 = arith.constant 0 : i32
        %dma_wait3A_239 = tpu.memref_slice %arg7[%dma_wait3A_237, %dma_wait3A_238] : memref<16x128xi32, #tpu.memory_space<vmem>> -> memref<1x128xi32, #tpu.memory_space<vmem>>
        %dma_wait3A_240 = tpu.memref_squeeze %dma_wait3A_239 : memref<1x128xi32, #tpu.memory_space<vmem>> -> memref<128xi32, #tpu.memory_space<vmem>>
        %dma_wait3A_241 = arith.constant 0 : i32
        %dma_wait3A_242 = arith.constant 0 : i32
        %dma_wait3A_243 = tpu.memref_slice %arg2[%dma_wait3A_241, %dma_wait3A_242] : memref<10000x128xf32, #tpu.memory_space<hbm>> -> memref<10000x128xf32, #tpu.memory_space<hbm>>
        tpu.wait_indirect_dma semaphore(%arg12 : memref<!tpu.dma_semaphore, #tpu.memory_space<semaphore_mem>>) src(%dma_wait3A_243 : memref<10000x128xf32, #tpu.memory_space<hbm>>) dst(%arg9 : memref<128x128xf32, #tpu.memory_space<vmem>>)
        %dma_start3A_244 = arith.constant 2 : i32
        %dma_start3A_245 = arith.constant 0 : i32
        %dma_start3A_246 = tpu.memref_slice %arg8[%dma_start3A_244, %dma_start3A_245] : memref<16x128xi32, #tpu.memory_space<vmem>> -> memref<1x128xi32, #tpu.memory_space<vmem>>
        %dma_start3A_247 = tpu.memref_squeeze %dma_start3A_246 : memref<1x128xi32, #tpu.memory_space<vmem>> -> memref<128xi32, #tpu.memory_space<vmem>>
        %dma_start3A_248 = arith.constant 0 : i32
        %dma_start3A_249 = arith.constant 0 : i32
        %dma_start3A_250 = tpu.memref_slice %arg11[%dma_start3A_248, %dma_start3A_249] : memref<10112x128xf32, #tpu.memory_space<vmem_shared>> -> memref<10112x128xf32, #tpu.memory_space<vmem_shared>>
        tpu.enqueue_indirect_dma source(%arg9 : memref<128x128xf32, #tpu.memory_space<vmem>>) target(%dma_start3A_250 : memref<10112x128xf32, #tpu.memory_space<vmem_shared>>) offsets(%dma_start3A_247 : memref<128xi32, #tpu.memory_space<vmem>>) semaphore(%arg14 : memref<!tpu.dma_semaphore, #tpu.memory_space<semaphore_mem>>) {add = true}
        %dma_start3A_251 = arith.constant 2 : i32
        %dma_start3A_252 = arith.constant 0 : i32
        %dma_start3A_253 = tpu.memref_slice %arg8[%dma_start3A_251, %dma_start3A_252] : memref<16x128xi32, #tpu.memory_space<vmem>> -> memref<1x128xi32, #tpu.memory_space<vmem>>
        %dma_start3A_254 = tpu.memref_squeeze %dma_start3A_253 : memref<1x128xi32, #tpu.memory_space<vmem>> -> memref<128xi32, #tpu.memory_space<vmem>>
        %dma_start3A_255 = arith.constant 0 : i32
        %dma_start3A_256 = tpu.memref_slice %arg18[%dma_start3A_255] : memref<10112xf32, #tpu.memory_space<vmem_shared>> -> memref<10112xf32, #tpu.memory_space<vmem_shared>>
        tpu.enqueue_indirect_dma source(%arg16 : memref<128xf32, #tpu.memory_space<vmem>>) target(%dma_start3A_256 : memref<10112xf32, #tpu.memory_space<vmem_shared>>) offsets(%dma_start3A_254 : memref<128xi32, #tpu.memory_space<vmem>>) semaphore(%arg19 : memref<!tpu.dma_semaphore, #tpu.memory_space<semaphore_mem>>) {add = true}
        %dma_wait3A_257 = arith.constant 2 : i32
        %dma_wait3A_258 = arith.constant 0 : i32
        %dma_wait3A_259 = tpu.memref_slice %arg8[%dma_wait3A_257, %dma_wait3A_258] : memref<16x128xi32, #tpu.memory_space<vmem>> -> memref<1x128xi32, #tpu.memory_space<vmem>>
        %dma_wait3A_260 = tpu.memref_squeeze %dma_wait3A_259 : memref<1x128xi32, #tpu.memory_space<vmem>> -> memref<128xi32, #tpu.memory_space<vmem>>
        %dma_wait3A_261 = arith.constant 0 : i32
        %dma_wait3A_262 = arith.constant 0 : i32
        %dma_wait3A_263 = tpu.memref_slice %arg11[%dma_wait3A_261, %dma_wait3A_262] : memref<10112x128xf32, #tpu.memory_space<vmem_shared>> -> memref<10112x128xf32, #tpu.memory_space<vmem_shared>>
        tpu.wait_indirect_dma semaphore(%arg14 : memref<!tpu.dma_semaphore, #tpu.memory_space<semaphore_mem>>) src(%arg9 : memref<128x128xf32, #tpu.memory_space<vmem>>) dst(%dma_wait3A_263 : memref<10112x128xf32, #tpu.memory_space<vmem_shared>>)
        %dma_start3A_264 = arith.constant 4 : i32
        %dma_start3A_265 = arith.constant 0 : i32
        %dma_start3A_266 = tpu.memref_slice %arg7[%dma_start3A_264, %dma_start3A_265] : memref<16x128xi32, #tpu.memory_space<vmem>> -> memref<1x128xi32, #tpu.memory_space<vmem>>
        %dma_start3A_267 = tpu.memref_squeeze %dma_start3A_266 : memref<1x128xi32, #tpu.memory_space<vmem>> -> memref<128xi32, #tpu.memory_space<vmem>>
        %dma_start3A_268 = arith.constant 0 : i32
        %dma_start3A_269 = arith.constant 0 : i32
        %dma_start3A_270 = tpu.memref_slice %arg2[%dma_start3A_268, %dma_start3A_269] : memref<10000x128xf32, #tpu.memory_space<hbm>> -> memref<10000x128xf32, #tpu.memory_space<hbm>>
        tpu.enqueue_indirect_dma source(%dma_start3A_270 : memref<10000x128xf32, #tpu.memory_space<hbm>>) target(%arg9 : memref<128x128xf32, #tpu.memory_space<vmem>>) offsets(%dma_start3A_267 : memref<128xi32, #tpu.memory_space<vmem>>) semaphore(%arg12 : memref<!tpu.dma_semaphore, #tpu.memory_space<semaphore_mem>>)
        %dma_wait3A_271 = arith.constant 3 : i32
        %dma_wait3A_272 = arith.constant 0 : i32
        %dma_wait3A_273 = tpu.memref_slice %arg7[%dma_wait3A_271, %dma_wait3A_272] : memref<16x128xi32, #tpu.memory_space<vmem>> -> memref<1x128xi32, #tpu.memory_space<vmem>>
        %dma_wait3A_274 = tpu.memref_squeeze %dma_wait3A_273 : memref<1x128xi32, #tpu.memory_space<vmem>> -> memref<128xi32, #tpu.memory_space<vmem>>
        %dma_wait3A_275 = arith.constant 0 : i32
        %dma_wait3A_276 = arith.constant 0 : i32
        %dma_wait3A_277 = tpu.memref_slice %arg2[%dma_wait3A_275, %dma_wait3A_276] : memref<10000x128xf32, #tpu.memory_space<hbm>> -> memref<10000x128xf32, #tpu.memory_space<hbm>>
        tpu.wait_indirect_dma semaphore(%arg13 : memref<!tpu.dma_semaphore, #tpu.memory_space<semaphore_mem>>) src(%dma_wait3A_277 : memref<10000x128xf32, #tpu.memory_space<hbm>>) dst(%arg10 : memref<128x128xf32, #tpu.memory_space<vmem>>)
        %dma_start3A_278 = arith.constant 3 : i32
        %dma_start3A_279 = arith.constant 0 : i32
        %dma_start3A_280 = tpu.memref_slice %arg8[%dma_start3A_278, %dma_start3A_279] : memref<16x128xi32, #tpu.memory_space<vmem>> -> memref<1x128xi32, #tpu.memory_space<vmem>>
        %dma_start3A_281 = tpu.memref_squeeze %dma_start3A_280 : memref<1x128xi32, #tpu.memory_space<vmem>> -> memref<128xi32, #tpu.memory_space<vmem>>
        %dma_start3A_282 = arith.constant 0 : i32
        %dma_start3A_283 = arith.constant 0 : i32
        %dma_start3A_284 = tpu.memref_slice %arg11[%dma_start3A_282, %dma_start3A_283] : memref<10112x128xf32, #tpu.memory_space<vmem_shared>> -> memref<10112x128xf32, #tpu.memory_space<vmem_shared>>
        tpu.enqueue_indirect_dma source(%arg10 : memref<128x128xf32, #tpu.memory_space<vmem>>) target(%dma_start3A_284 : memref<10112x128xf32, #tpu.memory_space<vmem_shared>>) offsets(%dma_start3A_281 : memref<128xi32, #tpu.memory_space<vmem>>) semaphore(%arg15 : memref<!tpu.dma_semaphore, #tpu.memory_space<semaphore_mem>>) {add = true}
        %dma_start3A_285 = arith.constant 3 : i32
        %dma_start3A_286 = arith.constant 0 : i32
        %dma_start3A_287 = tpu.memref_slice %arg8[%dma_start3A_285, %dma_start3A_286] : memref<16x128xi32, #tpu.memory_space<vmem>> -> memref<1x128xi32, #tpu.memory_space<vmem>>
        %dma_start3A_288 = tpu.memref_squeeze %dma_start3A_287 : memref<1x128xi32, #tpu.memory_space<vmem>> -> memref<128xi32, #tpu.memory_space<vmem>>
        %dma_start3A_289 = arith.constant 0 : i32
        %dma_start3A_290 = tpu.memref_slice %arg18[%dma_start3A_289] : memref<10112xf32, #tpu.memory_space<vmem_shared>> -> memref<10112xf32, #tpu.memory_space<vmem_shared>>
        tpu.enqueue_indirect_dma source(%arg16 : memref<128xf32, #tpu.memory_space<vmem>>) target(%dma_start3A_290 : memref<10112xf32, #tpu.memory_space<vmem_shared>>) offsets(%dma_start3A_288 : memref<128xi32, #tpu.memory_space<vmem>>) semaphore(%arg19 : memref<!tpu.dma_semaphore, #tpu.memory_space<semaphore_mem>>) {add = true}
        %dma_wait3A_291 = arith.constant 3 : i32
        %dma_wait3A_292 = arith.constant 0 : i32
        %dma_wait3A_293 = tpu.memref_slice %arg8[%dma_wait3A_291, %dma_wait3A_292] : memref<16x128xi32, #tpu.memory_space<vmem>> -> memref<1x128xi32, #tpu.memory_space<vmem>>
        %dma_wait3A_294 = tpu.memref_squeeze %dma_wait3A_293 : memref<1x128xi32, #tpu.memory_space<vmem>> -> memref<128xi32, #tpu.memory_space<vmem>>
        %dma_wait3A_295 = arith.constant 0 : i32
        %dma_wait3A_296 = arith.constant 0 : i32
        %dma_wait3A_297 = tpu.memref_slice %arg11[%dma_wait3A_295, %dma_wait3A_296] : memref<10112x128xf32, #tpu.memory_space<vmem_shared>> -> memref<10112x128xf32, #tpu.memory_space<vmem_shared>>
        tpu.wait_indirect_dma semaphore(%arg15 : memref<!tpu.dma_semaphore, #tpu.memory_space<semaphore_mem>>) src(%arg10 : memref<128x128xf32, #tpu.memory_space<vmem>>) dst(%dma_wait3A_297 : memref<10112x128xf32, #tpu.memory_space<vmem_shared>>)
        %dma_start3A_298 = arith.constant 5 : i32
        %dma_start3A_299 = arith.constant 0 : i32
        %dma_start3A_300 = tpu.memref_slice %arg7[%dma_start3A_298, %dma_start3A_299] : memref<16x128xi32, #tpu.memory_space<vmem>> -> memref<1x128xi32, #tpu.memory_space<vmem>>
        %dma_start3A_301 = tpu.memref_squeeze %dma_start3A_300 : memref<1x128xi32, #tpu.memory_space<vmem>> -> memref<128xi32, #tpu.memory_space<vmem>>
        %dma_start3A_302 = arith.constant 0 : i32
        %dma_start3A_303 = arith.constant 0 : i32
        %dma_start3A_304 = tpu.memref_slice %arg2[%dma_start3A_302, %dma_start3A_303] : memref<10000x128xf32, #tpu.memory_space<hbm>> -> memref<10000x128xf32, #tpu.memory_space<hbm>>
        tpu.enqueue_indirect_dma source(%dma_start3A_304 : memref<10000x128xf32, #tpu.memory_space<hbm>>) target(%arg10 : memref<128x128xf32, #tpu.memory_space<vmem>>) offsets(%dma_start3A_301 : memref<128xi32, #tpu.memory_space<vmem>>) semaphore(%arg13 : memref<!tpu.dma_semaphore, #tpu.memory_space<semaphore_mem>>)
        %dma_wait3A_305 = arith.constant 4 : i32
        %dma_wait3A_306 = arith.constant 0 : i32
        %dma_wait3A_307 = tpu.memref_slice %arg7[%dma_wait3A_305, %dma_wait3A_306] : memref<16x128xi32, #tpu.memory_space<vmem>> -> memref<1x128xi32, #tpu.memory_space<vmem>>
        %dma_wait3A_308 = tpu.memref_squeeze %dma_wait3A_307 : memref<1x128xi32, #tpu.memory_space<vmem>> -> memref<128xi32, #tpu.memory_space<vmem>>
        %dma_wait3A_309 = arith.constant 0 : i32
        %dma_wait3A_310 = arith.constant 0 : i32
        %dma_wait3A_311 = tpu.memref_slice %arg2[%dma_wait3A_309, %dma_wait3A_310] : memref<10000x128xf32, #tpu.memory_space<hbm>> -> memref<10000x128xf32, #tpu.memory_space<hbm>>
        tpu.wait_indirect_dma semaphore(%arg12 : memref<!tpu.dma_semaphore, #tpu.memory_space<semaphore_mem>>) src(%dma_wait3A_311 : memref<10000x128xf32, #tpu.memory_space<hbm>>) dst(%arg9 : memref<128x128xf32, #tpu.memory_space<vmem>>)
        %dma_start3A_312 = arith.constant 4 : i32
        %dma_start3A_313 = arith.constant 0 : i32
        %dma_start3A_314 = tpu.memref_slice %arg8[%dma_start3A_312, %dma_start3A_313] : memref<16x128xi32, #tpu.memory_space<vmem>> -> memref<1x128xi32, #tpu.memory_space<vmem>>
        %dma_start3A_315 = tpu.memref_squeeze %dma_start3A_314 : memref<1x128xi32, #tpu.memory_space<vmem>> -> memref<128xi32, #tpu.memory_space<vmem>>
        %dma_start3A_316 = arith.constant 0 : i32
        %dma_start3A_317 = arith.constant 0 : i32
        %dma_start3A_318 = tpu.memref_slice %arg11[%dma_start3A_316, %dma_start3A_317] : memref<10112x128xf32, #tpu.memory_space<vmem_shared>> -> memref<10112x128xf32, #tpu.memory_space<vmem_shared>>
        tpu.enqueue_indirect_dma source(%arg9 : memref<128x128xf32, #tpu.memory_space<vmem>>) target(%dma_start3A_318 : memref<10112x128xf32, #tpu.memory_space<vmem_shared>>) offsets(%dma_start3A_315 : memref<128xi32, #tpu.memory_space<vmem>>) semaphore(%arg14 : memref<!tpu.dma_semaphore, #tpu.memory_space<semaphore_mem>>) {add = true}
        %dma_start3A_319 = arith.constant 4 : i32
        %dma_start3A_320 = arith.constant 0 : i32
        %dma_start3A_321 = tpu.memref_slice %arg8[%dma_start3A_319, %dma_start3A_320] : memref<16x128xi32, #tpu.memory_space<vmem>> -> memref<1x128xi32, #tpu.memory_space<vmem>>
        %dma_start3A_322 = tpu.memref_squeeze %dma_start3A_321 : memref<1x128xi32, #tpu.memory_space<vmem>> -> memref<128xi32, #tpu.memory_space<vmem>>
        %dma_start3A_323 = arith.constant 0 : i32
        %dma_start3A_324 = tpu.memref_slice %arg18[%dma_start3A_323] : memref<10112xf32, #tpu.memory_space<vmem_shared>> -> memref<10112xf32, #tpu.memory_space<vmem_shared>>
        tpu.enqueue_indirect_dma source(%arg16 : memref<128xf32, #tpu.memory_space<vmem>>) target(%dma_start3A_324 : memref<10112xf32, #tpu.memory_space<vmem_shared>>) offsets(%dma_start3A_322 : memref<128xi32, #tpu.memory_space<vmem>>) semaphore(%arg19 : memref<!tpu.dma_semaphore, #tpu.memory_space<semaphore_mem>>) {add = true}
        %dma_wait3A_325 = arith.constant 4 : i32
        %dma_wait3A_326 = arith.constant 0 : i32
        %dma_wait3A_327 = tpu.memref_slice %arg8[%dma_wait3A_325, %dma_wait3A_326] : memref<16x128xi32, #tpu.memory_space<vmem>> -> memref<1x128xi32, #tpu.memory_space<vmem>>
        %dma_wait3A_328 = tpu.memref_squeeze %dma_wait3A_327 : memref<1x128xi32, #tpu.memory_space<vmem>> -> memref<128xi32, #tpu.memory_space<vmem>>
        %dma_wait3A_329 = arith.constant 0 : i32
        %dma_wait3A_330 = arith.constant 0 : i32
        %dma_wait3A_331 = tpu.memref_slice %arg11[%dma_wait3A_329, %dma_wait3A_330] : memref<10112x128xf32, #tpu.memory_space<vmem_shared>> -> memref<10112x128xf32, #tpu.memory_space<vmem_shared>>
        tpu.wait_indirect_dma semaphore(%arg14 : memref<!tpu.dma_semaphore, #tpu.memory_space<semaphore_mem>>) src(%arg9 : memref<128x128xf32, #tpu.memory_space<vmem>>) dst(%dma_wait3A_331 : memref<10112x128xf32, #tpu.memory_space<vmem_shared>>)
        %dma_start3A_332 = arith.constant 6 : i32
        %dma_start3A_333 = arith.constant 0 : i32
        %dma_start3A_334 = tpu.memref_slice %arg7[%dma_start3A_332, %dma_start3A_333] : memref<16x128xi32, #tpu.memory_space<vmem>> -> memref<1x128xi32, #tpu.memory_space<vmem>>
        %dma_start3A_335 = tpu.memref_squeeze %dma_start3A_334 : memref<1x128xi32, #tpu.memory_space<vmem>> -> memref<128xi32, #tpu.memory_space<vmem>>
        %dma_start3A_336 = arith.constant 0 : i32
        %dma_start3A_337 = arith.constant 0 : i32
        %dma_start3A_338 = tpu.memref_slice %arg2[%dma_start3A_336, %dma_start3A_337] : memref<10000x128xf32, #tpu.memory_space<hbm>> -> memref<10000x128xf32, #tpu.memory_space<hbm>>
        tpu.enqueue_indirect_dma source(%dma_start3A_338 : memref<10000x128xf32, #tpu.memory_space<hbm>>) target(%arg9 : memref<128x128xf32, #tpu.memory_space<vmem>>) offsets(%dma_start3A_335 : memref<128xi32, #tpu.memory_space<vmem>>) semaphore(%arg12 : memref<!tpu.dma_semaphore, #tpu.memory_space<semaphore_mem>>)
        %dma_wait3A_339 = arith.constant 5 : i32
        %dma_wait3A_340 = arith.constant 0 : i32
        %dma_wait3A_341 = tpu.memref_slice %arg7[%dma_wait3A_339, %dma_wait3A_340] : memref<16x128xi32, #tpu.memory_space<vmem>> -> memref<1x128xi32, #tpu.memory_space<vmem>>
        %dma_wait3A_342 = tpu.memref_squeeze %dma_wait3A_341 : memref<1x128xi32, #tpu.memory_space<vmem>> -> memref<128xi32, #tpu.memory_space<vmem>>
        %dma_wait3A_343 = arith.constant 0 : i32
        %dma_wait3A_344 = arith.constant 0 : i32
        %dma_wait3A_345 = tpu.memref_slice %arg2[%dma_wait3A_343, %dma_wait3A_344] : memref<10000x128xf32, #tpu.memory_space<hbm>> -> memref<10000x128xf32, #tpu.memory_space<hbm>>
        tpu.wait_indirect_dma semaphore(%arg13 : memref<!tpu.dma_semaphore, #tpu.memory_space<semaphore_mem>>) src(%dma_wait3A_345 : memref<10000x128xf32, #tpu.memory_space<hbm>>) dst(%arg10 : memref<128x128xf32, #tpu.memory_space<vmem>>)
        %dma_start3A_346 = arith.constant 5 : i32
        %dma_start3A_347 = arith.constant 0 : i32
        %dma_start3A_348 = tpu.memref_slice %arg8[%dma_start3A_346, %dma_start3A_347] : memref<16x128xi32, #tpu.memory_space<vmem>> -> memref<1x128xi32, #tpu.memory_space<vmem>>
        %dma_start3A_349 = tpu.memref_squeeze %dma_start3A_348 : memref<1x128xi32, #tpu.memory_space<vmem>> -> memref<128xi32, #tpu.memory_space<vmem>>
        %dma_start3A_350 = arith.constant 0 : i32
        %dma_start3A_351 = arith.constant 0 : i32
        %dma_start3A_352 = tpu.memref_slice %arg11[%dma_start3A_350, %dma_start3A_351] : memref<10112x128xf32, #tpu.memory_space<vmem_shared>> -> memref<10112x128xf32, #tpu.memory_space<vmem_shared>>
        tpu.enqueue_indirect_dma source(%arg10 : memref<128x128xf32, #tpu.memory_space<vmem>>) target(%dma_start3A_352 : memref<10112x128xf32, #tpu.memory_space<vmem_shared>>) offsets(%dma_start3A_349 : memref<128xi32, #tpu.memory_space<vmem>>) semaphore(%arg15 : memref<!tpu.dma_semaphore, #tpu.memory_space<semaphore_mem>>) {add = true}
        %dma_start3A_353 = arith.constant 5 : i32
        %dma_start3A_354 = arith.constant 0 : i32
        %dma_start3A_355 = tpu.memref_slice %arg8[%dma_start3A_353, %dma_start3A_354] : memref<16x128xi32, #tpu.memory_space<vmem>> -> memref<1x128xi32, #tpu.memory_space<vmem>>
        %dma_start3A_356 = tpu.memref_squeeze %dma_start3A_355 : memref<1x128xi32, #tpu.memory_space<vmem>> -> memref<128xi32, #tpu.memory_space<vmem>>
        %dma_start3A_357 = arith.constant 0 : i32
        %dma_start3A_358 = tpu.memref_slice %arg18[%dma_start3A_357] : memref<10112xf32, #tpu.memory_space<vmem_shared>> -> memref<10112xf32, #tpu.memory_space<vmem_shared>>
        tpu.enqueue_indirect_dma source(%arg16 : memref<128xf32, #tpu.memory_space<vmem>>) target(%dma_start3A_358 : memref<10112xf32, #tpu.memory_space<vmem_shared>>) offsets(%dma_start3A_356 : memref<128xi32, #tpu.memory_space<vmem>>) semaphore(%arg19 : memref<!tpu.dma_semaphore, #tpu.memory_space<semaphore_mem>>) {add = true}
        %dma_wait3A_359 = arith.constant 5 : i32
        %dma_wait3A_360 = arith.constant 0 : i32
        %dma_wait3A_361 = tpu.memref_slice %arg8[%dma_wait3A_359, %dma_wait3A_360] : memref<16x128xi32, #tpu.memory_space<vmem>> -> memref<1x128xi32, #tpu.memory_space<vmem>>
        %dma_wait3A_362 = tpu.memref_squeeze %dma_wait3A_361 : memref<1x128xi32, #tpu.memory_space<vmem>> -> memref<128xi32, #tpu.memory_space<vmem>>
        %dma_wait3A_363 = arith.constant 0 : i32
        %dma_wait3A_364 = arith.constant 0 : i32
        %dma_wait3A_365 = tpu.memref_slice %arg11[%dma_wait3A_363, %dma_wait3A_364] : memref<10112x128xf32, #tpu.memory_space<vmem_shared>> -> memref<10112x128xf32, #tpu.memory_space<vmem_shared>>
        tpu.wait_indirect_dma semaphore(%arg15 : memref<!tpu.dma_semaphore, #tpu.memory_space<semaphore_mem>>) src(%arg10 : memref<128x128xf32, #tpu.memory_space<vmem>>) dst(%dma_wait3A_365 : memref<10112x128xf32, #tpu.memory_space<vmem_shared>>)
        %dma_start3A_366 = arith.constant 7 : i32
        %dma_start3A_367 = arith.constant 0 : i32
        %dma_start3A_368 = tpu.memref_slice %arg7[%dma_start3A_366, %dma_start3A_367] : memref<16x128xi32, #tpu.memory_space<vmem>> -> memref<1x128xi32, #tpu.memory_space<vmem>>
        %dma_start3A_369 = tpu.memref_squeeze %dma_start3A_368 : memref<1x128xi32, #tpu.memory_space<vmem>> -> memref<128xi32, #tpu.memory_space<vmem>>
        %dma_start3A_370 = arith.constant 0 : i32
        %dma_start3A_371 = arith.constant 0 : i32
        %dma_start3A_372 = tpu.memref_slice %arg2[%dma_start3A_370, %dma_start3A_371] : memref<10000x128xf32, #tpu.memory_space<hbm>> -> memref<10000x128xf32, #tpu.memory_space<hbm>>
        tpu.enqueue_indirect_dma source(%dma_start3A_372 : memref<10000x128xf32, #tpu.memory_space<hbm>>) target(%arg10 : memref<128x128xf32, #tpu.memory_space<vmem>>) offsets(%dma_start3A_369 : memref<128xi32, #tpu.memory_space<vmem>>) semaphore(%arg13 : memref<!tpu.dma_semaphore, #tpu.memory_space<semaphore_mem>>)
        %dma_wait3A_373 = arith.constant 6 : i32
        %dma_wait3A_374 = arith.constant 0 : i32
        %dma_wait3A_375 = tpu.memref_slice %arg7[%dma_wait3A_373, %dma_wait3A_374] : memref<16x128xi32, #tpu.memory_space<vmem>> -> memref<1x128xi32, #tpu.memory_space<vmem>>
        %dma_wait3A_376 = tpu.memref_squeeze %dma_wait3A_375 : memref<1x128xi32, #tpu.memory_space<vmem>> -> memref<128xi32, #tpu.memory_space<vmem>>
        %dma_wait3A_377 = arith.constant 0 : i32
        %dma_wait3A_378 = arith.constant 0 : i32
        %dma_wait3A_379 = tpu.memref_slice %arg2[%dma_wait3A_377, %dma_wait3A_378] : memref<10000x128xf32, #tpu.memory_space<hbm>> -> memref<10000x128xf32, #tpu.memory_space<hbm>>
        tpu.wait_indirect_dma semaphore(%arg12 : memref<!tpu.dma_semaphore, #tpu.memory_space<semaphore_mem>>) src(%dma_wait3A_379 : memref<10000x128xf32, #tpu.memory_space<hbm>>) dst(%arg9 : memref<128x128xf32, #tpu.memory_space<vmem>>)
        %dma_start3A_380 = arith.constant 6 : i32
        %dma_start3A_381 = arith.constant 0 : i32
        %dma_start3A_382 = tpu.memref_slice %arg8[%dma_start3A_380, %dma_start3A_381] : memref<16x128xi32, #tpu.memory_space<vmem>> -> memref<1x128xi32, #tpu.memory_space<vmem>>
        %dma_start3A_383 = tpu.memref_squeeze %dma_start3A_382 : memref<1x128xi32, #tpu.memory_space<vmem>> -> memref<128xi32, #tpu.memory_space<vmem>>
        %dma_start3A_384 = arith.constant 0 : i32
        %dma_start3A_385 = arith.constant 0 : i32
        %dma_start3A_386 = tpu.memref_slice %arg11[%dma_start3A_384, %dma_start3A_385] : memref<10112x128xf32, #tpu.memory_space<vmem_shared>> -> memref<10112x128xf32, #tpu.memory_space<vmem_shared>>
        tpu.enqueue_indirect_dma source(%arg9 : memref<128x128xf32, #tpu.memory_space<vmem>>) target(%dma_start3A_386 : memref<10112x128xf32, #tpu.memory_space<vmem_shared>>) offsets(%dma_start3A_383 : memref<128xi32, #tpu.memory_space<vmem>>) semaphore(%arg14 : memref<!tpu.dma_semaphore, #tpu.memory_space<semaphore_mem>>) {add = true}
        %dma_start3A_387 = arith.constant 6 : i32
        %dma_start3A_388 = arith.constant 0 : i32
        %dma_start3A_389 = tpu.memref_slice %arg8[%dma_start3A_387, %dma_start3A_388] : memref<16x128xi32, #tpu.memory_space<vmem>> -> memref<1x128xi32, #tpu.memory_space<vmem>>
        %dma_start3A_390 = tpu.memref_squeeze %dma_start3A_389 : memref<1x128xi32, #tpu.memory_space<vmem>> -> memref<128xi32, #tpu.memory_space<vmem>>
        %dma_start3A_391 = arith.constant 0 : i32
        %dma_start3A_392 = tpu.memref_slice %arg18[%dma_start3A_391] : memref<10112xf32, #tpu.memory_space<vmem_shared>> -> memref<10112xf32, #tpu.memory_space<vmem_shared>>
        tpu.enqueue_indirect_dma source(%arg16 : memref<128xf32, #tpu.memory_space<vmem>>) target(%dma_start3A_392 : memref<10112xf32, #tpu.memory_space<vmem_shared>>) offsets(%dma_start3A_390 : memref<128xi32, #tpu.memory_space<vmem>>) semaphore(%arg19 : memref<!tpu.dma_semaphore, #tpu.memory_space<semaphore_mem>>) {add = true}
        %dma_wait3A_393 = arith.constant 6 : i32
        %dma_wait3A_394 = arith.constant 0 : i32
        %dma_wait3A_395 = tpu.memref_slice %arg8[%dma_wait3A_393, %dma_wait3A_394] : memref<16x128xi32, #tpu.memory_space<vmem>> -> memref<1x128xi32, #tpu.memory_space<vmem>>
        %dma_wait3A_396 = tpu.memref_squeeze %dma_wait3A_395 : memref<1x128xi32, #tpu.memory_space<vmem>> -> memref<128xi32, #tpu.memory_space<vmem>>
        %dma_wait3A_397 = arith.constant 0 : i32
        %dma_wait3A_398 = arith.constant 0 : i32
        %dma_wait3A_399 = tpu.memref_slice %arg11[%dma_wait3A_397, %dma_wait3A_398] : memref<10112x128xf32, #tpu.memory_space<vmem_shared>> -> memref<10112x128xf32, #tpu.memory_space<vmem_shared>>
        tpu.wait_indirect_dma semaphore(%arg14 : memref<!tpu.dma_semaphore, #tpu.memory_space<semaphore_mem>>) src(%arg9 : memref<128x128xf32, #tpu.memory_space<vmem>>) dst(%dma_wait3A_399 : memref<10112x128xf32, #tpu.memory_space<vmem_shared>>)
        %dma_start3A_400 = arith.constant 8 : i32
        %dma_start3A_401 = arith.constant 0 : i32
        %dma_start3A_402 = tpu.memref_slice %arg7[%dma_start3A_400, %dma_start3A_401] : memref<16x128xi32, #tpu.memory_space<vmem>> -> memref<1x128xi32, #tpu.memory_space<vmem>>
        %dma_start3A_403 = tpu.memref_squeeze %dma_start3A_402 : memref<1x128xi32, #tpu.memory_space<vmem>> -> memref<128xi32, #tpu.memory_space<vmem>>
        %dma_start3A_404 = arith.constant 0 : i32
        %dma_start3A_405 = arith.constant 0 : i32
        %dma_start3A_406 = tpu.memref_slice %arg2[%dma_start3A_404, %dma_start3A_405] : memref<10000x128xf32, #tpu.memory_space<hbm>> -> memref<10000x128xf32, #tpu.memory_space<hbm>>
        tpu.enqueue_indirect_dma source(%dma_start3A_406 : memref<10000x128xf32, #tpu.memory_space<hbm>>) target(%arg9 : memref<128x128xf32, #tpu.memory_space<vmem>>) offsets(%dma_start3A_403 : memref<128xi32, #tpu.memory_space<vmem>>) semaphore(%arg12 : memref<!tpu.dma_semaphore, #tpu.memory_space<semaphore_mem>>)
        %dma_wait3A_407 = arith.constant 7 : i32
        %dma_wait3A_408 = arith.constant 0 : i32
        %dma_wait3A_409 = tpu.memref_slice %arg7[%dma_wait3A_407, %dma_wait3A_408] : memref<16x128xi32, #tpu.memory_space<vmem>> -> memref<1x128xi32, #tpu.memory_space<vmem>>
        %dma_wait3A_410 = tpu.memref_squeeze %dma_wait3A_409 : memref<1x128xi32, #tpu.memory_space<vmem>> -> memref<128xi32, #tpu.memory_space<vmem>>
        %dma_wait3A_411 = arith.constant 0 : i32
        %dma_wait3A_412 = arith.constant 0 : i32
        %dma_wait3A_413 = tpu.memref_slice %arg2[%dma_wait3A_411, %dma_wait3A_412] : memref<10000x128xf32, #tpu.memory_space<hbm>> -> memref<10000x128xf32, #tpu.memory_space<hbm>>
        tpu.wait_indirect_dma semaphore(%arg13 : memref<!tpu.dma_semaphore, #tpu.memory_space<semaphore_mem>>) src(%dma_wait3A_413 : memref<10000x128xf32, #tpu.memory_space<hbm>>) dst(%arg10 : memref<128x128xf32, #tpu.memory_space<vmem>>)
        %dma_start3A_414 = arith.constant 7 : i32
        %dma_start3A_415 = arith.constant 0 : i32
        %dma_start3A_416 = tpu.memref_slice %arg8[%dma_start3A_414, %dma_start3A_415] : memref<16x128xi32, #tpu.memory_space<vmem>> -> memref<1x128xi32, #tpu.memory_space<vmem>>
        %dma_start3A_417 = tpu.memref_squeeze %dma_start3A_416 : memref<1x128xi32, #tpu.memory_space<vmem>> -> memref<128xi32, #tpu.memory_space<vmem>>
        %dma_start3A_418 = arith.constant 0 : i32
        %dma_start3A_419 = arith.constant 0 : i32
        %dma_start3A_420 = tpu.memref_slice %arg11[%dma_start3A_418, %dma_start3A_419] : memref<10112x128xf32, #tpu.memory_space<vmem_shared>> -> memref<10112x128xf32, #tpu.memory_space<vmem_shared>>
        tpu.enqueue_indirect_dma source(%arg10 : memref<128x128xf32, #tpu.memory_space<vmem>>) target(%dma_start3A_420 : memref<10112x128xf32, #tpu.memory_space<vmem_shared>>) offsets(%dma_start3A_417 : memref<128xi32, #tpu.memory_space<vmem>>) semaphore(%arg15 : memref<!tpu.dma_semaphore, #tpu.memory_space<semaphore_mem>>) {add = true}
        %dma_start3A_421 = arith.constant 7 : i32
        %dma_start3A_422 = arith.constant 0 : i32
        %dma_start3A_423 = tpu.memref_slice %arg8[%dma_start3A_421, %dma_start3A_422] : memref<16x128xi32, #tpu.memory_space<vmem>> -> memref<1x128xi32, #tpu.memory_space<vmem>>
        %dma_start3A_424 = tpu.memref_squeeze %dma_start3A_423 : memref<1x128xi32, #tpu.memory_space<vmem>> -> memref<128xi32, #tpu.memory_space<vmem>>
        %dma_start3A_425 = arith.constant 0 : i32
        %dma_start3A_426 = tpu.memref_slice %arg18[%dma_start3A_425] : memref<10112xf32, #tpu.memory_space<vmem_shared>> -> memref<10112xf32, #tpu.memory_space<vmem_shared>>
        tpu.enqueue_indirect_dma source(%arg16 : memref<128xf32, #tpu.memory_space<vmem>>) target(%dma_start3A_426 : memref<10112xf32, #tpu.memory_space<vmem_shared>>) offsets(%dma_start3A_424 : memref<128xi32, #tpu.memory_space<vmem>>) semaphore(%arg19 : memref<!tpu.dma_semaphore, #tpu.memory_space<semaphore_mem>>) {add = true}
        %dma_wait3A_427 = arith.constant 7 : i32
        %dma_wait3A_428 = arith.constant 0 : i32
        %dma_wait3A_429 = tpu.memref_slice %arg8[%dma_wait3A_427, %dma_wait3A_428] : memref<16x128xi32, #tpu.memory_space<vmem>> -> memref<1x128xi32, #tpu.memory_space<vmem>>
        %dma_wait3A_430 = tpu.memref_squeeze %dma_wait3A_429 : memref<1x128xi32, #tpu.memory_space<vmem>> -> memref<128xi32, #tpu.memory_space<vmem>>
        %dma_wait3A_431 = arith.constant 0 : i32
        %dma_wait3A_432 = arith.constant 0 : i32
        %dma_wait3A_433 = tpu.memref_slice %arg11[%dma_wait3A_431, %dma_wait3A_432] : memref<10112x128xf32, #tpu.memory_space<vmem_shared>> -> memref<10112x128xf32, #tpu.memory_space<vmem_shared>>
        tpu.wait_indirect_dma semaphore(%arg15 : memref<!tpu.dma_semaphore, #tpu.memory_space<semaphore_mem>>) src(%arg10 : memref<128x128xf32, #tpu.memory_space<vmem>>) dst(%dma_wait3A_433 : memref<10112x128xf32, #tpu.memory_space<vmem_shared>>)
        %dma_start3A_434 = arith.constant 9 : i32
        %dma_start3A_435 = arith.constant 0 : i32
        %dma_start3A_436 = tpu.memref_slice %arg7[%dma_start3A_434, %dma_start3A_435] : memref<16x128xi32, #tpu.memory_space<vmem>> -> memref<1x128xi32, #tpu.memory_space<vmem>>
        %dma_start3A_437 = tpu.memref_squeeze %dma_start3A_436 : memref<1x128xi32, #tpu.memory_space<vmem>> -> memref<128xi32, #tpu.memory_space<vmem>>
        %dma_start3A_438 = arith.constant 0 : i32
        %dma_start3A_439 = arith.constant 0 : i32
        %dma_start3A_440 = tpu.memref_slice %arg2[%dma_start3A_438, %dma_start3A_439] : memref<10000x128xf32, #tpu.memory_space<hbm>> -> memref<10000x128xf32, #tpu.memory_space<hbm>>
        tpu.enqueue_indirect_dma source(%dma_start3A_440 : memref<10000x128xf32, #tpu.memory_space<hbm>>) target(%arg10 : memref<128x128xf32, #tpu.memory_space<vmem>>) offsets(%dma_start3A_437 : memref<128xi32, #tpu.memory_space<vmem>>) semaphore(%arg13 : memref<!tpu.dma_semaphore, #tpu.memory_space<semaphore_mem>>)
        %dma_wait3A_441 = arith.constant 8 : i32
        %dma_wait3A_442 = arith.constant 0 : i32
        %dma_wait3A_443 = tpu.memref_slice %arg7[%dma_wait3A_441, %dma_wait3A_442] : memref<16x128xi32, #tpu.memory_space<vmem>> -> memref<1x128xi32, #tpu.memory_space<vmem>>
        %dma_wait3A_444 = tpu.memref_squeeze %dma_wait3A_443 : memref<1x128xi32, #tpu.memory_space<vmem>> -> memref<128xi32, #tpu.memory_space<vmem>>
        %dma_wait3A_445 = arith.constant 0 : i32
        %dma_wait3A_446 = arith.constant 0 : i32
        %dma_wait3A_447 = tpu.memref_slice %arg2[%dma_wait3A_445, %dma_wait3A_446] : memref<10000x128xf32, #tpu.memory_space<hbm>> -> memref<10000x128xf32, #tpu.memory_space<hbm>>
        tpu.wait_indirect_dma semaphore(%arg12 : memref<!tpu.dma_semaphore, #tpu.memory_space<semaphore_mem>>) src(%dma_wait3A_447 : memref<10000x128xf32, #tpu.memory_space<hbm>>) dst(%arg9 : memref<128x128xf32, #tpu.memory_space<vmem>>)
        %dma_start3A_448 = arith.constant 8 : i32
        %dma_start3A_449 = arith.constant 0 : i32
        %dma_start3A_450 = tpu.memref_slice %arg8[%dma_start3A_448, %dma_start3A_449] : memref<16x128xi32, #tpu.memory_space<vmem>> -> memref<1x128xi32, #tpu.memory_space<vmem>>
        %dma_start3A_451 = tpu.memref_squeeze %dma_start3A_450 : memref<1x128xi32, #tpu.memory_space<vmem>> -> memref<128xi32, #tpu.memory_space<vmem>>
        %dma_start3A_452 = arith.constant 0 : i32
        %dma_start3A_453 = arith.constant 0 : i32
        %dma_start3A_454 = tpu.memref_slice %arg11[%dma_start3A_452, %dma_start3A_453] : memref<10112x128xf32, #tpu.memory_space<vmem_shared>> -> memref<10112x128xf32, #tpu.memory_space<vmem_shared>>
        tpu.enqueue_indirect_dma source(%arg9 : memref<128x128xf32, #tpu.memory_space<vmem>>) target(%dma_start3A_454 : memref<10112x128xf32, #tpu.memory_space<vmem_shared>>) offsets(%dma_start3A_451 : memref<128xi32, #tpu.memory_space<vmem>>) semaphore(%arg14 : memref<!tpu.dma_semaphore, #tpu.memory_space<semaphore_mem>>) {add = true}
        %dma_start3A_455 = arith.constant 8 : i32
        %dma_start3A_456 = arith.constant 0 : i32
        %dma_start3A_457 = tpu.memref_slice %arg8[%dma_start3A_455, %dma_start3A_456] : memref<16x128xi32, #tpu.memory_space<vmem>> -> memref<1x128xi32, #tpu.memory_space<vmem>>
        %dma_start3A_458 = tpu.memref_squeeze %dma_start3A_457 : memref<1x128xi32, #tpu.memory_space<vmem>> -> memref<128xi32, #tpu.memory_space<vmem>>
        %dma_start3A_459 = arith.constant 0 : i32
        %dma_start3A_460 = tpu.memref_slice %arg18[%dma_start3A_459] : memref<10112xf32, #tpu.memory_space<vmem_shared>> -> memref<10112xf32, #tpu.memory_space<vmem_shared>>
        tpu.enqueue_indirect_dma source(%arg16 : memref<128xf32, #tpu.memory_space<vmem>>) target(%dma_start3A_460 : memref<10112xf32, #tpu.memory_space<vmem_shared>>) offsets(%dma_start3A_458 : memref<128xi32, #tpu.memory_space<vmem>>) semaphore(%arg19 : memref<!tpu.dma_semaphore, #tpu.memory_space<semaphore_mem>>) {add = true}
        %dma_wait3A_461 = arith.constant 8 : i32
        %dma_wait3A_462 = arith.constant 0 : i32
        %dma_wait3A_463 = tpu.memref_slice %arg8[%dma_wait3A_461, %dma_wait3A_462] : memref<16x128xi32, #tpu.memory_space<vmem>> -> memref<1x128xi32, #tpu.memory_space<vmem>>
        %dma_wait3A_464 = tpu.memref_squeeze %dma_wait3A_463 : memref<1x128xi32, #tpu.memory_space<vmem>> -> memref<128xi32, #tpu.memory_space<vmem>>
        %dma_wait3A_465 = arith.constant 0 : i32
        %dma_wait3A_466 = arith.constant 0 : i32
        %dma_wait3A_467 = tpu.memref_slice %arg11[%dma_wait3A_465, %dma_wait3A_466] : memref<10112x128xf32, #tpu.memory_space<vmem_shared>> -> memref<10112x128xf32, #tpu.memory_space<vmem_shared>>
        tpu.wait_indirect_dma semaphore(%arg14 : memref<!tpu.dma_semaphore, #tpu.memory_space<semaphore_mem>>) src(%arg9 : memref<128x128xf32, #tpu.memory_space<vmem>>) dst(%dma_wait3A_467 : memref<10112x128xf32, #tpu.memory_space<vmem_shared>>)
        %dma_start3A_468 = arith.constant 10 : i32
        %dma_start3A_469 = arith.constant 0 : i32
        %dma_start3A_470 = tpu.memref_slice %arg7[%dma_start3A_468, %dma_start3A_469] : memref<16x128xi32, #tpu.memory_space<vmem>> -> memref<1x128xi32, #tpu.memory_space<vmem>>
        %dma_start3A_471 = tpu.memref_squeeze %dma_start3A_470 : memref<1x128xi32, #tpu.memory_space<vmem>> -> memref<128xi32, #tpu.memory_space<vmem>>
        %dma_start3A_472 = arith.constant 0 : i32
        %dma_start3A_473 = arith.constant 0 : i32
        %dma_start3A_474 = tpu.memref_slice %arg2[%dma_start3A_472, %dma_start3A_473] : memref<10000x128xf32, #tpu.memory_space<hbm>> -> memref<10000x128xf32, #tpu.memory_space<hbm>>
        tpu.enqueue_indirect_dma source(%dma_start3A_474 : memref<10000x128xf32, #tpu.memory_space<hbm>>) target(%arg9 : memref<128x128xf32, #tpu.memory_space<vmem>>) offsets(%dma_start3A_471 : memref<128xi32, #tpu.memory_space<vmem>>) semaphore(%arg12 : memref<!tpu.dma_semaphore, #tpu.memory_space<semaphore_mem>>)
        %dma_wait3A_475 = arith.constant 9 : i32
        %dma_wait3A_476 = arith.constant 0 : i32
        %dma_wait3A_477 = tpu.memref_slice %arg7[%dma_wait3A_475, %dma_wait3A_476] : memref<16x128xi32, #tpu.memory_space<vmem>> -> memref<1x128xi32, #tpu.memory_space<vmem>>
        %dma_wait3A_478 = tpu.memref_squeeze %dma_wait3A_477 : memref<1x128xi32, #tpu.memory_space<vmem>> -> memref<128xi32, #tpu.memory_space<vmem>>
        %dma_wait3A_479 = arith.constant 0 : i32
        %dma_wait3A_480 = arith.constant 0 : i32
        %dma_wait3A_481 = tpu.memref_slice %arg2[%dma_wait3A_479, %dma_wait3A_480] : memref<10000x128xf32, #tpu.memory_space<hbm>> -> memref<10000x128xf32, #tpu.memory_space<hbm>>
        tpu.wait_indirect_dma semaphore(%arg13 : memref<!tpu.dma_semaphore, #tpu.memory_space<semaphore_mem>>) src(%dma_wait3A_481 : memref<10000x128xf32, #tpu.memory_space<hbm>>) dst(%arg10 : memref<128x128xf32, #tpu.memory_space<vmem>>)
        %dma_start3A_482 = arith.constant 9 : i32
        %dma_start3A_483 = arith.constant 0 : i32
        %dma_start3A_484 = tpu.memref_slice %arg8[%dma_start3A_482, %dma_start3A_483] : memref<16x128xi32, #tpu.memory_space<vmem>> -> memref<1x128xi32, #tpu.memory_space<vmem>>
        %dma_start3A_485 = tpu.memref_squeeze %dma_start3A_484 : memref<1x128xi32, #tpu.memory_space<vmem>> -> memref<128xi32, #tpu.memory_space<vmem>>
        %dma_start3A_486 = arith.constant 0 : i32
        %dma_start3A_487 = arith.constant 0 : i32
        %dma_start3A_488 = tpu.memref_slice %arg11[%dma_start3A_486, %dma_start3A_487] : memref<10112x128xf32, #tpu.memory_space<vmem_shared>> -> memref<10112x128xf32, #tpu.memory_space<vmem_shared>>
        tpu.enqueue_indirect_dma source(%arg10 : memref<128x128xf32, #tpu.memory_space<vmem>>) target(%dma_start3A_488 : memref<10112x128xf32, #tpu.memory_space<vmem_shared>>) offsets(%dma_start3A_485 : memref<128xi32, #tpu.memory_space<vmem>>) semaphore(%arg15 : memref<!tpu.dma_semaphore, #tpu.memory_space<semaphore_mem>>) {add = true}
        %dma_start3A_489 = arith.constant 9 : i32
        %dma_start3A_490 = arith.constant 0 : i32
        %dma_start3A_491 = tpu.memref_slice %arg8[%dma_start3A_489, %dma_start3A_490] : memref<16x128xi32, #tpu.memory_space<vmem>> -> memref<1x128xi32, #tpu.memory_space<vmem>>
        %dma_start3A_492 = tpu.memref_squeeze %dma_start3A_491 : memref<1x128xi32, #tpu.memory_space<vmem>> -> memref<128xi32, #tpu.memory_space<vmem>>
        %dma_start3A_493 = arith.constant 0 : i32
        %dma_start3A_494 = tpu.memref_slice %arg18[%dma_start3A_493] : memref<10112xf32, #tpu.memory_space<vmem_shared>> -> memref<10112xf32, #tpu.memory_space<vmem_shared>>
        tpu.enqueue_indirect_dma source(%arg16 : memref<128xf32, #tpu.memory_space<vmem>>) target(%dma_start3A_494 : memref<10112xf32, #tpu.memory_space<vmem_shared>>) offsets(%dma_start3A_492 : memref<128xi32, #tpu.memory_space<vmem>>) semaphore(%arg19 : memref<!tpu.dma_semaphore, #tpu.memory_space<semaphore_mem>>) {add = true}
        %dma_wait3A_495 = arith.constant 9 : i32
        %dma_wait3A_496 = arith.constant 0 : i32
        %dma_wait3A_497 = tpu.memref_slice %arg8[%dma_wait3A_495, %dma_wait3A_496] : memref<16x128xi32, #tpu.memory_space<vmem>> -> memref<1x128xi32, #tpu.memory_space<vmem>>
        %dma_wait3A_498 = tpu.memref_squeeze %dma_wait3A_497 : memref<1x128xi32, #tpu.memory_space<vmem>> -> memref<128xi32, #tpu.memory_space<vmem>>
        %dma_wait3A_499 = arith.constant 0 : i32
        %dma_wait3A_500 = arith.constant 0 : i32
        %dma_wait3A_501 = tpu.memref_slice %arg11[%dma_wait3A_499, %dma_wait3A_500] : memref<10112x128xf32, #tpu.memory_space<vmem_shared>> -> memref<10112x128xf32, #tpu.memory_space<vmem_shared>>
        tpu.wait_indirect_dma semaphore(%arg15 : memref<!tpu.dma_semaphore, #tpu.memory_space<semaphore_mem>>) src(%arg10 : memref<128x128xf32, #tpu.memory_space<vmem>>) dst(%dma_wait3A_501 : memref<10112x128xf32, #tpu.memory_space<vmem_shared>>)
        %dma_start3A_502 = arith.constant 11 : i32
        %dma_start3A_503 = arith.constant 0 : i32
        %dma_start3A_504 = tpu.memref_slice %arg7[%dma_start3A_502, %dma_start3A_503] : memref<16x128xi32, #tpu.memory_space<vmem>> -> memref<1x128xi32, #tpu.memory_space<vmem>>
        %dma_start3A_505 = tpu.memref_squeeze %dma_start3A_504 : memref<1x128xi32, #tpu.memory_space<vmem>> -> memref<128xi32, #tpu.memory_space<vmem>>
        %dma_start3A_506 = arith.constant 0 : i32
        %dma_start3A_507 = arith.constant 0 : i32
        %dma_start3A_508 = tpu.memref_slice %arg2[%dma_start3A_506, %dma_start3A_507] : memref<10000x128xf32, #tpu.memory_space<hbm>> -> memref<10000x128xf32, #tpu.memory_space<hbm>>
        tpu.enqueue_indirect_dma source(%dma_start3A_508 : memref<10000x128xf32, #tpu.memory_space<hbm>>) target(%arg10 : memref<128x128xf32, #tpu.memory_space<vmem>>) offsets(%dma_start3A_505 : memref<128xi32, #tpu.memory_space<vmem>>) semaphore(%arg13 : memref<!tpu.dma_semaphore, #tpu.memory_space<semaphore_mem>>)
        %dma_wait3A_509 = arith.constant 10 : i32
        %dma_wait3A_510 = arith.constant 0 : i32
        %dma_wait3A_511 = tpu.memref_slice %arg7[%dma_wait3A_509, %dma_wait3A_510] : memref<16x128xi32, #tpu.memory_space<vmem>> -> memref<1x128xi32, #tpu.memory_space<vmem>>
        %dma_wait3A_512 = tpu.memref_squeeze %dma_wait3A_511 : memref<1x128xi32, #tpu.memory_space<vmem>> -> memref<128xi32, #tpu.memory_space<vmem>>
        %dma_wait3A_513 = arith.constant 0 : i32
        %dma_wait3A_514 = arith.constant 0 : i32
        %dma_wait3A_515 = tpu.memref_slice %arg2[%dma_wait3A_513, %dma_wait3A_514] : memref<10000x128xf32, #tpu.memory_space<hbm>> -> memref<10000x128xf32, #tpu.memory_space<hbm>>
        tpu.wait_indirect_dma semaphore(%arg12 : memref<!tpu.dma_semaphore, #tpu.memory_space<semaphore_mem>>) src(%dma_wait3A_515 : memref<10000x128xf32, #tpu.memory_space<hbm>>) dst(%arg9 : memref<128x128xf32, #tpu.memory_space<vmem>>)
        %dma_start3A_516 = arith.constant 10 : i32
        %dma_start3A_517 = arith.constant 0 : i32
        %dma_start3A_518 = tpu.memref_slice %arg8[%dma_start3A_516, %dma_start3A_517] : memref<16x128xi32, #tpu.memory_space<vmem>> -> memref<1x128xi32, #tpu.memory_space<vmem>>
        %dma_start3A_519 = tpu.memref_squeeze %dma_start3A_518 : memref<1x128xi32, #tpu.memory_space<vmem>> -> memref<128xi32, #tpu.memory_space<vmem>>
        %dma_start3A_520 = arith.constant 0 : i32
        %dma_start3A_521 = arith.constant 0 : i32
        %dma_start3A_522 = tpu.memref_slice %arg11[%dma_start3A_520, %dma_start3A_521] : memref<10112x128xf32, #tpu.memory_space<vmem_shared>> -> memref<10112x128xf32, #tpu.memory_space<vmem_shared>>
        tpu.enqueue_indirect_dma source(%arg9 : memref<128x128xf32, #tpu.memory_space<vmem>>) target(%dma_start3A_522 : memref<10112x128xf32, #tpu.memory_space<vmem_shared>>) offsets(%dma_start3A_519 : memref<128xi32, #tpu.memory_space<vmem>>) semaphore(%arg14 : memref<!tpu.dma_semaphore, #tpu.memory_space<semaphore_mem>>) {add = true}
        %dma_start3A_523 = arith.constant 10 : i32
        %dma_start3A_524 = arith.constant 0 : i32
        %dma_start3A_525 = tpu.memref_slice %arg8[%dma_start3A_523, %dma_start3A_524] : memref<16x128xi32, #tpu.memory_space<vmem>> -> memref<1x128xi32, #tpu.memory_space<vmem>>
        %dma_start3A_526 = tpu.memref_squeeze %dma_start3A_525 : memref<1x128xi32, #tpu.memory_space<vmem>> -> memref<128xi32, #tpu.memory_space<vmem>>
        %dma_start3A_527 = arith.constant 0 : i32
        %dma_start3A_528 = tpu.memref_slice %arg18[%dma_start3A_527] : memref<10112xf32, #tpu.memory_space<vmem_shared>> -> memref<10112xf32, #tpu.memory_space<vmem_shared>>
        tpu.enqueue_indirect_dma source(%arg16 : memref<128xf32, #tpu.memory_space<vmem>>) target(%dma_start3A_528 : memref<10112xf32, #tpu.memory_space<vmem_shared>>) offsets(%dma_start3A_526 : memref<128xi32, #tpu.memory_space<vmem>>) semaphore(%arg19 : memref<!tpu.dma_semaphore, #tpu.memory_space<semaphore_mem>>) {add = true}
        %dma_wait3A_529 = arith.constant 10 : i32
        %dma_wait3A_530 = arith.constant 0 : i32
        %dma_wait3A_531 = tpu.memref_slice %arg8[%dma_wait3A_529, %dma_wait3A_530] : memref<16x128xi32, #tpu.memory_space<vmem>> -> memref<1x128xi32, #tpu.memory_space<vmem>>
        %dma_wait3A_532 = tpu.memref_squeeze %dma_wait3A_531 : memref<1x128xi32, #tpu.memory_space<vmem>> -> memref<128xi32, #tpu.memory_space<vmem>>
        %dma_wait3A_533 = arith.constant 0 : i32
        %dma_wait3A_534 = arith.constant 0 : i32
        %dma_wait3A_535 = tpu.memref_slice %arg11[%dma_wait3A_533, %dma_wait3A_534] : memref<10112x128xf32, #tpu.memory_space<vmem_shared>> -> memref<10112x128xf32, #tpu.memory_space<vmem_shared>>
        tpu.wait_indirect_dma semaphore(%arg14 : memref<!tpu.dma_semaphore, #tpu.memory_space<semaphore_mem>>) src(%arg9 : memref<128x128xf32, #tpu.memory_space<vmem>>) dst(%dma_wait3A_535 : memref<10112x128xf32, #tpu.memory_space<vmem_shared>>)
        %dma_start3A_536 = arith.constant 12 : i32
        %dma_start3A_537 = arith.constant 0 : i32
        %dma_start3A_538 = tpu.memref_slice %arg7[%dma_start3A_536, %dma_start3A_537] : memref<16x128xi32, #tpu.memory_space<vmem>> -> memref<1x128xi32, #tpu.memory_space<vmem>>
        %dma_start3A_539 = tpu.memref_squeeze %dma_start3A_538 : memref<1x128xi32, #tpu.memory_space<vmem>> -> memref<128xi32, #tpu.memory_space<vmem>>
        %dma_start3A_540 = arith.constant 0 : i32
        %dma_start3A_541 = arith.constant 0 : i32
        %dma_start3A_542 = tpu.memref_slice %arg2[%dma_start3A_540, %dma_start3A_541] : memref<10000x128xf32, #tpu.memory_space<hbm>> -> memref<10000x128xf32, #tpu.memory_space<hbm>>
        tpu.enqueue_indirect_dma source(%dma_start3A_542 : memref<10000x128xf32, #tpu.memory_space<hbm>>) target(%arg9 : memref<128x128xf32, #tpu.memory_space<vmem>>) offsets(%dma_start3A_539 : memref<128xi32, #tpu.memory_space<vmem>>) semaphore(%arg12 : memref<!tpu.dma_semaphore, #tpu.memory_space<semaphore_mem>>)
        %dma_wait3A_543 = arith.constant 11 : i32
        %dma_wait3A_544 = arith.constant 0 : i32
        %dma_wait3A_545 = tpu.memref_slice %arg7[%dma_wait3A_543, %dma_wait3A_544] : memref<16x128xi32, #tpu.memory_space<vmem>> -> memref<1x128xi32, #tpu.memory_space<vmem>>
        %dma_wait3A_546 = tpu.memref_squeeze %dma_wait3A_545 : memref<1x128xi32, #tpu.memory_space<vmem>> -> memref<128xi32, #tpu.memory_space<vmem>>
        %dma_wait3A_547 = arith.constant 0 : i32
        %dma_wait3A_548 = arith.constant 0 : i32
        %dma_wait3A_549 = tpu.memref_slice %arg2[%dma_wait3A_547, %dma_wait3A_548] : memref<10000x128xf32, #tpu.memory_space<hbm>> -> memref<10000x128xf32, #tpu.memory_space<hbm>>
        tpu.wait_indirect_dma semaphore(%arg13 : memref<!tpu.dma_semaphore, #tpu.memory_space<semaphore_mem>>) src(%dma_wait3A_549 : memref<10000x128xf32, #tpu.memory_space<hbm>>) dst(%arg10 : memref<128x128xf32, #tpu.memory_space<vmem>>)
        %dma_start3A_550 = arith.constant 11 : i32
        %dma_start3A_551 = arith.constant 0 : i32
        %dma_start3A_552 = tpu.memref_slice %arg8[%dma_start3A_550, %dma_start3A_551] : memref<16x128xi32, #tpu.memory_space<vmem>> -> memref<1x128xi32, #tpu.memory_space<vmem>>
        %dma_start3A_553 = tpu.memref_squeeze %dma_start3A_552 : memref<1x128xi32, #tpu.memory_space<vmem>> -> memref<128xi32, #tpu.memory_space<vmem>>
        %dma_start3A_554 = arith.constant 0 : i32
        %dma_start3A_555 = arith.constant 0 : i32
        %dma_start3A_556 = tpu.memref_slice %arg11[%dma_start3A_554, %dma_start3A_555] : memref<10112x128xf32, #tpu.memory_space<vmem_shared>> -> memref<10112x128xf32, #tpu.memory_space<vmem_shared>>
        tpu.enqueue_indirect_dma source(%arg10 : memref<128x128xf32, #tpu.memory_space<vmem>>) target(%dma_start3A_556 : memref<10112x128xf32, #tpu.memory_space<vmem_shared>>) offsets(%dma_start3A_553 : memref<128xi32, #tpu.memory_space<vmem>>) semaphore(%arg15 : memref<!tpu.dma_semaphore, #tpu.memory_space<semaphore_mem>>) {add = true}
        %dma_start3A_557 = arith.constant 11 : i32
        %dma_start3A_558 = arith.constant 0 : i32
        %dma_start3A_559 = tpu.memref_slice %arg8[%dma_start3A_557, %dma_start3A_558] : memref<16x128xi32, #tpu.memory_space<vmem>> -> memref<1x128xi32, #tpu.memory_space<vmem>>
        %dma_start3A_560 = tpu.memref_squeeze %dma_start3A_559 : memref<1x128xi32, #tpu.memory_space<vmem>> -> memref<128xi32, #tpu.memory_space<vmem>>
        %dma_start3A_561 = arith.constant 0 : i32
        %dma_start3A_562 = tpu.memref_slice %arg18[%dma_start3A_561] : memref<10112xf32, #tpu.memory_space<vmem_shared>> -> memref<10112xf32, #tpu.memory_space<vmem_shared>>
        tpu.enqueue_indirect_dma source(%arg16 : memref<128xf32, #tpu.memory_space<vmem>>) target(%dma_start3A_562 : memref<10112xf32, #tpu.memory_space<vmem_shared>>) offsets(%dma_start3A_560 : memref<128xi32, #tpu.memory_space<vmem>>) semaphore(%arg19 : memref<!tpu.dma_semaphore, #tpu.memory_space<semaphore_mem>>) {add = true}
        %dma_wait3A_563 = arith.constant 11 : i32
        %dma_wait3A_564 = arith.constant 0 : i32
        %dma_wait3A_565 = tpu.memref_slice %arg8[%dma_wait3A_563, %dma_wait3A_564] : memref<16x128xi32, #tpu.memory_space<vmem>> -> memref<1x128xi32, #tpu.memory_space<vmem>>
        %dma_wait3A_566 = tpu.memref_squeeze %dma_wait3A_565 : memref<1x128xi32, #tpu.memory_space<vmem>> -> memref<128xi32, #tpu.memory_space<vmem>>
        %dma_wait3A_567 = arith.constant 0 : i32
        %dma_wait3A_568 = arith.constant 0 : i32
        %dma_wait3A_569 = tpu.memref_slice %arg11[%dma_wait3A_567, %dma_wait3A_568] : memref<10112x128xf32, #tpu.memory_space<vmem_shared>> -> memref<10112x128xf32, #tpu.memory_space<vmem_shared>>
        tpu.wait_indirect_dma semaphore(%arg15 : memref<!tpu.dma_semaphore, #tpu.memory_space<semaphore_mem>>) src(%arg10 : memref<128x128xf32, #tpu.memory_space<vmem>>) dst(%dma_wait3A_569 : memref<10112x128xf32, #tpu.memory_space<vmem_shared>>)
        %dma_start3A_570 = arith.constant 13 : i32
        %dma_start3A_571 = arith.constant 0 : i32
        %dma_start3A_572 = tpu.memref_slice %arg7[%dma_start3A_570, %dma_start3A_571] : memref<16x128xi32, #tpu.memory_space<vmem>> -> memref<1x128xi32, #tpu.memory_space<vmem>>
        %dma_start3A_573 = tpu.memref_squeeze %dma_start3A_572 : memref<1x128xi32, #tpu.memory_space<vmem>> -> memref<128xi32, #tpu.memory_space<vmem>>
        %dma_start3A_574 = arith.constant 0 : i32
        %dma_start3A_575 = arith.constant 0 : i32
        %dma_start3A_576 = tpu.memref_slice %arg2[%dma_start3A_574, %dma_start3A_575] : memref<10000x128xf32, #tpu.memory_space<hbm>> -> memref<10000x128xf32, #tpu.memory_space<hbm>>
        tpu.enqueue_indirect_dma source(%dma_start3A_576 : memref<10000x128xf32, #tpu.memory_space<hbm>>) target(%arg10 : memref<128x128xf32, #tpu.memory_space<vmem>>) offsets(%dma_start3A_573 : memref<128xi32, #tpu.memory_space<vmem>>) semaphore(%arg13 : memref<!tpu.dma_semaphore, #tpu.memory_space<semaphore_mem>>)
        %dma_wait3A_577 = arith.constant 12 : i32
        %dma_wait3A_578 = arith.constant 0 : i32
        %dma_wait3A_579 = tpu.memref_slice %arg7[%dma_wait3A_577, %dma_wait3A_578] : memref<16x128xi32, #tpu.memory_space<vmem>> -> memref<1x128xi32, #tpu.memory_space<vmem>>
        %dma_wait3A_580 = tpu.memref_squeeze %dma_wait3A_579 : memref<1x128xi32, #tpu.memory_space<vmem>> -> memref<128xi32, #tpu.memory_space<vmem>>
        %dma_wait3A_581 = arith.constant 0 : i32
        %dma_wait3A_582 = arith.constant 0 : i32
        %dma_wait3A_583 = tpu.memref_slice %arg2[%dma_wait3A_581, %dma_wait3A_582] : memref<10000x128xf32, #tpu.memory_space<hbm>> -> memref<10000x128xf32, #tpu.memory_space<hbm>>
        tpu.wait_indirect_dma semaphore(%arg12 : memref<!tpu.dma_semaphore, #tpu.memory_space<semaphore_mem>>) src(%dma_wait3A_583 : memref<10000x128xf32, #tpu.memory_space<hbm>>) dst(%arg9 : memref<128x128xf32, #tpu.memory_space<vmem>>)
        %dma_start3A_584 = arith.constant 12 : i32
        %dma_start3A_585 = arith.constant 0 : i32
        %dma_start3A_586 = tpu.memref_slice %arg8[%dma_start3A_584, %dma_start3A_585] : memref<16x128xi32, #tpu.memory_space<vmem>> -> memref<1x128xi32, #tpu.memory_space<vmem>>
        %dma_start3A_587 = tpu.memref_squeeze %dma_start3A_586 : memref<1x128xi32, #tpu.memory_space<vmem>> -> memref<128xi32, #tpu.memory_space<vmem>>
        %dma_start3A_588 = arith.constant 0 : i32
        %dma_start3A_589 = arith.constant 0 : i32
        %dma_start3A_590 = tpu.memref_slice %arg11[%dma_start3A_588, %dma_start3A_589] : memref<10112x128xf32, #tpu.memory_space<vmem_shared>> -> memref<10112x128xf32, #tpu.memory_space<vmem_shared>>
        tpu.enqueue_indirect_dma source(%arg9 : memref<128x128xf32, #tpu.memory_space<vmem>>) target(%dma_start3A_590 : memref<10112x128xf32, #tpu.memory_space<vmem_shared>>) offsets(%dma_start3A_587 : memref<128xi32, #tpu.memory_space<vmem>>) semaphore(%arg14 : memref<!tpu.dma_semaphore, #tpu.memory_space<semaphore_mem>>) {add = true}
        %dma_start3A_591 = arith.constant 12 : i32
        %dma_start3A_592 = arith.constant 0 : i32
        %dma_start3A_593 = tpu.memref_slice %arg8[%dma_start3A_591, %dma_start3A_592] : memref<16x128xi32, #tpu.memory_space<vmem>> -> memref<1x128xi32, #tpu.memory_space<vmem>>
        %dma_start3A_594 = tpu.memref_squeeze %dma_start3A_593 : memref<1x128xi32, #tpu.memory_space<vmem>> -> memref<128xi32, #tpu.memory_space<vmem>>
        %dma_start3A_595 = arith.constant 0 : i32
        %dma_start3A_596 = tpu.memref_slice %arg18[%dma_start3A_595] : memref<10112xf32, #tpu.memory_space<vmem_shared>> -> memref<10112xf32, #tpu.memory_space<vmem_shared>>
        tpu.enqueue_indirect_dma source(%arg16 : memref<128xf32, #tpu.memory_space<vmem>>) target(%dma_start3A_596 : memref<10112xf32, #tpu.memory_space<vmem_shared>>) offsets(%dma_start3A_594 : memref<128xi32, #tpu.memory_space<vmem>>) semaphore(%arg19 : memref<!tpu.dma_semaphore, #tpu.memory_space<semaphore_mem>>) {add = true}
        %dma_wait3A_597 = arith.constant 12 : i32
        %dma_wait3A_598 = arith.constant 0 : i32
        %dma_wait3A_599 = tpu.memref_slice %arg8[%dma_wait3A_597, %dma_wait3A_598] : memref<16x128xi32, #tpu.memory_space<vmem>> -> memref<1x128xi32, #tpu.memory_space<vmem>>
        %dma_wait3A_600 = tpu.memref_squeeze %dma_wait3A_599 : memref<1x128xi32, #tpu.memory_space<vmem>> -> memref<128xi32, #tpu.memory_space<vmem>>
        %dma_wait3A_601 = arith.constant 0 : i32
        %dma_wait3A_602 = arith.constant 0 : i32
        %dma_wait3A_603 = tpu.memref_slice %arg11[%dma_wait3A_601, %dma_wait3A_602] : memref<10112x128xf32, #tpu.memory_space<vmem_shared>> -> memref<10112x128xf32, #tpu.memory_space<vmem_shared>>
        tpu.wait_indirect_dma semaphore(%arg14 : memref<!tpu.dma_semaphore, #tpu.memory_space<semaphore_mem>>) src(%arg9 : memref<128x128xf32, #tpu.memory_space<vmem>>) dst(%dma_wait3A_603 : memref<10112x128xf32, #tpu.memory_space<vmem_shared>>)
        %dma_start3A_604 = arith.constant 14 : i32
        %dma_start3A_605 = arith.constant 0 : i32
        %dma_start3A_606 = tpu.memref_slice %arg7[%dma_start3A_604, %dma_start3A_605] : memref<16x128xi32, #tpu.memory_space<vmem>> -> memref<1x128xi32, #tpu.memory_space<vmem>>
        %dma_start3A_607 = tpu.memref_squeeze %dma_start3A_606 : memref<1x128xi32, #tpu.memory_space<vmem>> -> memref<128xi32, #tpu.memory_space<vmem>>
        %dma_start3A_608 = arith.constant 0 : i32
        %dma_start3A_609 = arith.constant 0 : i32
        %dma_start3A_610 = tpu.memref_slice %arg2[%dma_start3A_608, %dma_start3A_609] : memref<10000x128xf32, #tpu.memory_space<hbm>> -> memref<10000x128xf32, #tpu.memory_space<hbm>>
        tpu.enqueue_indirect_dma source(%dma_start3A_610 : memref<10000x128xf32, #tpu.memory_space<hbm>>) target(%arg9 : memref<128x128xf32, #tpu.memory_space<vmem>>) offsets(%dma_start3A_607 : memref<128xi32, #tpu.memory_space<vmem>>) semaphore(%arg12 : memref<!tpu.dma_semaphore, #tpu.memory_space<semaphore_mem>>)
        %dma_wait3A_611 = arith.constant 13 : i32
        %dma_wait3A_612 = arith.constant 0 : i32
        %dma_wait3A_613 = tpu.memref_slice %arg7[%dma_wait3A_611, %dma_wait3A_612] : memref<16x128xi32, #tpu.memory_space<vmem>> -> memref<1x128xi32, #tpu.memory_space<vmem>>
        %dma_wait3A_614 = tpu.memref_squeeze %dma_wait3A_613 : memref<1x128xi32, #tpu.memory_space<vmem>> -> memref<128xi32, #tpu.memory_space<vmem>>
        %dma_wait3A_615 = arith.constant 0 : i32
        %dma_wait3A_616 = arith.constant 0 : i32
        %dma_wait3A_617 = tpu.memref_slice %arg2[%dma_wait3A_615, %dma_wait3A_616] : memref<10000x128xf32, #tpu.memory_space<hbm>> -> memref<10000x128xf32, #tpu.memory_space<hbm>>
        tpu.wait_indirect_dma semaphore(%arg13 : memref<!tpu.dma_semaphore, #tpu.memory_space<semaphore_mem>>) src(%dma_wait3A_617 : memref<10000x128xf32, #tpu.memory_space<hbm>>) dst(%arg10 : memref<128x128xf32, #tpu.memory_space<vmem>>)
        %dma_start3A_618 = arith.constant 13 : i32
        %dma_start3A_619 = arith.constant 0 : i32
        %dma_start3A_620 = tpu.memref_slice %arg8[%dma_start3A_618, %dma_start3A_619] : memref<16x128xi32, #tpu.memory_space<vmem>> -> memref<1x128xi32, #tpu.memory_space<vmem>>
        %dma_start3A_621 = tpu.memref_squeeze %dma_start3A_620 : memref<1x128xi32, #tpu.memory_space<vmem>> -> memref<128xi32, #tpu.memory_space<vmem>>
        %dma_start3A_622 = arith.constant 0 : i32
        %dma_start3A_623 = arith.constant 0 : i32
        %dma_start3A_624 = tpu.memref_slice %arg11[%dma_start3A_622, %dma_start3A_623] : memref<10112x128xf32, #tpu.memory_space<vmem_shared>> -> memref<10112x128xf32, #tpu.memory_space<vmem_shared>>
        tpu.enqueue_indirect_dma source(%arg10 : memref<128x128xf32, #tpu.memory_space<vmem>>) target(%dma_start3A_624 : memref<10112x128xf32, #tpu.memory_space<vmem_shared>>) offsets(%dma_start3A_621 : memref<128xi32, #tpu.memory_space<vmem>>) semaphore(%arg15 : memref<!tpu.dma_semaphore, #tpu.memory_space<semaphore_mem>>) {add = true}
        %dma_start3A_625 = arith.constant 13 : i32
        %dma_start3A_626 = arith.constant 0 : i32
        %dma_start3A_627 = tpu.memref_slice %arg8[%dma_start3A_625, %dma_start3A_626] : memref<16x128xi32, #tpu.memory_space<vmem>> -> memref<1x128xi32, #tpu.memory_space<vmem>>
        %dma_start3A_628 = tpu.memref_squeeze %dma_start3A_627 : memref<1x128xi32, #tpu.memory_space<vmem>> -> memref<128xi32, #tpu.memory_space<vmem>>
        %dma_start3A_629 = arith.constant 0 : i32
        %dma_start3A_630 = tpu.memref_slice %arg18[%dma_start3A_629] : memref<10112xf32, #tpu.memory_space<vmem_shared>> -> memref<10112xf32, #tpu.memory_space<vmem_shared>>
        tpu.enqueue_indirect_dma source(%arg16 : memref<128xf32, #tpu.memory_space<vmem>>) target(%dma_start3A_630 : memref<10112xf32, #tpu.memory_space<vmem_shared>>) offsets(%dma_start3A_628 : memref<128xi32, #tpu.memory_space<vmem>>) semaphore(%arg19 : memref<!tpu.dma_semaphore, #tpu.memory_space<semaphore_mem>>) {add = true}
        %dma_wait3A_631 = arith.constant 13 : i32
        %dma_wait3A_632 = arith.constant 0 : i32
        %dma_wait3A_633 = tpu.memref_slice %arg8[%dma_wait3A_631, %dma_wait3A_632] : memref<16x128xi32, #tpu.memory_space<vmem>> -> memref<1x128xi32, #tpu.memory_space<vmem>>
        %dma_wait3A_634 = tpu.memref_squeeze %dma_wait3A_633 : memref<1x128xi32, #tpu.memory_space<vmem>> -> memref<128xi32, #tpu.memory_space<vmem>>
        %dma_wait3A_635 = arith.constant 0 : i32
        %dma_wait3A_636 = arith.constant 0 : i32
        %dma_wait3A_637 = tpu.memref_slice %arg11[%dma_wait3A_635, %dma_wait3A_636] : memref<10112x128xf32, #tpu.memory_space<vmem_shared>> -> memref<10112x128xf32, #tpu.memory_space<vmem_shared>>
        tpu.wait_indirect_dma semaphore(%arg15 : memref<!tpu.dma_semaphore, #tpu.memory_space<semaphore_mem>>) src(%arg10 : memref<128x128xf32, #tpu.memory_space<vmem>>) dst(%dma_wait3A_637 : memref<10112x128xf32, #tpu.memory_space<vmem_shared>>)
        %dma_start3A_638 = arith.constant 15 : i32
        %dma_start3A_639 = arith.constant 0 : i32
        %dma_start3A_640 = tpu.memref_slice %arg7[%dma_start3A_638, %dma_start3A_639] : memref<16x128xi32, #tpu.memory_space<vmem>> -> memref<1x128xi32, #tpu.memory_space<vmem>>
        %dma_start3A_641 = tpu.memref_squeeze %dma_start3A_640 : memref<1x128xi32, #tpu.memory_space<vmem>> -> memref<128xi32, #tpu.memory_space<vmem>>
        %dma_start3A_642 = arith.constant 0 : i32
        %dma_start3A_643 = arith.constant 0 : i32
        %dma_start3A_644 = tpu.memref_slice %arg2[%dma_start3A_642, %dma_start3A_643] : memref<10000x128xf32, #tpu.memory_space<hbm>> -> memref<10000x128xf32, #tpu.memory_space<hbm>>
        tpu.enqueue_indirect_dma source(%dma_start3A_644 : memref<10000x128xf32, #tpu.memory_space<hbm>>) target(%arg10 : memref<128x128xf32, #tpu.memory_space<vmem>>) offsets(%dma_start3A_641 : memref<128xi32, #tpu.memory_space<vmem>>) semaphore(%arg13 : memref<!tpu.dma_semaphore, #tpu.memory_space<semaphore_mem>>)
        %dma_wait3A_645 = arith.constant 14 : i32
        %dma_wait3A_646 = arith.constant 0 : i32
        %dma_wait3A_647 = tpu.memref_slice %arg7[%dma_wait3A_645, %dma_wait3A_646] : memref<16x128xi32, #tpu.memory_space<vmem>> -> memref<1x128xi32, #tpu.memory_space<vmem>>
        %dma_wait3A_648 = tpu.memref_squeeze %dma_wait3A_647 : memref<1x128xi32, #tpu.memory_space<vmem>> -> memref<128xi32, #tpu.memory_space<vmem>>
        %dma_wait3A_649 = arith.constant 0 : i32
        %dma_wait3A_650 = arith.constant 0 : i32
        %dma_wait3A_651 = tpu.memref_slice %arg2[%dma_wait3A_649, %dma_wait3A_650] : memref<10000x128xf32, #tpu.memory_space<hbm>> -> memref<10000x128xf32, #tpu.memory_space<hbm>>
        tpu.wait_indirect_dma semaphore(%arg12 : memref<!tpu.dma_semaphore, #tpu.memory_space<semaphore_mem>>) src(%dma_wait3A_651 : memref<10000x128xf32, #tpu.memory_space<hbm>>) dst(%arg9 : memref<128x128xf32, #tpu.memory_space<vmem>>)
        %dma_start3A_652 = arith.constant 14 : i32
        %dma_start3A_653 = arith.constant 0 : i32
        %dma_start3A_654 = tpu.memref_slice %arg8[%dma_start3A_652, %dma_start3A_653] : memref<16x128xi32, #tpu.memory_space<vmem>> -> memref<1x128xi32, #tpu.memory_space<vmem>>
        %dma_start3A_655 = tpu.memref_squeeze %dma_start3A_654 : memref<1x128xi32, #tpu.memory_space<vmem>> -> memref<128xi32, #tpu.memory_space<vmem>>
        %dma_start3A_656 = arith.constant 0 : i32
        %dma_start3A_657 = arith.constant 0 : i32
        %dma_start3A_658 = tpu.memref_slice %arg11[%dma_start3A_656, %dma_start3A_657] : memref<10112x128xf32, #tpu.memory_space<vmem_shared>> -> memref<10112x128xf32, #tpu.memory_space<vmem_shared>>
        tpu.enqueue_indirect_dma source(%arg9 : memref<128x128xf32, #tpu.memory_space<vmem>>) target(%dma_start3A_658 : memref<10112x128xf32, #tpu.memory_space<vmem_shared>>) offsets(%dma_start3A_655 : memref<128xi32, #tpu.memory_space<vmem>>) semaphore(%arg14 : memref<!tpu.dma_semaphore, #tpu.memory_space<semaphore_mem>>) {add = true}
        %dma_start3A_659 = arith.constant 14 : i32
        %dma_start3A_660 = arith.constant 0 : i32
        %dma_start3A_661 = tpu.memref_slice %arg8[%dma_start3A_659, %dma_start3A_660] : memref<16x128xi32, #tpu.memory_space<vmem>> -> memref<1x128xi32, #tpu.memory_space<vmem>>
        %dma_start3A_662 = tpu.memref_squeeze %dma_start3A_661 : memref<1x128xi32, #tpu.memory_space<vmem>> -> memref<128xi32, #tpu.memory_space<vmem>>
        %dma_start3A_663 = arith.constant 0 : i32
        %dma_start3A_664 = tpu.memref_slice %arg18[%dma_start3A_663] : memref<10112xf32, #tpu.memory_space<vmem_shared>> -> memref<10112xf32, #tpu.memory_space<vmem_shared>>
        tpu.enqueue_indirect_dma source(%arg16 : memref<128xf32, #tpu.memory_space<vmem>>) target(%dma_start3A_664 : memref<10112xf32, #tpu.memory_space<vmem_shared>>) offsets(%dma_start3A_662 : memref<128xi32, #tpu.memory_space<vmem>>) semaphore(%arg19 : memref<!tpu.dma_semaphore, #tpu.memory_space<semaphore_mem>>) {add = true}
        %dma_wait3A_665 = arith.constant 15 : i32
        %dma_wait3A_666 = arith.constant 0 : i32
        %dma_wait3A_667 = tpu.memref_slice %arg7[%dma_wait3A_665, %dma_wait3A_666] : memref<16x128xi32, #tpu.memory_space<vmem>> -> memref<1x128xi32, #tpu.memory_space<vmem>>
        %dma_wait3A_668 = tpu.memref_squeeze %dma_wait3A_667 : memref<1x128xi32, #tpu.memory_space<vmem>> -> memref<128xi32, #tpu.memory_space<vmem>>
        %dma_wait3A_669 = arith.constant 0 : i32
        %dma_wait3A_670 = arith.constant 0 : i32
        %dma_wait3A_671 = tpu.memref_slice %arg2[%dma_wait3A_669, %dma_wait3A_670] : memref<10000x128xf32, #tpu.memory_space<hbm>> -> memref<10000x128xf32, #tpu.memory_space<hbm>>
        tpu.wait_indirect_dma semaphore(%arg13 : memref<!tpu.dma_semaphore, #tpu.memory_space<semaphore_mem>>) src(%dma_wait3A_671 : memref<10000x128xf32, #tpu.memory_space<hbm>>) dst(%arg10 : memref<128x128xf32, #tpu.memory_space<vmem>>)
        %dma_start3A_672 = arith.constant 15 : i32
        %dma_start3A_673 = arith.constant 0 : i32
        %dma_start3A_674 = tpu.memref_slice %arg8[%dma_start3A_672, %dma_start3A_673] : memref<16x128xi32, #tpu.memory_space<vmem>> -> memref<1x128xi32, #tpu.memory_space<vmem>>
        %dma_start3A_675 = tpu.memref_squeeze %dma_start3A_674 : memref<1x128xi32, #tpu.memory_space<vmem>> -> memref<128xi32, #tpu.memory_space<vmem>>
        %dma_start3A_676 = arith.constant 0 : i32
        %dma_start3A_677 = arith.constant 0 : i32
        %dma_start3A_678 = tpu.memref_slice %arg11[%dma_start3A_676, %dma_start3A_677] : memref<10112x128xf32, #tpu.memory_space<vmem_shared>> -> memref<10112x128xf32, #tpu.memory_space<vmem_shared>>
        tpu.enqueue_indirect_dma source(%arg10 : memref<128x128xf32, #tpu.memory_space<vmem>>) target(%dma_start3A_678 : memref<10112x128xf32, #tpu.memory_space<vmem_shared>>) offsets(%dma_start3A_675 : memref<128xi32, #tpu.memory_space<vmem>>) semaphore(%arg15 : memref<!tpu.dma_semaphore, #tpu.memory_space<semaphore_mem>>) {add = true}
        %dma_start3A_679 = arith.constant 15 : i32
        %dma_start3A_680 = arith.constant 0 : i32
        %dma_start3A_681 = tpu.memref_slice %arg8[%dma_start3A_679, %dma_start3A_680] : memref<16x128xi32, #tpu.memory_space<vmem>> -> memref<1x128xi32, #tpu.memory_space<vmem>>
        %dma_start3A_682 = tpu.memref_squeeze %dma_start3A_681 : memref<1x128xi32, #tpu.memory_space<vmem>> -> memref<128xi32, #tpu.memory_space<vmem>>
        %dma_start3A_683 = arith.constant 0 : i32
        %dma_start3A_684 = tpu.memref_slice %arg18[%dma_start3A_683] : memref<10112xf32, #tpu.memory_space<vmem_shared>> -> memref<10112xf32, #tpu.memory_space<vmem_shared>>
        tpu.enqueue_indirect_dma source(%arg16 : memref<128xf32, #tpu.memory_space<vmem>>) target(%dma_start3A_684 : memref<10112xf32, #tpu.memory_space<vmem_shared>>) offsets(%dma_start3A_682 : memref<128xi32, #tpu.memory_space<vmem>>) semaphore(%arg19 : memref<!tpu.dma_semaphore, #tpu.memory_space<semaphore_mem>>) {add = true}
        %dma_wait3A_685 = arith.constant 14 : i32
        %dma_wait3A_686 = arith.constant 0 : i32
        %dma_wait3A_687 = tpu.memref_slice %arg8[%dma_wait3A_685, %dma_wait3A_686] : memref<16x128xi32, #tpu.memory_space<vmem>> -> memref<1x128xi32, #tpu.memory_space<vmem>>
        %dma_wait3A_688 = tpu.memref_squeeze %dma_wait3A_687 : memref<1x128xi32, #tpu.memory_space<vmem>> -> memref<128xi32, #tpu.memory_space<vmem>>
        %dma_wait3A_689 = arith.constant 0 : i32
        %dma_wait3A_690 = arith.constant 0 : i32
        %dma_wait3A_691 = tpu.memref_slice %arg11[%dma_wait3A_689, %dma_wait3A_690] : memref<10112x128xf32, #tpu.memory_space<vmem_shared>> -> memref<10112x128xf32, #tpu.memory_space<vmem_shared>>
        tpu.wait_indirect_dma semaphore(%arg14 : memref<!tpu.dma_semaphore, #tpu.memory_space<semaphore_mem>>) src(%arg9 : memref<128x128xf32, #tpu.memory_space<vmem>>) dst(%dma_wait3A_691 : memref<10112x128xf32, #tpu.memory_space<vmem_shared>>)
        %dma_wait3A_692 = arith.constant 15 : i32
        %dma_wait3A_693 = arith.constant 0 : i32
        %dma_wait3A_694 = tpu.memref_slice %arg8[%dma_wait3A_692, %dma_wait3A_693] : memref<16x128xi32, #tpu.memory_space<vmem>> -> memref<1x128xi32, #tpu.memory_space<vmem>>
        %dma_wait3A_695 = tpu.memref_squeeze %dma_wait3A_694 : memref<1x128xi32, #tpu.memory_space<vmem>> -> memref<128xi32, #tpu.memory_space<vmem>>
        %dma_wait3A_696 = arith.constant 0 : i32
        %dma_wait3A_697 = arith.constant 0 : i32
        %dma_wait3A_698 = tpu.memref_slice %arg11[%dma_wait3A_696, %dma_wait3A_697] : memref<10112x128xf32, #tpu.memory_space<vmem_shared>> -> memref<10112x128xf32, #tpu.memory_space<vmem_shared>>
        tpu.wait_indirect_dma semaphore(%arg15 : memref<!tpu.dma_semaphore, #tpu.memory_space<semaphore_mem>>) src(%arg10 : memref<128x128xf32, #tpu.memory_space<vmem>>) dst(%dma_wait3A_698 : memref<10112x128xf32, #tpu.memory_space<vmem_shared>>)
        %dma_wait3A_699 = arith.constant 0 : i32
        %dma_wait3A_700 = arith.constant 0 : i32
        %dma_wait3A_701 = tpu.memref_slice %arg8[%dma_wait3A_699, %dma_wait3A_700] : memref<16x128xi32, #tpu.memory_space<vmem>> -> memref<1x128xi32, #tpu.memory_space<vmem>>
        %dma_wait3A_702 = tpu.memref_squeeze %dma_wait3A_701 : memref<1x128xi32, #tpu.memory_space<vmem>> -> memref<128xi32, #tpu.memory_space<vmem>>
        %dma_wait3A_703 = arith.constant 0 : i32
        %dma_wait3A_704 = tpu.memref_slice %arg18[%dma_wait3A_703] : memref<10112xf32, #tpu.memory_space<vmem_shared>> -> memref<10112xf32, #tpu.memory_space<vmem_shared>>
        tpu.wait_indirect_dma semaphore(%arg19 : memref<!tpu.dma_semaphore, #tpu.memory_space<semaphore_mem>>) src(%arg16 : memref<128xf32, #tpu.memory_space<vmem>>) dst(%dma_wait3A_704 : memref<10112xf32, #tpu.memory_space<vmem_shared>>)
        %dma_wait3A_705 = arith.constant 1 : i32
        %dma_wait3A_706 = arith.constant 0 : i32
        %dma_wait3A_707 = tpu.memref_slice %arg8[%dma_wait3A_705, %dma_wait3A_706] : memref<16x128xi32, #tpu.memory_space<vmem>> -> memref<1x128xi32, #tpu.memory_space<vmem>>
        %dma_wait3A_708 = tpu.memref_squeeze %dma_wait3A_707 : memref<1x128xi32, #tpu.memory_space<vmem>> -> memref<128xi32, #tpu.memory_space<vmem>>
        %dma_wait3A_709 = arith.constant 0 : i32
        %dma_wait3A_710 = tpu.memref_slice %arg18[%dma_wait3A_709] : memref<10112xf32, #tpu.memory_space<vmem_shared>> -> memref<10112xf32, #tpu.memory_space<vmem_shared>>
        tpu.wait_indirect_dma semaphore(%arg19 : memref<!tpu.dma_semaphore, #tpu.memory_space<semaphore_mem>>) src(%arg16 : memref<128xf32, #tpu.memory_space<vmem>>) dst(%dma_wait3A_710 : memref<10112xf32, #tpu.memory_space<vmem_shared>>)
        %dma_wait3A_711 = arith.constant 2 : i32
        %dma_wait3A_712 = arith.constant 0 : i32
        %dma_wait3A_713 = tpu.memref_slice %arg8[%dma_wait3A_711, %dma_wait3A_712] : memref<16x128xi32, #tpu.memory_space<vmem>> -> memref<1x128xi32, #tpu.memory_space<vmem>>
        %dma_wait3A_714 = tpu.memref_squeeze %dma_wait3A_713 : memref<1x128xi32, #tpu.memory_space<vmem>> -> memref<128xi32, #tpu.memory_space<vmem>>
        %dma_wait3A_715 = arith.constant 0 : i32
        %dma_wait3A_716 = tpu.memref_slice %arg18[%dma_wait3A_715] : memref<10112xf32, #tpu.memory_space<vmem_shared>> -> memref<10112xf32, #tpu.memory_space<vmem_shared>>
        tpu.wait_indirect_dma semaphore(%arg19 : memref<!tpu.dma_semaphore, #tpu.memory_space<semaphore_mem>>) src(%arg16 : memref<128xf32, #tpu.memory_space<vmem>>) dst(%dma_wait3A_716 : memref<10112xf32, #tpu.memory_space<vmem_shared>>)
        %dma_wait3A_717 = arith.constant 3 : i32
        %dma_wait3A_718 = arith.constant 0 : i32
        %dma_wait3A_719 = tpu.memref_slice %arg8[%dma_wait3A_717, %dma_wait3A_718] : memref<16x128xi32, #tpu.memory_space<vmem>> -> memref<1x128xi32, #tpu.memory_space<vmem>>
        %dma_wait3A_720 = tpu.memref_squeeze %dma_wait3A_719 : memref<1x128xi32, #tpu.memory_space<vmem>> -> memref<128xi32, #tpu.memory_space<vmem>>
        %dma_wait3A_721 = arith.constant 0 : i32
        %dma_wait3A_722 = tpu.memref_slice %arg18[%dma_wait3A_721] : memref<10112xf32, #tpu.memory_space<vmem_shared>> -> memref<10112xf32, #tpu.memory_space<vmem_shared>>
        tpu.wait_indirect_dma semaphore(%arg19 : memref<!tpu.dma_semaphore, #tpu.memory_space<semaphore_mem>>) src(%arg16 : memref<128xf32, #tpu.memory_space<vmem>>) dst(%dma_wait3A_722 : memref<10112xf32, #tpu.memory_space<vmem_shared>>)
        %dma_wait3A_723 = arith.constant 4 : i32
        %dma_wait3A_724 = arith.constant 0 : i32
        %dma_wait3A_725 = tpu.memref_slice %arg8[%dma_wait3A_723, %dma_wait3A_724] : memref<16x128xi32, #tpu.memory_space<vmem>> -> memref<1x128xi32, #tpu.memory_space<vmem>>
        %dma_wait3A_726 = tpu.memref_squeeze %dma_wait3A_725 : memref<1x128xi32, #tpu.memory_space<vmem>> -> memref<128xi32, #tpu.memory_space<vmem>>
        %dma_wait3A_727 = arith.constant 0 : i32
        %dma_wait3A_728 = tpu.memref_slice %arg18[%dma_wait3A_727] : memref<10112xf32, #tpu.memory_space<vmem_shared>> -> memref<10112xf32, #tpu.memory_space<vmem_shared>>
        tpu.wait_indirect_dma semaphore(%arg19 : memref<!tpu.dma_semaphore, #tpu.memory_space<semaphore_mem>>) src(%arg16 : memref<128xf32, #tpu.memory_space<vmem>>) dst(%dma_wait3A_728 : memref<10112xf32, #tpu.memory_space<vmem_shared>>)
        %dma_wait3A_729 = arith.constant 5 : i32
        %dma_wait3A_730 = arith.constant 0 : i32
        %dma_wait3A_731 = tpu.memref_slice %arg8[%dma_wait3A_729, %dma_wait3A_730] : memref<16x128xi32, #tpu.memory_space<vmem>> -> memref<1x128xi32, #tpu.memory_space<vmem>>
        %dma_wait3A_732 = tpu.memref_squeeze %dma_wait3A_731 : memref<1x128xi32, #tpu.memory_space<vmem>> -> memref<128xi32, #tpu.memory_space<vmem>>
        %dma_wait3A_733 = arith.constant 0 : i32
        %dma_wait3A_734 = tpu.memref_slice %arg18[%dma_wait3A_733] : memref<10112xf32, #tpu.memory_space<vmem_shared>> -> memref<10112xf32, #tpu.memory_space<vmem_shared>>
        tpu.wait_indirect_dma semaphore(%arg19 : memref<!tpu.dma_semaphore, #tpu.memory_space<semaphore_mem>>) src(%arg16 : memref<128xf32, #tpu.memory_space<vmem>>) dst(%dma_wait3A_734 : memref<10112xf32, #tpu.memory_space<vmem_shared>>)
        %dma_wait3A_735 = arith.constant 6 : i32
        %dma_wait3A_736 = arith.constant 0 : i32
        %dma_wait3A_737 = tpu.memref_slice %arg8[%dma_wait3A_735, %dma_wait3A_736] : memref<16x128xi32, #tpu.memory_space<vmem>> -> memref<1x128xi32, #tpu.memory_space<vmem>>
        %dma_wait3A_738 = tpu.memref_squeeze %dma_wait3A_737 : memref<1x128xi32, #tpu.memory_space<vmem>> -> memref<128xi32, #tpu.memory_space<vmem>>
        %dma_wait3A_739 = arith.constant 0 : i32
        %dma_wait3A_740 = tpu.memref_slice %arg18[%dma_wait3A_739] : memref<10112xf32, #tpu.memory_space<vmem_shared>> -> memref<10112xf32, #tpu.memory_space<vmem_shared>>
        tpu.wait_indirect_dma semaphore(%arg19 : memref<!tpu.dma_semaphore, #tpu.memory_space<semaphore_mem>>) src(%arg16 : memref<128xf32, #tpu.memory_space<vmem>>) dst(%dma_wait3A_740 : memref<10112xf32, #tpu.memory_space<vmem_shared>>)
        %dma_wait3A_741 = arith.constant 7 : i32
        %dma_wait3A_742 = arith.constant 0 : i32
        %dma_wait3A_743 = tpu.memref_slice %arg8[%dma_wait3A_741, %dma_wait3A_742] : memref<16x128xi32, #tpu.memory_space<vmem>> -> memref<1x128xi32, #tpu.memory_space<vmem>>
        %dma_wait3A_744 = tpu.memref_squeeze %dma_wait3A_743 : memref<1x128xi32, #tpu.memory_space<vmem>> -> memref<128xi32, #tpu.memory_space<vmem>>
        %dma_wait3A_745 = arith.constant 0 : i32
        %dma_wait3A_746 = tpu.memref_slice %arg18[%dma_wait3A_745] : memref<10112xf32, #tpu.memory_space<vmem_shared>> -> memref<10112xf32, #tpu.memory_space<vmem_shared>>
        tpu.wait_indirect_dma semaphore(%arg19 : memref<!tpu.dma_semaphore, #tpu.memory_space<semaphore_mem>>) src(%arg16 : memref<128xf32, #tpu.memory_space<vmem>>) dst(%dma_wait3A_746 : memref<10112xf32, #tpu.memory_space<vmem_shared>>)
        %dma_wait3A_747 = arith.constant 8 : i32
        %dma_wait3A_748 = arith.constant 0 : i32
        %dma_wait3A_749 = tpu.memref_slice %arg8[%dma_wait3A_747, %dma_wait3A_748] : memref<16x128xi32, #tpu.memory_space<vmem>> -> memref<1x128xi32, #tpu.memory_space<vmem>>
        %dma_wait3A_750 = tpu.memref_squeeze %dma_wait3A_749 : memref<1x128xi32, #tpu.memory_space<vmem>> -> memref<128xi32, #tpu.memory_space<vmem>>
        %dma_wait3A_751 = arith.constant 0 : i32
        %dma_wait3A_752 = tpu.memref_slice %arg18[%dma_wait3A_751] : memref<10112xf32, #tpu.memory_space<vmem_shared>> -> memref<10112xf32, #tpu.memory_space<vmem_shared>>
        tpu.wait_indirect_dma semaphore(%arg19 : memref<!tpu.dma_semaphore, #tpu.memory_space<semaphore_mem>>) src(%arg16 : memref<128xf32, #tpu.memory_space<vmem>>) dst(%dma_wait3A_752 : memref<10112xf32, #tpu.memory_space<vmem_shared>>)
        %dma_wait3A_753 = arith.constant 9 : i32
        %dma_wait3A_754 = arith.constant 0 : i32
        %dma_wait3A_755 = tpu.memref_slice %arg8[%dma_wait3A_753, %dma_wait3A_754] : memref<16x128xi32, #tpu.memory_space<vmem>> -> memref<1x128xi32, #tpu.memory_space<vmem>>
        %dma_wait3A_756 = tpu.memref_squeeze %dma_wait3A_755 : memref<1x128xi32, #tpu.memory_space<vmem>> -> memref<128xi32, #tpu.memory_space<vmem>>
        %dma_wait3A_757 = arith.constant 0 : i32
        %dma_wait3A_758 = tpu.memref_slice %arg18[%dma_wait3A_757] : memref<10112xf32, #tpu.memory_space<vmem_shared>> -> memref<10112xf32, #tpu.memory_space<vmem_shared>>
        tpu.wait_indirect_dma semaphore(%arg19 : memref<!tpu.dma_semaphore, #tpu.memory_space<semaphore_mem>>) src(%arg16 : memref<128xf32, #tpu.memory_space<vmem>>) dst(%dma_wait3A_758 : memref<10112xf32, #tpu.memory_space<vmem_shared>>)
        %dma_wait3A_759 = arith.constant 10 : i32
        %dma_wait3A_760 = arith.constant 0 : i32
        %dma_wait3A_761 = tpu.memref_slice %arg8[%dma_wait3A_759, %dma_wait3A_760] : memref<16x128xi32, #tpu.memory_space<vmem>> -> memref<1x128xi32, #tpu.memory_space<vmem>>
        %dma_wait3A_762 = tpu.memref_squeeze %dma_wait3A_761 : memref<1x128xi32, #tpu.memory_space<vmem>> -> memref<128xi32, #tpu.memory_space<vmem>>
        %dma_wait3A_763 = arith.constant 0 : i32
        %dma_wait3A_764 = tpu.memref_slice %arg18[%dma_wait3A_763] : memref<10112xf32, #tpu.memory_space<vmem_shared>> -> memref<10112xf32, #tpu.memory_space<vmem_shared>>
        tpu.wait_indirect_dma semaphore(%arg19 : memref<!tpu.dma_semaphore, #tpu.memory_space<semaphore_mem>>) src(%arg16 : memref<128xf32, #tpu.memory_space<vmem>>) dst(%dma_wait3A_764 : memref<10112xf32, #tpu.memory_space<vmem_shared>>)
        %dma_wait3A_765 = arith.constant 11 : i32
        %dma_wait3A_766 = arith.constant 0 : i32
        %dma_wait3A_767 = tpu.memref_slice %arg8[%dma_wait3A_765, %dma_wait3A_766] : memref<16x128xi32, #tpu.memory_space<vmem>> -> memref<1x128xi32, #tpu.memory_space<vmem>>
        %dma_wait3A_768 = tpu.memref_squeeze %dma_wait3A_767 : memref<1x128xi32, #tpu.memory_space<vmem>> -> memref<128xi32, #tpu.memory_space<vmem>>
        %dma_wait3A_769 = arith.constant 0 : i32
        %dma_wait3A_770 = tpu.memref_slice %arg18[%dma_wait3A_769] : memref<10112xf32, #tpu.memory_space<vmem_shared>> -> memref<10112xf32, #tpu.memory_space<vmem_shared>>
        tpu.wait_indirect_dma semaphore(%arg19 : memref<!tpu.dma_semaphore, #tpu.memory_space<semaphore_mem>>) src(%arg16 : memref<128xf32, #tpu.memory_space<vmem>>) dst(%dma_wait3A_770 : memref<10112xf32, #tpu.memory_space<vmem_shared>>)
        %dma_wait3A_771 = arith.constant 12 : i32
        %dma_wait3A_772 = arith.constant 0 : i32
        %dma_wait3A_773 = tpu.memref_slice %arg8[%dma_wait3A_771, %dma_wait3A_772] : memref<16x128xi32, #tpu.memory_space<vmem>> -> memref<1x128xi32, #tpu.memory_space<vmem>>
        %dma_wait3A_774 = tpu.memref_squeeze %dma_wait3A_773 : memref<1x128xi32, #tpu.memory_space<vmem>> -> memref<128xi32, #tpu.memory_space<vmem>>
        %dma_wait3A_775 = arith.constant 0 : i32
        %dma_wait3A_776 = tpu.memref_slice %arg18[%dma_wait3A_775] : memref<10112xf32, #tpu.memory_space<vmem_shared>> -> memref<10112xf32, #tpu.memory_space<vmem_shared>>
        tpu.wait_indirect_dma semaphore(%arg19 : memref<!tpu.dma_semaphore, #tpu.memory_space<semaphore_mem>>) src(%arg16 : memref<128xf32, #tpu.memory_space<vmem>>) dst(%dma_wait3A_776 : memref<10112xf32, #tpu.memory_space<vmem_shared>>)
        %dma_wait3A_777 = arith.constant 13 : i32
        %dma_wait3A_778 = arith.constant 0 : i32
        %dma_wait3A_779 = tpu.memref_slice %arg8[%dma_wait3A_777, %dma_wait3A_778] : memref<16x128xi32, #tpu.memory_space<vmem>> -> memref<1x128xi32, #tpu.memory_space<vmem>>
        %dma_wait3A_780 = tpu.memref_squeeze %dma_wait3A_779 : memref<1x128xi32, #tpu.memory_space<vmem>> -> memref<128xi32, #tpu.memory_space<vmem>>
        %dma_wait3A_781 = arith.constant 0 : i32
        %dma_wait3A_782 = tpu.memref_slice %arg18[%dma_wait3A_781] : memref<10112xf32, #tpu.memory_space<vmem_shared>> -> memref<10112xf32, #tpu.memory_space<vmem_shared>>
        tpu.wait_indirect_dma semaphore(%arg19 : memref<!tpu.dma_semaphore, #tpu.memory_space<semaphore_mem>>) src(%arg16 : memref<128xf32, #tpu.memory_space<vmem>>) dst(%dma_wait3A_782 : memref<10112xf32, #tpu.memory_space<vmem_shared>>)
        %dma_wait3A_783 = arith.constant 14 : i32
        %dma_wait3A_784 = arith.constant 0 : i32
        %dma_wait3A_785 = tpu.memref_slice %arg8[%dma_wait3A_783, %dma_wait3A_784] : memref<16x128xi32, #tpu.memory_space<vmem>> -> memref<1x128xi32, #tpu.memory_space<vmem>>
        %dma_wait3A_786 = tpu.memref_squeeze %dma_wait3A_785 : memref<1x128xi32, #tpu.memory_space<vmem>> -> memref<128xi32, #tpu.memory_space<vmem>>
        %dma_wait3A_787 = arith.constant 0 : i32
        %dma_wait3A_788 = tpu.memref_slice %arg18[%dma_wait3A_787] : memref<10112xf32, #tpu.memory_space<vmem_shared>> -> memref<10112xf32, #tpu.memory_space<vmem_shared>>
        tpu.wait_indirect_dma semaphore(%arg19 : memref<!tpu.dma_semaphore, #tpu.memory_space<semaphore_mem>>) src(%arg16 : memref<128xf32, #tpu.memory_space<vmem>>) dst(%dma_wait3A_788 : memref<10112xf32, #tpu.memory_space<vmem_shared>>)
        %dma_wait3A_789 = arith.constant 15 : i32
        %dma_wait3A_790 = arith.constant 0 : i32
        %dma_wait3A_791 = tpu.memref_slice %arg8[%dma_wait3A_789, %dma_wait3A_790] : memref<16x128xi32, #tpu.memory_space<vmem>> -> memref<1x128xi32, #tpu.memory_space<vmem>>
        %dma_wait3A_792 = tpu.memref_squeeze %dma_wait3A_791 : memref<1x128xi32, #tpu.memory_space<vmem>> -> memref<128xi32, #tpu.memory_space<vmem>>
        %dma_wait3A_793 = arith.constant 0 : i32
        %dma_wait3A_794 = tpu.memref_slice %arg18[%dma_wait3A_793] : memref<10112xf32, #tpu.memory_space<vmem_shared>> -> memref<10112xf32, #tpu.memory_space<vmem_shared>>
        tpu.wait_indirect_dma semaphore(%arg19 : memref<!tpu.dma_semaphore, #tpu.memory_space<semaphore_mem>>) src(%arg16 : memref<128xf32, #tpu.memory_space<vmem>>) dst(%dma_wait3A_794 : memref<10112xf32, #tpu.memory_space<vmem_shared>>)
      }
      %scan3A_147 = arith.constant 2 : i32
    } else {
    }
    %barrier3A_125 = arith.constant 0 : index
    tpu.barrier barrier_id(%barrier3A_125)
    %mul3A_126 = arith.constant 624 : i32
    %mul3A_127 = arith.muli %arg1, %mul3A_126 : i32
    %multiple_of3A_128 = tpu.assume_multiple %mul3A_127, 8 : i32
    %lt3A = arith.constant 15 : i32
    %lt3A_129 = arith.cmpi slt, %arg1, %lt3A : i32
    %convert_element_type3A_130 = arith.extui %lt3A_129 : i1 to i32
    %cond3A_131 = arith.constant 0 : i32
    %cond3A_132 = arith.cmpi ne, %convert_element_type3A_130, %cond3A_131 : i32
    scf.if %cond3A_132 {
      "tpu.region"() ({
        %run_scoped3A = tpu.sem_alloc : memref<!tpu.dma_semaphore, #tpu.memory_space<semaphore_mem>>
        %dma_start3A = arith.constant 0 : i32
        %dma_start3A_138 = tpu.memref_slice %arg5[%arg0, %multiple_of3A_128, %dma_start3A] : memref<2x10000x128xf32, #tpu.memory_space<hbm>> -> memref<1x624x128xf32, #tpu.memory_space<hbm>>
        %dma_start3A_139 = tpu.memref_squeeze %dma_start3A_138 : memref<1x624x128xf32, #tpu.memory_space<hbm>> -> memref<624x128xf32, #tpu.memory_space<hbm>>
        %dma_start3A_140 = arith.constant 0 : i32
        %dma_start3A_141 = tpu.memref_slice %arg11[%multiple_of3A_128, %dma_start3A_140] : memref<10112x128xf32, #tpu.memory_space<vmem_shared>> -> memref<624x128xf32, #tpu.memory_space<vmem_shared>>
        tpu.enqueue_dma source(%dma_start3A_141 : memref<624x128xf32, #tpu.memory_space<vmem_shared>>) target(%dma_start3A_139 : memref<624x128xf32, #tpu.memory_space<hbm>>) target_semaphore(%run_scoped3A : memref<!tpu.dma_semaphore, #tpu.memory_space<semaphore_mem>>)
        %dma_wait3A = arith.constant 0 : i32
        %dma_wait3A_142 = tpu.memref_slice %arg5[%arg0, %multiple_of3A_128, %dma_wait3A] : memref<2x10000x128xf32, #tpu.memory_space<hbm>> -> memref<1x624x128xf32, #tpu.memory_space<hbm>>
        %dma_wait3A_143 = tpu.memref_squeeze %dma_wait3A_142 : memref<1x624x128xf32, #tpu.memory_space<hbm>> -> memref<624x128xf32, #tpu.memory_space<hbm>>
        %dma_wait3A_144 = arith.constant 0 : i32
        %dma_wait3A_145 = tpu.memref_slice %arg11[%multiple_of3A_128, %dma_wait3A_144] : memref<10112x128xf32, #tpu.memory_space<vmem_shared>> -> memref<624x128xf32, #tpu.memory_space<vmem_shared>>
        tpu.wait_dma2 semaphore(%run_scoped3A : memref<!tpu.dma_semaphore, #tpu.memory_space<semaphore_mem>>) src(%dma_wait3A_145 : memref<624x128xf32, #tpu.memory_space<vmem_shared>>) dst(%dma_wait3A_143 : memref<624x128xf32, #tpu.memory_space<hbm>>)
        tpu.yield
      }) : () -> ()
    } else {
    }
    %eq3A_133 = arith.constant 15 : i32
    %eq3A_134 = arith.cmpi eq, %arg1, %eq3A_133 : i32
    %convert_element_type3A_135 = arith.extui %eq3A_134 : i1 to i32
    %cond3A_136 = arith.constant 0 : i32
    %cond3A_137 = arith.cmpi ne, %convert_element_type3A_135, %cond3A_136 : i32
    scf.if %cond3A_137 {
      "tpu.region"() ({
        %run_scoped3A = tpu.sem_alloc : memref<!tpu.dma_semaphore, #tpu.memory_space<semaphore_mem>>
        %dma_start3A = arith.constant 9360 : i32
        %dma_start3A_138 = arith.constant 0 : i32
        %dma_start3A_139 = tpu.memref_slice %arg5[%arg0, %dma_start3A, %dma_start3A_138] : memref<2x10000x128xf32, #tpu.memory_space<hbm>> -> memref<1x640x128xf32, #tpu.memory_space<hbm>>
        %dma_start3A_140 = tpu.memref_squeeze %dma_start3A_139 : memref<1x640x128xf32, #tpu.memory_space<hbm>> -> memref<640x128xf32, #tpu.memory_space<hbm>>
        %dma_start3A_141 = arith.constant 9360 : i32
        %dma_start3A_142 = arith.constant 0 : i32
        %dma_start3A_143 = tpu.memref_slice %arg11[%dma_start3A_141, %dma_start3A_142] : memref<10112x128xf32, #tpu.memory_space<vmem_shared>> -> memref<640x128xf32, #tpu.memory_space<vmem_shared>>
        tpu.enqueue_dma source(%dma_start3A_143 : memref<640x128xf32, #tpu.memory_space<vmem_shared>>) target(%dma_start3A_140 : memref<640x128xf32, #tpu.memory_space<hbm>>) target_semaphore(%run_scoped3A : memref<!tpu.dma_semaphore, #tpu.memory_space<semaphore_mem>>)
        %dma_wait3A = arith.constant 9360 : i32
        %dma_wait3A_144 = arith.constant 0 : i32
        %dma_wait3A_145 = tpu.memref_slice %arg5[%arg0, %dma_wait3A, %dma_wait3A_144] : memref<2x10000x128xf32, #tpu.memory_space<hbm>> -> memref<1x640x128xf32, #tpu.memory_space<hbm>>
        %dma_wait3A_146 = tpu.memref_squeeze %dma_wait3A_145 : memref<1x640x128xf32, #tpu.memory_space<hbm>> -> memref<640x128xf32, #tpu.memory_space<hbm>>
        %dma_wait3A_147 = arith.constant 9360 : i32
        %dma_wait3A_148 = arith.constant 0 : i32
        %dma_wait3A_149 = tpu.memref_slice %arg11[%dma_wait3A_147, %dma_wait3A_148] : memref<10112x128xf32, #tpu.memory_space<vmem_shared>> -> memref<640x128xf32, #tpu.memory_space<vmem_shared>>
        tpu.wait_dma2 semaphore(%run_scoped3A : memref<!tpu.dma_semaphore, #tpu.memory_space<semaphore_mem>>) src(%dma_wait3A_149 : memref<640x128xf32, #tpu.memory_space<vmem_shared>>) dst(%dma_wait3A_146 : memref<640x128xf32, #tpu.memory_space<hbm>>)
        tpu.yield
      }) : () -> ()
    } else {
    }
    "tpu.region"() ({
      %run_scoped3A = tpu.sem_alloc : memref<!tpu.dma_semaphore, #tpu.memory_space<semaphore_mem>>
      %dma_start3A = arith.constant 0 : i32
      %dma_start3A_138 = tpu.memref_slice %arg6[%arg0, %arg1, %dma_start3A] : memref<2x16x632xf32, #tpu.memory_space<hbm>> -> memref<1x1x632xf32, #tpu.memory_space<hbm>>
      %dma_start3A_139 = tpu.memref_squeeze %dma_start3A_138 : memref<1x1x632xf32, #tpu.memory_space<hbm>> -> memref<632xf32, #tpu.memory_space<hbm>>
      %dma_start3A_140 = tpu.memref_slice %arg18[%multiple_of3A] : memref<10112xf32, #tpu.memory_space<vmem_shared>> -> memref<632xf32, #tpu.memory_space<vmem_shared>>
      tpu.enqueue_dma source(%dma_start3A_140 : memref<632xf32, #tpu.memory_space<vmem_shared>>) target(%dma_start3A_139 : memref<632xf32, #tpu.memory_space<hbm>>) target_semaphore(%run_scoped3A : memref<!tpu.dma_semaphore, #tpu.memory_space<semaphore_mem>>)
      %dma_wait3A = arith.constant 0 : i32
      %dma_wait3A_141 = tpu.memref_slice %arg6[%arg0, %arg1, %dma_wait3A] : memref<2x16x632xf32, #tpu.memory_space<hbm>> -> memref<1x1x632xf32, #tpu.memory_space<hbm>>
      %dma_wait3A_142 = tpu.memref_squeeze %dma_wait3A_141 : memref<1x1x632xf32, #tpu.memory_space<hbm>> -> memref<632xf32, #tpu.memory_space<hbm>>
      %dma_wait3A_143 = tpu.memref_slice %arg18[%multiple_of3A] : memref<10112xf32, #tpu.memory_space<vmem_shared>> -> memref<632xf32, #tpu.memory_space<vmem_shared>>
      tpu.wait_dma2 semaphore(%run_scoped3A : memref<!tpu.dma_semaphore, #tpu.memory_space<semaphore_mem>>) src(%dma_wait3A_143 : memref<632xf32, #tpu.memory_space<vmem_shared>>) dst(%dma_wait3A_142 : memref<632xf32, #tpu.memory_space<hbm>>)
      tpu.yield
    }) : () -> ()
    return
  }
}

#map = affine_map<(d0, d1) -> (0, 0)>
#map1 = affine_map<(d0, d1) -> (0, 0, 0)>
module attributes {stable_mosaic.version = 14 : i64} {
  func.func @body(%arg0: i32, %arg1: i32, %arg2: memref<10000x128xf32, #tpu.memory_space<hbm>>, %arg3: memref<2560x128xi32, #tpu.memory_space<hbm>>, %arg4: memref<2560x128xi32, #tpu.memory_space<hbm>>, %arg5: memref<2x10000x128xf32, #tpu.memory_space<hbm>>, %arg6: memref<16x128xi32, #tpu.memory_space<vmem>>, %arg7: memref<16x128xi32, #tpu.memory_space<vmem>>, %arg8: memref<128x128xf32, #tpu.memory_space<vmem>>, %arg9: memref<128x128xf32, #tpu.memory_space<vmem>>, %arg10: memref<10112x128xf32, #tpu.memory_space<vmem_shared>>, %arg11: memref<!tpu.dma_semaphore, #tpu.memory_space<semaphore_mem>>, %arg12: memref<!tpu.dma_semaphore, #tpu.memory_space<semaphore_mem>>, %arg13: memref<!tpu.dma_semaphore, #tpu.memory_space<semaphore_mem>>, %arg14: memref<!tpu.dma_semaphore, #tpu.memory_space<semaphore_mem>>) attributes {dimension_semantics = [#tpu.dimension_semantics<core_parallel>, #tpu.dimension_semantics<subcore_parallel>], iteration_bounds = array<i64: 2, 16>, scalar_prefetch = 0 : i64, scratch_operands = 9 : i64, tpu.core_type = #tpu.core_type<sc_vector_subcore>, window_params = [{transform_indices = #map}, {transform_indices = #map}, {transform_indices = #map}, {transform_indices = #map1}]} {
    %scan3A = arith.constant 0 : i32
    %scan3A_0 = arith.constant 128 : i32
    %scan3A_1 = arith.addi %scan3A, %scan3A_0 : i32
    %scan3A_2 = arith.constant 1 : i32
    scf.for %scan3A_34 = %scan3A to %scan3A_1 step %scan3A_2  : i32 {
      %mul3A_35 = arith.constant 1 : i32
      %mul3A_36 = arith.muli %scan3A_34, %mul3A_35 : i32
      %add3A_37 = arith.constant 0 : i32
      %add3A_38 = arith.addi %add3A_37, %mul3A_36 : i32
      %broadcast_in_dim3A = arith.constant 0.000000e+00 : f32
      %broadcast_in_dim3A_39 = vector.broadcast %broadcast_in_dim3A : f32 to vector<16xf32>
      %swap3A = arith.index_cast %add3A_38 : i32 to index
      %swap3A_40 = arith.constant 0 : index
      %swap3A_41 = tpu.vector_load %arg8[%swap3A, %swap3A_40] {strides = array<i32>} : memref<128x128xf32, #tpu.memory_space<vmem>>, vector<1x16xf32>,
      %swap3A_42 = vector.shape_cast %swap3A_41 : vector<1x16xf32> to vector<16xf32>
      %swap3A_43 = vector.shape_cast %broadcast_in_dim3A_39 : vector<16xf32> to vector<1x16xf32>
      tpu.vector_store %arg8[%swap3A, %swap3A_40], %swap3A_43 {strides = array<i32>} : memref<128x128xf32, #tpu.memory_space<vmem>>, vector<1x16xf32>,
      %broadcast_in_dim3A_44 = arith.constant 0.000000e+00 : f32
      %broadcast_in_dim3A_45 = vector.broadcast %broadcast_in_dim3A_44 : f32 to vector<16xf32>
      %swap3A_46 = arith.index_cast %add3A_38 : i32 to index
      %swap3A_47 = arith.constant 16 : index
      %swap3A_48 = tpu.vector_load %arg8[%swap3A_46, %swap3A_47] {strides = array<i32>} : memref<128x128xf32, #tpu.memory_space<vmem>>, vector<1x16xf32>,
      %swap3A_49 = vector.shape_cast %swap3A_48 : vector<1x16xf32> to vector<16xf32>
      %swap3A_50 = vector.shape_cast %broadcast_in_dim3A_45 : vector<16xf32> to vector<1x16xf32>
      tpu.vector_store %arg8[%swap3A_46, %swap3A_47], %swap3A_50 {strides = array<i32>} : memref<128x128xf32, #tpu.memory_space<vmem>>, vector<1x16xf32>,
      %broadcast_in_dim3A_51 = arith.constant 0.000000e+00 : f32
      %broadcast_in_dim3A_52 = vector.broadcast %broadcast_in_dim3A_51 : f32 to vector<16xf32>
      %swap3A_53 = arith.index_cast %add3A_38 : i32 to index
      %swap3A_54 = arith.constant 32 : index
      %swap3A_55 = tpu.vector_load %arg8[%swap3A_53, %swap3A_54] {strides = array<i32>} : memref<128x128xf32, #tpu.memory_space<vmem>>, vector<1x16xf32>,
      %swap3A_56 = vector.shape_cast %swap3A_55 : vector<1x16xf32> to vector<16xf32>
      %swap3A_57 = vector.shape_cast %broadcast_in_dim3A_52 : vector<16xf32> to vector<1x16xf32>
      tpu.vector_store %arg8[%swap3A_53, %swap3A_54], %swap3A_57 {strides = array<i32>} : memref<128x128xf32, #tpu.memory_space<vmem>>, vector<1x16xf32>,
      %broadcast_in_dim3A_58 = arith.constant 0.000000e+00 : f32
      %broadcast_in_dim3A_59 = vector.broadcast %broadcast_in_dim3A_58 : f32 to vector<16xf32>
      %swap3A_60 = arith.index_cast %add3A_38 : i32 to index
      %swap3A_61 = arith.constant 48 : index
      %swap3A_62 = tpu.vector_load %arg8[%swap3A_60, %swap3A_61] {strides = array<i32>} : memref<128x128xf32, #tpu.memory_space<vmem>>, vector<1x16xf32>,
      %swap3A_63 = vector.shape_cast %swap3A_62 : vector<1x16xf32> to vector<16xf32>
      %swap3A_64 = vector.shape_cast %broadcast_in_dim3A_59 : vector<16xf32> to vector<1x16xf32>
      tpu.vector_store %arg8[%swap3A_60, %swap3A_61], %swap3A_64 {strides = array<i32>} : memref<128x128xf32, #tpu.memory_space<vmem>>, vector<1x16xf32>,
      %broadcast_in_dim3A_65 = arith.constant 0.000000e+00 : f32
      %broadcast_in_dim3A_66 = vector.broadcast %broadcast_in_dim3A_65 : f32 to vector<16xf32>
      %swap3A_67 = arith.index_cast %add3A_38 : i32 to index
      %swap3A_68 = arith.constant 64 : index
      %swap3A_69 = tpu.vector_load %arg8[%swap3A_67, %swap3A_68] {strides = array<i32>} : memref<128x128xf32, #tpu.memory_space<vmem>>, vector<1x16xf32>,
      %swap3A_70 = vector.shape_cast %swap3A_69 : vector<1x16xf32> to vector<16xf32>
      %swap3A_71 = vector.shape_cast %broadcast_in_dim3A_66 : vector<16xf32> to vector<1x16xf32>
      tpu.vector_store %arg8[%swap3A_67, %swap3A_68], %swap3A_71 {strides = array<i32>} : memref<128x128xf32, #tpu.memory_space<vmem>>, vector<1x16xf32>,
      %broadcast_in_dim3A_72 = arith.constant 0.000000e+00 : f32
      %broadcast_in_dim3A_73 = vector.broadcast %broadcast_in_dim3A_72 : f32 to vector<16xf32>
      %swap3A_74 = arith.index_cast %add3A_38 : i32 to index
      %swap3A_75 = arith.constant 80 : index
      %swap3A_76 = tpu.vector_load %arg8[%swap3A_74, %swap3A_75] {strides = array<i32>} : memref<128x128xf32, #tpu.memory_space<vmem>>, vector<1x16xf32>,
      %swap3A_77 = vector.shape_cast %swap3A_76 : vector<1x16xf32> to vector<16xf32>
      %swap3A_78 = vector.shape_cast %broadcast_in_dim3A_73 : vector<16xf32> to vector<1x16xf32>
      tpu.vector_store %arg8[%swap3A_74, %swap3A_75], %swap3A_78 {strides = array<i32>} : memref<128x128xf32, #tpu.memory_space<vmem>>, vector<1x16xf32>,
      %broadcast_in_dim3A_79 = arith.constant 0.000000e+00 : f32
      %broadcast_in_dim3A_80 = vector.broadcast %broadcast_in_dim3A_79 : f32 to vector<16xf32>
      %swap3A_81 = arith.index_cast %add3A_38 : i32 to index
      %swap3A_82 = arith.constant 96 : index
      %swap3A_83 = tpu.vector_load %arg8[%swap3A_81, %swap3A_82] {strides = array<i32>} : memref<128x128xf32, #tpu.memory_space<vmem>>, vector<1x16xf32>,
      %swap3A_84 = vector.shape_cast %swap3A_83 : vector<1x16xf32> to vector<16xf32>
      %swap3A_85 = vector.shape_cast %broadcast_in_dim3A_80 : vector<16xf32> to vector<1x16xf32>
      tpu.vector_store %arg8[%swap3A_81, %swap3A_82], %swap3A_85 {strides = array<i32>} : memref<128x128xf32, #tpu.memory_space<vmem>>, vector<1x16xf32>,
      %broadcast_in_dim3A_86 = arith.constant 0.000000e+00 : f32
      %broadcast_in_dim3A_87 = vector.broadcast %broadcast_in_dim3A_86 : f32 to vector<16xf32>
      %swap3A_88 = arith.index_cast %add3A_38 : i32 to index
      %swap3A_89 = arith.constant 112 : index
      %swap3A_90 = tpu.vector_load %arg8[%swap3A_88, %swap3A_89] {strides = array<i32>} : memref<128x128xf32, #tpu.memory_space<vmem>>, vector<1x16xf32>,
      %swap3A_91 = vector.shape_cast %swap3A_90 : vector<1x16xf32> to vector<16xf32>
      %swap3A_92 = vector.shape_cast %broadcast_in_dim3A_87 : vector<16xf32> to vector<1x16xf32>
      tpu.vector_store %arg8[%swap3A_88, %swap3A_89], %swap3A_92 {strides = array<i32>} : memref<128x128xf32, #tpu.memory_space<vmem>>, vector<1x16xf32>,
    }
    %scan3A_3 = arith.constant 128 : i32
    %mul3A = arith.constant 632 : i32
    %mul3A_4 = arith.muli %arg1, %mul3A : i32
    %multiple_of3A = tpu.assume_multiple %mul3A_4, 8 : i32
    %add3A = arith.constant 0 : i32
    %add3A_5 = arith.addi %multiple_of3A, %add3A : i32
    "tpu.region"() ({
      %run_scoped3A = tpu.sem_alloc : memref<!tpu.dma_semaphore, #tpu.memory_space<semaphore_mem>>
      %dma_start3A = arith.constant 0 : i32
      %dma_start3A_34 = tpu.memref_slice %arg10[%add3A_5, %dma_start3A] : memref<10112x128xf32, #tpu.memory_space<vmem_shared>> -> memref<128x128xf32, #tpu.memory_space<vmem_shared>>
      %dma_start3A_35 = arith.constant 0 : i32
      %dma_start3A_36 = tpu.memref_slice %arg10[%add3A_5, %dma_start3A_35] : memref<10112x128xf32, #tpu.memory_space<vmem_shared>> -> memref<128x128xf32, #tpu.memory_space<vmem_shared>>
      tpu.enqueue_dma source(%arg8 : memref<128x128xf32, #tpu.memory_space<vmem>>) target(%dma_start3A_36 : memref<128x128xf32, #tpu.memory_space<vmem_shared>>) target_semaphore(%run_scoped3A : memref<!tpu.dma_semaphore, #tpu.memory_space<semaphore_mem>>)
      %dma_wait3A = arith.constant 0 : i32
      %dma_wait3A_37 = tpu.memref_slice %arg10[%add3A_5, %dma_wait3A] : memref<10112x128xf32, #tpu.memory_space<vmem_shared>> -> memref<128x128xf32, #tpu.memory_space<vmem_shared>>
      %dma_wait3A_38 = arith.constant 0 : i32
      %dma_wait3A_39 = tpu.memref_slice %arg10[%add3A_5, %dma_wait3A_38] : memref<10112x128xf32, #tpu.memory_space<vmem_shared>> -> memref<128x128xf32, #tpu.memory_space<vmem_shared>>
      tpu.wait_dma2 semaphore(%run_scoped3A : memref<!tpu.dma_semaphore, #tpu.memory_space<semaphore_mem>>) src(%arg8 : memref<128x128xf32, #tpu.memory_space<vmem>>) dst(%dma_wait3A_39 : memref<128x128xf32, #tpu.memory_space<vmem_shared>>)
      tpu.yield
    }) : () -> ()
    %add3A_6 = arith.constant 128 : i32
    %add3A_7 = arith.addi %multiple_of3A, %add3A_6 : i32
    "tpu.region"() ({
      %run_scoped3A = tpu.sem_alloc : memref<!tpu.dma_semaphore, #tpu.memory_space<semaphore_mem>>
      %dma_start3A = arith.constant 0 : i32
      %dma_start3A_34 = tpu.memref_slice %arg10[%add3A_7, %dma_start3A] : memref<10112x128xf32, #tpu.memory_space<vmem_shared>> -> memref<128x128xf32, #tpu.memory_space<vmem_shared>>
      %dma_start3A_35 = arith.constant 0 : i32
      %dma_start3A_36 = tpu.memref_slice %arg10[%add3A_7, %dma_start3A_35] : memref<10112x128xf32, #tpu.memory_space<vmem_shared>> -> memref<128x128xf32, #tpu.memory_space<vmem_shared>>
      tpu.enqueue_dma source(%arg8 : memref<128x128xf32, #tpu.memory_space<vmem>>) target(%dma_start3A_36 : memref<128x128xf32, #tpu.memory_space<vmem_shared>>) target_semaphore(%run_scoped3A : memref<!tpu.dma_semaphore, #tpu.memory_space<semaphore_mem>>)
      %dma_wait3A = arith.constant 0 : i32
      %dma_wait3A_37 = tpu.memref_slice %arg10[%add3A_7, %dma_wait3A] : memref<10112x128xf32, #tpu.memory_space<vmem_shared>> -> memref<128x128xf32, #tpu.memory_space<vmem_shared>>
      %dma_wait3A_38 = arith.constant 0 : i32
      %dma_wait3A_39 = tpu.memref_slice %arg10[%add3A_7, %dma_wait3A_38] : memref<10112x128xf32, #tpu.memory_space<vmem_shared>> -> memref<128x128xf32, #tpu.memory_space<vmem_shared>>
      tpu.wait_dma2 semaphore(%run_scoped3A : memref<!tpu.dma_semaphore, #tpu.memory_space<semaphore_mem>>) src(%arg8 : memref<128x128xf32, #tpu.memory_space<vmem>>) dst(%dma_wait3A_39 : memref<128x128xf32, #tpu.memory_space<vmem_shared>>)
      tpu.yield
    }) : () -> ()
    %add3A_8 = arith.constant 256 : i32
    %add3A_9 = arith.addi %multiple_of3A, %add3A_8 : i32
    "tpu.region"() ({
      %run_scoped3A = tpu.sem_alloc : memref<!tpu.dma_semaphore, #tpu.memory_space<semaphore_mem>>
      %dma_start3A = arith.constant 0 : i32
      %dma_start3A_34 = tpu.memref_slice %arg10[%add3A_9, %dma_start3A] : memref<10112x128xf32, #tpu.memory_space<vmem_shared>> -> memref<128x128xf32, #tpu.memory_space<vmem_shared>>
      %dma_start3A_35 = arith.constant 0 : i32
      %dma_start3A_36 = tpu.memref_slice %arg10[%add3A_9, %dma_start3A_35] : memref<10112x128xf32, #tpu.memory_space<vmem_shared>> -> memref<128x128xf32, #tpu.memory_space<vmem_shared>>
      tpu.enqueue_dma source(%arg8 : memref<128x128xf32, #tpu.memory_space<vmem>>) target(%dma_start3A_36 : memref<128x128xf32, #tpu.memory_space<vmem_shared>>) target_semaphore(%run_scoped3A : memref<!tpu.dma_semaphore, #tpu.memory_space<semaphore_mem>>)
      %dma_wait3A = arith.constant 0 : i32
      %dma_wait3A_37 = tpu.memref_slice %arg10[%add3A_9, %dma_wait3A] : memref<10112x128xf32, #tpu.memory_space<vmem_shared>> -> memref<128x128xf32, #tpu.memory_space<vmem_shared>>
      %dma_wait3A_38 = arith.constant 0 : i32
      %dma_wait3A_39 = tpu.memref_slice %arg10[%add3A_9, %dma_wait3A_38] : memref<10112x128xf32, #tpu.memory_space<vmem_shared>> -> memref<128x128xf32, #tpu.memory_space<vmem_shared>>
      tpu.wait_dma2 semaphore(%run_scoped3A : memref<!tpu.dma_semaphore, #tpu.memory_space<semaphore_mem>>) src(%arg8 : memref<128x128xf32, #tpu.memory_space<vmem>>) dst(%dma_wait3A_39 : memref<128x128xf32, #tpu.memory_space<vmem_shared>>)
      tpu.yield
    }) : () -> ()
    %add3A_10 = arith.constant 384 : i32
    %add3A_11 = arith.addi %multiple_of3A, %add3A_10 : i32
    "tpu.region"() ({
      %run_scoped3A = tpu.sem_alloc : memref<!tpu.dma_semaphore, #tpu.memory_space<semaphore_mem>>
      %dma_start3A = arith.constant 0 : i32
      %dma_start3A_34 = tpu.memref_slice %arg10[%add3A_11, %dma_start3A] : memref<10112x128xf32, #tpu.memory_space<vmem_shared>> -> memref<128x128xf32, #tpu.memory_space<vmem_shared>>
      %dma_start3A_35 = arith.constant 0 : i32
      %dma_start3A_36 = tpu.memref_slice %arg10[%add3A_11, %dma_start3A_35] : memref<10112x128xf32, #tpu.memory_space<vmem_shared>> -> memref<128x128xf32, #tpu.memory_space<vmem_shared>>
      tpu.enqueue_dma source(%arg8 : memref<128x128xf32, #tpu.memory_space<vmem>>) target(%dma_start3A_36 : memref<128x128xf32, #tpu.memory_space<vmem_shared>>) target_semaphore(%run_scoped3A : memref<!tpu.dma_semaphore, #tpu.memory_space<semaphore_mem>>)
      %dma_wait3A = arith.constant 0 : i32
      %dma_wait3A_37 = tpu.memref_slice %arg10[%add3A_11, %dma_wait3A] : memref<10112x128xf32, #tpu.memory_space<vmem_shared>> -> memref<128x128xf32, #tpu.memory_space<vmem_shared>>
      %dma_wait3A_38 = arith.constant 0 : i32
      %dma_wait3A_39 = tpu.memref_slice %arg10[%add3A_11, %dma_wait3A_38] : memref<10112x128xf32, #tpu.memory_space<vmem_shared>> -> memref<128x128xf32, #tpu.memory_space<vmem_shared>>
      tpu.wait_dma2 semaphore(%run_scoped3A : memref<!tpu.dma_semaphore, #tpu.memory_space<semaphore_mem>>) src(%arg8 : memref<128x128xf32, #tpu.memory_space<vmem>>) dst(%dma_wait3A_39 : memref<128x128xf32, #tpu.memory_space<vmem_shared>>)
      tpu.yield
    }) : () -> ()
    %add3A_12 = arith.constant 512 : i32
    %add3A_13 = arith.addi %multiple_of3A, %add3A_12 : i32
    "tpu.region"() ({
      %run_scoped3A = tpu.sem_alloc : memref<!tpu.dma_semaphore, #tpu.memory_space<semaphore_mem>>
      %dma_start3A = arith.constant 0 : i32
      %dma_start3A_34 = arith.constant 0 : i32
      %dma_start3A_35 = tpu.memref_slice %arg8[%dma_start3A, %dma_start3A_34] : memref<128x128xf32, #tpu.memory_space<vmem>> -> memref<120x128xf32, #tpu.memory_space<vmem>>
      %dma_start3A_36 = arith.constant 0 : i32
      %dma_start3A_37 = tpu.memref_slice %arg10[%add3A_13, %dma_start3A_36] : memref<10112x128xf32, #tpu.memory_space<vmem_shared>> -> memref<120x128xf32, #tpu.memory_space<vmem_shared>>
      %dma_start3A_38 = arith.constant 0 : i32
      %dma_start3A_39 = tpu.memref_slice %arg10[%add3A_13, %dma_start3A_38] : memref<10112x128xf32, #tpu.memory_space<vmem_shared>> -> memref<120x128xf32, #tpu.memory_space<vmem_shared>>
      %dma_start3A_40 = arith.constant 0 : i32
      %dma_start3A_41 = arith.constant 0 : i32
      %dma_start3A_42 = tpu.memref_slice %arg8[%dma_start3A_40, %dma_start3A_41] : memref<128x128xf32, #tpu.memory_space<vmem>> -> memref<120x128xf32, #tpu.memory_space<vmem>>
      tpu.enqueue_dma source(%dma_start3A_42 : memref<120x128xf32, #tpu.memory_space<vmem>>) target(%dma_start3A_39 : memref<120x128xf32, #tpu.memory_space<vmem_shared>>) target_semaphore(%run_scoped3A : memref<!tpu.dma_semaphore, #tpu.memory_space<semaphore_mem>>)
      %dma_wait3A = arith.constant 0 : i32
      %dma_wait3A_43 = arith.constant 0 : i32
      %dma_wait3A_44 = tpu.memref_slice %arg8[%dma_wait3A, %dma_wait3A_43] : memref<128x128xf32, #tpu.memory_space<vmem>> -> memref<120x128xf32, #tpu.memory_space<vmem>>
      %dma_wait3A_45 = arith.constant 0 : i32
      %dma_wait3A_46 = tpu.memref_slice %arg10[%add3A_13, %dma_wait3A_45] : memref<10112x128xf32, #tpu.memory_space<vmem_shared>> -> memref<120x128xf32, #tpu.memory_space<vmem_shared>>
      %dma_wait3A_47 = arith.constant 0 : i32
      %dma_wait3A_48 = tpu.memref_slice %arg10[%add3A_13, %dma_wait3A_47] : memref<10112x128xf32, #tpu.memory_space<vmem_shared>> -> memref<120x128xf32, #tpu.memory_space<vmem_shared>>
      %dma_wait3A_49 = arith.constant 0 : i32
      %dma_wait3A_50 = arith.constant 0 : i32
      %dma_wait3A_51 = tpu.memref_slice %arg8[%dma_wait3A_49, %dma_wait3A_50] : memref<128x128xf32, #tpu.memory_space<vmem>> -> memref<120x128xf32, #tpu.memory_space<vmem>>
      tpu.wait_dma2 semaphore(%run_scoped3A : memref<!tpu.dma_semaphore, #tpu.memory_space<semaphore_mem>>) src(%dma_wait3A_51 : memref<120x128xf32, #tpu.memory_space<vmem>>) dst(%dma_wait3A_48 : memref<120x128xf32, #tpu.memory_space<vmem_shared>>)
      tpu.yield
    }) : () -> ()
    %barrier3A = arith.constant 0 : index
    tpu.barrier barrier_id(%barrier3A)
    %eq3A = arith.constant 0 : i32
    %eq3A_14 = arith.cmpi eq, %arg0, %eq3A : i32
    %convert_element_type3A = arith.extui %eq3A_14 : i1 to i32
    %cond3A = arith.constant 0 : i32
    %cond3A_15 = arith.cmpi ne, %convert_element_type3A, %cond3A : i32
    scf.if %cond3A_15 {
      %mul3A_34 = arith.constant 128 : i32
      %mul3A_35 = arith.muli %arg1, %mul3A_34 : i32
      %multiple_of3A_36 = tpu.assume_multiple %mul3A_35, 8 : i32
      %scan3A_37 = arith.constant 0 : i32
      %scan3A_38 = arith.constant 8 : i32
      %scan3A_39 = arith.addi %scan3A_37, %scan3A_38 : i32
      %scan3A_40 = arith.constant 1 : i32
      scf.for %scan3A_42 = %scan3A_37 to %scan3A_39 step %scan3A_40  : i32 {
        %mul3A_43 = arith.constant 1 : i32
        %mul3A_44 = arith.muli %scan3A_42, %mul3A_43 : i32
        %add3A_45 = arith.constant 0 : i32
        %add3A_46 = arith.addi %add3A_45, %mul3A_44 : i32
        %mul3A_47 = arith.constant 16 : i32
        %mul3A_48 = arith.muli %add3A_46, %mul3A_47 : i32
        %add3A_49 = arith.addi %multiple_of3A_36, %mul3A_48 : i32
        %multiple_of3A_50 = tpu.assume_multiple %add3A_49, 8 : i32
        "tpu.region"() ({
          %run_scoped3A = tpu.sem_alloc : memref<!tpu.dma_semaphore, #tpu.memory_space<semaphore_mem>>
          %dma_start3A_497 = arith.constant 0 : i32
          %dma_start3A_498 = tpu.memref_slice %arg3[%multiple_of3A_50, %dma_start3A_497] : memref<2560x128xi32, #tpu.memory_space<hbm>> -> memref<16x128xi32, #tpu.memory_space<hbm>>
          %dma_start3A_499 = arith.constant 0 : i32
          %dma_start3A_500 = tpu.memref_slice %arg3[%multiple_of3A_50, %dma_start3A_499] : memref<2560x128xi32, #tpu.memory_space<hbm>> -> memref<16x128xi32, #tpu.memory_space<hbm>>
          tpu.enqueue_dma source(%dma_start3A_500 : memref<16x128xi32, #tpu.memory_space<hbm>>) target(%arg6 : memref<16x128xi32, #tpu.memory_space<vmem>>) target_semaphore(%run_scoped3A : memref<!tpu.dma_semaphore, #tpu.memory_space<semaphore_mem>>)
          %dma_wait3A_501 = arith.constant 0 : i32
          %dma_wait3A_502 = tpu.memref_slice %arg3[%multiple_of3A_50, %dma_wait3A_501] : memref<2560x128xi32, #tpu.memory_space<hbm>> -> memref<16x128xi32, #tpu.memory_space<hbm>>
          %dma_wait3A_503 = arith.constant 0 : i32
          %dma_wait3A_504 = tpu.memref_slice %arg3[%multiple_of3A_50, %dma_wait3A_503] : memref<2560x128xi32, #tpu.memory_space<hbm>> -> memref<16x128xi32, #tpu.memory_space<hbm>>
          tpu.wait_dma2 semaphore(%run_scoped3A : memref<!tpu.dma_semaphore, #tpu.memory_space<semaphore_mem>>) src(%dma_wait3A_504 : memref<16x128xi32, #tpu.memory_space<hbm>>) dst(%arg6 : memref<16x128xi32, #tpu.memory_space<vmem>>)
          tpu.yield
        }) : () -> ()
        "tpu.region"() ({
          %run_scoped3A = tpu.sem_alloc : memref<!tpu.dma_semaphore, #tpu.memory_space<semaphore_mem>>
          %dma_start3A_497 = arith.constant 0 : i32
          %dma_start3A_498 = tpu.memref_slice %arg4[%multiple_of3A_50, %dma_start3A_497] : memref<2560x128xi32, #tpu.memory_space<hbm>> -> memref<16x128xi32, #tpu.memory_space<hbm>>
          %dma_start3A_499 = arith.constant 0 : i32
          %dma_start3A_500 = tpu.memref_slice %arg4[%multiple_of3A_50, %dma_start3A_499] : memref<2560x128xi32, #tpu.memory_space<hbm>> -> memref<16x128xi32, #tpu.memory_space<hbm>>
          tpu.enqueue_dma source(%dma_start3A_500 : memref<16x128xi32, #tpu.memory_space<hbm>>) target(%arg7 : memref<16x128xi32, #tpu.memory_space<vmem>>) target_semaphore(%run_scoped3A : memref<!tpu.dma_semaphore, #tpu.memory_space<semaphore_mem>>)
          %dma_wait3A_501 = arith.constant 0 : i32
          %dma_wait3A_502 = tpu.memref_slice %arg4[%multiple_of3A_50, %dma_wait3A_501] : memref<2560x128xi32, #tpu.memory_space<hbm>> -> memref<16x128xi32, #tpu.memory_space<hbm>>
          %dma_wait3A_503 = arith.constant 0 : i32
          %dma_wait3A_504 = tpu.memref_slice %arg4[%multiple_of3A_50, %dma_wait3A_503] : memref<2560x128xi32, #tpu.memory_space<hbm>> -> memref<16x128xi32, #tpu.memory_space<hbm>>
          tpu.wait_dma2 semaphore(%run_scoped3A : memref<!tpu.dma_semaphore, #tpu.memory_space<semaphore_mem>>) src(%dma_wait3A_504 : memref<16x128xi32, #tpu.memory_space<hbm>>) dst(%arg7 : memref<16x128xi32, #tpu.memory_space<vmem>>)
          tpu.yield
        }) : () -> ()
        %dma_start3A = arith.constant 0 : i32
        %dma_start3A_51 = arith.constant 0 : i32
        %dma_start3A_52 = tpu.memref_slice %arg6[%dma_start3A, %dma_start3A_51] : memref<16x128xi32, #tpu.memory_space<vmem>> -> memref<1x128xi32, #tpu.memory_space<vmem>>
        %dma_start3A_53 = tpu.memref_squeeze %dma_start3A_52 : memref<1x128xi32, #tpu.memory_space<vmem>> -> memref<128xi32, #tpu.memory_space<vmem>>
        %dma_start3A_54 = arith.constant 0 : i32
        %dma_start3A_55 = arith.constant 0 : i32
        %dma_start3A_56 = tpu.memref_slice %arg2[%dma_start3A_54, %dma_start3A_55] : memref<10000x128xf32, #tpu.memory_space<hbm>> -> memref<10000x128xf32, #tpu.memory_space<hbm>>
        tpu.enqueue_indirect_dma source(%dma_start3A_56 : memref<10000x128xf32, #tpu.memory_space<hbm>>) target(%arg8 : memref<128x128xf32, #tpu.memory_space<vmem>>) offsets(%dma_start3A_53 : memref<128xi32, #tpu.memory_space<vmem>>) semaphore(%arg11 : memref<!tpu.dma_semaphore, #tpu.memory_space<semaphore_mem>>)
        %dma_start3A_57 = arith.constant 1 : i32
        %dma_start3A_58 = arith.constant 0 : i32
        %dma_start3A_59 = tpu.memref_slice %arg6[%dma_start3A_57, %dma_start3A_58] : memref<16x128xi32, #tpu.memory_space<vmem>> -> memref<1x128xi32, #tpu.memory_space<vmem>>
        %dma_start3A_60 = tpu.memref_squeeze %dma_start3A_59 : memref<1x128xi32, #tpu.memory_space<vmem>> -> memref<128xi32, #tpu.memory_space<vmem>>
        %dma_start3A_61 = arith.constant 0 : i32
        %dma_start3A_62 = arith.constant 0 : i32
        %dma_start3A_63 = tpu.memref_slice %arg2[%dma_start3A_61, %dma_start3A_62] : memref<10000x128xf32, #tpu.memory_space<hbm>> -> memref<10000x128xf32, #tpu.memory_space<hbm>>
        tpu.enqueue_indirect_dma source(%dma_start3A_63 : memref<10000x128xf32, #tpu.memory_space<hbm>>) target(%arg9 : memref<128x128xf32, #tpu.memory_space<vmem>>) offsets(%dma_start3A_60 : memref<128xi32, #tpu.memory_space<vmem>>) semaphore(%arg12 : memref<!tpu.dma_semaphore, #tpu.memory_space<semaphore_mem>>)
        %dma_wait3A = arith.constant 0 : i32
        %dma_wait3A_64 = arith.constant 0 : i32
        %dma_wait3A_65 = tpu.memref_slice %arg6[%dma_wait3A, %dma_wait3A_64] : memref<16x128xi32, #tpu.memory_space<vmem>> -> memref<1x128xi32, #tpu.memory_space<vmem>>
        %dma_wait3A_66 = tpu.memref_squeeze %dma_wait3A_65 : memref<1x128xi32, #tpu.memory_space<vmem>> -> memref<128xi32, #tpu.memory_space<vmem>>
        %dma_wait3A_67 = arith.constant 0 : i32
        %dma_wait3A_68 = arith.constant 0 : i32
        %dma_wait3A_69 = tpu.memref_slice %arg2[%dma_wait3A_67, %dma_wait3A_68] : memref<10000x128xf32, #tpu.memory_space<hbm>> -> memref<10000x128xf32, #tpu.memory_space<hbm>>
        tpu.wait_indirect_dma semaphore(%arg11 : memref<!tpu.dma_semaphore, #tpu.memory_space<semaphore_mem>>) src(%dma_wait3A_69 : memref<10000x128xf32, #tpu.memory_space<hbm>>) dst(%arg8 : memref<128x128xf32, #tpu.memory_space<vmem>>)
        %dma_start3A_70 = arith.constant 0 : i32
        %dma_start3A_71 = arith.constant 0 : i32
        %dma_start3A_72 = tpu.memref_slice %arg7[%dma_start3A_70, %dma_start3A_71] : memref<16x128xi32, #tpu.memory_space<vmem>> -> memref<1x128xi32, #tpu.memory_space<vmem>>
        %dma_start3A_73 = tpu.memref_squeeze %dma_start3A_72 : memref<1x128xi32, #tpu.memory_space<vmem>> -> memref<128xi32, #tpu.memory_space<vmem>>
        %dma_start3A_74 = arith.constant 0 : i32
        %dma_start3A_75 = arith.constant 0 : i32
        %dma_start3A_76 = tpu.memref_slice %arg10[%dma_start3A_74, %dma_start3A_75] : memref<10112x128xf32, #tpu.memory_space<vmem_shared>> -> memref<10112x128xf32, #tpu.memory_space<vmem_shared>>
        tpu.enqueue_indirect_dma source(%arg8 : memref<128x128xf32, #tpu.memory_space<vmem>>) target(%dma_start3A_76 : memref<10112x128xf32, #tpu.memory_space<vmem_shared>>) offsets(%dma_start3A_73 : memref<128xi32, #tpu.memory_space<vmem>>) semaphore(%arg13 : memref<!tpu.dma_semaphore, #tpu.memory_space<semaphore_mem>>) {add = true}
        %dma_wait3A_77 = arith.constant 0 : i32
        %dma_wait3A_78 = arith.constant 0 : i32
        %dma_wait3A_79 = tpu.memref_slice %arg7[%dma_wait3A_77, %dma_wait3A_78] : memref<16x128xi32, #tpu.memory_space<vmem>> -> memref<1x128xi32, #tpu.memory_space<vmem>>
        %dma_wait3A_80 = tpu.memref_squeeze %dma_wait3A_79 : memref<1x128xi32, #tpu.memory_space<vmem>> -> memref<128xi32, #tpu.memory_space<vmem>>
        %dma_wait3A_81 = arith.constant 0 : i32
        %dma_wait3A_82 = arith.constant 0 : i32
        %dma_wait3A_83 = tpu.memref_slice %arg10[%dma_wait3A_81, %dma_wait3A_82] : memref<10112x128xf32, #tpu.memory_space<vmem_shared>> -> memref<10112x128xf32, #tpu.memory_space<vmem_shared>>
        tpu.wait_indirect_dma semaphore(%arg13 : memref<!tpu.dma_semaphore, #tpu.memory_space<semaphore_mem>>) src(%arg8 : memref<128x128xf32, #tpu.memory_space<vmem>>) dst(%dma_wait3A_83 : memref<10112x128xf32, #tpu.memory_space<vmem_shared>>)
        %dma_start3A_84 = arith.constant 2 : i32
        %dma_start3A_85 = arith.constant 0 : i32
        %dma_start3A_86 = tpu.memref_slice %arg6[%dma_start3A_84, %dma_start3A_85] : memref<16x128xi32, #tpu.memory_space<vmem>> -> memref<1x128xi32, #tpu.memory_space<vmem>>
        %dma_start3A_87 = tpu.memref_squeeze %dma_start3A_86 : memref<1x128xi32, #tpu.memory_space<vmem>> -> memref<128xi32, #tpu.memory_space<vmem>>
        %dma_start3A_88 = arith.constant 0 : i32
        %dma_start3A_89 = arith.constant 0 : i32
        %dma_start3A_90 = tpu.memref_slice %arg2[%dma_start3A_88, %dma_start3A_89] : memref<10000x128xf32, #tpu.memory_space<hbm>> -> memref<10000x128xf32, #tpu.memory_space<hbm>>
        tpu.enqueue_indirect_dma source(%dma_start3A_90 : memref<10000x128xf32, #tpu.memory_space<hbm>>) target(%arg8 : memref<128x128xf32, #tpu.memory_space<vmem>>) offsets(%dma_start3A_87 : memref<128xi32, #tpu.memory_space<vmem>>) semaphore(%arg11 : memref<!tpu.dma_semaphore, #tpu.memory_space<semaphore_mem>>)
        %dma_wait3A_91 = arith.constant 1 : i32
        %dma_wait3A_92 = arith.constant 0 : i32
        %dma_wait3A_93 = tpu.memref_slice %arg6[%dma_wait3A_91, %dma_wait3A_92] : memref<16x128xi32, #tpu.memory_space<vmem>> -> memref<1x128xi32, #tpu.memory_space<vmem>>
        %dma_wait3A_94 = tpu.memref_squeeze %dma_wait3A_93 : memref<1x128xi32, #tpu.memory_space<vmem>> -> memref<128xi32, #tpu.memory_space<vmem>>
        %dma_wait3A_95 = arith.constant 0 : i32
        %dma_wait3A_96 = arith.constant 0 : i32
        %dma_wait3A_97 = tpu.memref_slice %arg2[%dma_wait3A_95, %dma_wait3A_96] : memref<10000x128xf32, #tpu.memory_space<hbm>> -> memref<10000x128xf32, #tpu.memory_space<hbm>>
        tpu.wait_indirect_dma semaphore(%arg12 : memref<!tpu.dma_semaphore, #tpu.memory_space<semaphore_mem>>) src(%dma_wait3A_97 : memref<10000x128xf32, #tpu.memory_space<hbm>>) dst(%arg9 : memref<128x128xf32, #tpu.memory_space<vmem>>)
        %dma_start3A_98 = arith.constant 1 : i32
        %dma_start3A_99 = arith.constant 0 : i32
        %dma_start3A_100 = tpu.memref_slice %arg7[%dma_start3A_98, %dma_start3A_99] : memref<16x128xi32, #tpu.memory_space<vmem>> -> memref<1x128xi32, #tpu.memory_space<vmem>>
        %dma_start3A_101 = tpu.memref_squeeze %dma_start3A_100 : memref<1x128xi32, #tpu.memory_space<vmem>> -> memref<128xi32, #tpu.memory_space<vmem>>
        %dma_start3A_102 = arith.constant 0 : i32
        %dma_start3A_103 = arith.constant 0 : i32
        %dma_start3A_104 = tpu.memref_slice %arg10[%dma_start3A_102, %dma_start3A_103] : memref<10112x128xf32, #tpu.memory_space<vmem_shared>> -> memref<10112x128xf32, #tpu.memory_space<vmem_shared>>
        tpu.enqueue_indirect_dma source(%arg9 : memref<128x128xf32, #tpu.memory_space<vmem>>) target(%dma_start3A_104 : memref<10112x128xf32, #tpu.memory_space<vmem_shared>>) offsets(%dma_start3A_101 : memref<128xi32, #tpu.memory_space<vmem>>) semaphore(%arg14 : memref<!tpu.dma_semaphore, #tpu.memory_space<semaphore_mem>>) {add = true}
        %dma_wait3A_105 = arith.constant 1 : i32
        %dma_wait3A_106 = arith.constant 0 : i32
        %dma_wait3A_107 = tpu.memref_slice %arg7[%dma_wait3A_105, %dma_wait3A_106] : memref<16x128xi32, #tpu.memory_space<vmem>> -> memref<1x128xi32, #tpu.memory_space<vmem>>
        %dma_wait3A_108 = tpu.memref_squeeze %dma_wait3A_107 : memref<1x128xi32, #tpu.memory_space<vmem>> -> memref<128xi32, #tpu.memory_space<vmem>>
        %dma_wait3A_109 = arith.constant 0 : i32
        %dma_wait3A_110 = arith.constant 0 : i32
        %dma_wait3A_111 = tpu.memref_slice %arg10[%dma_wait3A_109, %dma_wait3A_110] : memref<10112x128xf32, #tpu.memory_space<vmem_shared>> -> memref<10112x128xf32, #tpu.memory_space<vmem_shared>>
        tpu.wait_indirect_dma semaphore(%arg14 : memref<!tpu.dma_semaphore, #tpu.memory_space<semaphore_mem>>) src(%arg9 : memref<128x128xf32, #tpu.memory_space<vmem>>) dst(%dma_wait3A_111 : memref<10112x128xf32, #tpu.memory_space<vmem_shared>>)
        %dma_start3A_112 = arith.constant 3 : i32
        %dma_start3A_113 = arith.constant 0 : i32
        %dma_start3A_114 = tpu.memref_slice %arg6[%dma_start3A_112, %dma_start3A_113] : memref<16x128xi32, #tpu.memory_space<vmem>> -> memref<1x128xi32, #tpu.memory_space<vmem>>
        %dma_start3A_115 = tpu.memref_squeeze %dma_start3A_114 : memref<1x128xi32, #tpu.memory_space<vmem>> -> memref<128xi32, #tpu.memory_space<vmem>>
        %dma_start3A_116 = arith.constant 0 : i32
        %dma_start3A_117 = arith.constant 0 : i32
        %dma_start3A_118 = tpu.memref_slice %arg2[%dma_start3A_116, %dma_start3A_117] : memref<10000x128xf32, #tpu.memory_space<hbm>> -> memref<10000x128xf32, #tpu.memory_space<hbm>>
        tpu.enqueue_indirect_dma source(%dma_start3A_118 : memref<10000x128xf32, #tpu.memory_space<hbm>>) target(%arg9 : memref<128x128xf32, #tpu.memory_space<vmem>>) offsets(%dma_start3A_115 : memref<128xi32, #tpu.memory_space<vmem>>) semaphore(%arg12 : memref<!tpu.dma_semaphore, #tpu.memory_space<semaphore_mem>>)
        %dma_wait3A_119 = arith.constant 2 : i32
        %dma_wait3A_120 = arith.constant 0 : i32
        %dma_wait3A_121 = tpu.memref_slice %arg6[%dma_wait3A_119, %dma_wait3A_120] : memref<16x128xi32, #tpu.memory_space<vmem>> -> memref<1x128xi32, #tpu.memory_space<vmem>>
        %dma_wait3A_122 = tpu.memref_squeeze %dma_wait3A_121 : memref<1x128xi32, #tpu.memory_space<vmem>> -> memref<128xi32, #tpu.memory_space<vmem>>
        %dma_wait3A_123 = arith.constant 0 : i32
        %dma_wait3A_124 = arith.constant 0 : i32
        %dma_wait3A_125 = tpu.memref_slice %arg2[%dma_wait3A_123, %dma_wait3A_124] : memref<10000x128xf32, #tpu.memory_space<hbm>> -> memref<10000x128xf32, #tpu.memory_space<hbm>>
        tpu.wait_indirect_dma semaphore(%arg11 : memref<!tpu.dma_semaphore, #tpu.memory_space<semaphore_mem>>) src(%dma_wait3A_125 : memref<10000x128xf32, #tpu.memory_space<hbm>>) dst(%arg8 : memref<128x128xf32, #tpu.memory_space<vmem>>)
        %dma_start3A_126 = arith.constant 2 : i32
        %dma_start3A_127 = arith.constant 0 : i32
        %dma_start3A_128 = tpu.memref_slice %arg7[%dma_start3A_126, %dma_start3A_127] : memref<16x128xi32, #tpu.memory_space<vmem>> -> memref<1x128xi32, #tpu.memory_space<vmem>>
        %dma_start3A_129 = tpu.memref_squeeze %dma_start3A_128 : memref<1x128xi32, #tpu.memory_space<vmem>> -> memref<128xi32, #tpu.memory_space<vmem>>
        %dma_start3A_130 = arith.constant 0 : i32
        %dma_start3A_131 = arith.constant 0 : i32
        %dma_start3A_132 = tpu.memref_slice %arg10[%dma_start3A_130, %dma_start3A_131] : memref<10112x128xf32, #tpu.memory_space<vmem_shared>> -> memref<10112x128xf32, #tpu.memory_space<vmem_shared>>
        tpu.enqueue_indirect_dma source(%arg8 : memref<128x128xf32, #tpu.memory_space<vmem>>) target(%dma_start3A_132 : memref<10112x128xf32, #tpu.memory_space<vmem_shared>>) offsets(%dma_start3A_129 : memref<128xi32, #tpu.memory_space<vmem>>) semaphore(%arg13 : memref<!tpu.dma_semaphore, #tpu.memory_space<semaphore_mem>>) {add = true}
        %dma_wait3A_133 = arith.constant 2 : i32
        %dma_wait3A_134 = arith.constant 0 : i32
        %dma_wait3A_135 = tpu.memref_slice %arg7[%dma_wait3A_133, %dma_wait3A_134] : memref<16x128xi32, #tpu.memory_space<vmem>> -> memref<1x128xi32, #tpu.memory_space<vmem>>
        %dma_wait3A_136 = tpu.memref_squeeze %dma_wait3A_135 : memref<1x128xi32, #tpu.memory_space<vmem>> -> memref<128xi32, #tpu.memory_space<vmem>>
        %dma_wait3A_137 = arith.constant 0 : i32
        %dma_wait3A_138 = arith.constant 0 : i32
        %dma_wait3A_139 = tpu.memref_slice %arg10[%dma_wait3A_137, %dma_wait3A_138] : memref<10112x128xf32, #tpu.memory_space<vmem_shared>> -> memref<10112x128xf32, #tpu.memory_space<vmem_shared>>
        tpu.wait_indirect_dma semaphore(%arg13 : memref<!tpu.dma_semaphore, #tpu.memory_space<semaphore_mem>>) src(%arg8 : memref<128x128xf32, #tpu.memory_space<vmem>>) dst(%dma_wait3A_139 : memref<10112x128xf32, #tpu.memory_space<vmem_shared>>)
        %dma_start3A_140 = arith.constant 4 : i32
        %dma_start3A_141 = arith.constant 0 : i32
        %dma_start3A_142 = tpu.memref_slice %arg6[%dma_start3A_140, %dma_start3A_141] : memref<16x128xi32, #tpu.memory_space<vmem>> -> memref<1x128xi32, #tpu.memory_space<vmem>>
        %dma_start3A_143 = tpu.memref_squeeze %dma_start3A_142 : memref<1x128xi32, #tpu.memory_space<vmem>> -> memref<128xi32, #tpu.memory_space<vmem>>
        %dma_start3A_144 = arith.constant 0 : i32
        %dma_start3A_145 = arith.constant 0 : i32
        %dma_start3A_146 = tpu.memref_slice %arg2[%dma_start3A_144, %dma_start3A_145] : memref<10000x128xf32, #tpu.memory_space<hbm>> -> memref<10000x128xf32, #tpu.memory_space<hbm>>
        tpu.enqueue_indirect_dma source(%dma_start3A_146 : memref<10000x128xf32, #tpu.memory_space<hbm>>) target(%arg8 : memref<128x128xf32, #tpu.memory_space<vmem>>) offsets(%dma_start3A_143 : memref<128xi32, #tpu.memory_space<vmem>>) semaphore(%arg11 : memref<!tpu.dma_semaphore, #tpu.memory_space<semaphore_mem>>)
        %dma_wait3A_147 = arith.constant 3 : i32
        %dma_wait3A_148 = arith.constant 0 : i32
        %dma_wait3A_149 = tpu.memref_slice %arg6[%dma_wait3A_147, %dma_wait3A_148] : memref<16x128xi32, #tpu.memory_space<vmem>> -> memref<1x128xi32, #tpu.memory_space<vmem>>
        %dma_wait3A_150 = tpu.memref_squeeze %dma_wait3A_149 : memref<1x128xi32, #tpu.memory_space<vmem>> -> memref<128xi32, #tpu.memory_space<vmem>>
        %dma_wait3A_151 = arith.constant 0 : i32
        %dma_wait3A_152 = arith.constant 0 : i32
        %dma_wait3A_153 = tpu.memref_slice %arg2[%dma_wait3A_151, %dma_wait3A_152] : memref<10000x128xf32, #tpu.memory_space<hbm>> -> memref<10000x128xf32, #tpu.memory_space<hbm>>
        tpu.wait_indirect_dma semaphore(%arg12 : memref<!tpu.dma_semaphore, #tpu.memory_space<semaphore_mem>>) src(%dma_wait3A_153 : memref<10000x128xf32, #tpu.memory_space<hbm>>) dst(%arg9 : memref<128x128xf32, #tpu.memory_space<vmem>>)
        %dma_start3A_154 = arith.constant 3 : i32
        %dma_start3A_155 = arith.constant 0 : i32
        %dma_start3A_156 = tpu.memref_slice %arg7[%dma_start3A_154, %dma_start3A_155] : memref<16x128xi32, #tpu.memory_space<vmem>> -> memref<1x128xi32, #tpu.memory_space<vmem>>
        %dma_start3A_157 = tpu.memref_squeeze %dma_start3A_156 : memref<1x128xi32, #tpu.memory_space<vmem>> -> memref<128xi32, #tpu.memory_space<vmem>>
        %dma_start3A_158 = arith.constant 0 : i32
        %dma_start3A_159 = arith.constant 0 : i32
        %dma_start3A_160 = tpu.memref_slice %arg10[%dma_start3A_158, %dma_start3A_159] : memref<10112x128xf32, #tpu.memory_space<vmem_shared>> -> memref<10112x128xf32, #tpu.memory_space<vmem_shared>>
        tpu.enqueue_indirect_dma source(%arg9 : memref<128x128xf32, #tpu.memory_space<vmem>>) target(%dma_start3A_160 : memref<10112x128xf32, #tpu.memory_space<vmem_shared>>) offsets(%dma_start3A_157 : memref<128xi32, #tpu.memory_space<vmem>>) semaphore(%arg14 : memref<!tpu.dma_semaphore, #tpu.memory_space<semaphore_mem>>) {add = true}
        %dma_wait3A_161 = arith.constant 3 : i32
        %dma_wait3A_162 = arith.constant 0 : i32
        %dma_wait3A_163 = tpu.memref_slice %arg7[%dma_wait3A_161, %dma_wait3A_162] : memref<16x128xi32, #tpu.memory_space<vmem>> -> memref<1x128xi32, #tpu.memory_space<vmem>>
        %dma_wait3A_164 = tpu.memref_squeeze %dma_wait3A_163 : memref<1x128xi32, #tpu.memory_space<vmem>> -> memref<128xi32, #tpu.memory_space<vmem>>
        %dma_wait3A_165 = arith.constant 0 : i32
        %dma_wait3A_166 = arith.constant 0 : i32
        %dma_wait3A_167 = tpu.memref_slice %arg10[%dma_wait3A_165, %dma_wait3A_166] : memref<10112x128xf32, #tpu.memory_space<vmem_shared>> -> memref<10112x128xf32, #tpu.memory_space<vmem_shared>>
        tpu.wait_indirect_dma semaphore(%arg14 : memref<!tpu.dma_semaphore, #tpu.memory_space<semaphore_mem>>) src(%arg9 : memref<128x128xf32, #tpu.memory_space<vmem>>) dst(%dma_wait3A_167 : memref<10112x128xf32, #tpu.memory_space<vmem_shared>>)
        %dma_start3A_168 = arith.constant 5 : i32
        %dma_start3A_169 = arith.constant 0 : i32
        %dma_start3A_170 = tpu.memref_slice %arg6[%dma_start3A_168, %dma_start3A_169] : memref<16x128xi32, #tpu.memory_space<vmem>> -> memref<1x128xi32, #tpu.memory_space<vmem>>
        %dma_start3A_171 = tpu.memref_squeeze %dma_start3A_170 : memref<1x128xi32, #tpu.memory_space<vmem>> -> memref<128xi32, #tpu.memory_space<vmem>>
        %dma_start3A_172 = arith.constant 0 : i32
        %dma_start3A_173 = arith.constant 0 : i32
        %dma_start3A_174 = tpu.memref_slice %arg2[%dma_start3A_172, %dma_start3A_173] : memref<10000x128xf32, #tpu.memory_space<hbm>> -> memref<10000x128xf32, #tpu.memory_space<hbm>>
        tpu.enqueue_indirect_dma source(%dma_start3A_174 : memref<10000x128xf32, #tpu.memory_space<hbm>>) target(%arg9 : memref<128x128xf32, #tpu.memory_space<vmem>>) offsets(%dma_start3A_171 : memref<128xi32, #tpu.memory_space<vmem>>) semaphore(%arg12 : memref<!tpu.dma_semaphore, #tpu.memory_space<semaphore_mem>>)
        %dma_wait3A_175 = arith.constant 4 : i32
        %dma_wait3A_176 = arith.constant 0 : i32
        %dma_wait3A_177 = tpu.memref_slice %arg6[%dma_wait3A_175, %dma_wait3A_176] : memref<16x128xi32, #tpu.memory_space<vmem>> -> memref<1x128xi32, #tpu.memory_space<vmem>>
        %dma_wait3A_178 = tpu.memref_squeeze %dma_wait3A_177 : memref<1x128xi32, #tpu.memory_space<vmem>> -> memref<128xi32, #tpu.memory_space<vmem>>
        %dma_wait3A_179 = arith.constant 0 : i32
        %dma_wait3A_180 = arith.constant 0 : i32
        %dma_wait3A_181 = tpu.memref_slice %arg2[%dma_wait3A_179, %dma_wait3A_180] : memref<10000x128xf32, #tpu.memory_space<hbm>> -> memref<10000x128xf32, #tpu.memory_space<hbm>>
        tpu.wait_indirect_dma semaphore(%arg11 : memref<!tpu.dma_semaphore, #tpu.memory_space<semaphore_mem>>) src(%dma_wait3A_181 : memref<10000x128xf32, #tpu.memory_space<hbm>>) dst(%arg8 : memref<128x128xf32, #tpu.memory_space<vmem>>)
        %dma_start3A_182 = arith.constant 4 : i32
        %dma_start3A_183 = arith.constant 0 : i32
        %dma_start3A_184 = tpu.memref_slice %arg7[%dma_start3A_182, %dma_start3A_183] : memref<16x128xi32, #tpu.memory_space<vmem>> -> memref<1x128xi32, #tpu.memory_space<vmem>>
        %dma_start3A_185 = tpu.memref_squeeze %dma_start3A_184 : memref<1x128xi32, #tpu.memory_space<vmem>> -> memref<128xi32, #tpu.memory_space<vmem>>
        %dma_start3A_186 = arith.constant 0 : i32
        %dma_start3A_187 = arith.constant 0 : i32
        %dma_start3A_188 = tpu.memref_slice %arg10[%dma_start3A_186, %dma_start3A_187] : memref<10112x128xf32, #tpu.memory_space<vmem_shared>> -> memref<10112x128xf32, #tpu.memory_space<vmem_shared>>
        tpu.enqueue_indirect_dma source(%arg8 : memref<128x128xf32, #tpu.memory_space<vmem>>) target(%dma_start3A_188 : memref<10112x128xf32, #tpu.memory_space<vmem_shared>>) offsets(%dma_start3A_185 : memref<128xi32, #tpu.memory_space<vmem>>) semaphore(%arg13 : memref<!tpu.dma_semaphore, #tpu.memory_space<semaphore_mem>>) {add = true}
        %dma_wait3A_189 = arith.constant 4 : i32
        %dma_wait3A_190 = arith.constant 0 : i32
        %dma_wait3A_191 = tpu.memref_slice %arg7[%dma_wait3A_189, %dma_wait3A_190] : memref<16x128xi32, #tpu.memory_space<vmem>> -> memref<1x128xi32, #tpu.memory_space<vmem>>
        %dma_wait3A_192 = tpu.memref_squeeze %dma_wait3A_191 : memref<1x128xi32, #tpu.memory_space<vmem>> -> memref<128xi32, #tpu.memory_space<vmem>>
        %dma_wait3A_193 = arith.constant 0 : i32
        %dma_wait3A_194 = arith.constant 0 : i32
        %dma_wait3A_195 = tpu.memref_slice %arg10[%dma_wait3A_193, %dma_wait3A_194] : memref<10112x128xf32, #tpu.memory_space<vmem_shared>> -> memref<10112x128xf32, #tpu.memory_space<vmem_shared>>
        tpu.wait_indirect_dma semaphore(%arg13 : memref<!tpu.dma_semaphore, #tpu.memory_space<semaphore_mem>>) src(%arg8 : memref<128x128xf32, #tpu.memory_space<vmem>>) dst(%dma_wait3A_195 : memref<10112x128xf32, #tpu.memory_space<vmem_shared>>)
        %dma_start3A_196 = arith.constant 6 : i32
        %dma_start3A_197 = arith.constant 0 : i32
        %dma_start3A_198 = tpu.memref_slice %arg6[%dma_start3A_196, %dma_start3A_197] : memref<16x128xi32, #tpu.memory_space<vmem>> -> memref<1x128xi32, #tpu.memory_space<vmem>>
        %dma_start3A_199 = tpu.memref_squeeze %dma_start3A_198 : memref<1x128xi32, #tpu.memory_space<vmem>> -> memref<128xi32, #tpu.memory_space<vmem>>
        %dma_start3A_200 = arith.constant 0 : i32
        %dma_start3A_201 = arith.constant 0 : i32
        %dma_start3A_202 = tpu.memref_slice %arg2[%dma_start3A_200, %dma_start3A_201] : memref<10000x128xf32, #tpu.memory_space<hbm>> -> memref<10000x128xf32, #tpu.memory_space<hbm>>
        tpu.enqueue_indirect_dma source(%dma_start3A_202 : memref<10000x128xf32, #tpu.memory_space<hbm>>) target(%arg8 : memref<128x128xf32, #tpu.memory_space<vmem>>) offsets(%dma_start3A_199 : memref<128xi32, #tpu.memory_space<vmem>>) semaphore(%arg11 : memref<!tpu.dma_semaphore, #tpu.memory_space<semaphore_mem>>)
        %dma_wait3A_203 = arith.constant 5 : i32
        %dma_wait3A_204 = arith.constant 0 : i32
        %dma_wait3A_205 = tpu.memref_slice %arg6[%dma_wait3A_203, %dma_wait3A_204] : memref<16x128xi32, #tpu.memory_space<vmem>> -> memref<1x128xi32, #tpu.memory_space<vmem>>
        %dma_wait3A_206 = tpu.memref_squeeze %dma_wait3A_205 : memref<1x128xi32, #tpu.memory_space<vmem>> -> memref<128xi32, #tpu.memory_space<vmem>>
        %dma_wait3A_207 = arith.constant 0 : i32
        %dma_wait3A_208 = arith.constant 0 : i32
        %dma_wait3A_209 = tpu.memref_slice %arg2[%dma_wait3A_207, %dma_wait3A_208] : memref<10000x128xf32, #tpu.memory_space<hbm>> -> memref<10000x128xf32, #tpu.memory_space<hbm>>
        tpu.wait_indirect_dma semaphore(%arg12 : memref<!tpu.dma_semaphore, #tpu.memory_space<semaphore_mem>>) src(%dma_wait3A_209 : memref<10000x128xf32, #tpu.memory_space<hbm>>) dst(%arg9 : memref<128x128xf32, #tpu.memory_space<vmem>>)
        %dma_start3A_210 = arith.constant 5 : i32
        %dma_start3A_211 = arith.constant 0 : i32
        %dma_start3A_212 = tpu.memref_slice %arg7[%dma_start3A_210, %dma_start3A_211] : memref<16x128xi32, #tpu.memory_space<vmem>> -> memref<1x128xi32, #tpu.memory_space<vmem>>
        %dma_start3A_213 = tpu.memref_squeeze %dma_start3A_212 : memref<1x128xi32, #tpu.memory_space<vmem>> -> memref<128xi32, #tpu.memory_space<vmem>>
        %dma_start3A_214 = arith.constant 0 : i32
        %dma_start3A_215 = arith.constant 0 : i32
        %dma_start3A_216 = tpu.memref_slice %arg10[%dma_start3A_214, %dma_start3A_215] : memref<10112x128xf32, #tpu.memory_space<vmem_shared>> -> memref<10112x128xf32, #tpu.memory_space<vmem_shared>>
        tpu.enqueue_indirect_dma source(%arg9 : memref<128x128xf32, #tpu.memory_space<vmem>>) target(%dma_start3A_216 : memref<10112x128xf32, #tpu.memory_space<vmem_shared>>) offsets(%dma_start3A_213 : memref<128xi32, #tpu.memory_space<vmem>>) semaphore(%arg14 : memref<!tpu.dma_semaphore, #tpu.memory_space<semaphore_mem>>) {add = true}
        %dma_wait3A_217 = arith.constant 5 : i32
        %dma_wait3A_218 = arith.constant 0 : i32
        %dma_wait3A_219 = tpu.memref_slice %arg7[%dma_wait3A_217, %dma_wait3A_218] : memref<16x128xi32, #tpu.memory_space<vmem>> -> memref<1x128xi32, #tpu.memory_space<vmem>>
        %dma_wait3A_220 = tpu.memref_squeeze %dma_wait3A_219 : memref<1x128xi32, #tpu.memory_space<vmem>> -> memref<128xi32, #tpu.memory_space<vmem>>
        %dma_wait3A_221 = arith.constant 0 : i32
        %dma_wait3A_222 = arith.constant 0 : i32
        %dma_wait3A_223 = tpu.memref_slice %arg10[%dma_wait3A_221, %dma_wait3A_222] : memref<10112x128xf32, #tpu.memory_space<vmem_shared>> -> memref<10112x128xf32, #tpu.memory_space<vmem_shared>>
        tpu.wait_indirect_dma semaphore(%arg14 : memref<!tpu.dma_semaphore, #tpu.memory_space<semaphore_mem>>) src(%arg9 : memref<128x128xf32, #tpu.memory_space<vmem>>) dst(%dma_wait3A_223 : memref<10112x128xf32, #tpu.memory_space<vmem_shared>>)
        %dma_start3A_224 = arith.constant 7 : i32
        %dma_start3A_225 = arith.constant 0 : i32
        %dma_start3A_226 = tpu.memref_slice %arg6[%dma_start3A_224, %dma_start3A_225] : memref<16x128xi32, #tpu.memory_space<vmem>> -> memref<1x128xi32, #tpu.memory_space<vmem>>
        %dma_start3A_227 = tpu.memref_squeeze %dma_start3A_226 : memref<1x128xi32, #tpu.memory_space<vmem>> -> memref<128xi32, #tpu.memory_space<vmem>>
        %dma_start3A_228 = arith.constant 0 : i32
        %dma_start3A_229 = arith.constant 0 : i32
        %dma_start3A_230 = tpu.memref_slice %arg2[%dma_start3A_228, %dma_start3A_229] : memref<10000x128xf32, #tpu.memory_space<hbm>> -> memref<10000x128xf32, #tpu.memory_space<hbm>>
        tpu.enqueue_indirect_dma source(%dma_start3A_230 : memref<10000x128xf32, #tpu.memory_space<hbm>>) target(%arg9 : memref<128x128xf32, #tpu.memory_space<vmem>>) offsets(%dma_start3A_227 : memref<128xi32, #tpu.memory_space<vmem>>) semaphore(%arg12 : memref<!tpu.dma_semaphore, #tpu.memory_space<semaphore_mem>>)
        %dma_wait3A_231 = arith.constant 6 : i32
        %dma_wait3A_232 = arith.constant 0 : i32
        %dma_wait3A_233 = tpu.memref_slice %arg6[%dma_wait3A_231, %dma_wait3A_232] : memref<16x128xi32, #tpu.memory_space<vmem>> -> memref<1x128xi32, #tpu.memory_space<vmem>>
        %dma_wait3A_234 = tpu.memref_squeeze %dma_wait3A_233 : memref<1x128xi32, #tpu.memory_space<vmem>> -> memref<128xi32, #tpu.memory_space<vmem>>
        %dma_wait3A_235 = arith.constant 0 : i32
        %dma_wait3A_236 = arith.constant 0 : i32
        %dma_wait3A_237 = tpu.memref_slice %arg2[%dma_wait3A_235, %dma_wait3A_236] : memref<10000x128xf32, #tpu.memory_space<hbm>> -> memref<10000x128xf32, #tpu.memory_space<hbm>>
        tpu.wait_indirect_dma semaphore(%arg11 : memref<!tpu.dma_semaphore, #tpu.memory_space<semaphore_mem>>) src(%dma_wait3A_237 : memref<10000x128xf32, #tpu.memory_space<hbm>>) dst(%arg8 : memref<128x128xf32, #tpu.memory_space<vmem>>)
        %dma_start3A_238 = arith.constant 6 : i32
        %dma_start3A_239 = arith.constant 0 : i32
        %dma_start3A_240 = tpu.memref_slice %arg7[%dma_start3A_238, %dma_start3A_239] : memref<16x128xi32, #tpu.memory_space<vmem>> -> memref<1x128xi32, #tpu.memory_space<vmem>>
        %dma_start3A_241 = tpu.memref_squeeze %dma_start3A_240 : memref<1x128xi32, #tpu.memory_space<vmem>> -> memref<128xi32, #tpu.memory_space<vmem>>
        %dma_start3A_242 = arith.constant 0 : i32
        %dma_start3A_243 = arith.constant 0 : i32
        %dma_start3A_244 = tpu.memref_slice %arg10[%dma_start3A_242, %dma_start3A_243] : memref<10112x128xf32, #tpu.memory_space<vmem_shared>> -> memref<10112x128xf32, #tpu.memory_space<vmem_shared>>
        tpu.enqueue_indirect_dma source(%arg8 : memref<128x128xf32, #tpu.memory_space<vmem>>) target(%dma_start3A_244 : memref<10112x128xf32, #tpu.memory_space<vmem_shared>>) offsets(%dma_start3A_241 : memref<128xi32, #tpu.memory_space<vmem>>) semaphore(%arg13 : memref<!tpu.dma_semaphore, #tpu.memory_space<semaphore_mem>>) {add = true}
        %dma_wait3A_245 = arith.constant 6 : i32
        %dma_wait3A_246 = arith.constant 0 : i32
        %dma_wait3A_247 = tpu.memref_slice %arg7[%dma_wait3A_245, %dma_wait3A_246] : memref<16x128xi32, #tpu.memory_space<vmem>> -> memref<1x128xi32, #tpu.memory_space<vmem>>
        %dma_wait3A_248 = tpu.memref_squeeze %dma_wait3A_247 : memref<1x128xi32, #tpu.memory_space<vmem>> -> memref<128xi32, #tpu.memory_space<vmem>>
        %dma_wait3A_249 = arith.constant 0 : i32
        %dma_wait3A_250 = arith.constant 0 : i32
        %dma_wait3A_251 = tpu.memref_slice %arg10[%dma_wait3A_249, %dma_wait3A_250] : memref<10112x128xf32, #tpu.memory_space<vmem_shared>> -> memref<10112x128xf32, #tpu.memory_space<vmem_shared>>
        tpu.wait_indirect_dma semaphore(%arg13 : memref<!tpu.dma_semaphore, #tpu.memory_space<semaphore_mem>>) src(%arg8 : memref<128x128xf32, #tpu.memory_space<vmem>>) dst(%dma_wait3A_251 : memref<10112x128xf32, #tpu.memory_space<vmem_shared>>)
        %dma_start3A_252 = arith.constant 8 : i32
        %dma_start3A_253 = arith.constant 0 : i32
        %dma_start3A_254 = tpu.memref_slice %arg6[%dma_start3A_252, %dma_start3A_253] : memref<16x128xi32, #tpu.memory_space<vmem>> -> memref<1x128xi32, #tpu.memory_space<vmem>>
        %dma_start3A_255 = tpu.memref_squeeze %dma_start3A_254 : memref<1x128xi32, #tpu.memory_space<vmem>> -> memref<128xi32, #tpu.memory_space<vmem>>
        %dma_start3A_256 = arith.constant 0 : i32
        %dma_start3A_257 = arith.constant 0 : i32
        %dma_start3A_258 = tpu.memref_slice %arg2[%dma_start3A_256, %dma_start3A_257] : memref<10000x128xf32, #tpu.memory_space<hbm>> -> memref<10000x128xf32, #tpu.memory_space<hbm>>
        tpu.enqueue_indirect_dma source(%dma_start3A_258 : memref<10000x128xf32, #tpu.memory_space<hbm>>) target(%arg8 : memref<128x128xf32, #tpu.memory_space<vmem>>) offsets(%dma_start3A_255 : memref<128xi32, #tpu.memory_space<vmem>>) semaphore(%arg11 : memref<!tpu.dma_semaphore, #tpu.memory_space<semaphore_mem>>)
        %dma_wait3A_259 = arith.constant 7 : i32
        %dma_wait3A_260 = arith.constant 0 : i32
        %dma_wait3A_261 = tpu.memref_slice %arg6[%dma_wait3A_259, %dma_wait3A_260] : memref<16x128xi32, #tpu.memory_space<vmem>> -> memref<1x128xi32, #tpu.memory_space<vmem>>
        %dma_wait3A_262 = tpu.memref_squeeze %dma_wait3A_261 : memref<1x128xi32, #tpu.memory_space<vmem>> -> memref<128xi32, #tpu.memory_space<vmem>>
        %dma_wait3A_263 = arith.constant 0 : i32
        %dma_wait3A_264 = arith.constant 0 : i32
        %dma_wait3A_265 = tpu.memref_slice %arg2[%dma_wait3A_263, %dma_wait3A_264] : memref<10000x128xf32, #tpu.memory_space<hbm>> -> memref<10000x128xf32, #tpu.memory_space<hbm>>
        tpu.wait_indirect_dma semaphore(%arg12 : memref<!tpu.dma_semaphore, #tpu.memory_space<semaphore_mem>>) src(%dma_wait3A_265 : memref<10000x128xf32, #tpu.memory_space<hbm>>) dst(%arg9 : memref<128x128xf32, #tpu.memory_space<vmem>>)
        %dma_start3A_266 = arith.constant 7 : i32
        %dma_start3A_267 = arith.constant 0 : i32
        %dma_start3A_268 = tpu.memref_slice %arg7[%dma_start3A_266, %dma_start3A_267] : memref<16x128xi32, #tpu.memory_space<vmem>> -> memref<1x128xi32, #tpu.memory_space<vmem>>
        %dma_start3A_269 = tpu.memref_squeeze %dma_start3A_268 : memref<1x128xi32, #tpu.memory_space<vmem>> -> memref<128xi32, #tpu.memory_space<vmem>>
        %dma_start3A_270 = arith.constant 0 : i32
        %dma_start3A_271 = arith.constant 0 : i32
        %dma_start3A_272 = tpu.memref_slice %arg10[%dma_start3A_270, %dma_start3A_271] : memref<10112x128xf32, #tpu.memory_space<vmem_shared>> -> memref<10112x128xf32, #tpu.memory_space<vmem_shared>>
        tpu.enqueue_indirect_dma source(%arg9 : memref<128x128xf32, #tpu.memory_space<vmem>>) target(%dma_start3A_272 : memref<10112x128xf32, #tpu.memory_space<vmem_shared>>) offsets(%dma_start3A_269 : memref<128xi32, #tpu.memory_space<vmem>>) semaphore(%arg14 : memref<!tpu.dma_semaphore, #tpu.memory_space<semaphore_mem>>) {add = true}
        %dma_wait3A_273 = arith.constant 7 : i32
        %dma_wait3A_274 = arith.constant 0 : i32
        %dma_wait3A_275 = tpu.memref_slice %arg7[%dma_wait3A_273, %dma_wait3A_274] : memref<16x128xi32, #tpu.memory_space<vmem>> -> memref<1x128xi32, #tpu.memory_space<vmem>>
        %dma_wait3A_276 = tpu.memref_squeeze %dma_wait3A_275 : memref<1x128xi32, #tpu.memory_space<vmem>> -> memref<128xi32, #tpu.memory_space<vmem>>
        %dma_wait3A_277 = arith.constant 0 : i32
        %dma_wait3A_278 = arith.constant 0 : i32
        %dma_wait3A_279 = tpu.memref_slice %arg10[%dma_wait3A_277, %dma_wait3A_278] : memref<10112x128xf32, #tpu.memory_space<vmem_shared>> -> memref<10112x128xf32, #tpu.memory_space<vmem_shared>>
        tpu.wait_indirect_dma semaphore(%arg14 : memref<!tpu.dma_semaphore, #tpu.memory_space<semaphore_mem>>) src(%arg9 : memref<128x128xf32, #tpu.memory_space<vmem>>) dst(%dma_wait3A_279 : memref<10112x128xf32, #tpu.memory_space<vmem_shared>>)
        %dma_start3A_280 = arith.constant 9 : i32
        %dma_start3A_281 = arith.constant 0 : i32
        %dma_start3A_282 = tpu.memref_slice %arg6[%dma_start3A_280, %dma_start3A_281] : memref<16x128xi32, #tpu.memory_space<vmem>> -> memref<1x128xi32, #tpu.memory_space<vmem>>
        %dma_start3A_283 = tpu.memref_squeeze %dma_start3A_282 : memref<1x128xi32, #tpu.memory_space<vmem>> -> memref<128xi32, #tpu.memory_space<vmem>>
        %dma_start3A_284 = arith.constant 0 : i32
        %dma_start3A_285 = arith.constant 0 : i32
        %dma_start3A_286 = tpu.memref_slice %arg2[%dma_start3A_284, %dma_start3A_285] : memref<10000x128xf32, #tpu.memory_space<hbm>> -> memref<10000x128xf32, #tpu.memory_space<hbm>>
        tpu.enqueue_indirect_dma source(%dma_start3A_286 : memref<10000x128xf32, #tpu.memory_space<hbm>>) target(%arg9 : memref<128x128xf32, #tpu.memory_space<vmem>>) offsets(%dma_start3A_283 : memref<128xi32, #tpu.memory_space<vmem>>) semaphore(%arg12 : memref<!tpu.dma_semaphore, #tpu.memory_space<semaphore_mem>>)
        %dma_wait3A_287 = arith.constant 8 : i32
        %dma_wait3A_288 = arith.constant 0 : i32
        %dma_wait3A_289 = tpu.memref_slice %arg6[%dma_wait3A_287, %dma_wait3A_288] : memref<16x128xi32, #tpu.memory_space<vmem>> -> memref<1x128xi32, #tpu.memory_space<vmem>>
        %dma_wait3A_290 = tpu.memref_squeeze %dma_wait3A_289 : memref<1x128xi32, #tpu.memory_space<vmem>> -> memref<128xi32, #tpu.memory_space<vmem>>
        %dma_wait3A_291 = arith.constant 0 : i32
        %dma_wait3A_292 = arith.constant 0 : i32
        %dma_wait3A_293 = tpu.memref_slice %arg2[%dma_wait3A_291, %dma_wait3A_292] : memref<10000x128xf32, #tpu.memory_space<hbm>> -> memref<10000x128xf32, #tpu.memory_space<hbm>>
        tpu.wait_indirect_dma semaphore(%arg11 : memref<!tpu.dma_semaphore, #tpu.memory_space<semaphore_mem>>) src(%dma_wait3A_293 : memref<10000x128xf32, #tpu.memory_space<hbm>>) dst(%arg8 : memref<128x128xf32, #tpu.memory_space<vmem>>)
        %dma_start3A_294 = arith.constant 8 : i32
        %dma_start3A_295 = arith.constant 0 : i32
        %dma_start3A_296 = tpu.memref_slice %arg7[%dma_start3A_294, %dma_start3A_295] : memref<16x128xi32, #tpu.memory_space<vmem>> -> memref<1x128xi32, #tpu.memory_space<vmem>>
        %dma_start3A_297 = tpu.memref_squeeze %dma_start3A_296 : memref<1x128xi32, #tpu.memory_space<vmem>> -> memref<128xi32, #tpu.memory_space<vmem>>
        %dma_start3A_298 = arith.constant 0 : i32
        %dma_start3A_299 = arith.constant 0 : i32
        %dma_start3A_300 = tpu.memref_slice %arg10[%dma_start3A_298, %dma_start3A_299] : memref<10112x128xf32, #tpu.memory_space<vmem_shared>> -> memref<10112x128xf32, #tpu.memory_space<vmem_shared>>
        tpu.enqueue_indirect_dma source(%arg8 : memref<128x128xf32, #tpu.memory_space<vmem>>) target(%dma_start3A_300 : memref<10112x128xf32, #tpu.memory_space<vmem_shared>>) offsets(%dma_start3A_297 : memref<128xi32, #tpu.memory_space<vmem>>) semaphore(%arg13 : memref<!tpu.dma_semaphore, #tpu.memory_space<semaphore_mem>>) {add = true}
        %dma_wait3A_301 = arith.constant 8 : i32
        %dma_wait3A_302 = arith.constant 0 : i32
        %dma_wait3A_303 = tpu.memref_slice %arg7[%dma_wait3A_301, %dma_wait3A_302] : memref<16x128xi32, #tpu.memory_space<vmem>> -> memref<1x128xi32, #tpu.memory_space<vmem>>
        %dma_wait3A_304 = tpu.memref_squeeze %dma_wait3A_303 : memref<1x128xi32, #tpu.memory_space<vmem>> -> memref<128xi32, #tpu.memory_space<vmem>>
        %dma_wait3A_305 = arith.constant 0 : i32
        %dma_wait3A_306 = arith.constant 0 : i32
        %dma_wait3A_307 = tpu.memref_slice %arg10[%dma_wait3A_305, %dma_wait3A_306] : memref<10112x128xf32, #tpu.memory_space<vmem_shared>> -> memref<10112x128xf32, #tpu.memory_space<vmem_shared>>
        tpu.wait_indirect_dma semaphore(%arg13 : memref<!tpu.dma_semaphore, #tpu.memory_space<semaphore_mem>>) src(%arg8 : memref<128x128xf32, #tpu.memory_space<vmem>>) dst(%dma_wait3A_307 : memref<10112x128xf32, #tpu.memory_space<vmem_shared>>)
        %dma_start3A_308 = arith.constant 10 : i32
        %dma_start3A_309 = arith.constant 0 : i32
        %dma_start3A_310 = tpu.memref_slice %arg6[%dma_start3A_308, %dma_start3A_309] : memref<16x128xi32, #tpu.memory_space<vmem>> -> memref<1x128xi32, #tpu.memory_space<vmem>>
        %dma_start3A_311 = tpu.memref_squeeze %dma_start3A_310 : memref<1x128xi32, #tpu.memory_space<vmem>> -> memref<128xi32, #tpu.memory_space<vmem>>
        %dma_start3A_312 = arith.constant 0 : i32
        %dma_start3A_313 = arith.constant 0 : i32
        %dma_start3A_314 = tpu.memref_slice %arg2[%dma_start3A_312, %dma_start3A_313] : memref<10000x128xf32, #tpu.memory_space<hbm>> -> memref<10000x128xf32, #tpu.memory_space<hbm>>
        tpu.enqueue_indirect_dma source(%dma_start3A_314 : memref<10000x128xf32, #tpu.memory_space<hbm>>) target(%arg8 : memref<128x128xf32, #tpu.memory_space<vmem>>) offsets(%dma_start3A_311 : memref<128xi32, #tpu.memory_space<vmem>>) semaphore(%arg11 : memref<!tpu.dma_semaphore, #tpu.memory_space<semaphore_mem>>)
        %dma_wait3A_315 = arith.constant 9 : i32
        %dma_wait3A_316 = arith.constant 0 : i32
        %dma_wait3A_317 = tpu.memref_slice %arg6[%dma_wait3A_315, %dma_wait3A_316] : memref<16x128xi32, #tpu.memory_space<vmem>> -> memref<1x128xi32, #tpu.memory_space<vmem>>
        %dma_wait3A_318 = tpu.memref_squeeze %dma_wait3A_317 : memref<1x128xi32, #tpu.memory_space<vmem>> -> memref<128xi32, #tpu.memory_space<vmem>>
        %dma_wait3A_319 = arith.constant 0 : i32
        %dma_wait3A_320 = arith.constant 0 : i32
        %dma_wait3A_321 = tpu.memref_slice %arg2[%dma_wait3A_319, %dma_wait3A_320] : memref<10000x128xf32, #tpu.memory_space<hbm>> -> memref<10000x128xf32, #tpu.memory_space<hbm>>
        tpu.wait_indirect_dma semaphore(%arg12 : memref<!tpu.dma_semaphore, #tpu.memory_space<semaphore_mem>>) src(%dma_wait3A_321 : memref<10000x128xf32, #tpu.memory_space<hbm>>) dst(%arg9 : memref<128x128xf32, #tpu.memory_space<vmem>>)
        %dma_start3A_322 = arith.constant 9 : i32
        %dma_start3A_323 = arith.constant 0 : i32
        %dma_start3A_324 = tpu.memref_slice %arg7[%dma_start3A_322, %dma_start3A_323] : memref<16x128xi32, #tpu.memory_space<vmem>> -> memref<1x128xi32, #tpu.memory_space<vmem>>
        %dma_start3A_325 = tpu.memref_squeeze %dma_start3A_324 : memref<1x128xi32, #tpu.memory_space<vmem>> -> memref<128xi32, #tpu.memory_space<vmem>>
        %dma_start3A_326 = arith.constant 0 : i32
        %dma_start3A_327 = arith.constant 0 : i32
        %dma_start3A_328 = tpu.memref_slice %arg10[%dma_start3A_326, %dma_start3A_327] : memref<10112x128xf32, #tpu.memory_space<vmem_shared>> -> memref<10112x128xf32, #tpu.memory_space<vmem_shared>>
        tpu.enqueue_indirect_dma source(%arg9 : memref<128x128xf32, #tpu.memory_space<vmem>>) target(%dma_start3A_328 : memref<10112x128xf32, #tpu.memory_space<vmem_shared>>) offsets(%dma_start3A_325 : memref<128xi32, #tpu.memory_space<vmem>>) semaphore(%arg14 : memref<!tpu.dma_semaphore, #tpu.memory_space<semaphore_mem>>) {add = true}
        %dma_wait3A_329 = arith.constant 9 : i32
        %dma_wait3A_330 = arith.constant 0 : i32
        %dma_wait3A_331 = tpu.memref_slice %arg7[%dma_wait3A_329, %dma_wait3A_330] : memref<16x128xi32, #tpu.memory_space<vmem>> -> memref<1x128xi32, #tpu.memory_space<vmem>>
        %dma_wait3A_332 = tpu.memref_squeeze %dma_wait3A_331 : memref<1x128xi32, #tpu.memory_space<vmem>> -> memref<128xi32, #tpu.memory_space<vmem>>
        %dma_wait3A_333 = arith.constant 0 : i32
        %dma_wait3A_334 = arith.constant 0 : i32
        %dma_wait3A_335 = tpu.memref_slice %arg10[%dma_wait3A_333, %dma_wait3A_334] : memref<10112x128xf32, #tpu.memory_space<vmem_shared>> -> memref<10112x128xf32, #tpu.memory_space<vmem_shared>>
        tpu.wait_indirect_dma semaphore(%arg14 : memref<!tpu.dma_semaphore, #tpu.memory_space<semaphore_mem>>) src(%arg9 : memref<128x128xf32, #tpu.memory_space<vmem>>) dst(%dma_wait3A_335 : memref<10112x128xf32, #tpu.memory_space<vmem_shared>>)
        %dma_start3A_336 = arith.constant 11 : i32
        %dma_start3A_337 = arith.constant 0 : i32
        %dma_start3A_338 = tpu.memref_slice %arg6[%dma_start3A_336, %dma_start3A_337] : memref<16x128xi32, #tpu.memory_space<vmem>> -> memref<1x128xi32, #tpu.memory_space<vmem>>
        %dma_start3A_339 = tpu.memref_squeeze %dma_start3A_338 : memref<1x128xi32, #tpu.memory_space<vmem>> -> memref<128xi32, #tpu.memory_space<vmem>>
        %dma_start3A_340 = arith.constant 0 : i32
        %dma_start3A_341 = arith.constant 0 : i32
        %dma_start3A_342 = tpu.memref_slice %arg2[%dma_start3A_340, %dma_start3A_341] : memref<10000x128xf32, #tpu.memory_space<hbm>> -> memref<10000x128xf32, #tpu.memory_space<hbm>>
        tpu.enqueue_indirect_dma source(%dma_start3A_342 : memref<10000x128xf32, #tpu.memory_space<hbm>>) target(%arg9 : memref<128x128xf32, #tpu.memory_space<vmem>>) offsets(%dma_start3A_339 : memref<128xi32, #tpu.memory_space<vmem>>) semaphore(%arg12 : memref<!tpu.dma_semaphore, #tpu.memory_space<semaphore_mem>>)
        %dma_wait3A_343 = arith.constant 10 : i32
        %dma_wait3A_344 = arith.constant 0 : i32
        %dma_wait3A_345 = tpu.memref_slice %arg6[%dma_wait3A_343, %dma_wait3A_344] : memref<16x128xi32, #tpu.memory_space<vmem>> -> memref<1x128xi32, #tpu.memory_space<vmem>>
        %dma_wait3A_346 = tpu.memref_squeeze %dma_wait3A_345 : memref<1x128xi32, #tpu.memory_space<vmem>> -> memref<128xi32, #tpu.memory_space<vmem>>
        %dma_wait3A_347 = arith.constant 0 : i32
        %dma_wait3A_348 = arith.constant 0 : i32
        %dma_wait3A_349 = tpu.memref_slice %arg2[%dma_wait3A_347, %dma_wait3A_348] : memref<10000x128xf32, #tpu.memory_space<hbm>> -> memref<10000x128xf32, #tpu.memory_space<hbm>>
        tpu.wait_indirect_dma semaphore(%arg11 : memref<!tpu.dma_semaphore, #tpu.memory_space<semaphore_mem>>) src(%dma_wait3A_349 : memref<10000x128xf32, #tpu.memory_space<hbm>>) dst(%arg8 : memref<128x128xf32, #tpu.memory_space<vmem>>)
        %dma_start3A_350 = arith.constant 10 : i32
        %dma_start3A_351 = arith.constant 0 : i32
        %dma_start3A_352 = tpu.memref_slice %arg7[%dma_start3A_350, %dma_start3A_351] : memref<16x128xi32, #tpu.memory_space<vmem>> -> memref<1x128xi32, #tpu.memory_space<vmem>>
        %dma_start3A_353 = tpu.memref_squeeze %dma_start3A_352 : memref<1x128xi32, #tpu.memory_space<vmem>> -> memref<128xi32, #tpu.memory_space<vmem>>
        %dma_start3A_354 = arith.constant 0 : i32
        %dma_start3A_355 = arith.constant 0 : i32
        %dma_start3A_356 = tpu.memref_slice %arg10[%dma_start3A_354, %dma_start3A_355] : memref<10112x128xf32, #tpu.memory_space<vmem_shared>> -> memref<10112x128xf32, #tpu.memory_space<vmem_shared>>
        tpu.enqueue_indirect_dma source(%arg8 : memref<128x128xf32, #tpu.memory_space<vmem>>) target(%dma_start3A_356 : memref<10112x128xf32, #tpu.memory_space<vmem_shared>>) offsets(%dma_start3A_353 : memref<128xi32, #tpu.memory_space<vmem>>) semaphore(%arg13 : memref<!tpu.dma_semaphore, #tpu.memory_space<semaphore_mem>>) {add = true}
        %dma_wait3A_357 = arith.constant 10 : i32
        %dma_wait3A_358 = arith.constant 0 : i32
        %dma_wait3A_359 = tpu.memref_slice %arg7[%dma_wait3A_357, %dma_wait3A_358] : memref<16x128xi32, #tpu.memory_space<vmem>> -> memref<1x128xi32, #tpu.memory_space<vmem>>
        %dma_wait3A_360 = tpu.memref_squeeze %dma_wait3A_359 : memref<1x128xi32, #tpu.memory_space<vmem>> -> memref<128xi32, #tpu.memory_space<vmem>>
        %dma_wait3A_361 = arith.constant 0 : i32
        %dma_wait3A_362 = arith.constant 0 : i32
        %dma_wait3A_363 = tpu.memref_slice %arg10[%dma_wait3A_361, %dma_wait3A_362] : memref<10112x128xf32, #tpu.memory_space<vmem_shared>> -> memref<10112x128xf32, #tpu.memory_space<vmem_shared>>
        tpu.wait_indirect_dma semaphore(%arg13 : memref<!tpu.dma_semaphore, #tpu.memory_space<semaphore_mem>>) src(%arg8 : memref<128x128xf32, #tpu.memory_space<vmem>>) dst(%dma_wait3A_363 : memref<10112x128xf32, #tpu.memory_space<vmem_shared>>)
        %dma_start3A_364 = arith.constant 12 : i32
        %dma_start3A_365 = arith.constant 0 : i32
        %dma_start3A_366 = tpu.memref_slice %arg6[%dma_start3A_364, %dma_start3A_365] : memref<16x128xi32, #tpu.memory_space<vmem>> -> memref<1x128xi32, #tpu.memory_space<vmem>>
        %dma_start3A_367 = tpu.memref_squeeze %dma_start3A_366 : memref<1x128xi32, #tpu.memory_space<vmem>> -> memref<128xi32, #tpu.memory_space<vmem>>
        %dma_start3A_368 = arith.constant 0 : i32
        %dma_start3A_369 = arith.constant 0 : i32
        %dma_start3A_370 = tpu.memref_slice %arg2[%dma_start3A_368, %dma_start3A_369] : memref<10000x128xf32, #tpu.memory_space<hbm>> -> memref<10000x128xf32, #tpu.memory_space<hbm>>
        tpu.enqueue_indirect_dma source(%dma_start3A_370 : memref<10000x128xf32, #tpu.memory_space<hbm>>) target(%arg8 : memref<128x128xf32, #tpu.memory_space<vmem>>) offsets(%dma_start3A_367 : memref<128xi32, #tpu.memory_space<vmem>>) semaphore(%arg11 : memref<!tpu.dma_semaphore, #tpu.memory_space<semaphore_mem>>)
        %dma_wait3A_371 = arith.constant 11 : i32
        %dma_wait3A_372 = arith.constant 0 : i32
        %dma_wait3A_373 = tpu.memref_slice %arg6[%dma_wait3A_371, %dma_wait3A_372] : memref<16x128xi32, #tpu.memory_space<vmem>> -> memref<1x128xi32, #tpu.memory_space<vmem>>
        %dma_wait3A_374 = tpu.memref_squeeze %dma_wait3A_373 : memref<1x128xi32, #tpu.memory_space<vmem>> -> memref<128xi32, #tpu.memory_space<vmem>>
        %dma_wait3A_375 = arith.constant 0 : i32
        %dma_wait3A_376 = arith.constant 0 : i32
        %dma_wait3A_377 = tpu.memref_slice %arg2[%dma_wait3A_375, %dma_wait3A_376] : memref<10000x128xf32, #tpu.memory_space<hbm>> -> memref<10000x128xf32, #tpu.memory_space<hbm>>
        tpu.wait_indirect_dma semaphore(%arg12 : memref<!tpu.dma_semaphore, #tpu.memory_space<semaphore_mem>>) src(%dma_wait3A_377 : memref<10000x128xf32, #tpu.memory_space<hbm>>) dst(%arg9 : memref<128x128xf32, #tpu.memory_space<vmem>>)
        %dma_start3A_378 = arith.constant 11 : i32
        %dma_start3A_379 = arith.constant 0 : i32
        %dma_start3A_380 = tpu.memref_slice %arg7[%dma_start3A_378, %dma_start3A_379] : memref<16x128xi32, #tpu.memory_space<vmem>> -> memref<1x128xi32, #tpu.memory_space<vmem>>
        %dma_start3A_381 = tpu.memref_squeeze %dma_start3A_380 : memref<1x128xi32, #tpu.memory_space<vmem>> -> memref<128xi32, #tpu.memory_space<vmem>>
        %dma_start3A_382 = arith.constant 0 : i32
        %dma_start3A_383 = arith.constant 0 : i32
        %dma_start3A_384 = tpu.memref_slice %arg10[%dma_start3A_382, %dma_start3A_383] : memref<10112x128xf32, #tpu.memory_space<vmem_shared>> -> memref<10112x128xf32, #tpu.memory_space<vmem_shared>>
        tpu.enqueue_indirect_dma source(%arg9 : memref<128x128xf32, #tpu.memory_space<vmem>>) target(%dma_start3A_384 : memref<10112x128xf32, #tpu.memory_space<vmem_shared>>) offsets(%dma_start3A_381 : memref<128xi32, #tpu.memory_space<vmem>>) semaphore(%arg14 : memref<!tpu.dma_semaphore, #tpu.memory_space<semaphore_mem>>) {add = true}
        %dma_wait3A_385 = arith.constant 11 : i32
        %dma_wait3A_386 = arith.constant 0 : i32
        %dma_wait3A_387 = tpu.memref_slice %arg7[%dma_wait3A_385, %dma_wait3A_386] : memref<16x128xi32, #tpu.memory_space<vmem>> -> memref<1x128xi32, #tpu.memory_space<vmem>>
        %dma_wait3A_388 = tpu.memref_squeeze %dma_wait3A_387 : memref<1x128xi32, #tpu.memory_space<vmem>> -> memref<128xi32, #tpu.memory_space<vmem>>
        %dma_wait3A_389 = arith.constant 0 : i32
        %dma_wait3A_390 = arith.constant 0 : i32
        %dma_wait3A_391 = tpu.memref_slice %arg10[%dma_wait3A_389, %dma_wait3A_390] : memref<10112x128xf32, #tpu.memory_space<vmem_shared>> -> memref<10112x128xf32, #tpu.memory_space<vmem_shared>>
        tpu.wait_indirect_dma semaphore(%arg14 : memref<!tpu.dma_semaphore, #tpu.memory_space<semaphore_mem>>) src(%arg9 : memref<128x128xf32, #tpu.memory_space<vmem>>) dst(%dma_wait3A_391 : memref<10112x128xf32, #tpu.memory_space<vmem_shared>>)
        %dma_start3A_392 = arith.constant 13 : i32
        %dma_start3A_393 = arith.constant 0 : i32
        %dma_start3A_394 = tpu.memref_slice %arg6[%dma_start3A_392, %dma_start3A_393] : memref<16x128xi32, #tpu.memory_space<vmem>> -> memref<1x128xi32, #tpu.memory_space<vmem>>
        %dma_start3A_395 = tpu.memref_squeeze %dma_start3A_394 : memref<1x128xi32, #tpu.memory_space<vmem>> -> memref<128xi32, #tpu.memory_space<vmem>>
        %dma_start3A_396 = arith.constant 0 : i32
        %dma_start3A_397 = arith.constant 0 : i32
        %dma_start3A_398 = tpu.memref_slice %arg2[%dma_start3A_396, %dma_start3A_397] : memref<10000x128xf32, #tpu.memory_space<hbm>> -> memref<10000x128xf32, #tpu.memory_space<hbm>>
        tpu.enqueue_indirect_dma source(%dma_start3A_398 : memref<10000x128xf32, #tpu.memory_space<hbm>>) target(%arg9 : memref<128x128xf32, #tpu.memory_space<vmem>>) offsets(%dma_start3A_395 : memref<128xi32, #tpu.memory_space<vmem>>) semaphore(%arg12 : memref<!tpu.dma_semaphore, #tpu.memory_space<semaphore_mem>>)
        %dma_wait3A_399 = arith.constant 12 : i32
        %dma_wait3A_400 = arith.constant 0 : i32
        %dma_wait3A_401 = tpu.memref_slice %arg6[%dma_wait3A_399, %dma_wait3A_400] : memref<16x128xi32, #tpu.memory_space<vmem>> -> memref<1x128xi32, #tpu.memory_space<vmem>>
        %dma_wait3A_402 = tpu.memref_squeeze %dma_wait3A_401 : memref<1x128xi32, #tpu.memory_space<vmem>> -> memref<128xi32, #tpu.memory_space<vmem>>
        %dma_wait3A_403 = arith.constant 0 : i32
        %dma_wait3A_404 = arith.constant 0 : i32
        %dma_wait3A_405 = tpu.memref_slice %arg2[%dma_wait3A_403, %dma_wait3A_404] : memref<10000x128xf32, #tpu.memory_space<hbm>> -> memref<10000x128xf32, #tpu.memory_space<hbm>>
        tpu.wait_indirect_dma semaphore(%arg11 : memref<!tpu.dma_semaphore, #tpu.memory_space<semaphore_mem>>) src(%dma_wait3A_405 : memref<10000x128xf32, #tpu.memory_space<hbm>>) dst(%arg8 : memref<128x128xf32, #tpu.memory_space<vmem>>)
        %dma_start3A_406 = arith.constant 12 : i32
        %dma_start3A_407 = arith.constant 0 : i32
        %dma_start3A_408 = tpu.memref_slice %arg7[%dma_start3A_406, %dma_start3A_407] : memref<16x128xi32, #tpu.memory_space<vmem>> -> memref<1x128xi32, #tpu.memory_space<vmem>>
        %dma_start3A_409 = tpu.memref_squeeze %dma_start3A_408 : memref<1x128xi32, #tpu.memory_space<vmem>> -> memref<128xi32, #tpu.memory_space<vmem>>
        %dma_start3A_410 = arith.constant 0 : i32
        %dma_start3A_411 = arith.constant 0 : i32
        %dma_start3A_412 = tpu.memref_slice %arg10[%dma_start3A_410, %dma_start3A_411] : memref<10112x128xf32, #tpu.memory_space<vmem_shared>> -> memref<10112x128xf32, #tpu.memory_space<vmem_shared>>
        tpu.enqueue_indirect_dma source(%arg8 : memref<128x128xf32, #tpu.memory_space<vmem>>) target(%dma_start3A_412 : memref<10112x128xf32, #tpu.memory_space<vmem_shared>>) offsets(%dma_start3A_409 : memref<128xi32, #tpu.memory_space<vmem>>) semaphore(%arg13 : memref<!tpu.dma_semaphore, #tpu.memory_space<semaphore_mem>>) {add = true}
        %dma_wait3A_413 = arith.constant 12 : i32
        %dma_wait3A_414 = arith.constant 0 : i32
        %dma_wait3A_415 = tpu.memref_slice %arg7[%dma_wait3A_413, %dma_wait3A_414] : memref<16x128xi32, #tpu.memory_space<vmem>> -> memref<1x128xi32, #tpu.memory_space<vmem>>
        %dma_wait3A_416 = tpu.memref_squeeze %dma_wait3A_415 : memref<1x128xi32, #tpu.memory_space<vmem>> -> memref<128xi32, #tpu.memory_space<vmem>>
        %dma_wait3A_417 = arith.constant 0 : i32
        %dma_wait3A_418 = arith.constant 0 : i32
        %dma_wait3A_419 = tpu.memref_slice %arg10[%dma_wait3A_417, %dma_wait3A_418] : memref<10112x128xf32, #tpu.memory_space<vmem_shared>> -> memref<10112x128xf32, #tpu.memory_space<vmem_shared>>
        tpu.wait_indirect_dma semaphore(%arg13 : memref<!tpu.dma_semaphore, #tpu.memory_space<semaphore_mem>>) src(%arg8 : memref<128x128xf32, #tpu.memory_space<vmem>>) dst(%dma_wait3A_419 : memref<10112x128xf32, #tpu.memory_space<vmem_shared>>)
        %dma_start3A_420 = arith.constant 14 : i32
        %dma_start3A_421 = arith.constant 0 : i32
        %dma_start3A_422 = tpu.memref_slice %arg6[%dma_start3A_420, %dma_start3A_421] : memref<16x128xi32, #tpu.memory_space<vmem>> -> memref<1x128xi32, #tpu.memory_space<vmem>>
        %dma_start3A_423 = tpu.memref_squeeze %dma_start3A_422 : memref<1x128xi32, #tpu.memory_space<vmem>> -> memref<128xi32, #tpu.memory_space<vmem>>
        %dma_start3A_424 = arith.constant 0 : i32
        %dma_start3A_425 = arith.constant 0 : i32
        %dma_start3A_426 = tpu.memref_slice %arg2[%dma_start3A_424, %dma_start3A_425] : memref<10000x128xf32, #tpu.memory_space<hbm>> -> memref<10000x128xf32, #tpu.memory_space<hbm>>
        tpu.enqueue_indirect_dma source(%dma_start3A_426 : memref<10000x128xf32, #tpu.memory_space<hbm>>) target(%arg8 : memref<128x128xf32, #tpu.memory_space<vmem>>) offsets(%dma_start3A_423 : memref<128xi32, #tpu.memory_space<vmem>>) semaphore(%arg11 : memref<!tpu.dma_semaphore, #tpu.memory_space<semaphore_mem>>)
        %dma_wait3A_427 = arith.constant 13 : i32
        %dma_wait3A_428 = arith.constant 0 : i32
        %dma_wait3A_429 = tpu.memref_slice %arg6[%dma_wait3A_427, %dma_wait3A_428] : memref<16x128xi32, #tpu.memory_space<vmem>> -> memref<1x128xi32, #tpu.memory_space<vmem>>
        %dma_wait3A_430 = tpu.memref_squeeze %dma_wait3A_429 : memref<1x128xi32, #tpu.memory_space<vmem>> -> memref<128xi32, #tpu.memory_space<vmem>>
        %dma_wait3A_431 = arith.constant 0 : i32
        %dma_wait3A_432 = arith.constant 0 : i32
        %dma_wait3A_433 = tpu.memref_slice %arg2[%dma_wait3A_431, %dma_wait3A_432] : memref<10000x128xf32, #tpu.memory_space<hbm>> -> memref<10000x128xf32, #tpu.memory_space<hbm>>
        tpu.wait_indirect_dma semaphore(%arg12 : memref<!tpu.dma_semaphore, #tpu.memory_space<semaphore_mem>>) src(%dma_wait3A_433 : memref<10000x128xf32, #tpu.memory_space<hbm>>) dst(%arg9 : memref<128x128xf32, #tpu.memory_space<vmem>>)
        %dma_start3A_434 = arith.constant 13 : i32
        %dma_start3A_435 = arith.constant 0 : i32
        %dma_start3A_436 = tpu.memref_slice %arg7[%dma_start3A_434, %dma_start3A_435] : memref<16x128xi32, #tpu.memory_space<vmem>> -> memref<1x128xi32, #tpu.memory_space<vmem>>
        %dma_start3A_437 = tpu.memref_squeeze %dma_start3A_436 : memref<1x128xi32, #tpu.memory_space<vmem>> -> memref<128xi32, #tpu.memory_space<vmem>>
        %dma_start3A_438 = arith.constant 0 : i32
        %dma_start3A_439 = arith.constant 0 : i32
        %dma_start3A_440 = tpu.memref_slice %arg10[%dma_start3A_438, %dma_start3A_439] : memref<10112x128xf32, #tpu.memory_space<vmem_shared>> -> memref<10112x128xf32, #tpu.memory_space<vmem_shared>>
        tpu.enqueue_indirect_dma source(%arg9 : memref<128x128xf32, #tpu.memory_space<vmem>>) target(%dma_start3A_440 : memref<10112x128xf32, #tpu.memory_space<vmem_shared>>) offsets(%dma_start3A_437 : memref<128xi32, #tpu.memory_space<vmem>>) semaphore(%arg14 : memref<!tpu.dma_semaphore, #tpu.memory_space<semaphore_mem>>) {add = true}
        %dma_wait3A_441 = arith.constant 13 : i32
        %dma_wait3A_442 = arith.constant 0 : i32
        %dma_wait3A_443 = tpu.memref_slice %arg7[%dma_wait3A_441, %dma_wait3A_442] : memref<16x128xi32, #tpu.memory_space<vmem>> -> memref<1x128xi32, #tpu.memory_space<vmem>>
        %dma_wait3A_444 = tpu.memref_squeeze %dma_wait3A_443 : memref<1x128xi32, #tpu.memory_space<vmem>> -> memref<128xi32, #tpu.memory_space<vmem>>
        %dma_wait3A_445 = arith.constant 0 : i32
        %dma_wait3A_446 = arith.constant 0 : i32
        %dma_wait3A_447 = tpu.memref_slice %arg10[%dma_wait3A_445, %dma_wait3A_446] : memref<10112x128xf32, #tpu.memory_space<vmem_shared>> -> memref<10112x128xf32, #tpu.memory_space<vmem_shared>>
        tpu.wait_indirect_dma semaphore(%arg14 : memref<!tpu.dma_semaphore, #tpu.memory_space<semaphore_mem>>) src(%arg9 : memref<128x128xf32, #tpu.memory_space<vmem>>) dst(%dma_wait3A_447 : memref<10112x128xf32, #tpu.memory_space<vmem_shared>>)
        %dma_start3A_448 = arith.constant 15 : i32
        %dma_start3A_449 = arith.constant 0 : i32
        %dma_start3A_450 = tpu.memref_slice %arg6[%dma_start3A_448, %dma_start3A_449] : memref<16x128xi32, #tpu.memory_space<vmem>> -> memref<1x128xi32, #tpu.memory_space<vmem>>
        %dma_start3A_451 = tpu.memref_squeeze %dma_start3A_450 : memref<1x128xi32, #tpu.memory_space<vmem>> -> memref<128xi32, #tpu.memory_space<vmem>>
        %dma_start3A_452 = arith.constant 0 : i32
        %dma_start3A_453 = arith.constant 0 : i32
        %dma_start3A_454 = tpu.memref_slice %arg2[%dma_start3A_452, %dma_start3A_453] : memref<10000x128xf32, #tpu.memory_space<hbm>> -> memref<10000x128xf32, #tpu.memory_space<hbm>>
        tpu.enqueue_indirect_dma source(%dma_start3A_454 : memref<10000x128xf32, #tpu.memory_space<hbm>>) target(%arg9 : memref<128x128xf32, #tpu.memory_space<vmem>>) offsets(%dma_start3A_451 : memref<128xi32, #tpu.memory_space<vmem>>) semaphore(%arg12 : memref<!tpu.dma_semaphore, #tpu.memory_space<semaphore_mem>>)
        %dma_wait3A_455 = arith.constant 14 : i32
        %dma_wait3A_456 = arith.constant 0 : i32
        %dma_wait3A_457 = tpu.memref_slice %arg6[%dma_wait3A_455, %dma_wait3A_456] : memref<16x128xi32, #tpu.memory_space<vmem>> -> memref<1x128xi32, #tpu.memory_space<vmem>>
        %dma_wait3A_458 = tpu.memref_squeeze %dma_wait3A_457 : memref<1x128xi32, #tpu.memory_space<vmem>> -> memref<128xi32, #tpu.memory_space<vmem>>
        %dma_wait3A_459 = arith.constant 0 : i32
        %dma_wait3A_460 = arith.constant 0 : i32
        %dma_wait3A_461 = tpu.memref_slice %arg2[%dma_wait3A_459, %dma_wait3A_460] : memref<10000x128xf32, #tpu.memory_space<hbm>> -> memref<10000x128xf32, #tpu.memory_space<hbm>>
        tpu.wait_indirect_dma semaphore(%arg11 : memref<!tpu.dma_semaphore, #tpu.memory_space<semaphore_mem>>) src(%dma_wait3A_461 : memref<10000x128xf32, #tpu.memory_space<hbm>>) dst(%arg8 : memref<128x128xf32, #tpu.memory_space<vmem>>)
        %dma_start3A_462 = arith.constant 14 : i32
        %dma_start3A_463 = arith.constant 0 : i32
        %dma_start3A_464 = tpu.memref_slice %arg7[%dma_start3A_462, %dma_start3A_463] : memref<16x128xi32, #tpu.memory_space<vmem>> -> memref<1x128xi32, #tpu.memory_space<vmem>>
        %dma_start3A_465 = tpu.memref_squeeze %dma_start3A_464 : memref<1x128xi32, #tpu.memory_space<vmem>> -> memref<128xi32, #tpu.memory_space<vmem>>
        %dma_start3A_466 = arith.constant 0 : i32
        %dma_start3A_467 = arith.constant 0 : i32
        %dma_start3A_468 = tpu.memref_slice %arg10[%dma_start3A_466, %dma_start3A_467] : memref<10112x128xf32, #tpu.memory_space<vmem_shared>> -> memref<10112x128xf32, #tpu.memory_space<vmem_shared>>
        tpu.enqueue_indirect_dma source(%arg8 : memref<128x128xf32, #tpu.memory_space<vmem>>) target(%dma_start3A_468 : memref<10112x128xf32, #tpu.memory_space<vmem_shared>>) offsets(%dma_start3A_465 : memref<128xi32, #tpu.memory_space<vmem>>) semaphore(%arg13 : memref<!tpu.dma_semaphore, #tpu.memory_space<semaphore_mem>>) {add = true}
        %dma_wait3A_469 = arith.constant 15 : i32
        %dma_wait3A_470 = arith.constant 0 : i32
        %dma_wait3A_471 = tpu.memref_slice %arg6[%dma_wait3A_469, %dma_wait3A_470] : memref<16x128xi32, #tpu.memory_space<vmem>> -> memref<1x128xi32, #tpu.memory_space<vmem>>
        %dma_wait3A_472 = tpu.memref_squeeze %dma_wait3A_471 : memref<1x128xi32, #tpu.memory_space<vmem>> -> memref<128xi32, #tpu.memory_space<vmem>>
        %dma_wait3A_473 = arith.constant 0 : i32
        %dma_wait3A_474 = arith.constant 0 : i32
        %dma_wait3A_475 = tpu.memref_slice %arg2[%dma_wait3A_473, %dma_wait3A_474] : memref<10000x128xf32, #tpu.memory_space<hbm>> -> memref<10000x128xf32, #tpu.memory_space<hbm>>
        tpu.wait_indirect_dma semaphore(%arg12 : memref<!tpu.dma_semaphore, #tpu.memory_space<semaphore_mem>>) src(%dma_wait3A_475 : memref<10000x128xf32, #tpu.memory_space<hbm>>) dst(%arg9 : memref<128x128xf32, #tpu.memory_space<vmem>>)
        %dma_start3A_476 = arith.constant 15 : i32
        %dma_start3A_477 = arith.constant 0 : i32
        %dma_start3A_478 = tpu.memref_slice %arg7[%dma_start3A_476, %dma_start3A_477] : memref<16x128xi32, #tpu.memory_space<vmem>> -> memref<1x128xi32, #tpu.memory_space<vmem>>
        %dma_start3A_479 = tpu.memref_squeeze %dma_start3A_478 : memref<1x128xi32, #tpu.memory_space<vmem>> -> memref<128xi32, #tpu.memory_space<vmem>>
        %dma_start3A_480 = arith.constant 0 : i32
        %dma_start3A_481 = arith.constant 0 : i32
        %dma_start3A_482 = tpu.memref_slice %arg10[%dma_start3A_480, %dma_start3A_481] : memref<10112x128xf32, #tpu.memory_space<vmem_shared>> -> memref<10112x128xf32, #tpu.memory_space<vmem_shared>>
        tpu.enqueue_indirect_dma source(%arg9 : memref<128x128xf32, #tpu.memory_space<vmem>>) target(%dma_start3A_482 : memref<10112x128xf32, #tpu.memory_space<vmem_shared>>) offsets(%dma_start3A_479 : memref<128xi32, #tpu.memory_space<vmem>>) semaphore(%arg14 : memref<!tpu.dma_semaphore, #tpu.memory_space<semaphore_mem>>) {add = true}
        %dma_wait3A_483 = arith.constant 14 : i32
        %dma_wait3A_484 = arith.constant 0 : i32
        %dma_wait3A_485 = tpu.memref_slice %arg7[%dma_wait3A_483, %dma_wait3A_484] : memref<16x128xi32, #tpu.memory_space<vmem>> -> memref<1x128xi32, #tpu.memory_space<vmem>>
        %dma_wait3A_486 = tpu.memref_squeeze %dma_wait3A_485 : memref<1x128xi32, #tpu.memory_space<vmem>> -> memref<128xi32, #tpu.memory_space<vmem>>
        %dma_wait3A_487 = arith.constant 0 : i32
        %dma_wait3A_488 = arith.constant 0 : i32
        %dma_wait3A_489 = tpu.memref_slice %arg10[%dma_wait3A_487, %dma_wait3A_488] : memref<10112x128xf32, #tpu.memory_space<vmem_shared>> -> memref<10112x128xf32, #tpu.memory_space<vmem_shared>>
        tpu.wait_indirect_dma semaphore(%arg13 : memref<!tpu.dma_semaphore, #tpu.memory_space<semaphore_mem>>) src(%arg8 : memref<128x128xf32, #tpu.memory_space<vmem>>) dst(%dma_wait3A_489 : memref<10112x128xf32, #tpu.memory_space<vmem_shared>>)
        %dma_wait3A_490 = arith.constant 15 : i32
        %dma_wait3A_491 = arith.constant 0 : i32
        %dma_wait3A_492 = tpu.memref_slice %arg7[%dma_wait3A_490, %dma_wait3A_491] : memref<16x128xi32, #tpu.memory_space<vmem>> -> memref<1x128xi32, #tpu.memory_space<vmem>>
        %dma_wait3A_493 = tpu.memref_squeeze %dma_wait3A_492 : memref<1x128xi32, #tpu.memory_space<vmem>> -> memref<128xi32, #tpu.memory_space<vmem>>
        %dma_wait3A_494 = arith.constant 0 : i32
        %dma_wait3A_495 = arith.constant 0 : i32
        %dma_wait3A_496 = tpu.memref_slice %arg10[%dma_wait3A_494, %dma_wait3A_495] : memref<10112x128xf32, #tpu.memory_space<vmem_shared>> -> memref<10112x128xf32, #tpu.memory_space<vmem_shared>>
        tpu.wait_indirect_dma semaphore(%arg14 : memref<!tpu.dma_semaphore, #tpu.memory_space<semaphore_mem>>) src(%arg9 : memref<128x128xf32, #tpu.memory_space<vmem>>) dst(%dma_wait3A_496 : memref<10112x128xf32, #tpu.memory_space<vmem_shared>>)
      }
      %scan3A_41 = arith.constant 8 : i32
    } else {
    }
    %eq3A_16 = arith.constant 1 : i32
    %eq3A_17 = arith.cmpi eq, %arg0, %eq3A_16 : i32
    %convert_element_type3A_18 = arith.extui %eq3A_17 : i1 to i32
    %cond3A_19 = arith.constant 0 : i32
    %cond3A_20 = arith.cmpi ne, %convert_element_type3A_18, %cond3A_19 : i32
    scf.if %cond3A_20 {
      %mul3A_34 = arith.constant 32 : i32
      %mul3A_35 = arith.muli %arg1, %mul3A_34 : i32
      %add3A_36 = arith.constant 2048 : i32
      %add3A_37 = arith.addi %add3A_36, %mul3A_35 : i32
      %multiple_of3A_38 = tpu.assume_multiple %add3A_37, 8 : i32
      %scan3A_39 = arith.constant 0 : i32
      %scan3A_40 = arith.constant 2 : i32
      %scan3A_41 = arith.addi %scan3A_39, %scan3A_40 : i32
      %scan3A_42 = arith.constant 1 : i32
      scf.for %scan3A_44 = %scan3A_39 to %scan3A_41 step %scan3A_42  : i32 {
        %mul3A_45 = arith.constant 1 : i32
        %mul3A_46 = arith.muli %scan3A_44, %mul3A_45 : i32
        %add3A_47 = arith.constant 0 : i32
        %add3A_48 = arith.addi %add3A_47, %mul3A_46 : i32
        %mul3A_49 = arith.constant 16 : i32
        %mul3A_50 = arith.muli %add3A_48, %mul3A_49 : i32
        %add3A_51 = arith.addi %multiple_of3A_38, %mul3A_50 : i32
        %multiple_of3A_52 = tpu.assume_multiple %add3A_51, 8 : i32
        "tpu.region"() ({
          %run_scoped3A = tpu.sem_alloc : memref<!tpu.dma_semaphore, #tpu.memory_space<semaphore_mem>>
          %dma_start3A_499 = arith.constant 0 : i32
          %dma_start3A_500 = tpu.memref_slice %arg3[%multiple_of3A_52, %dma_start3A_499] : memref<2560x128xi32, #tpu.memory_space<hbm>> -> memref<16x128xi32, #tpu.memory_space<hbm>>
          %dma_start3A_501 = arith.constant 0 : i32
          %dma_start3A_502 = tpu.memref_slice %arg3[%multiple_of3A_52, %dma_start3A_501] : memref<2560x128xi32, #tpu.memory_space<hbm>> -> memref<16x128xi32, #tpu.memory_space<hbm>>
          tpu.enqueue_dma source(%dma_start3A_502 : memref<16x128xi32, #tpu.memory_space<hbm>>) target(%arg6 : memref<16x128xi32, #tpu.memory_space<vmem>>) target_semaphore(%run_scoped3A : memref<!tpu.dma_semaphore, #tpu.memory_space<semaphore_mem>>)
          %dma_wait3A_503 = arith.constant 0 : i32
          %dma_wait3A_504 = tpu.memref_slice %arg3[%multiple_of3A_52, %dma_wait3A_503] : memref<2560x128xi32, #tpu.memory_space<hbm>> -> memref<16x128xi32, #tpu.memory_space<hbm>>
          %dma_wait3A_505 = arith.constant 0 : i32
          %dma_wait3A_506 = tpu.memref_slice %arg3[%multiple_of3A_52, %dma_wait3A_505] : memref<2560x128xi32, #tpu.memory_space<hbm>> -> memref<16x128xi32, #tpu.memory_space<hbm>>
          tpu.wait_dma2 semaphore(%run_scoped3A : memref<!tpu.dma_semaphore, #tpu.memory_space<semaphore_mem>>) src(%dma_wait3A_506 : memref<16x128xi32, #tpu.memory_space<hbm>>) dst(%arg6 : memref<16x128xi32, #tpu.memory_space<vmem>>)
          tpu.yield
        }) : () -> ()
        "tpu.region"() ({
          %run_scoped3A = tpu.sem_alloc : memref<!tpu.dma_semaphore, #tpu.memory_space<semaphore_mem>>
          %dma_start3A_499 = arith.constant 0 : i32
          %dma_start3A_500 = tpu.memref_slice %arg4[%multiple_of3A_52, %dma_start3A_499] : memref<2560x128xi32, #tpu.memory_space<hbm>> -> memref<16x128xi32, #tpu.memory_space<hbm>>
          %dma_start3A_501 = arith.constant 0 : i32
          %dma_start3A_502 = tpu.memref_slice %arg4[%multiple_of3A_52, %dma_start3A_501] : memref<2560x128xi32, #tpu.memory_space<hbm>> -> memref<16x128xi32, #tpu.memory_space<hbm>>
          tpu.enqueue_dma source(%dma_start3A_502 : memref<16x128xi32, #tpu.memory_space<hbm>>) target(%arg7 : memref<16x128xi32, #tpu.memory_space<vmem>>) target_semaphore(%run_scoped3A : memref<!tpu.dma_semaphore, #tpu.memory_space<semaphore_mem>>)
          %dma_wait3A_503 = arith.constant 0 : i32
          %dma_wait3A_504 = tpu.memref_slice %arg4[%multiple_of3A_52, %dma_wait3A_503] : memref<2560x128xi32, #tpu.memory_space<hbm>> -> memref<16x128xi32, #tpu.memory_space<hbm>>
          %dma_wait3A_505 = arith.constant 0 : i32
          %dma_wait3A_506 = tpu.memref_slice %arg4[%multiple_of3A_52, %dma_wait3A_505] : memref<2560x128xi32, #tpu.memory_space<hbm>> -> memref<16x128xi32, #tpu.memory_space<hbm>>
          tpu.wait_dma2 semaphore(%run_scoped3A : memref<!tpu.dma_semaphore, #tpu.memory_space<semaphore_mem>>) src(%dma_wait3A_506 : memref<16x128xi32, #tpu.memory_space<hbm>>) dst(%arg7 : memref<16x128xi32, #tpu.memory_space<vmem>>)
          tpu.yield
        }) : () -> ()
        %dma_start3A = arith.constant 0 : i32
        %dma_start3A_53 = arith.constant 0 : i32
        %dma_start3A_54 = tpu.memref_slice %arg6[%dma_start3A, %dma_start3A_53] : memref<16x128xi32, #tpu.memory_space<vmem>> -> memref<1x128xi32, #tpu.memory_space<vmem>>
        %dma_start3A_55 = tpu.memref_squeeze %dma_start3A_54 : memref<1x128xi32, #tpu.memory_space<vmem>> -> memref<128xi32, #tpu.memory_space<vmem>>
        %dma_start3A_56 = arith.constant 0 : i32
        %dma_start3A_57 = arith.constant 0 : i32
        %dma_start3A_58 = tpu.memref_slice %arg2[%dma_start3A_56, %dma_start3A_57] : memref<10000x128xf32, #tpu.memory_space<hbm>> -> memref<10000x128xf32, #tpu.memory_space<hbm>>
        tpu.enqueue_indirect_dma source(%dma_start3A_58 : memref<10000x128xf32, #tpu.memory_space<hbm>>) target(%arg8 : memref<128x128xf32, #tpu.memory_space<vmem>>) offsets(%dma_start3A_55 : memref<128xi32, #tpu.memory_space<vmem>>) semaphore(%arg11 : memref<!tpu.dma_semaphore, #tpu.memory_space<semaphore_mem>>)
        %dma_start3A_59 = arith.constant 1 : i32
        %dma_start3A_60 = arith.constant 0 : i32
        %dma_start3A_61 = tpu.memref_slice %arg6[%dma_start3A_59, %dma_start3A_60] : memref<16x128xi32, #tpu.memory_space<vmem>> -> memref<1x128xi32, #tpu.memory_space<vmem>>
        %dma_start3A_62 = tpu.memref_squeeze %dma_start3A_61 : memref<1x128xi32, #tpu.memory_space<vmem>> -> memref<128xi32, #tpu.memory_space<vmem>>
        %dma_start3A_63 = arith.constant 0 : i32
        %dma_start3A_64 = arith.constant 0 : i32
        %dma_start3A_65 = tpu.memref_slice %arg2[%dma_start3A_63, %dma_start3A_64] : memref<10000x128xf32, #tpu.memory_space<hbm>> -> memref<10000x128xf32, #tpu.memory_space<hbm>>
        tpu.enqueue_indirect_dma source(%dma_start3A_65 : memref<10000x128xf32, #tpu.memory_space<hbm>>) target(%arg9 : memref<128x128xf32, #tpu.memory_space<vmem>>) offsets(%dma_start3A_62 : memref<128xi32, #tpu.memory_space<vmem>>) semaphore(%arg12 : memref<!tpu.dma_semaphore, #tpu.memory_space<semaphore_mem>>)
        %dma_wait3A = arith.constant 0 : i32
        %dma_wait3A_66 = arith.constant 0 : i32
        %dma_wait3A_67 = tpu.memref_slice %arg6[%dma_wait3A, %dma_wait3A_66] : memref<16x128xi32, #tpu.memory_space<vmem>> -> memref<1x128xi32, #tpu.memory_space<vmem>>
        %dma_wait3A_68 = tpu.memref_squeeze %dma_wait3A_67 : memref<1x128xi32, #tpu.memory_space<vmem>> -> memref<128xi32, #tpu.memory_space<vmem>>
        %dma_wait3A_69 = arith.constant 0 : i32
        %dma_wait3A_70 = arith.constant 0 : i32
        %dma_wait3A_71 = tpu.memref_slice %arg2[%dma_wait3A_69, %dma_wait3A_70] : memref<10000x128xf32, #tpu.memory_space<hbm>> -> memref<10000x128xf32, #tpu.memory_space<hbm>>
        tpu.wait_indirect_dma semaphore(%arg11 : memref<!tpu.dma_semaphore, #tpu.memory_space<semaphore_mem>>) src(%dma_wait3A_71 : memref<10000x128xf32, #tpu.memory_space<hbm>>) dst(%arg8 : memref<128x128xf32, #tpu.memory_space<vmem>>)
        %dma_start3A_72 = arith.constant 0 : i32
        %dma_start3A_73 = arith.constant 0 : i32
        %dma_start3A_74 = tpu.memref_slice %arg7[%dma_start3A_72, %dma_start3A_73] : memref<16x128xi32, #tpu.memory_space<vmem>> -> memref<1x128xi32, #tpu.memory_space<vmem>>
        %dma_start3A_75 = tpu.memref_squeeze %dma_start3A_74 : memref<1x128xi32, #tpu.memory_space<vmem>> -> memref<128xi32, #tpu.memory_space<vmem>>
        %dma_start3A_76 = arith.constant 0 : i32
        %dma_start3A_77 = arith.constant 0 : i32
        %dma_start3A_78 = tpu.memref_slice %arg10[%dma_start3A_76, %dma_start3A_77] : memref<10112x128xf32, #tpu.memory_space<vmem_shared>> -> memref<10112x128xf32, #tpu.memory_space<vmem_shared>>
        tpu.enqueue_indirect_dma source(%arg8 : memref<128x128xf32, #tpu.memory_space<vmem>>) target(%dma_start3A_78 : memref<10112x128xf32, #tpu.memory_space<vmem_shared>>) offsets(%dma_start3A_75 : memref<128xi32, #tpu.memory_space<vmem>>) semaphore(%arg13 : memref<!tpu.dma_semaphore, #tpu.memory_space<semaphore_mem>>) {add = true}
        %dma_wait3A_79 = arith.constant 0 : i32
        %dma_wait3A_80 = arith.constant 0 : i32
        %dma_wait3A_81 = tpu.memref_slice %arg7[%dma_wait3A_79, %dma_wait3A_80] : memref<16x128xi32, #tpu.memory_space<vmem>> -> memref<1x128xi32, #tpu.memory_space<vmem>>
        %dma_wait3A_82 = tpu.memref_squeeze %dma_wait3A_81 : memref<1x128xi32, #tpu.memory_space<vmem>> -> memref<128xi32, #tpu.memory_space<vmem>>
        %dma_wait3A_83 = arith.constant 0 : i32
        %dma_wait3A_84 = arith.constant 0 : i32
        %dma_wait3A_85 = tpu.memref_slice %arg10[%dma_wait3A_83, %dma_wait3A_84] : memref<10112x128xf32, #tpu.memory_space<vmem_shared>> -> memref<10112x128xf32, #tpu.memory_space<vmem_shared>>
        tpu.wait_indirect_dma semaphore(%arg13 : memref<!tpu.dma_semaphore, #tpu.memory_space<semaphore_mem>>) src(%arg8 : memref<128x128xf32, #tpu.memory_space<vmem>>) dst(%dma_wait3A_85 : memref<10112x128xf32, #tpu.memory_space<vmem_shared>>)
        %dma_start3A_86 = arith.constant 2 : i32
        %dma_start3A_87 = arith.constant 0 : i32
        %dma_start3A_88 = tpu.memref_slice %arg6[%dma_start3A_86, %dma_start3A_87] : memref<16x128xi32, #tpu.memory_space<vmem>> -> memref<1x128xi32, #tpu.memory_space<vmem>>
        %dma_start3A_89 = tpu.memref_squeeze %dma_start3A_88 : memref<1x128xi32, #tpu.memory_space<vmem>> -> memref<128xi32, #tpu.memory_space<vmem>>
        %dma_start3A_90 = arith.constant 0 : i32
        %dma_start3A_91 = arith.constant 0 : i32
        %dma_start3A_92 = tpu.memref_slice %arg2[%dma_start3A_90, %dma_start3A_91] : memref<10000x128xf32, #tpu.memory_space<hbm>> -> memref<10000x128xf32, #tpu.memory_space<hbm>>
        tpu.enqueue_indirect_dma source(%dma_start3A_92 : memref<10000x128xf32, #tpu.memory_space<hbm>>) target(%arg8 : memref<128x128xf32, #tpu.memory_space<vmem>>) offsets(%dma_start3A_89 : memref<128xi32, #tpu.memory_space<vmem>>) semaphore(%arg11 : memref<!tpu.dma_semaphore, #tpu.memory_space<semaphore_mem>>)
        %dma_wait3A_93 = arith.constant 1 : i32
        %dma_wait3A_94 = arith.constant 0 : i32
        %dma_wait3A_95 = tpu.memref_slice %arg6[%dma_wait3A_93, %dma_wait3A_94] : memref<16x128xi32, #tpu.memory_space<vmem>> -> memref<1x128xi32, #tpu.memory_space<vmem>>
        %dma_wait3A_96 = tpu.memref_squeeze %dma_wait3A_95 : memref<1x128xi32, #tpu.memory_space<vmem>> -> memref<128xi32, #tpu.memory_space<vmem>>
        %dma_wait3A_97 = arith.constant 0 : i32
        %dma_wait3A_98 = arith.constant 0 : i32
        %dma_wait3A_99 = tpu.memref_slice %arg2[%dma_wait3A_97, %dma_wait3A_98] : memref<10000x128xf32, #tpu.memory_space<hbm>> -> memref<10000x128xf32, #tpu.memory_space<hbm>>
        tpu.wait_indirect_dma semaphore(%arg12 : memref<!tpu.dma_semaphore, #tpu.memory_space<semaphore_mem>>) src(%dma_wait3A_99 : memref<10000x128xf32, #tpu.memory_space<hbm>>) dst(%arg9 : memref<128x128xf32, #tpu.memory_space<vmem>>)
        %dma_start3A_100 = arith.constant 1 : i32
        %dma_start3A_101 = arith.constant 0 : i32
        %dma_start3A_102 = tpu.memref_slice %arg7[%dma_start3A_100, %dma_start3A_101] : memref<16x128xi32, #tpu.memory_space<vmem>> -> memref<1x128xi32, #tpu.memory_space<vmem>>
        %dma_start3A_103 = tpu.memref_squeeze %dma_start3A_102 : memref<1x128xi32, #tpu.memory_space<vmem>> -> memref<128xi32, #tpu.memory_space<vmem>>
        %dma_start3A_104 = arith.constant 0 : i32
        %dma_start3A_105 = arith.constant 0 : i32
        %dma_start3A_106 = tpu.memref_slice %arg10[%dma_start3A_104, %dma_start3A_105] : memref<10112x128xf32, #tpu.memory_space<vmem_shared>> -> memref<10112x128xf32, #tpu.memory_space<vmem_shared>>
        tpu.enqueue_indirect_dma source(%arg9 : memref<128x128xf32, #tpu.memory_space<vmem>>) target(%dma_start3A_106 : memref<10112x128xf32, #tpu.memory_space<vmem_shared>>) offsets(%dma_start3A_103 : memref<128xi32, #tpu.memory_space<vmem>>) semaphore(%arg14 : memref<!tpu.dma_semaphore, #tpu.memory_space<semaphore_mem>>) {add = true}
        %dma_wait3A_107 = arith.constant 1 : i32
        %dma_wait3A_108 = arith.constant 0 : i32
        %dma_wait3A_109 = tpu.memref_slice %arg7[%dma_wait3A_107, %dma_wait3A_108] : memref<16x128xi32, #tpu.memory_space<vmem>> -> memref<1x128xi32, #tpu.memory_space<vmem>>
        %dma_wait3A_110 = tpu.memref_squeeze %dma_wait3A_109 : memref<1x128xi32, #tpu.memory_space<vmem>> -> memref<128xi32, #tpu.memory_space<vmem>>
        %dma_wait3A_111 = arith.constant 0 : i32
        %dma_wait3A_112 = arith.constant 0 : i32
        %dma_wait3A_113 = tpu.memref_slice %arg10[%dma_wait3A_111, %dma_wait3A_112] : memref<10112x128xf32, #tpu.memory_space<vmem_shared>> -> memref<10112x128xf32, #tpu.memory_space<vmem_shared>>
        tpu.wait_indirect_dma semaphore(%arg14 : memref<!tpu.dma_semaphore, #tpu.memory_space<semaphore_mem>>) src(%arg9 : memref<128x128xf32, #tpu.memory_space<vmem>>) dst(%dma_wait3A_113 : memref<10112x128xf32, #tpu.memory_space<vmem_shared>>)
        %dma_start3A_114 = arith.constant 3 : i32
        %dma_start3A_115 = arith.constant 0 : i32
        %dma_start3A_116 = tpu.memref_slice %arg6[%dma_start3A_114, %dma_start3A_115] : memref<16x128xi32, #tpu.memory_space<vmem>> -> memref<1x128xi32, #tpu.memory_space<vmem>>
        %dma_start3A_117 = tpu.memref_squeeze %dma_start3A_116 : memref<1x128xi32, #tpu.memory_space<vmem>> -> memref<128xi32, #tpu.memory_space<vmem>>
        %dma_start3A_118 = arith.constant 0 : i32
        %dma_start3A_119 = arith.constant 0 : i32
        %dma_start3A_120 = tpu.memref_slice %arg2[%dma_start3A_118, %dma_start3A_119] : memref<10000x128xf32, #tpu.memory_space<hbm>> -> memref<10000x128xf32, #tpu.memory_space<hbm>>
        tpu.enqueue_indirect_dma source(%dma_start3A_120 : memref<10000x128xf32, #tpu.memory_space<hbm>>) target(%arg9 : memref<128x128xf32, #tpu.memory_space<vmem>>) offsets(%dma_start3A_117 : memref<128xi32, #tpu.memory_space<vmem>>) semaphore(%arg12 : memref<!tpu.dma_semaphore, #tpu.memory_space<semaphore_mem>>)
        %dma_wait3A_121 = arith.constant 2 : i32
        %dma_wait3A_122 = arith.constant 0 : i32
        %dma_wait3A_123 = tpu.memref_slice %arg6[%dma_wait3A_121, %dma_wait3A_122] : memref<16x128xi32, #tpu.memory_space<vmem>> -> memref<1x128xi32, #tpu.memory_space<vmem>>
        %dma_wait3A_124 = tpu.memref_squeeze %dma_wait3A_123 : memref<1x128xi32, #tpu.memory_space<vmem>> -> memref<128xi32, #tpu.memory_space<vmem>>
        %dma_wait3A_125 = arith.constant 0 : i32
        %dma_wait3A_126 = arith.constant 0 : i32
        %dma_wait3A_127 = tpu.memref_slice %arg2[%dma_wait3A_125, %dma_wait3A_126] : memref<10000x128xf32, #tpu.memory_space<hbm>> -> memref<10000x128xf32, #tpu.memory_space<hbm>>
        tpu.wait_indirect_dma semaphore(%arg11 : memref<!tpu.dma_semaphore, #tpu.memory_space<semaphore_mem>>) src(%dma_wait3A_127 : memref<10000x128xf32, #tpu.memory_space<hbm>>) dst(%arg8 : memref<128x128xf32, #tpu.memory_space<vmem>>)
        %dma_start3A_128 = arith.constant 2 : i32
        %dma_start3A_129 = arith.constant 0 : i32
        %dma_start3A_130 = tpu.memref_slice %arg7[%dma_start3A_128, %dma_start3A_129] : memref<16x128xi32, #tpu.memory_space<vmem>> -> memref<1x128xi32, #tpu.memory_space<vmem>>
        %dma_start3A_131 = tpu.memref_squeeze %dma_start3A_130 : memref<1x128xi32, #tpu.memory_space<vmem>> -> memref<128xi32, #tpu.memory_space<vmem>>
        %dma_start3A_132 = arith.constant 0 : i32
        %dma_start3A_133 = arith.constant 0 : i32
        %dma_start3A_134 = tpu.memref_slice %arg10[%dma_start3A_132, %dma_start3A_133] : memref<10112x128xf32, #tpu.memory_space<vmem_shared>> -> memref<10112x128xf32, #tpu.memory_space<vmem_shared>>
        tpu.enqueue_indirect_dma source(%arg8 : memref<128x128xf32, #tpu.memory_space<vmem>>) target(%dma_start3A_134 : memref<10112x128xf32, #tpu.memory_space<vmem_shared>>) offsets(%dma_start3A_131 : memref<128xi32, #tpu.memory_space<vmem>>) semaphore(%arg13 : memref<!tpu.dma_semaphore, #tpu.memory_space<semaphore_mem>>) {add = true}
        %dma_wait3A_135 = arith.constant 2 : i32
        %dma_wait3A_136 = arith.constant 0 : i32
        %dma_wait3A_137 = tpu.memref_slice %arg7[%dma_wait3A_135, %dma_wait3A_136] : memref<16x128xi32, #tpu.memory_space<vmem>> -> memref<1x128xi32, #tpu.memory_space<vmem>>
        %dma_wait3A_138 = tpu.memref_squeeze %dma_wait3A_137 : memref<1x128xi32, #tpu.memory_space<vmem>> -> memref<128xi32, #tpu.memory_space<vmem>>
        %dma_wait3A_139 = arith.constant 0 : i32
        %dma_wait3A_140 = arith.constant 0 : i32
        %dma_wait3A_141 = tpu.memref_slice %arg10[%dma_wait3A_139, %dma_wait3A_140] : memref<10112x128xf32, #tpu.memory_space<vmem_shared>> -> memref<10112x128xf32, #tpu.memory_space<vmem_shared>>
        tpu.wait_indirect_dma semaphore(%arg13 : memref<!tpu.dma_semaphore, #tpu.memory_space<semaphore_mem>>) src(%arg8 : memref<128x128xf32, #tpu.memory_space<vmem>>) dst(%dma_wait3A_141 : memref<10112x128xf32, #tpu.memory_space<vmem_shared>>)
        %dma_start3A_142 = arith.constant 4 : i32
        %dma_start3A_143 = arith.constant 0 : i32
        %dma_start3A_144 = tpu.memref_slice %arg6[%dma_start3A_142, %dma_start3A_143] : memref<16x128xi32, #tpu.memory_space<vmem>> -> memref<1x128xi32, #tpu.memory_space<vmem>>
        %dma_start3A_145 = tpu.memref_squeeze %dma_start3A_144 : memref<1x128xi32, #tpu.memory_space<vmem>> -> memref<128xi32, #tpu.memory_space<vmem>>
        %dma_start3A_146 = arith.constant 0 : i32
        %dma_start3A_147 = arith.constant 0 : i32
        %dma_start3A_148 = tpu.memref_slice %arg2[%dma_start3A_146, %dma_start3A_147] : memref<10000x128xf32, #tpu.memory_space<hbm>> -> memref<10000x128xf32, #tpu.memory_space<hbm>>
        tpu.enqueue_indirect_dma source(%dma_start3A_148 : memref<10000x128xf32, #tpu.memory_space<hbm>>) target(%arg8 : memref<128x128xf32, #tpu.memory_space<vmem>>) offsets(%dma_start3A_145 : memref<128xi32, #tpu.memory_space<vmem>>) semaphore(%arg11 : memref<!tpu.dma_semaphore, #tpu.memory_space<semaphore_mem>>)
        %dma_wait3A_149 = arith.constant 3 : i32
        %dma_wait3A_150 = arith.constant 0 : i32
        %dma_wait3A_151 = tpu.memref_slice %arg6[%dma_wait3A_149, %dma_wait3A_150] : memref<16x128xi32, #tpu.memory_space<vmem>> -> memref<1x128xi32, #tpu.memory_space<vmem>>
        %dma_wait3A_152 = tpu.memref_squeeze %dma_wait3A_151 : memref<1x128xi32, #tpu.memory_space<vmem>> -> memref<128xi32, #tpu.memory_space<vmem>>
        %dma_wait3A_153 = arith.constant 0 : i32
        %dma_wait3A_154 = arith.constant 0 : i32
        %dma_wait3A_155 = tpu.memref_slice %arg2[%dma_wait3A_153, %dma_wait3A_154] : memref<10000x128xf32, #tpu.memory_space<hbm>> -> memref<10000x128xf32, #tpu.memory_space<hbm>>
        tpu.wait_indirect_dma semaphore(%arg12 : memref<!tpu.dma_semaphore, #tpu.memory_space<semaphore_mem>>) src(%dma_wait3A_155 : memref<10000x128xf32, #tpu.memory_space<hbm>>) dst(%arg9 : memref<128x128xf32, #tpu.memory_space<vmem>>)
        %dma_start3A_156 = arith.constant 3 : i32
        %dma_start3A_157 = arith.constant 0 : i32
        %dma_start3A_158 = tpu.memref_slice %arg7[%dma_start3A_156, %dma_start3A_157] : memref<16x128xi32, #tpu.memory_space<vmem>> -> memref<1x128xi32, #tpu.memory_space<vmem>>
        %dma_start3A_159 = tpu.memref_squeeze %dma_start3A_158 : memref<1x128xi32, #tpu.memory_space<vmem>> -> memref<128xi32, #tpu.memory_space<vmem>>
        %dma_start3A_160 = arith.constant 0 : i32
        %dma_start3A_161 = arith.constant 0 : i32
        %dma_start3A_162 = tpu.memref_slice %arg10[%dma_start3A_160, %dma_start3A_161] : memref<10112x128xf32, #tpu.memory_space<vmem_shared>> -> memref<10112x128xf32, #tpu.memory_space<vmem_shared>>
        tpu.enqueue_indirect_dma source(%arg9 : memref<128x128xf32, #tpu.memory_space<vmem>>) target(%dma_start3A_162 : memref<10112x128xf32, #tpu.memory_space<vmem_shared>>) offsets(%dma_start3A_159 : memref<128xi32, #tpu.memory_space<vmem>>) semaphore(%arg14 : memref<!tpu.dma_semaphore, #tpu.memory_space<semaphore_mem>>) {add = true}
        %dma_wait3A_163 = arith.constant 3 : i32
        %dma_wait3A_164 = arith.constant 0 : i32
        %dma_wait3A_165 = tpu.memref_slice %arg7[%dma_wait3A_163, %dma_wait3A_164] : memref<16x128xi32, #tpu.memory_space<vmem>> -> memref<1x128xi32, #tpu.memory_space<vmem>>
        %dma_wait3A_166 = tpu.memref_squeeze %dma_wait3A_165 : memref<1x128xi32, #tpu.memory_space<vmem>> -> memref<128xi32, #tpu.memory_space<vmem>>
        %dma_wait3A_167 = arith.constant 0 : i32
        %dma_wait3A_168 = arith.constant 0 : i32
        %dma_wait3A_169 = tpu.memref_slice %arg10[%dma_wait3A_167, %dma_wait3A_168] : memref<10112x128xf32, #tpu.memory_space<vmem_shared>> -> memref<10112x128xf32, #tpu.memory_space<vmem_shared>>
        tpu.wait_indirect_dma semaphore(%arg14 : memref<!tpu.dma_semaphore, #tpu.memory_space<semaphore_mem>>) src(%arg9 : memref<128x128xf32, #tpu.memory_space<vmem>>) dst(%dma_wait3A_169 : memref<10112x128xf32, #tpu.memory_space<vmem_shared>>)
        %dma_start3A_170 = arith.constant 5 : i32
        %dma_start3A_171 = arith.constant 0 : i32
        %dma_start3A_172 = tpu.memref_slice %arg6[%dma_start3A_170, %dma_start3A_171] : memref<16x128xi32, #tpu.memory_space<vmem>> -> memref<1x128xi32, #tpu.memory_space<vmem>>
        %dma_start3A_173 = tpu.memref_squeeze %dma_start3A_172 : memref<1x128xi32, #tpu.memory_space<vmem>> -> memref<128xi32, #tpu.memory_space<vmem>>
        %dma_start3A_174 = arith.constant 0 : i32
        %dma_start3A_175 = arith.constant 0 : i32
        %dma_start3A_176 = tpu.memref_slice %arg2[%dma_start3A_174, %dma_start3A_175] : memref<10000x128xf32, #tpu.memory_space<hbm>> -> memref<10000x128xf32, #tpu.memory_space<hbm>>
        tpu.enqueue_indirect_dma source(%dma_start3A_176 : memref<10000x128xf32, #tpu.memory_space<hbm>>) target(%arg9 : memref<128x128xf32, #tpu.memory_space<vmem>>) offsets(%dma_start3A_173 : memref<128xi32, #tpu.memory_space<vmem>>) semaphore(%arg12 : memref<!tpu.dma_semaphore, #tpu.memory_space<semaphore_mem>>)
        %dma_wait3A_177 = arith.constant 4 : i32
        %dma_wait3A_178 = arith.constant 0 : i32
        %dma_wait3A_179 = tpu.memref_slice %arg6[%dma_wait3A_177, %dma_wait3A_178] : memref<16x128xi32, #tpu.memory_space<vmem>> -> memref<1x128xi32, #tpu.memory_space<vmem>>
        %dma_wait3A_180 = tpu.memref_squeeze %dma_wait3A_179 : memref<1x128xi32, #tpu.memory_space<vmem>> -> memref<128xi32, #tpu.memory_space<vmem>>
        %dma_wait3A_181 = arith.constant 0 : i32
        %dma_wait3A_182 = arith.constant 0 : i32
        %dma_wait3A_183 = tpu.memref_slice %arg2[%dma_wait3A_181, %dma_wait3A_182] : memref<10000x128xf32, #tpu.memory_space<hbm>> -> memref<10000x128xf32, #tpu.memory_space<hbm>>
        tpu.wait_indirect_dma semaphore(%arg11 : memref<!tpu.dma_semaphore, #tpu.memory_space<semaphore_mem>>) src(%dma_wait3A_183 : memref<10000x128xf32, #tpu.memory_space<hbm>>) dst(%arg8 : memref<128x128xf32, #tpu.memory_space<vmem>>)
        %dma_start3A_184 = arith.constant 4 : i32
        %dma_start3A_185 = arith.constant 0 : i32
        %dma_start3A_186 = tpu.memref_slice %arg7[%dma_start3A_184, %dma_start3A_185] : memref<16x128xi32, #tpu.memory_space<vmem>> -> memref<1x128xi32, #tpu.memory_space<vmem>>
        %dma_start3A_187 = tpu.memref_squeeze %dma_start3A_186 : memref<1x128xi32, #tpu.memory_space<vmem>> -> memref<128xi32, #tpu.memory_space<vmem>>
        %dma_start3A_188 = arith.constant 0 : i32
        %dma_start3A_189 = arith.constant 0 : i32
        %dma_start3A_190 = tpu.memref_slice %arg10[%dma_start3A_188, %dma_start3A_189] : memref<10112x128xf32, #tpu.memory_space<vmem_shared>> -> memref<10112x128xf32, #tpu.memory_space<vmem_shared>>
        tpu.enqueue_indirect_dma source(%arg8 : memref<128x128xf32, #tpu.memory_space<vmem>>) target(%dma_start3A_190 : memref<10112x128xf32, #tpu.memory_space<vmem_shared>>) offsets(%dma_start3A_187 : memref<128xi32, #tpu.memory_space<vmem>>) semaphore(%arg13 : memref<!tpu.dma_semaphore, #tpu.memory_space<semaphore_mem>>) {add = true}
        %dma_wait3A_191 = arith.constant 4 : i32
        %dma_wait3A_192 = arith.constant 0 : i32
        %dma_wait3A_193 = tpu.memref_slice %arg7[%dma_wait3A_191, %dma_wait3A_192] : memref<16x128xi32, #tpu.memory_space<vmem>> -> memref<1x128xi32, #tpu.memory_space<vmem>>
        %dma_wait3A_194 = tpu.memref_squeeze %dma_wait3A_193 : memref<1x128xi32, #tpu.memory_space<vmem>> -> memref<128xi32, #tpu.memory_space<vmem>>
        %dma_wait3A_195 = arith.constant 0 : i32
        %dma_wait3A_196 = arith.constant 0 : i32
        %dma_wait3A_197 = tpu.memref_slice %arg10[%dma_wait3A_195, %dma_wait3A_196] : memref<10112x128xf32, #tpu.memory_space<vmem_shared>> -> memref<10112x128xf32, #tpu.memory_space<vmem_shared>>
        tpu.wait_indirect_dma semaphore(%arg13 : memref<!tpu.dma_semaphore, #tpu.memory_space<semaphore_mem>>) src(%arg8 : memref<128x128xf32, #tpu.memory_space<vmem>>) dst(%dma_wait3A_197 : memref<10112x128xf32, #tpu.memory_space<vmem_shared>>)
        %dma_start3A_198 = arith.constant 6 : i32
        %dma_start3A_199 = arith.constant 0 : i32
        %dma_start3A_200 = tpu.memref_slice %arg6[%dma_start3A_198, %dma_start3A_199] : memref<16x128xi32, #tpu.memory_space<vmem>> -> memref<1x128xi32, #tpu.memory_space<vmem>>
        %dma_start3A_201 = tpu.memref_squeeze %dma_start3A_200 : memref<1x128xi32, #tpu.memory_space<vmem>> -> memref<128xi32, #tpu.memory_space<vmem>>
        %dma_start3A_202 = arith.constant 0 : i32
        %dma_start3A_203 = arith.constant 0 : i32
        %dma_start3A_204 = tpu.memref_slice %arg2[%dma_start3A_202, %dma_start3A_203] : memref<10000x128xf32, #tpu.memory_space<hbm>> -> memref<10000x128xf32, #tpu.memory_space<hbm>>
        tpu.enqueue_indirect_dma source(%dma_start3A_204 : memref<10000x128xf32, #tpu.memory_space<hbm>>) target(%arg8 : memref<128x128xf32, #tpu.memory_space<vmem>>) offsets(%dma_start3A_201 : memref<128xi32, #tpu.memory_space<vmem>>) semaphore(%arg11 : memref<!tpu.dma_semaphore, #tpu.memory_space<semaphore_mem>>)
        %dma_wait3A_205 = arith.constant 5 : i32
        %dma_wait3A_206 = arith.constant 0 : i32
        %dma_wait3A_207 = tpu.memref_slice %arg6[%dma_wait3A_205, %dma_wait3A_206] : memref<16x128xi32, #tpu.memory_space<vmem>> -> memref<1x128xi32, #tpu.memory_space<vmem>>
        %dma_wait3A_208 = tpu.memref_squeeze %dma_wait3A_207 : memref<1x128xi32, #tpu.memory_space<vmem>> -> memref<128xi32, #tpu.memory_space<vmem>>
        %dma_wait3A_209 = arith.constant 0 : i32
        %dma_wait3A_210 = arith.constant 0 : i32
        %dma_wait3A_211 = tpu.memref_slice %arg2[%dma_wait3A_209, %dma_wait3A_210] : memref<10000x128xf32, #tpu.memory_space<hbm>> -> memref<10000x128xf32, #tpu.memory_space<hbm>>
        tpu.wait_indirect_dma semaphore(%arg12 : memref<!tpu.dma_semaphore, #tpu.memory_space<semaphore_mem>>) src(%dma_wait3A_211 : memref<10000x128xf32, #tpu.memory_space<hbm>>) dst(%arg9 : memref<128x128xf32, #tpu.memory_space<vmem>>)
        %dma_start3A_212 = arith.constant 5 : i32
        %dma_start3A_213 = arith.constant 0 : i32
        %dma_start3A_214 = tpu.memref_slice %arg7[%dma_start3A_212, %dma_start3A_213] : memref<16x128xi32, #tpu.memory_space<vmem>> -> memref<1x128xi32, #tpu.memory_space<vmem>>
        %dma_start3A_215 = tpu.memref_squeeze %dma_start3A_214 : memref<1x128xi32, #tpu.memory_space<vmem>> -> memref<128xi32, #tpu.memory_space<vmem>>
        %dma_start3A_216 = arith.constant 0 : i32
        %dma_start3A_217 = arith.constant 0 : i32
        %dma_start3A_218 = tpu.memref_slice %arg10[%dma_start3A_216, %dma_start3A_217] : memref<10112x128xf32, #tpu.memory_space<vmem_shared>> -> memref<10112x128xf32, #tpu.memory_space<vmem_shared>>
        tpu.enqueue_indirect_dma source(%arg9 : memref<128x128xf32, #tpu.memory_space<vmem>>) target(%dma_start3A_218 : memref<10112x128xf32, #tpu.memory_space<vmem_shared>>) offsets(%dma_start3A_215 : memref<128xi32, #tpu.memory_space<vmem>>) semaphore(%arg14 : memref<!tpu.dma_semaphore, #tpu.memory_space<semaphore_mem>>) {add = true}
        %dma_wait3A_219 = arith.constant 5 : i32
        %dma_wait3A_220 = arith.constant 0 : i32
        %dma_wait3A_221 = tpu.memref_slice %arg7[%dma_wait3A_219, %dma_wait3A_220] : memref<16x128xi32, #tpu.memory_space<vmem>> -> memref<1x128xi32, #tpu.memory_space<vmem>>
        %dma_wait3A_222 = tpu.memref_squeeze %dma_wait3A_221 : memref<1x128xi32, #tpu.memory_space<vmem>> -> memref<128xi32, #tpu.memory_space<vmem>>
        %dma_wait3A_223 = arith.constant 0 : i32
        %dma_wait3A_224 = arith.constant 0 : i32
        %dma_wait3A_225 = tpu.memref_slice %arg10[%dma_wait3A_223, %dma_wait3A_224] : memref<10112x128xf32, #tpu.memory_space<vmem_shared>> -> memref<10112x128xf32, #tpu.memory_space<vmem_shared>>
        tpu.wait_indirect_dma semaphore(%arg14 : memref<!tpu.dma_semaphore, #tpu.memory_space<semaphore_mem>>) src(%arg9 : memref<128x128xf32, #tpu.memory_space<vmem>>) dst(%dma_wait3A_225 : memref<10112x128xf32, #tpu.memory_space<vmem_shared>>)
        %dma_start3A_226 = arith.constant 7 : i32
        %dma_start3A_227 = arith.constant 0 : i32
        %dma_start3A_228 = tpu.memref_slice %arg6[%dma_start3A_226, %dma_start3A_227] : memref<16x128xi32, #tpu.memory_space<vmem>> -> memref<1x128xi32, #tpu.memory_space<vmem>>
        %dma_start3A_229 = tpu.memref_squeeze %dma_start3A_228 : memref<1x128xi32, #tpu.memory_space<vmem>> -> memref<128xi32, #tpu.memory_space<vmem>>
        %dma_start3A_230 = arith.constant 0 : i32
        %dma_start3A_231 = arith.constant 0 : i32
        %dma_start3A_232 = tpu.memref_slice %arg2[%dma_start3A_230, %dma_start3A_231] : memref<10000x128xf32, #tpu.memory_space<hbm>> -> memref<10000x128xf32, #tpu.memory_space<hbm>>
        tpu.enqueue_indirect_dma source(%dma_start3A_232 : memref<10000x128xf32, #tpu.memory_space<hbm>>) target(%arg9 : memref<128x128xf32, #tpu.memory_space<vmem>>) offsets(%dma_start3A_229 : memref<128xi32, #tpu.memory_space<vmem>>) semaphore(%arg12 : memref<!tpu.dma_semaphore, #tpu.memory_space<semaphore_mem>>)
        %dma_wait3A_233 = arith.constant 6 : i32
        %dma_wait3A_234 = arith.constant 0 : i32
        %dma_wait3A_235 = tpu.memref_slice %arg6[%dma_wait3A_233, %dma_wait3A_234] : memref<16x128xi32, #tpu.memory_space<vmem>> -> memref<1x128xi32, #tpu.memory_space<vmem>>
        %dma_wait3A_236 = tpu.memref_squeeze %dma_wait3A_235 : memref<1x128xi32, #tpu.memory_space<vmem>> -> memref<128xi32, #tpu.memory_space<vmem>>
        %dma_wait3A_237 = arith.constant 0 : i32
        %dma_wait3A_238 = arith.constant 0 : i32
        %dma_wait3A_239 = tpu.memref_slice %arg2[%dma_wait3A_237, %dma_wait3A_238] : memref<10000x128xf32, #tpu.memory_space<hbm>> -> memref<10000x128xf32, #tpu.memory_space<hbm>>
        tpu.wait_indirect_dma semaphore(%arg11 : memref<!tpu.dma_semaphore, #tpu.memory_space<semaphore_mem>>) src(%dma_wait3A_239 : memref<10000x128xf32, #tpu.memory_space<hbm>>) dst(%arg8 : memref<128x128xf32, #tpu.memory_space<vmem>>)
        %dma_start3A_240 = arith.constant 6 : i32
        %dma_start3A_241 = arith.constant 0 : i32
        %dma_start3A_242 = tpu.memref_slice %arg7[%dma_start3A_240, %dma_start3A_241] : memref<16x128xi32, #tpu.memory_space<vmem>> -> memref<1x128xi32, #tpu.memory_space<vmem>>
        %dma_start3A_243 = tpu.memref_squeeze %dma_start3A_242 : memref<1x128xi32, #tpu.memory_space<vmem>> -> memref<128xi32, #tpu.memory_space<vmem>>
        %dma_start3A_244 = arith.constant 0 : i32
        %dma_start3A_245 = arith.constant 0 : i32
        %dma_start3A_246 = tpu.memref_slice %arg10[%dma_start3A_244, %dma_start3A_245] : memref<10112x128xf32, #tpu.memory_space<vmem_shared>> -> memref<10112x128xf32, #tpu.memory_space<vmem_shared>>
        tpu.enqueue_indirect_dma source(%arg8 : memref<128x128xf32, #tpu.memory_space<vmem>>) target(%dma_start3A_246 : memref<10112x128xf32, #tpu.memory_space<vmem_shared>>) offsets(%dma_start3A_243 : memref<128xi32, #tpu.memory_space<vmem>>) semaphore(%arg13 : memref<!tpu.dma_semaphore, #tpu.memory_space<semaphore_mem>>) {add = true}
        %dma_wait3A_247 = arith.constant 6 : i32
        %dma_wait3A_248 = arith.constant 0 : i32
        %dma_wait3A_249 = tpu.memref_slice %arg7[%dma_wait3A_247, %dma_wait3A_248] : memref<16x128xi32, #tpu.memory_space<vmem>> -> memref<1x128xi32, #tpu.memory_space<vmem>>
        %dma_wait3A_250 = tpu.memref_squeeze %dma_wait3A_249 : memref<1x128xi32, #tpu.memory_space<vmem>> -> memref<128xi32, #tpu.memory_space<vmem>>
        %dma_wait3A_251 = arith.constant 0 : i32
        %dma_wait3A_252 = arith.constant 0 : i32
        %dma_wait3A_253 = tpu.memref_slice %arg10[%dma_wait3A_251, %dma_wait3A_252] : memref<10112x128xf32, #tpu.memory_space<vmem_shared>> -> memref<10112x128xf32, #tpu.memory_space<vmem_shared>>
        tpu.wait_indirect_dma semaphore(%arg13 : memref<!tpu.dma_semaphore, #tpu.memory_space<semaphore_mem>>) src(%arg8 : memref<128x128xf32, #tpu.memory_space<vmem>>) dst(%dma_wait3A_253 : memref<10112x128xf32, #tpu.memory_space<vmem_shared>>)
        %dma_start3A_254 = arith.constant 8 : i32
        %dma_start3A_255 = arith.constant 0 : i32
        %dma_start3A_256 = tpu.memref_slice %arg6[%dma_start3A_254, %dma_start3A_255] : memref<16x128xi32, #tpu.memory_space<vmem>> -> memref<1x128xi32, #tpu.memory_space<vmem>>
        %dma_start3A_257 = tpu.memref_squeeze %dma_start3A_256 : memref<1x128xi32, #tpu.memory_space<vmem>> -> memref<128xi32, #tpu.memory_space<vmem>>
        %dma_start3A_258 = arith.constant 0 : i32
        %dma_start3A_259 = arith.constant 0 : i32
        %dma_start3A_260 = tpu.memref_slice %arg2[%dma_start3A_258, %dma_start3A_259] : memref<10000x128xf32, #tpu.memory_space<hbm>> -> memref<10000x128xf32, #tpu.memory_space<hbm>>
        tpu.enqueue_indirect_dma source(%dma_start3A_260 : memref<10000x128xf32, #tpu.memory_space<hbm>>) target(%arg8 : memref<128x128xf32, #tpu.memory_space<vmem>>) offsets(%dma_start3A_257 : memref<128xi32, #tpu.memory_space<vmem>>) semaphore(%arg11 : memref<!tpu.dma_semaphore, #tpu.memory_space<semaphore_mem>>)
        %dma_wait3A_261 = arith.constant 7 : i32
        %dma_wait3A_262 = arith.constant 0 : i32
        %dma_wait3A_263 = tpu.memref_slice %arg6[%dma_wait3A_261, %dma_wait3A_262] : memref<16x128xi32, #tpu.memory_space<vmem>> -> memref<1x128xi32, #tpu.memory_space<vmem>>
        %dma_wait3A_264 = tpu.memref_squeeze %dma_wait3A_263 : memref<1x128xi32, #tpu.memory_space<vmem>> -> memref<128xi32, #tpu.memory_space<vmem>>
        %dma_wait3A_265 = arith.constant 0 : i32
        %dma_wait3A_266 = arith.constant 0 : i32
        %dma_wait3A_267 = tpu.memref_slice %arg2[%dma_wait3A_265, %dma_wait3A_266] : memref<10000x128xf32, #tpu.memory_space<hbm>> -> memref<10000x128xf32, #tpu.memory_space<hbm>>
        tpu.wait_indirect_dma semaphore(%arg12 : memref<!tpu.dma_semaphore, #tpu.memory_space<semaphore_mem>>) src(%dma_wait3A_267 : memref<10000x128xf32, #tpu.memory_space<hbm>>) dst(%arg9 : memref<128x128xf32, #tpu.memory_space<vmem>>)
        %dma_start3A_268 = arith.constant 7 : i32
        %dma_start3A_269 = arith.constant 0 : i32
        %dma_start3A_270 = tpu.memref_slice %arg7[%dma_start3A_268, %dma_start3A_269] : memref<16x128xi32, #tpu.memory_space<vmem>> -> memref<1x128xi32, #tpu.memory_space<vmem>>
        %dma_start3A_271 = tpu.memref_squeeze %dma_start3A_270 : memref<1x128xi32, #tpu.memory_space<vmem>> -> memref<128xi32, #tpu.memory_space<vmem>>
        %dma_start3A_272 = arith.constant 0 : i32
        %dma_start3A_273 = arith.constant 0 : i32
        %dma_start3A_274 = tpu.memref_slice %arg10[%dma_start3A_272, %dma_start3A_273] : memref<10112x128xf32, #tpu.memory_space<vmem_shared>> -> memref<10112x128xf32, #tpu.memory_space<vmem_shared>>
        tpu.enqueue_indirect_dma source(%arg9 : memref<128x128xf32, #tpu.memory_space<vmem>>) target(%dma_start3A_274 : memref<10112x128xf32, #tpu.memory_space<vmem_shared>>) offsets(%dma_start3A_271 : memref<128xi32, #tpu.memory_space<vmem>>) semaphore(%arg14 : memref<!tpu.dma_semaphore, #tpu.memory_space<semaphore_mem>>) {add = true}
        %dma_wait3A_275 = arith.constant 7 : i32
        %dma_wait3A_276 = arith.constant 0 : i32
        %dma_wait3A_277 = tpu.memref_slice %arg7[%dma_wait3A_275, %dma_wait3A_276] : memref<16x128xi32, #tpu.memory_space<vmem>> -> memref<1x128xi32, #tpu.memory_space<vmem>>
        %dma_wait3A_278 = tpu.memref_squeeze %dma_wait3A_277 : memref<1x128xi32, #tpu.memory_space<vmem>> -> memref<128xi32, #tpu.memory_space<vmem>>
        %dma_wait3A_279 = arith.constant 0 : i32
        %dma_wait3A_280 = arith.constant 0 : i32
        %dma_wait3A_281 = tpu.memref_slice %arg10[%dma_wait3A_279, %dma_wait3A_280] : memref<10112x128xf32, #tpu.memory_space<vmem_shared>> -> memref<10112x128xf32, #tpu.memory_space<vmem_shared>>
        tpu.wait_indirect_dma semaphore(%arg14 : memref<!tpu.dma_semaphore, #tpu.memory_space<semaphore_mem>>) src(%arg9 : memref<128x128xf32, #tpu.memory_space<vmem>>) dst(%dma_wait3A_281 : memref<10112x128xf32, #tpu.memory_space<vmem_shared>>)
        %dma_start3A_282 = arith.constant 9 : i32
        %dma_start3A_283 = arith.constant 0 : i32
        %dma_start3A_284 = tpu.memref_slice %arg6[%dma_start3A_282, %dma_start3A_283] : memref<16x128xi32, #tpu.memory_space<vmem>> -> memref<1x128xi32, #tpu.memory_space<vmem>>
        %dma_start3A_285 = tpu.memref_squeeze %dma_start3A_284 : memref<1x128xi32, #tpu.memory_space<vmem>> -> memref<128xi32, #tpu.memory_space<vmem>>
        %dma_start3A_286 = arith.constant 0 : i32
        %dma_start3A_287 = arith.constant 0 : i32
        %dma_start3A_288 = tpu.memref_slice %arg2[%dma_start3A_286, %dma_start3A_287] : memref<10000x128xf32, #tpu.memory_space<hbm>> -> memref<10000x128xf32, #tpu.memory_space<hbm>>
        tpu.enqueue_indirect_dma source(%dma_start3A_288 : memref<10000x128xf32, #tpu.memory_space<hbm>>) target(%arg9 : memref<128x128xf32, #tpu.memory_space<vmem>>) offsets(%dma_start3A_285 : memref<128xi32, #tpu.memory_space<vmem>>) semaphore(%arg12 : memref<!tpu.dma_semaphore, #tpu.memory_space<semaphore_mem>>)
        %dma_wait3A_289 = arith.constant 8 : i32
        %dma_wait3A_290 = arith.constant 0 : i32
        %dma_wait3A_291 = tpu.memref_slice %arg6[%dma_wait3A_289, %dma_wait3A_290] : memref<16x128xi32, #tpu.memory_space<vmem>> -> memref<1x128xi32, #tpu.memory_space<vmem>>
        %dma_wait3A_292 = tpu.memref_squeeze %dma_wait3A_291 : memref<1x128xi32, #tpu.memory_space<vmem>> -> memref<128xi32, #tpu.memory_space<vmem>>
        %dma_wait3A_293 = arith.constant 0 : i32
        %dma_wait3A_294 = arith.constant 0 : i32
        %dma_wait3A_295 = tpu.memref_slice %arg2[%dma_wait3A_293, %dma_wait3A_294] : memref<10000x128xf32, #tpu.memory_space<hbm>> -> memref<10000x128xf32, #tpu.memory_space<hbm>>
        tpu.wait_indirect_dma semaphore(%arg11 : memref<!tpu.dma_semaphore, #tpu.memory_space<semaphore_mem>>) src(%dma_wait3A_295 : memref<10000x128xf32, #tpu.memory_space<hbm>>) dst(%arg8 : memref<128x128xf32, #tpu.memory_space<vmem>>)
        %dma_start3A_296 = arith.constant 8 : i32
        %dma_start3A_297 = arith.constant 0 : i32
        %dma_start3A_298 = tpu.memref_slice %arg7[%dma_start3A_296, %dma_start3A_297] : memref<16x128xi32, #tpu.memory_space<vmem>> -> memref<1x128xi32, #tpu.memory_space<vmem>>
        %dma_start3A_299 = tpu.memref_squeeze %dma_start3A_298 : memref<1x128xi32, #tpu.memory_space<vmem>> -> memref<128xi32, #tpu.memory_space<vmem>>
        %dma_start3A_300 = arith.constant 0 : i32
        %dma_start3A_301 = arith.constant 0 : i32
        %dma_start3A_302 = tpu.memref_slice %arg10[%dma_start3A_300, %dma_start3A_301] : memref<10112x128xf32, #tpu.memory_space<vmem_shared>> -> memref<10112x128xf32, #tpu.memory_space<vmem_shared>>
        tpu.enqueue_indirect_dma source(%arg8 : memref<128x128xf32, #tpu.memory_space<vmem>>) target(%dma_start3A_302 : memref<10112x128xf32, #tpu.memory_space<vmem_shared>>) offsets(%dma_start3A_299 : memref<128xi32, #tpu.memory_space<vmem>>) semaphore(%arg13 : memref<!tpu.dma_semaphore, #tpu.memory_space<semaphore_mem>>) {add = true}
        %dma_wait3A_303 = arith.constant 8 : i32
        %dma_wait3A_304 = arith.constant 0 : i32
        %dma_wait3A_305 = tpu.memref_slice %arg7[%dma_wait3A_303, %dma_wait3A_304] : memref<16x128xi32, #tpu.memory_space<vmem>> -> memref<1x128xi32, #tpu.memory_space<vmem>>
        %dma_wait3A_306 = tpu.memref_squeeze %dma_wait3A_305 : memref<1x128xi32, #tpu.memory_space<vmem>> -> memref<128xi32, #tpu.memory_space<vmem>>
        %dma_wait3A_307 = arith.constant 0 : i32
        %dma_wait3A_308 = arith.constant 0 : i32
        %dma_wait3A_309 = tpu.memref_slice %arg10[%dma_wait3A_307, %dma_wait3A_308] : memref<10112x128xf32, #tpu.memory_space<vmem_shared>> -> memref<10112x128xf32, #tpu.memory_space<vmem_shared>>
        tpu.wait_indirect_dma semaphore(%arg13 : memref<!tpu.dma_semaphore, #tpu.memory_space<semaphore_mem>>) src(%arg8 : memref<128x128xf32, #tpu.memory_space<vmem>>) dst(%dma_wait3A_309 : memref<10112x128xf32, #tpu.memory_space<vmem_shared>>)
        %dma_start3A_310 = arith.constant 10 : i32
        %dma_start3A_311 = arith.constant 0 : i32
        %dma_start3A_312 = tpu.memref_slice %arg6[%dma_start3A_310, %dma_start3A_311] : memref<16x128xi32, #tpu.memory_space<vmem>> -> memref<1x128xi32, #tpu.memory_space<vmem>>
        %dma_start3A_313 = tpu.memref_squeeze %dma_start3A_312 : memref<1x128xi32, #tpu.memory_space<vmem>> -> memref<128xi32, #tpu.memory_space<vmem>>
        %dma_start3A_314 = arith.constant 0 : i32
        %dma_start3A_315 = arith.constant 0 : i32
        %dma_start3A_316 = tpu.memref_slice %arg2[%dma_start3A_314, %dma_start3A_315] : memref<10000x128xf32, #tpu.memory_space<hbm>> -> memref<10000x128xf32, #tpu.memory_space<hbm>>
        tpu.enqueue_indirect_dma source(%dma_start3A_316 : memref<10000x128xf32, #tpu.memory_space<hbm>>) target(%arg8 : memref<128x128xf32, #tpu.memory_space<vmem>>) offsets(%dma_start3A_313 : memref<128xi32, #tpu.memory_space<vmem>>) semaphore(%arg11 : memref<!tpu.dma_semaphore, #tpu.memory_space<semaphore_mem>>)
        %dma_wait3A_317 = arith.constant 9 : i32
        %dma_wait3A_318 = arith.constant 0 : i32
        %dma_wait3A_319 = tpu.memref_slice %arg6[%dma_wait3A_317, %dma_wait3A_318] : memref<16x128xi32, #tpu.memory_space<vmem>> -> memref<1x128xi32, #tpu.memory_space<vmem>>
        %dma_wait3A_320 = tpu.memref_squeeze %dma_wait3A_319 : memref<1x128xi32, #tpu.memory_space<vmem>> -> memref<128xi32, #tpu.memory_space<vmem>>
        %dma_wait3A_321 = arith.constant 0 : i32
        %dma_wait3A_322 = arith.constant 0 : i32
        %dma_wait3A_323 = tpu.memref_slice %arg2[%dma_wait3A_321, %dma_wait3A_322] : memref<10000x128xf32, #tpu.memory_space<hbm>> -> memref<10000x128xf32, #tpu.memory_space<hbm>>
        tpu.wait_indirect_dma semaphore(%arg12 : memref<!tpu.dma_semaphore, #tpu.memory_space<semaphore_mem>>) src(%dma_wait3A_323 : memref<10000x128xf32, #tpu.memory_space<hbm>>) dst(%arg9 : memref<128x128xf32, #tpu.memory_space<vmem>>)
        %dma_start3A_324 = arith.constant 9 : i32
        %dma_start3A_325 = arith.constant 0 : i32
        %dma_start3A_326 = tpu.memref_slice %arg7[%dma_start3A_324, %dma_start3A_325] : memref<16x128xi32, #tpu.memory_space<vmem>> -> memref<1x128xi32, #tpu.memory_space<vmem>>
        %dma_start3A_327 = tpu.memref_squeeze %dma_start3A_326 : memref<1x128xi32, #tpu.memory_space<vmem>> -> memref<128xi32, #tpu.memory_space<vmem>>
        %dma_start3A_328 = arith.constant 0 : i32
        %dma_start3A_329 = arith.constant 0 : i32
        %dma_start3A_330 = tpu.memref_slice %arg10[%dma_start3A_328, %dma_start3A_329] : memref<10112x128xf32, #tpu.memory_space<vmem_shared>> -> memref<10112x128xf32, #tpu.memory_space<vmem_shared>>
        tpu.enqueue_indirect_dma source(%arg9 : memref<128x128xf32, #tpu.memory_space<vmem>>) target(%dma_start3A_330 : memref<10112x128xf32, #tpu.memory_space<vmem_shared>>) offsets(%dma_start3A_327 : memref<128xi32, #tpu.memory_space<vmem>>) semaphore(%arg14 : memref<!tpu.dma_semaphore, #tpu.memory_space<semaphore_mem>>) {add = true}
        %dma_wait3A_331 = arith.constant 9 : i32
        %dma_wait3A_332 = arith.constant 0 : i32
        %dma_wait3A_333 = tpu.memref_slice %arg7[%dma_wait3A_331, %dma_wait3A_332] : memref<16x128xi32, #tpu.memory_space<vmem>> -> memref<1x128xi32, #tpu.memory_space<vmem>>
        %dma_wait3A_334 = tpu.memref_squeeze %dma_wait3A_333 : memref<1x128xi32, #tpu.memory_space<vmem>> -> memref<128xi32, #tpu.memory_space<vmem>>
        %dma_wait3A_335 = arith.constant 0 : i32
        %dma_wait3A_336 = arith.constant 0 : i32
        %dma_wait3A_337 = tpu.memref_slice %arg10[%dma_wait3A_335, %dma_wait3A_336] : memref<10112x128xf32, #tpu.memory_space<vmem_shared>> -> memref<10112x128xf32, #tpu.memory_space<vmem_shared>>
        tpu.wait_indirect_dma semaphore(%arg14 : memref<!tpu.dma_semaphore, #tpu.memory_space<semaphore_mem>>) src(%arg9 : memref<128x128xf32, #tpu.memory_space<vmem>>) dst(%dma_wait3A_337 : memref<10112x128xf32, #tpu.memory_space<vmem_shared>>)
        %dma_start3A_338 = arith.constant 11 : i32
        %dma_start3A_339 = arith.constant 0 : i32
        %dma_start3A_340 = tpu.memref_slice %arg6[%dma_start3A_338, %dma_start3A_339] : memref<16x128xi32, #tpu.memory_space<vmem>> -> memref<1x128xi32, #tpu.memory_space<vmem>>
        %dma_start3A_341 = tpu.memref_squeeze %dma_start3A_340 : memref<1x128xi32, #tpu.memory_space<vmem>> -> memref<128xi32, #tpu.memory_space<vmem>>
        %dma_start3A_342 = arith.constant 0 : i32
        %dma_start3A_343 = arith.constant 0 : i32
        %dma_start3A_344 = tpu.memref_slice %arg2[%dma_start3A_342, %dma_start3A_343] : memref<10000x128xf32, #tpu.memory_space<hbm>> -> memref<10000x128xf32, #tpu.memory_space<hbm>>
        tpu.enqueue_indirect_dma source(%dma_start3A_344 : memref<10000x128xf32, #tpu.memory_space<hbm>>) target(%arg9 : memref<128x128xf32, #tpu.memory_space<vmem>>) offsets(%dma_start3A_341 : memref<128xi32, #tpu.memory_space<vmem>>) semaphore(%arg12 : memref<!tpu.dma_semaphore, #tpu.memory_space<semaphore_mem>>)
        %dma_wait3A_345 = arith.constant 10 : i32
        %dma_wait3A_346 = arith.constant 0 : i32
        %dma_wait3A_347 = tpu.memref_slice %arg6[%dma_wait3A_345, %dma_wait3A_346] : memref<16x128xi32, #tpu.memory_space<vmem>> -> memref<1x128xi32, #tpu.memory_space<vmem>>
        %dma_wait3A_348 = tpu.memref_squeeze %dma_wait3A_347 : memref<1x128xi32, #tpu.memory_space<vmem>> -> memref<128xi32, #tpu.memory_space<vmem>>
        %dma_wait3A_349 = arith.constant 0 : i32
        %dma_wait3A_350 = arith.constant 0 : i32
        %dma_wait3A_351 = tpu.memref_slice %arg2[%dma_wait3A_349, %dma_wait3A_350] : memref<10000x128xf32, #tpu.memory_space<hbm>> -> memref<10000x128xf32, #tpu.memory_space<hbm>>
        tpu.wait_indirect_dma semaphore(%arg11 : memref<!tpu.dma_semaphore, #tpu.memory_space<semaphore_mem>>) src(%dma_wait3A_351 : memref<10000x128xf32, #tpu.memory_space<hbm>>) dst(%arg8 : memref<128x128xf32, #tpu.memory_space<vmem>>)
        %dma_start3A_352 = arith.constant 10 : i32
        %dma_start3A_353 = arith.constant 0 : i32
        %dma_start3A_354 = tpu.memref_slice %arg7[%dma_start3A_352, %dma_start3A_353] : memref<16x128xi32, #tpu.memory_space<vmem>> -> memref<1x128xi32, #tpu.memory_space<vmem>>
        %dma_start3A_355 = tpu.memref_squeeze %dma_start3A_354 : memref<1x128xi32, #tpu.memory_space<vmem>> -> memref<128xi32, #tpu.memory_space<vmem>>
        %dma_start3A_356 = arith.constant 0 : i32
        %dma_start3A_357 = arith.constant 0 : i32
        %dma_start3A_358 = tpu.memref_slice %arg10[%dma_start3A_356, %dma_start3A_357] : memref<10112x128xf32, #tpu.memory_space<vmem_shared>> -> memref<10112x128xf32, #tpu.memory_space<vmem_shared>>
        tpu.enqueue_indirect_dma source(%arg8 : memref<128x128xf32, #tpu.memory_space<vmem>>) target(%dma_start3A_358 : memref<10112x128xf32, #tpu.memory_space<vmem_shared>>) offsets(%dma_start3A_355 : memref<128xi32, #tpu.memory_space<vmem>>) semaphore(%arg13 : memref<!tpu.dma_semaphore, #tpu.memory_space<semaphore_mem>>) {add = true}
        %dma_wait3A_359 = arith.constant 10 : i32
        %dma_wait3A_360 = arith.constant 0 : i32
        %dma_wait3A_361 = tpu.memref_slice %arg7[%dma_wait3A_359, %dma_wait3A_360] : memref<16x128xi32, #tpu.memory_space<vmem>> -> memref<1x128xi32, #tpu.memory_space<vmem>>
        %dma_wait3A_362 = tpu.memref_squeeze %dma_wait3A_361 : memref<1x128xi32, #tpu.memory_space<vmem>> -> memref<128xi32, #tpu.memory_space<vmem>>
        %dma_wait3A_363 = arith.constant 0 : i32
        %dma_wait3A_364 = arith.constant 0 : i32
        %dma_wait3A_365 = tpu.memref_slice %arg10[%dma_wait3A_363, %dma_wait3A_364] : memref<10112x128xf32, #tpu.memory_space<vmem_shared>> -> memref<10112x128xf32, #tpu.memory_space<vmem_shared>>
        tpu.wait_indirect_dma semaphore(%arg13 : memref<!tpu.dma_semaphore, #tpu.memory_space<semaphore_mem>>) src(%arg8 : memref<128x128xf32, #tpu.memory_space<vmem>>) dst(%dma_wait3A_365 : memref<10112x128xf32, #tpu.memory_space<vmem_shared>>)
        %dma_start3A_366 = arith.constant 12 : i32
        %dma_start3A_367 = arith.constant 0 : i32
        %dma_start3A_368 = tpu.memref_slice %arg6[%dma_start3A_366, %dma_start3A_367] : memref<16x128xi32, #tpu.memory_space<vmem>> -> memref<1x128xi32, #tpu.memory_space<vmem>>
        %dma_start3A_369 = tpu.memref_squeeze %dma_start3A_368 : memref<1x128xi32, #tpu.memory_space<vmem>> -> memref<128xi32, #tpu.memory_space<vmem>>
        %dma_start3A_370 = arith.constant 0 : i32
        %dma_start3A_371 = arith.constant 0 : i32
        %dma_start3A_372 = tpu.memref_slice %arg2[%dma_start3A_370, %dma_start3A_371] : memref<10000x128xf32, #tpu.memory_space<hbm>> -> memref<10000x128xf32, #tpu.memory_space<hbm>>
        tpu.enqueue_indirect_dma source(%dma_start3A_372 : memref<10000x128xf32, #tpu.memory_space<hbm>>) target(%arg8 : memref<128x128xf32, #tpu.memory_space<vmem>>) offsets(%dma_start3A_369 : memref<128xi32, #tpu.memory_space<vmem>>) semaphore(%arg11 : memref<!tpu.dma_semaphore, #tpu.memory_space<semaphore_mem>>)
        %dma_wait3A_373 = arith.constant 11 : i32
        %dma_wait3A_374 = arith.constant 0 : i32
        %dma_wait3A_375 = tpu.memref_slice %arg6[%dma_wait3A_373, %dma_wait3A_374] : memref<16x128xi32, #tpu.memory_space<vmem>> -> memref<1x128xi32, #tpu.memory_space<vmem>>
        %dma_wait3A_376 = tpu.memref_squeeze %dma_wait3A_375 : memref<1x128xi32, #tpu.memory_space<vmem>> -> memref<128xi32, #tpu.memory_space<vmem>>
        %dma_wait3A_377 = arith.constant 0 : i32
        %dma_wait3A_378 = arith.constant 0 : i32
        %dma_wait3A_379 = tpu.memref_slice %arg2[%dma_wait3A_377, %dma_wait3A_378] : memref<10000x128xf32, #tpu.memory_space<hbm>> -> memref<10000x128xf32, #tpu.memory_space<hbm>>
        tpu.wait_indirect_dma semaphore(%arg12 : memref<!tpu.dma_semaphore, #tpu.memory_space<semaphore_mem>>) src(%dma_wait3A_379 : memref<10000x128xf32, #tpu.memory_space<hbm>>) dst(%arg9 : memref<128x128xf32, #tpu.memory_space<vmem>>)
        %dma_start3A_380 = arith.constant 11 : i32
        %dma_start3A_381 = arith.constant 0 : i32
        %dma_start3A_382 = tpu.memref_slice %arg7[%dma_start3A_380, %dma_start3A_381] : memref<16x128xi32, #tpu.memory_space<vmem>> -> memref<1x128xi32, #tpu.memory_space<vmem>>
        %dma_start3A_383 = tpu.memref_squeeze %dma_start3A_382 : memref<1x128xi32, #tpu.memory_space<vmem>> -> memref<128xi32, #tpu.memory_space<vmem>>
        %dma_start3A_384 = arith.constant 0 : i32
        %dma_start3A_385 = arith.constant 0 : i32
        %dma_start3A_386 = tpu.memref_slice %arg10[%dma_start3A_384, %dma_start3A_385] : memref<10112x128xf32, #tpu.memory_space<vmem_shared>> -> memref<10112x128xf32, #tpu.memory_space<vmem_shared>>
        tpu.enqueue_indirect_dma source(%arg9 : memref<128x128xf32, #tpu.memory_space<vmem>>) target(%dma_start3A_386 : memref<10112x128xf32, #tpu.memory_space<vmem_shared>>) offsets(%dma_start3A_383 : memref<128xi32, #tpu.memory_space<vmem>>) semaphore(%arg14 : memref<!tpu.dma_semaphore, #tpu.memory_space<semaphore_mem>>) {add = true}
        %dma_wait3A_387 = arith.constant 11 : i32
        %dma_wait3A_388 = arith.constant 0 : i32
        %dma_wait3A_389 = tpu.memref_slice %arg7[%dma_wait3A_387, %dma_wait3A_388] : memref<16x128xi32, #tpu.memory_space<vmem>> -> memref<1x128xi32, #tpu.memory_space<vmem>>
        %dma_wait3A_390 = tpu.memref_squeeze %dma_wait3A_389 : memref<1x128xi32, #tpu.memory_space<vmem>> -> memref<128xi32, #tpu.memory_space<vmem>>
        %dma_wait3A_391 = arith.constant 0 : i32
        %dma_wait3A_392 = arith.constant 0 : i32
        %dma_wait3A_393 = tpu.memref_slice %arg10[%dma_wait3A_391, %dma_wait3A_392] : memref<10112x128xf32, #tpu.memory_space<vmem_shared>> -> memref<10112x128xf32, #tpu.memory_space<vmem_shared>>
        tpu.wait_indirect_dma semaphore(%arg14 : memref<!tpu.dma_semaphore, #tpu.memory_space<semaphore_mem>>) src(%arg9 : memref<128x128xf32, #tpu.memory_space<vmem>>) dst(%dma_wait3A_393 : memref<10112x128xf32, #tpu.memory_space<vmem_shared>>)
        %dma_start3A_394 = arith.constant 13 : i32
        %dma_start3A_395 = arith.constant 0 : i32
        %dma_start3A_396 = tpu.memref_slice %arg6[%dma_start3A_394, %dma_start3A_395] : memref<16x128xi32, #tpu.memory_space<vmem>> -> memref<1x128xi32, #tpu.memory_space<vmem>>
        %dma_start3A_397 = tpu.memref_squeeze %dma_start3A_396 : memref<1x128xi32, #tpu.memory_space<vmem>> -> memref<128xi32, #tpu.memory_space<vmem>>
        %dma_start3A_398 = arith.constant 0 : i32
        %dma_start3A_399 = arith.constant 0 : i32
        %dma_start3A_400 = tpu.memref_slice %arg2[%dma_start3A_398, %dma_start3A_399] : memref<10000x128xf32, #tpu.memory_space<hbm>> -> memref<10000x128xf32, #tpu.memory_space<hbm>>
        tpu.enqueue_indirect_dma source(%dma_start3A_400 : memref<10000x128xf32, #tpu.memory_space<hbm>>) target(%arg9 : memref<128x128xf32, #tpu.memory_space<vmem>>) offsets(%dma_start3A_397 : memref<128xi32, #tpu.memory_space<vmem>>) semaphore(%arg12 : memref<!tpu.dma_semaphore, #tpu.memory_space<semaphore_mem>>)
        %dma_wait3A_401 = arith.constant 12 : i32
        %dma_wait3A_402 = arith.constant 0 : i32
        %dma_wait3A_403 = tpu.memref_slice %arg6[%dma_wait3A_401, %dma_wait3A_402] : memref<16x128xi32, #tpu.memory_space<vmem>> -> memref<1x128xi32, #tpu.memory_space<vmem>>
        %dma_wait3A_404 = tpu.memref_squeeze %dma_wait3A_403 : memref<1x128xi32, #tpu.memory_space<vmem>> -> memref<128xi32, #tpu.memory_space<vmem>>
        %dma_wait3A_405 = arith.constant 0 : i32
        %dma_wait3A_406 = arith.constant 0 : i32
        %dma_wait3A_407 = tpu.memref_slice %arg2[%dma_wait3A_405, %dma_wait3A_406] : memref<10000x128xf32, #tpu.memory_space<hbm>> -> memref<10000x128xf32, #tpu.memory_space<hbm>>
        tpu.wait_indirect_dma semaphore(%arg11 : memref<!tpu.dma_semaphore, #tpu.memory_space<semaphore_mem>>) src(%dma_wait3A_407 : memref<10000x128xf32, #tpu.memory_space<hbm>>) dst(%arg8 : memref<128x128xf32, #tpu.memory_space<vmem>>)
        %dma_start3A_408 = arith.constant 12 : i32
        %dma_start3A_409 = arith.constant 0 : i32
        %dma_start3A_410 = tpu.memref_slice %arg7[%dma_start3A_408, %dma_start3A_409] : memref<16x128xi32, #tpu.memory_space<vmem>> -> memref<1x128xi32, #tpu.memory_space<vmem>>
        %dma_start3A_411 = tpu.memref_squeeze %dma_start3A_410 : memref<1x128xi32, #tpu.memory_space<vmem>> -> memref<128xi32, #tpu.memory_space<vmem>>
        %dma_start3A_412 = arith.constant 0 : i32
        %dma_start3A_413 = arith.constant 0 : i32
        %dma_start3A_414 = tpu.memref_slice %arg10[%dma_start3A_412, %dma_start3A_413] : memref<10112x128xf32, #tpu.memory_space<vmem_shared>> -> memref<10112x128xf32, #tpu.memory_space<vmem_shared>>
        tpu.enqueue_indirect_dma source(%arg8 : memref<128x128xf32, #tpu.memory_space<vmem>>) target(%dma_start3A_414 : memref<10112x128xf32, #tpu.memory_space<vmem_shared>>) offsets(%dma_start3A_411 : memref<128xi32, #tpu.memory_space<vmem>>) semaphore(%arg13 : memref<!tpu.dma_semaphore, #tpu.memory_space<semaphore_mem>>) {add = true}
        %dma_wait3A_415 = arith.constant 12 : i32
        %dma_wait3A_416 = arith.constant 0 : i32
        %dma_wait3A_417 = tpu.memref_slice %arg7[%dma_wait3A_415, %dma_wait3A_416] : memref<16x128xi32, #tpu.memory_space<vmem>> -> memref<1x128xi32, #tpu.memory_space<vmem>>
        %dma_wait3A_418 = tpu.memref_squeeze %dma_wait3A_417 : memref<1x128xi32, #tpu.memory_space<vmem>> -> memref<128xi32, #tpu.memory_space<vmem>>
        %dma_wait3A_419 = arith.constant 0 : i32
        %dma_wait3A_420 = arith.constant 0 : i32
        %dma_wait3A_421 = tpu.memref_slice %arg10[%dma_wait3A_419, %dma_wait3A_420] : memref<10112x128xf32, #tpu.memory_space<vmem_shared>> -> memref<10112x128xf32, #tpu.memory_space<vmem_shared>>
        tpu.wait_indirect_dma semaphore(%arg13 : memref<!tpu.dma_semaphore, #tpu.memory_space<semaphore_mem>>) src(%arg8 : memref<128x128xf32, #tpu.memory_space<vmem>>) dst(%dma_wait3A_421 : memref<10112x128xf32, #tpu.memory_space<vmem_shared>>)
        %dma_start3A_422 = arith.constant 14 : i32
        %dma_start3A_423 = arith.constant 0 : i32
        %dma_start3A_424 = tpu.memref_slice %arg6[%dma_start3A_422, %dma_start3A_423] : memref<16x128xi32, #tpu.memory_space<vmem>> -> memref<1x128xi32, #tpu.memory_space<vmem>>
        %dma_start3A_425 = tpu.memref_squeeze %dma_start3A_424 : memref<1x128xi32, #tpu.memory_space<vmem>> -> memref<128xi32, #tpu.memory_space<vmem>>
        %dma_start3A_426 = arith.constant 0 : i32
        %dma_start3A_427 = arith.constant 0 : i32
        %dma_start3A_428 = tpu.memref_slice %arg2[%dma_start3A_426, %dma_start3A_427] : memref<10000x128xf32, #tpu.memory_space<hbm>> -> memref<10000x128xf32, #tpu.memory_space<hbm>>
        tpu.enqueue_indirect_dma source(%dma_start3A_428 : memref<10000x128xf32, #tpu.memory_space<hbm>>) target(%arg8 : memref<128x128xf32, #tpu.memory_space<vmem>>) offsets(%dma_start3A_425 : memref<128xi32, #tpu.memory_space<vmem>>) semaphore(%arg11 : memref<!tpu.dma_semaphore, #tpu.memory_space<semaphore_mem>>)
        %dma_wait3A_429 = arith.constant 13 : i32
        %dma_wait3A_430 = arith.constant 0 : i32
        %dma_wait3A_431 = tpu.memref_slice %arg6[%dma_wait3A_429, %dma_wait3A_430] : memref<16x128xi32, #tpu.memory_space<vmem>> -> memref<1x128xi32, #tpu.memory_space<vmem>>
        %dma_wait3A_432 = tpu.memref_squeeze %dma_wait3A_431 : memref<1x128xi32, #tpu.memory_space<vmem>> -> memref<128xi32, #tpu.memory_space<vmem>>
        %dma_wait3A_433 = arith.constant 0 : i32
        %dma_wait3A_434 = arith.constant 0 : i32
        %dma_wait3A_435 = tpu.memref_slice %arg2[%dma_wait3A_433, %dma_wait3A_434] : memref<10000x128xf32, #tpu.memory_space<hbm>> -> memref<10000x128xf32, #tpu.memory_space<hbm>>
        tpu.wait_indirect_dma semaphore(%arg12 : memref<!tpu.dma_semaphore, #tpu.memory_space<semaphore_mem>>) src(%dma_wait3A_435 : memref<10000x128xf32, #tpu.memory_space<hbm>>) dst(%arg9 : memref<128x128xf32, #tpu.memory_space<vmem>>)
        %dma_start3A_436 = arith.constant 13 : i32
        %dma_start3A_437 = arith.constant 0 : i32
        %dma_start3A_438 = tpu.memref_slice %arg7[%dma_start3A_436, %dma_start3A_437] : memref<16x128xi32, #tpu.memory_space<vmem>> -> memref<1x128xi32, #tpu.memory_space<vmem>>
        %dma_start3A_439 = tpu.memref_squeeze %dma_start3A_438 : memref<1x128xi32, #tpu.memory_space<vmem>> -> memref<128xi32, #tpu.memory_space<vmem>>
        %dma_start3A_440 = arith.constant 0 : i32
        %dma_start3A_441 = arith.constant 0 : i32
        %dma_start3A_442 = tpu.memref_slice %arg10[%dma_start3A_440, %dma_start3A_441] : memref<10112x128xf32, #tpu.memory_space<vmem_shared>> -> memref<10112x128xf32, #tpu.memory_space<vmem_shared>>
        tpu.enqueue_indirect_dma source(%arg9 : memref<128x128xf32, #tpu.memory_space<vmem>>) target(%dma_start3A_442 : memref<10112x128xf32, #tpu.memory_space<vmem_shared>>) offsets(%dma_start3A_439 : memref<128xi32, #tpu.memory_space<vmem>>) semaphore(%arg14 : memref<!tpu.dma_semaphore, #tpu.memory_space<semaphore_mem>>) {add = true}
        %dma_wait3A_443 = arith.constant 13 : i32
        %dma_wait3A_444 = arith.constant 0 : i32
        %dma_wait3A_445 = tpu.memref_slice %arg7[%dma_wait3A_443, %dma_wait3A_444] : memref<16x128xi32, #tpu.memory_space<vmem>> -> memref<1x128xi32, #tpu.memory_space<vmem>>
        %dma_wait3A_446 = tpu.memref_squeeze %dma_wait3A_445 : memref<1x128xi32, #tpu.memory_space<vmem>> -> memref<128xi32, #tpu.memory_space<vmem>>
        %dma_wait3A_447 = arith.constant 0 : i32
        %dma_wait3A_448 = arith.constant 0 : i32
        %dma_wait3A_449 = tpu.memref_slice %arg10[%dma_wait3A_447, %dma_wait3A_448] : memref<10112x128xf32, #tpu.memory_space<vmem_shared>> -> memref<10112x128xf32, #tpu.memory_space<vmem_shared>>
        tpu.wait_indirect_dma semaphore(%arg14 : memref<!tpu.dma_semaphore, #tpu.memory_space<semaphore_mem>>) src(%arg9 : memref<128x128xf32, #tpu.memory_space<vmem>>) dst(%dma_wait3A_449 : memref<10112x128xf32, #tpu.memory_space<vmem_shared>>)
        %dma_start3A_450 = arith.constant 15 : i32
        %dma_start3A_451 = arith.constant 0 : i32
        %dma_start3A_452 = tpu.memref_slice %arg6[%dma_start3A_450, %dma_start3A_451] : memref<16x128xi32, #tpu.memory_space<vmem>> -> memref<1x128xi32, #tpu.memory_space<vmem>>
        %dma_start3A_453 = tpu.memref_squeeze %dma_start3A_452 : memref<1x128xi32, #tpu.memory_space<vmem>> -> memref<128xi32, #tpu.memory_space<vmem>>
        %dma_start3A_454 = arith.constant 0 : i32
        %dma_start3A_455 = arith.constant 0 : i32
        %dma_start3A_456 = tpu.memref_slice %arg2[%dma_start3A_454, %dma_start3A_455] : memref<10000x128xf32, #tpu.memory_space<hbm>> -> memref<10000x128xf32, #tpu.memory_space<hbm>>
        tpu.enqueue_indirect_dma source(%dma_start3A_456 : memref<10000x128xf32, #tpu.memory_space<hbm>>) target(%arg9 : memref<128x128xf32, #tpu.memory_space<vmem>>) offsets(%dma_start3A_453 : memref<128xi32, #tpu.memory_space<vmem>>) semaphore(%arg12 : memref<!tpu.dma_semaphore, #tpu.memory_space<semaphore_mem>>)
        %dma_wait3A_457 = arith.constant 14 : i32
        %dma_wait3A_458 = arith.constant 0 : i32
        %dma_wait3A_459 = tpu.memref_slice %arg6[%dma_wait3A_457, %dma_wait3A_458] : memref<16x128xi32, #tpu.memory_space<vmem>> -> memref<1x128xi32, #tpu.memory_space<vmem>>
        %dma_wait3A_460 = tpu.memref_squeeze %dma_wait3A_459 : memref<1x128xi32, #tpu.memory_space<vmem>> -> memref<128xi32, #tpu.memory_space<vmem>>
        %dma_wait3A_461 = arith.constant 0 : i32
        %dma_wait3A_462 = arith.constant 0 : i32
        %dma_wait3A_463 = tpu.memref_slice %arg2[%dma_wait3A_461, %dma_wait3A_462] : memref<10000x128xf32, #tpu.memory_space<hbm>> -> memref<10000x128xf32, #tpu.memory_space<hbm>>
        tpu.wait_indirect_dma semaphore(%arg11 : memref<!tpu.dma_semaphore, #tpu.memory_space<semaphore_mem>>) src(%dma_wait3A_463 : memref<10000x128xf32, #tpu.memory_space<hbm>>) dst(%arg8 : memref<128x128xf32, #tpu.memory_space<vmem>>)
        %dma_start3A_464 = arith.constant 14 : i32
        %dma_start3A_465 = arith.constant 0 : i32
        %dma_start3A_466 = tpu.memref_slice %arg7[%dma_start3A_464, %dma_start3A_465] : memref<16x128xi32, #tpu.memory_space<vmem>> -> memref<1x128xi32, #tpu.memory_space<vmem>>
        %dma_start3A_467 = tpu.memref_squeeze %dma_start3A_466 : memref<1x128xi32, #tpu.memory_space<vmem>> -> memref<128xi32, #tpu.memory_space<vmem>>
        %dma_start3A_468 = arith.constant 0 : i32
        %dma_start3A_469 = arith.constant 0 : i32
        %dma_start3A_470 = tpu.memref_slice %arg10[%dma_start3A_468, %dma_start3A_469] : memref<10112x128xf32, #tpu.memory_space<vmem_shared>> -> memref<10112x128xf32, #tpu.memory_space<vmem_shared>>
        tpu.enqueue_indirect_dma source(%arg8 : memref<128x128xf32, #tpu.memory_space<vmem>>) target(%dma_start3A_470 : memref<10112x128xf32, #tpu.memory_space<vmem_shared>>) offsets(%dma_start3A_467 : memref<128xi32, #tpu.memory_space<vmem>>) semaphore(%arg13 : memref<!tpu.dma_semaphore, #tpu.memory_space<semaphore_mem>>) {add = true}
        %dma_wait3A_471 = arith.constant 15 : i32
        %dma_wait3A_472 = arith.constant 0 : i32
        %dma_wait3A_473 = tpu.memref_slice %arg6[%dma_wait3A_471, %dma_wait3A_472] : memref<16x128xi32, #tpu.memory_space<vmem>> -> memref<1x128xi32, #tpu.memory_space<vmem>>
        %dma_wait3A_474 = tpu.memref_squeeze %dma_wait3A_473 : memref<1x128xi32, #tpu.memory_space<vmem>> -> memref<128xi32, #tpu.memory_space<vmem>>
        %dma_wait3A_475 = arith.constant 0 : i32
        %dma_wait3A_476 = arith.constant 0 : i32
        %dma_wait3A_477 = tpu.memref_slice %arg2[%dma_wait3A_475, %dma_wait3A_476] : memref<10000x128xf32, #tpu.memory_space<hbm>> -> memref<10000x128xf32, #tpu.memory_space<hbm>>
        tpu.wait_indirect_dma semaphore(%arg12 : memref<!tpu.dma_semaphore, #tpu.memory_space<semaphore_mem>>) src(%dma_wait3A_477 : memref<10000x128xf32, #tpu.memory_space<hbm>>) dst(%arg9 : memref<128x128xf32, #tpu.memory_space<vmem>>)
        %dma_start3A_478 = arith.constant 15 : i32
        %dma_start3A_479 = arith.constant 0 : i32
        %dma_start3A_480 = tpu.memref_slice %arg7[%dma_start3A_478, %dma_start3A_479] : memref<16x128xi32, #tpu.memory_space<vmem>> -> memref<1x128xi32, #tpu.memory_space<vmem>>
        %dma_start3A_481 = tpu.memref_squeeze %dma_start3A_480 : memref<1x128xi32, #tpu.memory_space<vmem>> -> memref<128xi32, #tpu.memory_space<vmem>>
        %dma_start3A_482 = arith.constant 0 : i32
        %dma_start3A_483 = arith.constant 0 : i32
        %dma_start3A_484 = tpu.memref_slice %arg10[%dma_start3A_482, %dma_start3A_483] : memref<10112x128xf32, #tpu.memory_space<vmem_shared>> -> memref<10112x128xf32, #tpu.memory_space<vmem_shared>>
        tpu.enqueue_indirect_dma source(%arg9 : memref<128x128xf32, #tpu.memory_space<vmem>>) target(%dma_start3A_484 : memref<10112x128xf32, #tpu.memory_space<vmem_shared>>) offsets(%dma_start3A_481 : memref<128xi32, #tpu.memory_space<vmem>>) semaphore(%arg14 : memref<!tpu.dma_semaphore, #tpu.memory_space<semaphore_mem>>) {add = true}
        %dma_wait3A_485 = arith.constant 14 : i32
        %dma_wait3A_486 = arith.constant 0 : i32
        %dma_wait3A_487 = tpu.memref_slice %arg7[%dma_wait3A_485, %dma_wait3A_486] : memref<16x128xi32, #tpu.memory_space<vmem>> -> memref<1x128xi32, #tpu.memory_space<vmem>>
        %dma_wait3A_488 = tpu.memref_squeeze %dma_wait3A_487 : memref<1x128xi32, #tpu.memory_space<vmem>> -> memref<128xi32, #tpu.memory_space<vmem>>
        %dma_wait3A_489 = arith.constant 0 : i32
        %dma_wait3A_490 = arith.constant 0 : i32
        %dma_wait3A_491 = tpu.memref_slice %arg10[%dma_wait3A_489, %dma_wait3A_490] : memref<10112x128xf32, #tpu.memory_space<vmem_shared>> -> memref<10112x128xf32, #tpu.memory_space<vmem_shared>>
        tpu.wait_indirect_dma semaphore(%arg13 : memref<!tpu.dma_semaphore, #tpu.memory_space<semaphore_mem>>) src(%arg8 : memref<128x128xf32, #tpu.memory_space<vmem>>) dst(%dma_wait3A_491 : memref<10112x128xf32, #tpu.memory_space<vmem_shared>>)
        %dma_wait3A_492 = arith.constant 15 : i32
        %dma_wait3A_493 = arith.constant 0 : i32
        %dma_wait3A_494 = tpu.memref_slice %arg7[%dma_wait3A_492, %dma_wait3A_493] : memref<16x128xi32, #tpu.memory_space<vmem>> -> memref<1x128xi32, #tpu.memory_space<vmem>>
        %dma_wait3A_495 = tpu.memref_squeeze %dma_wait3A_494 : memref<1x128xi32, #tpu.memory_space<vmem>> -> memref<128xi32, #tpu.memory_space<vmem>>
        %dma_wait3A_496 = arith.constant 0 : i32
        %dma_wait3A_497 = arith.constant 0 : i32
        %dma_wait3A_498 = tpu.memref_slice %arg10[%dma_wait3A_496, %dma_wait3A_497] : memref<10112x128xf32, #tpu.memory_space<vmem_shared>> -> memref<10112x128xf32, #tpu.memory_space<vmem_shared>>
        tpu.wait_indirect_dma semaphore(%arg14 : memref<!tpu.dma_semaphore, #tpu.memory_space<semaphore_mem>>) src(%arg9 : memref<128x128xf32, #tpu.memory_space<vmem>>) dst(%dma_wait3A_498 : memref<10112x128xf32, #tpu.memory_space<vmem_shared>>)
      }
      %scan3A_43 = arith.constant 2 : i32
    } else {
    }
    %barrier3A_21 = arith.constant 0 : index
    tpu.barrier barrier_id(%barrier3A_21)
    %mul3A_22 = arith.constant 624 : i32
    %mul3A_23 = arith.muli %arg1, %mul3A_22 : i32
    %multiple_of3A_24 = tpu.assume_multiple %mul3A_23, 8 : i32
    %lt3A = arith.constant 15 : i32
    %lt3A_25 = arith.cmpi slt, %arg1, %lt3A : i32
    %convert_element_type3A_26 = arith.extui %lt3A_25 : i1 to i32
    %cond3A_27 = arith.constant 0 : i32
    %cond3A_28 = arith.cmpi ne, %convert_element_type3A_26, %cond3A_27 : i32
    scf.if %cond3A_28 {
      "tpu.region"() ({
        %run_scoped3A = tpu.sem_alloc : memref<!tpu.dma_semaphore, #tpu.memory_space<semaphore_mem>>
        %dma_start3A = arith.constant 0 : i32
        %dma_start3A_34 = tpu.memref_slice %arg5[%arg0, %multiple_of3A_24, %dma_start3A] : memref<2x10000x128xf32, #tpu.memory_space<hbm>> -> memref<1x624x128xf32, #tpu.memory_space<hbm>>
        %dma_start3A_35 = tpu.memref_squeeze %dma_start3A_34 : memref<1x624x128xf32, #tpu.memory_space<hbm>> -> memref<624x128xf32, #tpu.memory_space<hbm>>
        %dma_start3A_36 = arith.constant 0 : i32
        %dma_start3A_37 = tpu.memref_slice %arg10[%multiple_of3A_24, %dma_start3A_36] : memref<10112x128xf32, #tpu.memory_space<vmem_shared>> -> memref<624x128xf32, #tpu.memory_space<vmem_shared>>
        tpu.enqueue_dma source(%dma_start3A_37 : memref<624x128xf32, #tpu.memory_space<vmem_shared>>) target(%dma_start3A_35 : memref<624x128xf32, #tpu.memory_space<hbm>>) target_semaphore(%run_scoped3A : memref<!tpu.dma_semaphore, #tpu.memory_space<semaphore_mem>>)
        %dma_wait3A = arith.constant 0 : i32
        %dma_wait3A_38 = tpu.memref_slice %arg5[%arg0, %multiple_of3A_24, %dma_wait3A] : memref<2x10000x128xf32, #tpu.memory_space<hbm>> -> memref<1x624x128xf32, #tpu.memory_space<hbm>>
        %dma_wait3A_39 = tpu.memref_squeeze %dma_wait3A_38 : memref<1x624x128xf32, #tpu.memory_space<hbm>> -> memref<624x128xf32, #tpu.memory_space<hbm>>
        %dma_wait3A_40 = arith.constant 0 : i32
        %dma_wait3A_41 = tpu.memref_slice %arg10[%multiple_of3A_24, %dma_wait3A_40] : memref<10112x128xf32, #tpu.memory_space<vmem_shared>> -> memref<624x128xf32, #tpu.memory_space<vmem_shared>>
        tpu.wait_dma2 semaphore(%run_scoped3A : memref<!tpu.dma_semaphore, #tpu.memory_space<semaphore_mem>>) src(%dma_wait3A_41 : memref<624x128xf32, #tpu.memory_space<vmem_shared>>) dst(%dma_wait3A_39 : memref<624x128xf32, #tpu.memory_space<hbm>>)
        tpu.yield
      }) : () -> ()
    } else {
    }
    %eq3A_29 = arith.constant 15 : i32
    %eq3A_30 = arith.cmpi eq, %arg1, %eq3A_29 : i32
    %convert_element_type3A_31 = arith.extui %eq3A_30 : i1 to i32
    %cond3A_32 = arith.constant 0 : i32
    %cond3A_33 = arith.cmpi ne, %convert_element_type3A_31, %cond3A_32 : i32
    scf.if %cond3A_33 {
      "tpu.region"() ({
        %run_scoped3A = tpu.sem_alloc : memref<!tpu.dma_semaphore, #tpu.memory_space<semaphore_mem>>
        %dma_start3A = arith.constant 9360 : i32
        %dma_start3A_34 = arith.constant 0 : i32
        %dma_start3A_35 = tpu.memref_slice %arg5[%arg0, %dma_start3A, %dma_start3A_34] : memref<2x10000x128xf32, #tpu.memory_space<hbm>> -> memref<1x640x128xf32, #tpu.memory_space<hbm>>
        %dma_start3A_36 = tpu.memref_squeeze %dma_start3A_35 : memref<1x640x128xf32, #tpu.memory_space<hbm>> -> memref<640x128xf32, #tpu.memory_space<hbm>>
        %dma_start3A_37 = arith.constant 9360 : i32
        %dma_start3A_38 = arith.constant 0 : i32
        %dma_start3A_39 = tpu.memref_slice %arg10[%dma_start3A_37, %dma_start3A_38] : memref<10112x128xf32, #tpu.memory_space<vmem_shared>> -> memref<640x128xf32, #tpu.memory_space<vmem_shared>>
        tpu.enqueue_dma source(%dma_start3A_39 : memref<640x128xf32, #tpu.memory_space<vmem_shared>>) target(%dma_start3A_36 : memref<640x128xf32, #tpu.memory_space<hbm>>) target_semaphore(%run_scoped3A : memref<!tpu.dma_semaphore, #tpu.memory_space<semaphore_mem>>)
        %dma_wait3A = arith.constant 9360 : i32
        %dma_wait3A_40 = arith.constant 0 : i32
        %dma_wait3A_41 = tpu.memref_slice %arg5[%arg0, %dma_wait3A, %dma_wait3A_40] : memref<2x10000x128xf32, #tpu.memory_space<hbm>> -> memref<1x640x128xf32, #tpu.memory_space<hbm>>
        %dma_wait3A_42 = tpu.memref_squeeze %dma_wait3A_41 : memref<1x640x128xf32, #tpu.memory_space<hbm>> -> memref<640x128xf32, #tpu.memory_space<hbm>>
        %dma_wait3A_43 = arith.constant 9360 : i32
        %dma_wait3A_44 = arith.constant 0 : i32
        %dma_wait3A_45 = tpu.memref_slice %arg10[%dma_wait3A_43, %dma_wait3A_44] : memref<10112x128xf32, #tpu.memory_space<vmem_shared>> -> memref<640x128xf32, #tpu.memory_space<vmem_shared>>
        tpu.wait_dma2 semaphore(%run_scoped3A : memref<!tpu.dma_semaphore, #tpu.memory_space<semaphore_mem>>) src(%dma_wait3A_45 : memref<640x128xf32, #tpu.memory_space<vmem_shared>>) dst(%dma_wait3A_42 : memref<640x128xf32, #tpu.memory_space<hbm>>)
        tpu.yield
      }) : () -> ()
    } else {
    }
    return
  }
}

module attributes {stable_mosaic.version = 14 : i64} {
  func.func @_dense_body(%arg0: i32, %arg1: memref<2x1000x128xf32, #tpu.memory_space<vmem>>, %arg2: memref<1000x1xf32, #tpu.memory_space<vmem>>, %arg3: memref<1000x128xf32, #tpu.memory_space<vmem>>, %arg4: memref<128x128xf32, #tpu.memory_space<vmem>>, %arg5: memref<1x128xf32, #tpu.memory_space<vmem>>, %arg6: memref<128x128xf32, #tpu.memory_space<vmem>>, %arg7: memref<1000x128xf32, #tpu.memory_space<vmem>>) attributes {dimension_semantics = [#tpu.dimension_semantics<arbitrary>], iteration_bounds = array<i64: 10>, scalar_prefetch = 0 : i64, scratch_operands = 0 : i64, tpu.core_type = #tpu.core_type<tc>, window_params = [{transform_indices = @transform_0, window_bounds = array<i64: 2, 1000, 128>}, {transform_indices = @transform_1, window_bounds = array<i64: 1000, 1>}, {transform_indices = @transform_2, window_bounds = array<i64: 1000, 128>}, {pipeline_mode = #tpu.pipeline_mode<synchronous>, transform_indices = @transform_3, window_bounds = array<i64: 128, 128>}, {pipeline_mode = #tpu.pipeline_mode<synchronous>, transform_indices = @transform_4, window_bounds = array<i64: 1, 128>}, {pipeline_mode = #tpu.pipeline_mode<synchronous>, transform_indices = @transform_5, window_bounds = array<i64: 128, 128>}, {transform_indices = @transform_6, window_bounds = array<i64: 1000, 128>}]} {
    %get3A = arith.constant 0 : index
    %get3A_0 = arith.constant 0 : index
    %get3A_1 = arith.constant 0 : index
    %get3A_2 = vector.load %arg1[%get3A, %get3A_0, %get3A_1] : memref<2x1000x128xf32, #tpu.memory_space<vmem>>, vector<1x1000x128xf32>
    %get3A_3 = vector.shape_cast %get3A_2 : vector<1x1000x128xf32> to vector<1000x128xf32>
    %get3A_4 = arith.constant 1 : index
    %get3A_5 = arith.constant 0 : index
    %get3A_6 = arith.constant 0 : index
    %get3A_7 = vector.load %arg1[%get3A_4, %get3A_5, %get3A_6] : memref<2x1000x128xf32, #tpu.memory_space<vmem>>, vector<1x1000x128xf32>
    %get3A_8 = vector.shape_cast %get3A_7 : vector<1x1000x128xf32> to vector<1000x128xf32>
    %add3A = arith.addf %get3A_3, %get3A_8 : vector<1000x128xf32>
    %get3A_9 = arith.constant 0 : index
    %get3A_10 = arith.constant 0 : index
    %get3A_11 = vector.load %arg2[%get3A_9, %get3A_10] : memref<1000x1xf32, #tpu.memory_space<vmem>>, vector<1000x1xf32>
    %max3A = arith.constant 1.000000e+00 : f32
    %max3A_12 = vector.broadcast %max3A : f32 to vector<1000x1xf32>
    %max3A_13 = arith.maximumf %get3A_11, %max3A_12 : vector<1000x1xf32>
    %div3A = arith.constant 1.000000e+00 : f32
    %div3A_14 = vector.broadcast %div3A : f32 to vector<1000x1xf32>
    %div3A_15 = arith.divf %div3A_14, %max3A_13 : vector<1000x1xf32>
    %mul3A = vector.broadcast %div3A_15 : vector<1000x1xf32> to vector<1000x128xf32>
    %mul3A_16 = arith.mulf %add3A, %mul3A : vector<1000x128xf32>
    %get3A_17 = arith.constant 0 : index
    %get3A_18 = arith.constant 0 : index
    %get3A_19 = vector.load %arg4[%get3A_17, %get3A_18] : memref<128x128xf32, #tpu.memory_space<vmem>>, vector<128x128xf32>
    %dot_general3A = arith.constant dense<0.000000e+00> : vector<1000x128xf32>
    %dot_general3A_20 = tpu.matmul %mul3A_16, %get3A_19, %dot_general3A {dimension_numbers = #tpu.dot_dimension_numbers<[1], [0], [0], [1], [0, 0, 1, 1], [], []>, transpose_lhs_hint = false} : vector<1000x128xf32>, vector<128x128xf32>, vector<1000x128xf32> -> vector<1000x128xf32>
    %get3A_21 = arith.constant 0 : index
    %get3A_22 = arith.constant 0 : index
    %get3A_23 = vector.load %arg5[%get3A_21, %get3A_22] : memref<1x128xf32, #tpu.memory_space<vmem>>, vector<1x128xf32>
    %add3A_24 = vector.broadcast %get3A_23 : vector<1x128xf32> to vector<1000x128xf32>
    %add3A_25 = arith.addf %dot_general3A_20, %add3A_24 : vector<1000x128xf32>
    %get3A_26 = arith.constant 0 : index
    %get3A_27 = arith.constant 0 : index
    %get3A_28 = vector.load %arg3[%get3A_26, %get3A_27] : memref<1000x128xf32, #tpu.memory_space<vmem>>, vector<1000x128xf32>
    %get3A_29 = arith.constant 0 : index
    %get3A_30 = arith.constant 0 : index
    %get3A_31 = vector.load %arg6[%get3A_29, %get3A_30] : memref<128x128xf32, #tpu.memory_space<vmem>>, vector<128x128xf32>
    %dot_general3A_32 = arith.constant dense<0.000000e+00> : vector<1000x128xf32>
    %dot_general3A_33 = tpu.matmul %get3A_28, %get3A_31, %dot_general3A_32 {dimension_numbers = #tpu.dot_dimension_numbers<[1], [0], [0], [1], [0, 0, 1, 1], [], []>, transpose_lhs_hint = false} : vector<1000x128xf32>, vector<128x128xf32>, vector<1000x128xf32> -> vector<1000x128xf32>
    %add3A_34 = arith.addf %add3A_25, %dot_general3A_33 : vector<1000x128xf32>
    %max3A_35 = arith.constant 0.000000e+00 : f32
    %max3A_36 = vector.broadcast %max3A_35 : f32 to vector<1000x128xf32>
    %max3A_37 = arith.maximumf %add3A_34, %max3A_36 : vector<1000x128xf32>
    %swap3A = arith.constant 0 : index
    %swap3A_38 = arith.constant 0 : index
    %swap3A_39 = vector.load %arg7[%swap3A, %swap3A_38] : memref<1000x128xf32, #tpu.memory_space<vmem>>, vector<1000x128xf32>
    tpu.vector_store %arg7[%swap3A, %swap3A_38], %max3A_37 {strides = array<i32>} : memref<1000x128xf32, #tpu.memory_space<vmem>>, vector<1000x128xf32>,
    return
  }
  func.func @transform_0(%arg0: i32) -> (i32, i32, i32) {
    %c0_i32 = arith.constant 0 : i32
    %c0_i32_0 = arith.constant 0 : i32
    %c0_i32_1 = arith.constant 0 : i32
    return %c0_i32, %arg0, %c0_i32_0 : i32, i32, i32
  }
  func.func @transform_1(%arg0: i32) -> (i32, i32) {
    %c0_i32 = arith.constant 0 : i32
    %c0_i32_0 = arith.constant 0 : i32
    return %arg0, %c0_i32 : i32, i32
  }
  func.func @transform_2(%arg0: i32) -> (i32, i32) {
    %c0_i32 = arith.constant 0 : i32
    %c0_i32_0 = arith.constant 0 : i32
    return %arg0, %c0_i32 : i32, i32
  }
  func.func @transform_3(%arg0: i32) -> (i32, i32) {
    %c0_i32 = arith.constant 0 : i32
    %c0_i32_0 = arith.constant 0 : i32
    %c0_i32_1 = arith.constant 0 : i32
    return %c0_i32, %c0_i32_0 : i32, i32
  }
  func.func @transform_4(%arg0: i32) -> (i32, i32) {
    %c0_i32 = arith.constant 0 : i32
    %c0_i32_0 = arith.constant 0 : i32
    %c0_i32_1 = arith.constant 0 : i32
    return %c0_i32, %c0_i32_0 : i32, i32
  }
  func.func @transform_5(%arg0: i32) -> (i32, i32) {
    %c0_i32 = arith.constant 0 : i32
    %c0_i32_0 = arith.constant 0 : i32
    %c0_i32_1 = arith.constant 0 : i32
    return %c0_i32, %c0_i32_0 : i32, i32
  }
  func.func @transform_6(%arg0: i32) -> (i32, i32) {
    %c0_i32 = arith.constant 0 : i32
    %c0_i32_0 = arith.constant 0 : i32
    return %arg0, %c0_i32 : i32, i32
  }
}

module attributes {stable_mosaic.version = 14 : i64} {
  func.func @_dense_head_body(%arg0: i32, %arg1: memref<2x1000x128xf32, #tpu.memory_space<vmem>>, %arg2: memref<1000x1xf32, #tpu.memory_space<vmem>>, %arg3: memref<1000x128xf32, #tpu.memory_space<vmem>>, %arg4: memref<128x128xf32, #tpu.memory_space<vmem>>, %arg5: memref<1x128xf32, #tpu.memory_space<vmem>>, %arg6: memref<128x128xf32, #tpu.memory_space<vmem>>, %arg7: memref<128x2xf32, #tpu.memory_space<vmem>>, %arg8: memref<1x2xf32, #tpu.memory_space<vmem>>, %arg9: memref<1000x2xf32, #tpu.memory_space<vmem>>) attributes {dimension_semantics = [#tpu.dimension_semantics<arbitrary>], iteration_bounds = array<i64: 10>, scalar_prefetch = 0 : i64, scratch_operands = 0 : i64, tpu.core_type = #tpu.core_type<tc>, window_params = [{transform_indices = @transform_0, window_bounds = array<i64: 2, 1000, 128>}, {transform_indices = @transform_1, window_bounds = array<i64: 1000, 1>}, {transform_indices = @transform_2, window_bounds = array<i64: 1000, 128>}, {pipeline_mode = #tpu.pipeline_mode<synchronous>, transform_indices = @transform_3, window_bounds = array<i64: 128, 128>}, {pipeline_mode = #tpu.pipeline_mode<synchronous>, transform_indices = @transform_4, window_bounds = array<i64: 1, 128>}, {pipeline_mode = #tpu.pipeline_mode<synchronous>, transform_indices = @transform_5, window_bounds = array<i64: 128, 128>}, {pipeline_mode = #tpu.pipeline_mode<synchronous>, transform_indices = @transform_6, window_bounds = array<i64: 128, 2>}, {pipeline_mode = #tpu.pipeline_mode<synchronous>, transform_indices = @transform_7, window_bounds = array<i64: 1, 2>}, {transform_indices = @transform_8, window_bounds = array<i64: 1000, 2>}]} {
    %get3A = arith.constant 0 : index
    %get3A_0 = arith.constant 0 : index
    %get3A_1 = arith.constant 0 : index
    %get3A_2 = vector.load %arg1[%get3A, %get3A_0, %get3A_1] : memref<2x1000x128xf32, #tpu.memory_space<vmem>>, vector<1x1000x128xf32>
    %get3A_3 = vector.shape_cast %get3A_2 : vector<1x1000x128xf32> to vector<1000x128xf32>
    %get3A_4 = arith.constant 1 : index
    %get3A_5 = arith.constant 0 : index
    %get3A_6 = arith.constant 0 : index
    %get3A_7 = vector.load %arg1[%get3A_4, %get3A_5, %get3A_6] : memref<2x1000x128xf32, #tpu.memory_space<vmem>>, vector<1x1000x128xf32>
    %get3A_8 = vector.shape_cast %get3A_7 : vector<1x1000x128xf32> to vector<1000x128xf32>
    %add3A = arith.addf %get3A_3, %get3A_8 : vector<1000x128xf32>
    %get3A_9 = arith.constant 0 : index
    %get3A_10 = arith.constant 0 : index
    %get3A_11 = vector.load %arg2[%get3A_9, %get3A_10] : memref<1000x1xf32, #tpu.memory_space<vmem>>, vector<1000x1xf32>
    %max3A = arith.constant 1.000000e+00 : f32
    %max3A_12 = vector.broadcast %max3A : f32 to vector<1000x1xf32>
    %max3A_13 = arith.maximumf %get3A_11, %max3A_12 : vector<1000x1xf32>
    %div3A = arith.constant 1.000000e+00 : f32
    %div3A_14 = vector.broadcast %div3A : f32 to vector<1000x1xf32>
    %div3A_15 = arith.divf %div3A_14, %max3A_13 : vector<1000x1xf32>
    %mul3A = vector.broadcast %div3A_15 : vector<1000x1xf32> to vector<1000x128xf32>
    %mul3A_16 = arith.mulf %add3A, %mul3A : vector<1000x128xf32>
    %get3A_17 = arith.constant 0 : index
    %get3A_18 = arith.constant 0 : index
    %get3A_19 = vector.load %arg4[%get3A_17, %get3A_18] : memref<128x128xf32, #tpu.memory_space<vmem>>, vector<128x128xf32>
    %dot_general3A = arith.constant dense<0.000000e+00> : vector<1000x128xf32>
    %dot_general3A_20 = tpu.matmul %mul3A_16, %get3A_19, %dot_general3A {dimension_numbers = #tpu.dot_dimension_numbers<[1], [0], [0], [1], [0, 0, 1, 1], [], []>, transpose_lhs_hint = false} : vector<1000x128xf32>, vector<128x128xf32>, vector<1000x128xf32> -> vector<1000x128xf32>
    %get3A_21 = arith.constant 0 : index
    %get3A_22 = arith.constant 0 : index
    %get3A_23 = vector.load %arg5[%get3A_21, %get3A_22] : memref<1x128xf32, #tpu.memory_space<vmem>>, vector<1x128xf32>
    %add3A_24 = vector.broadcast %get3A_23 : vector<1x128xf32> to vector<1000x128xf32>
    %add3A_25 = arith.addf %dot_general3A_20, %add3A_24 : vector<1000x128xf32>
    %get3A_26 = arith.constant 0 : index
    %get3A_27 = arith.constant 0 : index
    %get3A_28 = vector.load %arg3[%get3A_26, %get3A_27] : memref<1000x128xf32, #tpu.memory_space<vmem>>, vector<1000x128xf32>
    %get3A_29 = arith.constant 0 : index
    %get3A_30 = arith.constant 0 : index
    %get3A_31 = vector.load %arg6[%get3A_29, %get3A_30] : memref<128x128xf32, #tpu.memory_space<vmem>>, vector<128x128xf32>
    %dot_general3A_32 = arith.constant dense<0.000000e+00> : vector<1000x128xf32>
    %dot_general3A_33 = tpu.matmul %get3A_28, %get3A_31, %dot_general3A_32 {dimension_numbers = #tpu.dot_dimension_numbers<[1], [0], [0], [1], [0, 0, 1, 1], [], []>, transpose_lhs_hint = false} : vector<1000x128xf32>, vector<128x128xf32>, vector<1000x128xf32> -> vector<1000x128xf32>
    %add3A_34 = arith.addf %add3A_25, %dot_general3A_33 : vector<1000x128xf32>
    %max3A_35 = arith.constant 0.000000e+00 : f32
    %max3A_36 = vector.broadcast %max3A_35 : f32 to vector<1000x128xf32>
    %max3A_37 = arith.maximumf %add3A_34, %max3A_36 : vector<1000x128xf32>
    %get3A_38 = arith.constant 0 : index
    %get3A_39 = arith.constant 0 : index
    %get3A_40 = vector.load %arg7[%get3A_38, %get3A_39] : memref<128x2xf32, #tpu.memory_space<vmem>>, vector<128x2xf32>
    %dot_general3A_41 = arith.constant dense<0.000000e+00> : vector<1000x2xf32>
    %dot_general3A_42 = tpu.matmul %max3A_37, %get3A_40, %dot_general3A_41 {dimension_numbers = #tpu.dot_dimension_numbers<[1], [0], [0], [1], [0, 0, 1, 1], [], []>, transpose_lhs_hint = false} : vector<1000x128xf32>, vector<128x2xf32>, vector<1000x2xf32> -> vector<1000x2xf32>
    %get3A_43 = arith.constant 0 : index
    %get3A_44 = arith.constant 0 : index
    %get3A_45 = vector.load %arg8[%get3A_43, %get3A_44] : memref<1x2xf32, #tpu.memory_space<vmem>>, vector<1x2xf32>
    %add3A_46 = vector.broadcast %get3A_45 : vector<1x2xf32> to vector<1000x2xf32>
    %add3A_47 = arith.addf %dot_general3A_42, %add3A_46 : vector<1000x2xf32>
    %swap3A = arith.constant 0 : index
    %swap3A_48 = arith.constant 0 : index
    %swap3A_49 = vector.load %arg9[%swap3A, %swap3A_48] : memref<1000x2xf32, #tpu.memory_space<vmem>>, vector<1000x2xf32>
    tpu.vector_store %arg9[%swap3A, %swap3A_48], %add3A_47 {strides = array<i32>} : memref<1000x2xf32, #tpu.memory_space<vmem>>, vector<1000x2xf32>,
    return
  }
  func.func @transform_0(%arg0: i32) -> (i32, i32, i32) {
    %c0_i32 = arith.constant 0 : i32
    %c0_i32_0 = arith.constant 0 : i32
    %c0_i32_1 = arith.constant 0 : i32
    return %c0_i32, %arg0, %c0_i32_0 : i32, i32, i32
  }
  func.func @transform_1(%arg0: i32) -> (i32, i32) {
    %c0_i32 = arith.constant 0 : i32
    %c0_i32_0 = arith.constant 0 : i32
    return %arg0, %c0_i32 : i32, i32
  }
  func.func @transform_2(%arg0: i32) -> (i32, i32) {
    %c0_i32 = arith.constant 0 : i32
    %c0_i32_0 = arith.constant 0 : i32
    return %arg0, %c0_i32 : i32, i32
  }
  func.func @transform_3(%arg0: i32) -> (i32, i32) {
    %c0_i32 = arith.constant 0 : i32
    %c0_i32_0 = arith.constant 0 : i32
    %c0_i32_1 = arith.constant 0 : i32
    return %c0_i32, %c0_i32_0 : i32, i32
  }
  func.func @transform_4(%arg0: i32) -> (i32, i32) {
    %c0_i32 = arith.constant 0 : i32
    %c0_i32_0 = arith.constant 0 : i32
    %c0_i32_1 = arith.constant 0 : i32
    return %c0_i32, %c0_i32_0 : i32, i32
  }
  func.func @transform_5(%arg0: i32) -> (i32, i32) {
    %c0_i32 = arith.constant 0 : i32
    %c0_i32_0 = arith.constant 0 : i32
    %c0_i32_1 = arith.constant 0 : i32
    return %c0_i32, %c0_i32_0 : i32, i32
  }
  func.func @transform_6(%arg0: i32) -> (i32, i32) {
    %c0_i32 = arith.constant 0 : i32
    %c0_i32_0 = arith.constant 0 : i32
    %c0_i32_1 = arith.constant 0 : i32
    return %c0_i32, %c0_i32_0 : i32, i32
  }
  func.func @transform_7(%arg0: i32) -> (i32, i32) {
    %c0_i32 = arith.constant 0 : i32
    %c0_i32_0 = arith.constant 0 : i32
    %c0_i32_1 = arith.constant 0 : i32
    return %c0_i32, %c0_i32_0 : i32, i32
  }
  func.func @transform_8(%arg0: i32) -> (i32, i32) {
    %c0_i32 = arith.constant 0 : i32
    %c0_i32_0 = arith.constant 0 : i32
    return %arg0, %c0_i32 : i32, i32
  }
}

</mosaic_0001>

<sc_bundles>
// kernel: kernel.6.cloned.1.call-start
scs
__scs_entry_jumppad:
0x0: {  	(pc) =	sbr.rel $0x88, $3  }
0x1: {  	(tag) =	ssettag $0x0;
	lr =	simm.s32 $0x1  }
0x2: {  	[smem:$0x3F97] =	sst lr;
	_ =	strace $0xD0000000  }
0x3: {  	_ = 	snop  }
0x4: {  	_ = 	snop  }
0x5: {  	_ = 	snop  }
0x6: {  	_ = 	snop  }
0x7: {  	_ = 	snop  }
__scs_overlays_trampoline_lowered:
0x8: {  	[smem:$0x3FA6] =	sst s0  }
0x9: {  	[smem:$0x3FA7] =	sst s1  }
0xa: {  	[smem:$0x3FA8] =	sst s2  }
0xb: {  	[smem:$0x3FA9] =	sst s3  }
0xc: {  	[smem:$0x3FAA] =	sst s4  }
0xd: {  	[smem:$0x3FAB] =	sst s5  }
0xe: {  	[smem:$0x3FAC] =	sst s6  }
0xf: {  	[smem:$0x3FAD] =	sst s7  }
0x10: {  	[smem:$0x3FAE] =	sst s8  }
0x11: {  	[smem:$0x3FAF] =	sst s9;
	s0 =	simm.s32 @!p0 $0x0  }
0x12: {  	s1 =	sld [smem:$0x3F95];
	s0 =	simm.s32 @p0 $0x1  }
0x13: {  	[smem:$0x3FB0] =	sst s0;
	s0 =	simm.s32 @!p1 $0x0  }
0x14: {  	s2 =	sld [smem:$0x3F94];
	s0 =	simm.s32 @p1 $0x1  }
0x15: {  	[smem:$0x3FB1] =	sst s0;
	s0 =	simm.s32 @!p2 $0x0  }
0x16: {  	s3 =	sld [smem:$0x3FDB];
	s0 =	simm.s32 @p2 $0x1  }
0x17: {  	s4 =	simm.s32 $0x1BF5;
	[smem:$0x3FB3] =	sst s0  }
0x18: {  	s0 =	sld [smem:$0x3F96];
	_ =	swait.ge [sflag:s4], $0x0  }
0x19: {  	s7 =	sld [smem:$0x3F97]  }
0x1a: {  	s8 =	sadd.s32 $0xFFFFE003, lr  }
0x1b: {  	s9 =	sadd.s32 $0xFFFFFEF7, lr;
	s5 =	simm.s32 $0xFFFFFFFF;
	p2 =	slt.u32 s8, $0xFFFFF086  }
0x1c: {  	p1 =	slt.u32 s9, $0xF7A;
	s5 =	simm.s32 @!p2 $0x0  }
0x1d: {  	s5 =	simm.s32 @p1 $0x1;
	p0 =	seq.s32 s7, s2  }
0x1e: {  	s7 =	smul.u32 @!p0 $0xF7A, s2;
	p2 =	seq.s32 @!p0 s5, $0x0  }
0x1f: {  	s9 =	smul.u32 $0xF7A, s1;
	s8 =	simm.s32 @!p0 $0x1BF5;
	p2 =	por !p2, p0  }
0x20: {  	[sflag:s8] =	ssyncset.s32 @!p0 $0xFFFFF086;
	s6 =	sadd.s32 @!p0 s3, s7;
	s7 =	simm.s32 @!p0 $0x108  }
0x21: {  	s3 =	sadd.s32 s3, s9;
	s6 =	sadd.s32 @!p0 $0x88, s6;
	s7 =	simm.s32 @p2 $0x1082  }
0x22: {  	[simem:s7], [sflag:s8] =	dma.local @!p0 [hbm:s6], $0xF7A  }
0x23: {  	s9 =	sor.u32 $0xD0000000, s2;
	s6 =	simm.s32 $0x108;
	_ =	swait.ge @!p0 [sflag:s8], $0x0  }
0x24: {  	s3 =	sadd.s32 $0x88, s3;
	s6 =	simm.s32 @!p1 $0x1082;
	[sflag:s4] =	ssyncset.s32 $0xFFFFF086  }
0x25: {  	[simem:s6], [sflag:s4] =	dma.local [hbm:s3], $0xF7A  }
0x26: {  	[smem:$0x3F97] =	sst s1;
	(tag) =	ssettag s2;
	_ =	strace s9  }
0x27: {  	s1 =	sld [smem:$0x3FA7]  }
0x28: {  	s2 =	sld [smem:$0x3FA8]  }
0x29: {  	s4 =	sld [smem:$0x3FAA]  }
0x2a: {  	p0 =	seq.s32 s5, $0x0;
	s5 =	sld [smem:$0x3FAB]  }
0x2b: {  	s6 =	sld [smem:$0x3FAC]  }
0x2c: {  	s7 =	sld [smem:$0x3FAD]  }
0x2d: {  	s3 =	simm.s32 $0x108;
	s8 =	sld [smem:$0x3FAE]  }
0x2e: {  	s3 =	simm.s32 @!p0 $0x1082;
	s9 =	sld [smem:$0x3FAF]  }
0x2f: {  	lr =	sadd.s32 s0, s3;
	s0 =	sld [smem:$0x3FA6]  }
0x30: {  	s3 =	sld [smem:$0x3FA9]  }
0x31: {  	[smem:$0x3FB2] =	sst s10  }
0x32: {  	s10 =	sld [smem:$0x3FB0];
	_ =	sdelay $0x3  }
0x33: {  	p0 =	seq.s32 s10, $0x1;
	s10 =	sld [smem:$0x3FB2];
	_ =	sdelay $0x3  }
0x34: {  	[smem:$0x3FB2] =	sst s10  }
0x35: {  	s10 =	sld [smem:$0x3FB1];
	_ =	sdelay $0x3  }
0x36: {  	p1 =	seq.s32 s10, $0x1;
	s10 =	sld [smem:$0x3FB2];
	_ =	sdelay $0x3  }
0x37: {  	[smem:$0x3FB2] =	sst s10  }
0x38: {  	s10 =	sld [smem:$0x3FB3]  }
0x39: {  	_ = 	snop;
	(pc) =	sbr.ind lr, $3  }
0x3a: {  	_ = 	snop  }
0x3b: {  	_ = 	snop  }
0x3c: {  	p2 =	seq.s32 s10, $0x1;
	s10 =	sld [smem:$0x3FB2]  }
0x3d: {  	_ =	shalt  }
0x3e: {  	_ =	shalt  }
0x3f: {  	_ =	shalt  }
0x40: {  	_ =	shalt  }
0x41: {  	_ =	shalt  }
0x42: {  	_ =	shalt  }
0x43: {  	_ =	shalt  }
0x44: {  	_ =	shalt  }
0x45: {  	_ =	shalt  }
0x46: {  	_ =	shalt  }
0x47: {  	_ =	shalt  }
0x48: {  	_ =	shalt  }
0x49: {  	_ =	shalt  }
0x4a: {  	_ =	shalt  }
0x4b: {  	_ =	shalt  }
0x4c: {  	_ =	shalt  }
0x4d: {  	_ =	shalt  }
0x4e: {  	_ =	shalt  }
0x4f: {  	_ =	shalt  }
0x50: {  	_ =	shalt  }
0x51: {  	_ =	shalt  }
0x52: {  	_ =	shalt  }
0x53: {  	_ =	shalt  }
0x54: {  	_ =	shalt  }
0x55: {  	_ =	shalt  }
0x56: {  	_ =	shalt  }
0x57: {  	_ =	shalt  }
0x58: {  	_ =	shalt  }
0x59: {  	_ =	shalt  }
0x5a: {  	_ =	shalt  }
0x5b: {  	_ =	shalt  }
0x5c: {  	_ =	shalt  }
0x5d: {  	_ =	shalt  }
0x5e: {  	_ =	shalt  }
0x5f: {  	_ =	shalt  }
0x60: {  	_ =	shalt  }
0x61: {  	_ =	shalt  }
0x62: {  	_ =	shalt  }
0x63: {  	_ =	shalt  }
0x64: {  	_ =	shalt  }
0x65: {  	_ =	shalt  }
0x66: {  	_ =	shalt  }
0x67: {  	_ =	shalt  }
0x68: {  	_ =	shalt  }
0x69: {  	_ =	shalt  }
0x6a: {  	_ =	shalt  }
0x6b: {  	_ =	shalt  }
0x6c: {  	_ =	shalt  }
0x6d: {  	_ =	shalt  }
0x6e: {  	_ =	shalt  }
0x6f: {  	_ =	shalt  }
0x70: {  	_ =	shalt  }
0x71: {  	_ =	shalt  }
0x72: {  	_ =	shalt  }
0x73: {  	_ =	shalt  }
0x74: {  	_ =	shalt  }
0x75: {  	_ =	shalt  }
0x76: {  	_ =	shalt  }
0x77: {  	_ =	shalt  }
0x78: {  	_ =	shalt  }
0x79: {  	_ =	shalt  }
0x7a: {  	_ =	shalt  }
0x7b: {  	_ =	shalt  }
0x7c: {  	_ =	shalt  }
0x7d: {  	_ =	shalt  }
0x7e: {  	_ =	shalt  }
0x7f: {  	_ =	shalt  }
0x80: {  	_ =	shalt  }
0x81: {  	_ =	shalt  }
0x82: {  	_ =	shalt  }
0x83: {  	_ =	shalt  }
0x84: {  	_ =	shalt  }
0x85: {  	_ =	shalt  }
0x86: {  	_ =	shalt  }
0x87: {  	_ =	shalt  }
.Lfunc_end0:
.L_simem_size_0:
called_computation_lowered:
.L_overlay_start_0:
0x88: {  	s2 =	sld [smem:$0x3FD9]  }
0x89: {  	s3 =	sld [smem:$0x3FFE];
	_ =	sdelay $0x1  }
0x8a: {  	s1 =	srdreg.scid  }
0x8b: {  	s0 =	sand.u32 $0x1, s1  }
0x8c: {  	s17 =	sshll.u32 s0, $0xA;
	s2 =	sadd.s32 s3, s2  }
0x8d: {  	s2 =	sadd.s32 s2, s17  }
0x8e: {  	[smem:$0x3FBE] =	sst s2  }
0x8f: {  	_ = 	snop  }
0x90: {  	s2 =	sld [smem:$0x3FC9];
	(tm) =	ssettm $0x1  }
0x91: {  	s18 =	sld [smem:$0x3FFB];
	_ =	sdelay $0x3  }
0x92: {  	_ =	strace s18  }
0x93: {  	s3 =	sld [smem:$0x3FFC];
	_ =	sdelay $0x3  }
0x94: {  	_ =	strace s3  }
0x95: {  	s3 =	sld [smem:$0x3FFD];
	_ =	sdelay $0x3  }
0x96: {  	_ =	strace s3  }
0x97: {  	_ =	strace $0x8FFFFFFF  }
0x98: {  	s19 =	sld [smem:$0x3FDB];
	_ =	sdelay $0x1  }
0x99: {  	s4 =	simm.s32 $_scs_section_size  }
0x9a: {  	s5 =	simm.s32 $_size__tile_overlayer_lowered;
	s6 =	simm.s32 $_tile_overlayer_lowered  }
0x9b: {  	s22 =	simm.s32 $0x1BFF;
	s21 =	sshll.u32 s6, $0x1;
	s3 =	sadd.s32 s4, s19  }
0x9c: {  	s7 =	simm.s32 $0x0;
	s20 =	sshll.u32 s5, $0x1;
	s5 =	sadd.s32 s21, s3  }
0x9d: {  	[timem:s7], [sflag:s22] =	dma.local [hbm:s5], s20  }
0x9e: {  	_ =	swait.ge [sflag:s22], s20  }
0x9f: {  	s4 =	ssub.s32 $0x0, s20;
	[sflag:s22] =	ssyncset.done $0x0  }
0xa0: {  	[sflag:s22] =	ssyncadd.s32 s4;
	_ =	sdelay $0x1  }
0xa1: {  	s23 =	simm.s32 $0x1B8B  }
0xa2: {  	_ =	swait.ge [sflag:s23], $0x1  }
0xa3: {  	[sflag:s23] =	ssyncset.done $0x0  }
0xa4: {  	s25 =	simm.s32 $0x1B8E;
	s24 =	sld [smem:$0x3FFE];
	[sflag:s23] =	ssyncadd.s32 $0xFFFFFFFF  }
0xa5: {  	s26 =	simm.s32 $execute0_lowered;
	[smem:$0x3FD2] =	sst s25  }
0xa6: {  	s5 =	sshll.u32 s26, $0x1;
	_ =	strace $0x80000046;
	[dreg:$0x1] =	wrdreg $0xFFFFFFFF  }
0xa7: {  	s28 =	simm.s32 $_size_execute0_lowered;
	s3 =	sadd.s32 s3, s5;
	[dreg:$0x0] =	wrdreg $0x0  }
0xa8: {  	s5 =	sshll.u32 s28, $0x1;
	[dreg:$0x2] =	wrdreg s3  }
0xa9: {  	[dreg:$0x3] =	wrdreg s5  }
0xaa: {  	[dreg:$0x4] =	wrdreg $0xC0  }
0xab: {  	_ =	task [dreg:s7], $0x5FFFF  }
0xac: {  	[dreg:$0x1] =	wrdreg $0xFFFFFFFF  }
0xad: {  	[dreg:$0x0] =	wrdreg $0x60  }
0xae: {  	[dreg:$0x2] =	wrdreg s2  }
0xaf: {  	[dreg:$0x3] =	wrdreg s24  }
0xb0: {  	[dreg:$0x4] =	wrdreg $0x90000  }
0xb1: {  	[dreg:$0x5] =	wrdreg $0x1CD000  }
0xb2: {  	[dreg:$0x6] =	wrdreg $0x9  }
0xb3: {  	_ =	task.clear_ibuf [dreg:s7], $0x7FFFF;
	_ =	strace $0x90000046  }
0xb4: {  	s29 =	simm.s32 $0x9;
	_ =	strace $0x80000048  }
0xb5: {  	_ =	swait.ge [sflag:s29], $0x1  }
0xb6: {  	[sflag:s29] =	ssyncadd.s32 $0xFFFFFFFF  }
0xb7: {  	_ =	strace $0x90000048  }
0xb8: {  	_ =	sfence  }
0xb9: {  	s30 =	sld [smem:$0x0];
	_ =	sdelay $0x2  }
0xba: {  	s31 =	sshll.u32 s1, $0xD;
	s1 =	sshrl.u32 s1, $0x2  }
0xbb: {  	s3 =	sand.u32 $0x4000, s31;
	s1 =	sadd.s32 s1, s30  }
0xbc: {  	s0 =	sor.u32 s3, s0;
	s1 =	sshll.u32 s1, $0x11  }
0xbd: {  	s0 =	sor.u32 s1, s0  }
0xbe: {  	s0 =	sadd.s32 $0x8F2B, s0  }
0xbf: {  	[sflag:s0] =	ssyncadd.remote.s32 $0x1  }
0xc0: {  	_ =	sfence.sel $0xFFFF  }
0xc1: {  	[dreg:$0x0] =	wrdreg $0xFFFFFFFF;
	(pc) =	sbr.abs _section_cstart, $3  }
0xc2: {  	[dreg:$0x1] =	wrdreg $0xFFFFFFFF  }
0xc3: {  	_ =	task.clear_ibuf [dreg:s7], $0x2FFFF;
	_ =	strace $0x9FFFFFFF  }
0xc4: {  	(tm) =	ssettm $0x7FFFFFFF  }
0xc5: {  	_ =	shalt  }
tec
execute0_lowered:
.L_overlay_start_1:
0x0: {  	(tag) =	ssettag $0x1  }
0x1: {  	s1 =	rddreg [dreg:$0x0]  }
0x2: {  	s0 =	rddreg [dreg:$0x1]  }
0x3: {  	s3 =	rddreg [dreg:$0x2];
	s2 =	srdreg.scid  }
0x4: {  	s17 =	stileid.u32;
	s4 =	rddreg [dreg:$0x3];
	s5 =	simm.s32 $0x0  }
0x5: {  	s29 =	simm.s32 $0x800;
	s30 =	simm.s32 $0x80;
	s31 =	simm.s32 $0x5000  }
0x6: {  	s28 =	simm.s32 $0x5;
	s2 =	sand.u32 $0x1, s2;
	s6 =	smul.u32 $0x278, s17  }
0x7: {  	[smem:$0x7FF] =	sst s5;
	s15 =	sadd.s32 $0xC600, s0;
	s16 =	sadd.s32 $0x2600, s0  }
0x8: {  	s8 =	smul.u32 $0x4F000, s17;
	s9 =	sadd.s32 $0x17000, s0;
	s19 =	sshll.u32 s17, $0xB  }
0x9: {  	s20 =	sshll.u32 s17, $0x9;
	p1 =	seq.s32 s17, $0xF;
	s7 =	smul.u32 $0x2780, s2  }
0xa: {  	_ =	strace $0x80000047;
	s21 =	ssub.s32 $0x2, s2;
	[dreg:$0x9] =	wrdreg s16  }
0xb: {  	p0 =	seq.s32 s2, $0x1;
	[dreg:$0x8] =	wrdreg s15;
	s10 =	sshrl.u32 s21, $0x1  }
0xc: {  	s8 =	sshrl.u32 s8, $0x2;
	s11 =	sadd.s32 $0x80, s6;
	s23 =	sadd.s32 $0x100, s6  }
0xd: {  	s24 =	sadd.s32 $0x180, s6;
	s14 =	sadd.s32 $0x200, s6;
	s7 =	sadd.s32 s6, s7  }
0xe: {  	s8 =	sadd.s32 s8, s3;
	s22 =	sshll.u32 s11, $0x7;
	s12 =	sshll.u32 s23, $0x7  }
0xf: {  	s13 =	sshll.u32 s24, $0x7;
	s6 =	sadd.s32 s6, s4;
	[dreg:$0xa] =	wrdreg s8  }
0x10: {  	s26 =	sshll.u32 s14, $0x7;
	s11 =	sadd.s32 s11, s4;
	[dreg:$0xf] =	wrdreg s6  }
0x11: {  	s18 =	sadd.s32 s14, s4;
	s7 =	sshrl.u32 s7, $0x3;
	[dreg:$0x10] =	wrdreg s11  }
0x12: {  	s8 =	sadd.s32 s22, s3;
	s12 =	sadd.s32 s12, s3;
	[dreg:$0x13] =	wrdreg s18  }
0x13: {  	s25 =	sadd.s32 s13, s3;
	s13 =	smul.u32 $0x13800, s17;
	[dreg:$0xb] =	wrdreg s8  }
0x14: {  	s18 =	simm.s32 $0xB80;
	s17 =	simm.s32 $0xF00;
	[dreg:$0xc] =	wrdreg s12  }
0x15: {  	s0 =	sadd.s32 s7, s0;
	s7 =	ssub.s32 s21, s10;
	[dreg:$0xd] =	wrdreg s25  }
0x16: {  	s12 =	sadd.s32 s26, s3;
	s8 =	sadd.s32 s23, s4;
	s10 =	sadd.s32 s24, s4  }
0x17: {  	s23 =	sadd.s32 s19, s16;
	s24 =	sadd.s32 s19, s15;
	[dreg:$0xe] =	wrdreg s12  }
0x18: {  	s26 =	simm.s32 $0x100;
	s16 =	simm.s32 $0xC00;
	[dreg:$0x11] =	wrdreg s8  }
0x19: {  	s19 =	simm.s32 $0xE00;
	s12 =	smul.u32 $0x138800, s2;
	[dreg:$0x12] =	wrdreg s10  }
0x1a: {  	s10 =	sor.u32 $0x8000, s20;
	s8 =	sadd.s32 s13, s3;
	[dreg:$0x5] =	wrdreg s23  }
0x1b: {  	s0 =	sadd.s32 $0x16600, s0;
	s25 =	smax.u32 s7, $0x1;
	[dreg:$0x6] =	wrdreg s24  }
0x1c: {  	[dreg:$0x7] =	wrdreg s26;
	s23 =	simm.s32 $0x1000;
	s26 =	simm.s32 $0x6  }
0x1d: {  	s2 =	simm.s32 $0x1;
	s7 =	simm.s32 $0xD80;
	[dreg:$0x14] =	wrdreg s10  }
0x1e: {  	s24 =	simm.s32 $0xE80;
	s20 =	simm.s32 $0xF80;
	[dreg:$0x17] =	wrdreg s0  }
0x1f: {  	[dreg:$0x18] =	wrdreg s25;
	s25 =	simm.s32 $0xA00;
	s21 =	sadd.s32 s13, s12  }
0x20: {  	s6 =	sshrl.u32 s12, $0x3;
	s12 =	simm.s32 $0x4;
	s13 =	simm.s32 $0xA80  }
0x21: {  	s22 =	sshrl.u32 s21, $0x3;
	s6 =	sadd.s32 s9, s6;
	s21 =	simm.s32 $0xC80  }
.Ltmp0:
0x22: {  	s10 =	sadd.s32 s9, s22;
	s6 =	sadd.s32 $0x24900, s6;
	(pc) =	sbr.rel .LBB2_1-.Ltmp0, $4  }
0x23: {  	s9 =	simm.s32 $0x3;
	[dreg:$0x16] =	wrdreg s6;
	s6 =	sadd.s32 $0x124800, s3  }
0x24: {  	s22 =	simm.s32 $0x980;
	[dreg:$0x15] =	wrdreg s10;
	s0 =	sshrl.u32 @p1 s6, $0x3  }
0x25: {  	s10 =	simm.s32 $0x2;
	[dreg:$0x19] =	wrdreg s0;
	s0 =	sshrl.u32 @!p1 s8, $0x3  }
0x26: {  	v0 =	vimm.f32 $0.0e+00;
	v1 =	vimm.f32 $1.000000000e+00;
	s8 =	simm.s32 $0x1CC00;
	[dreg:$0x1a] =	wrdreg s0;
	s0 =	simm.s32 $0x0  }
.LBB2_6:
0x27: {  	[sflag:s28] =	ssyncset.done $0x0  }
0x28: {  	[sflag:s28] =	ssyncadd.s32 $0xFFFFFF80  }
.LBB2_8:
0x29: {  	[bflag:$0x0] =	sbarrier.arrive $0xFFFF  }
0x2a: {  	s14 =	rddreg [dreg:$0x16]  }
0x2b: {  	s11 =	simm.s32 @p1 $0x1FC6;
	s15 =	rddreg [dreg:$0x19]  }
0x2c: {  	[hbm:s14], [sflag:s11] =	dma.local @p1 [spmem:s15], $0x2800  }
0x2d: {  	s11 =	simm.s32 @p1 $0x6  }
0x2e: {  	s0 =	stileid.u32;
	_ =	swait.ge @p1 [sflag:s11], $0x2800  }
0x2f: {  	s14 =	sshll.u32 @!p1 s0, $0x6;
	[sflag:s11] =	ssyncset.done @p1 $0x0;
	s15 =	rddreg [dreg:$0x1a]  }
0x30: {  	[sflag:s11] =	ssyncadd.s32 @p1 $0xFFFFD800;
	s11 =	sor.u32 @!p1 $0x1C06, s14;
	s14 =	rddreg [dreg:$0x15]  }
0x31: {  	[hbm:s14], [sflag:s11] =	dma.local @!p1 [spmem:s15], $0x2700  }
0x32: {  	s11 =	simm.s32 @!p1 $0x6  }
0x33: {  	_ =	swait.ge @!p1 [sflag:s11], $0x2700  }
0x34: {  	[sflag:s11] =	ssyncset.done @!p1 $0x0  }
0x35: {  	s0 =	sshll.u32 s0, $0x6;
	s15 =	rddreg [dreg:$0xf];
	[sflag:s11] =	ssyncadd.s32 @!p1 $0xFFFFD900  }
0x36: {  	s11 =	sor.u32 $0x1C06, s0;
	s14 =	sshrl.u32 s15, $0x3;
	s0 =	rddreg [dreg:$0x17]  }
0x37: {  	[hbm:s0], [sflag:s11] =	dma.local [spmem:s14], $0x4F  }
0x38: {  	_ =	swait.ge [sflag:s26], $0x4F  }
0x39: {  	s14 =	rddreg [dreg:$0x1b]  }
0x3a: {  	s15 =	rddreg [dreg:$0x18];
	s0 =	sadd.s32 $0x1, s14  }
0x3b: {  	p2 =	sne.s32 s0, s15  }
.Ltmp1:
0x3c: {  	_ = 	snop;
	(pc) =	sbr.rel @!p2 .LBB2_9-.Ltmp1, $3  }
0x3d: {  	_ =	sdelay $0x1  }
0x3e: {  	[sflag:s26] =	ssyncset.done $0x0  }
0x3f: {  	s6 =	stileid.u32;
	[sflag:s26] =	ssyncadd.s32 $0xFFFFFFB1  }
.LBB2_1:
0x40: {  	[dreg:$0x1b] =	wrdreg s0;
	s14 =	simm.s32 $0x0;
	s11 =	simm.s32 $0x200  }
.LBB2_2:
0x41: {  	p2 =	sne.s32 s11, $0xFE00;
	[tilespmem:s14+$0x1070] =	vst v0  }
0x42: {  	[tilespmem:s14+$0x1000] =	vst v0  }
0x43: {  	[tilespmem:s14+$0x1010] =	vst v0  }
.Ltmp2:
0x44: {  	[tilespmem:s14+$0x1020] =	vst v0;
	(pc) =	sbr.rel @p2 .LBB2_2-.Ltmp2, $4  }
0x45: {  	[tilespmem:s14+$0x1030] =	vst v0  }
0x46: {  	[tilespmem:s14+$0x1040] =	vst v0  }
0x47: {  	[tilespmem:s14+$0x1050] =	vst v0  }
0x48: {  	[tilespmem:s14+$0x1060] =	vst v0;
	s14 =	sshra.s32 s11, $0x2;
	s11 =	sadd.s32 $0x200, s11  }
0x49: {  	[tilespmem:s14+$0x1070] =	vst v0  }
0x4a: {  	[tilespmem:s14+$0x1000] =	vst v0  }
0x4b: {  	[tilespmem:s14+$0x1010] =	vst v0  }
0x4c: {  	[tilespmem:s14+$0x1020] =	vst v0  }
0x4d: {  	[tilespmem:s14+$0x1030] =	vst v0  }
0x4e: {  	[tilespmem:s14+$0x1040] =	vst v0  }
0x4f: {  	[tilespmem:s14+$0x1050] =	vst v0  }
0x50: {  	[tilespmem:s14+$0x1060] =	vst v0  }
0x51: {  	[tilespmem:$0x1CC00] =	vst v1  }
0x52: {  	[tilespmem:$0x1CC80] =	vst v0  }
0x53: {  	[tilespmem:$0x1CC10] =	vst v1  }
0x54: {  	[tilespmem:$0x1CC90] =	vst v0  }
0x55: {  	[tilespmem:$0x1CC20] =	vst v1  }
0x56: {  	[tilespmem:$0x1CCA0] =	vst v0  }
0x57: {  	[tilespmem:$0x1CC30] =	vst v1  }
0x58: {  	[tilespmem:$0x1CCB0] =	vst v0  }
0x59: {  	[tilespmem:$0x1CC40] =	vst v1  }
0x5a: {  	[tilespmem:$0x1CCC0] =	vst v0  }
0x5b: {  	[tilespmem:$0x1CC50] =	vst v1  }
0x5c: {  	[tilespmem:$0x1CCD0] =	vst v0  }
0x5d: {  	[tilespmem:$0x1CC60] =	vst v1  }
0x5e: {  	[tilespmem:$0x1CCE0] =	vst v0  }
0x5f: {  	[tilespmem:$0x1CC70] =	vst v1  }
0x60: {  	s11 =	rddreg [dreg:$0xa];
	[tilespmem:$0x1CCF0] =	vst v0  }
0x61: {  	[spmem:s11] =	stream.linear.scatter [tilespmem:s23], [sflag:$0x6], $0x4000, $0x38;
	[tilespmem:$0x1CF78] =	vst v63  }
0x62: {  	_ =	swait.ge [sflag:s26], $0x4000  }
0x63: {  	[sflag:s26] =	ssyncset.done $0x0  }
0x64: {  	s6 =	rddreg [dreg:$0xb];
	[sflag:s26] =	ssyncadd.s32 $0xFFFFC000  }
0x65: {  	[spmem:s6] =	stream.linear.scatter [tilespmem:s23], [sflag:$0x6], $0x4000, $0x38;
	[tilespmem:$0x1CF78] =	vst v63  }
0x66: {  	_ =	swait.ge [sflag:s26], $0x4000  }
0x67: {  	[sflag:s26] =	ssyncset.done $0x0  }
0x68: {  	s14 =	rddreg [dreg:$0xc];
	[sflag:s26] =	ssyncadd.s32 $0xFFFFC000  }
0x69: {  	[spmem:s14] =	stream.linear.scatter [tilespmem:s23], [sflag:$0x6], $0x4000, $0x38;
	[tilespmem:$0x1CF78] =	vst v63  }
0x6a: {  	_ =	swait.ge [sflag:s26], $0x4000  }
0x6b: {  	[sflag:s26] =	ssyncset.done $0x0  }
0x6c: {  	s15 =	rddreg [dreg:$0xd];
	[sflag:s26] =	ssyncadd.s32 $0xFFFFC000  }
0x6d: {  	[spmem:s15] =	stream.linear.scatter [tilespmem:s23], [sflag:$0x6], $0x4000, $0x38;
	[tilespmem:$0x1CF78] =	vst v63  }
0x6e: {  	_ =	swait.ge [sflag:s26], $0x4000  }
0x6f: {  	[sflag:s26] =	ssyncset.done $0x0  }
0x70: {  	s0 =	rddreg [dreg:$0xe];
	[sflag:s26] =	ssyncadd.s32 $0xFFFFC000  }
0x71: {  	[spmem:s0] =	stream.linear.scatter [tilespmem:s23], [sflag:$0x6], $0x3C00, $0x38;
	[tilespmem:$0x1CF78] =	vst v63  }
0x72: {  	_ =	swait.ge [sflag:s26], $0x3C00  }
0x73: {  	[sflag:s26] =	ssyncset.done $0x0  }
0x74: {  	s14 =	simm.s32 $0x1CC80;
	s6 =	rddreg [dreg:$0xf];
	[sflag:s26] =	ssyncadd.s32 $0xFFFFC400  }
0x75: {  	[spmem:s6] =	stream.linear.scatter [tilespmem:s14], [sflag:$0x6], $0x80, $0x38;
	[tilespmem:$0x1CF78] =	vst v63  }
0x76: {  	_ =	swait.ge [sflag:s26], $0x80  }
0x77: {  	[sflag:s26] =	ssyncset.done $0x0  }
0x78: {  	s15 =	rddreg [dreg:$0x10];
	[sflag:s26] =	ssyncadd.s32 $0xFFFFFF80  }
0x79: {  	[spmem:s15] =	stream.linear.scatter [tilespmem:s14], [sflag:$0x6], $0x80, $0x38;
	[tilespmem:$0x1CF78] =	vst v63  }
0x7a: {  	_ =	swait.ge [sflag:s26], $0x80  }
0x7b: {  	[sflag:s26] =	ssyncset.done $0x0  }
0x7c: {  	s0 =	rddreg [dreg:$0x11];
	[sflag:s26] =	ssyncadd.s32 $0xFFFFFF80  }
0x7d: {  	[spmem:s0] =	stream.linear.scatter [tilespmem:s14], [sflag:$0x6], $0x80, $0x38;
	[tilespmem:$0x1CF78] =	vst v63  }
0x7e: {  	_ =	swait.ge [sflag:s26], $0x80  }
0x7f: {  	[sflag:s26] =	ssyncset.done $0x0  }
0x80: {  	s6 =	rddreg [dreg:$0x12];
	[sflag:s26] =	ssyncadd.s32 $0xFFFFFF80  }
0x81: {  	[spmem:s6] =	stream.linear.scatter [tilespmem:s14], [sflag:$0x6], $0x80, $0x38;
	[tilespmem:$0x1CF78] =	vst v63  }
0x82: {  	_ =	swait.ge [sflag:s26], $0x80  }
0x83: {  	[sflag:s26] =	ssyncset.done $0x0  }
0x84: {  	s15 =	rddreg [dreg:$0x13];
	[sflag:s26] =	ssyncadd.s32 $0xFFFFFF80  }
0x85: {  	[spmem:s15] =	stream.linear.scatter [tilespmem:s14], [sflag:$0x6], $0x78, $0x38;
	[tilespmem:$0x1CF78] =	vst v63  }
.Ltmp3:
0x86: {  	_ =	swait.ge [sflag:s26], $0x78;
	(pc) =	sbr.rel @!p0 .LBB2_4-.Ltmp3, $4  }
0x87: {  	[sflag:s26] =	ssyncset.done $0x0  }
0x88: {  	[sflag:s26] =	ssyncadd.s32 $0xFFFFFF88  }
0x89: {  	p2 =	por $0x1, $0x1;
	s0 =	simm.s32 $0xD00;
	[bflag:$0x0] =	sbarrier.arrive $0xFFFF  }
0x8a: {  	s6 =	simm.s32 $0xB00;
	s14 =	simm.s32 $0x0;
	s15 =	rddreg [dreg:$0x14]  }
.LBB2_7:
0x8b: {  	s11 =	sor.u32 s15, s14;
	s14 =	rddreg [dreg:$0x8]  }
0x8c: {  	s14 =	sadd.s32 s14, s11  }
0x8d: {  	[tilespmem:s5], [sflag:$0x6] =	stream.linear.gather [hbm4b:s14+s5], $0x800, $0x38;
	[tilespmem:$0x1CF78] =	vst v63  }
0x8e: {  	_ =	swait.ge [sflag:s26], $0x800  }
0x8f: {  	[sflag:s26] =	ssyncset.done $0x0;
	s14 =	rddreg [dreg:$0x9]  }
0x90: {  	[sflag:s26] =	ssyncadd.s32 $0xFFFFF800;
	s11 =	sadd.s32 s14, s11  }
0x91: {  	[tilespmem:s29], [sflag:$0x6] =	stream.linear.gather [hbm4b:s11+s5], $0x800, $0x38;
	[tilespmem:$0x1CF78] =	vst v63  }
0x92: {  	_ =	swait.ge [sflag:s26], $0x800  }
0x93: {  	[sflag:s26] =	ssyncset.done $0x0  }
0x94: {  	[sflag:s26] =	ssyncadd.s32 $0xFFFFF800  }
0x95: {  	[tilespmem:s23], [sflag:$0x1] =	stream.indirect.gather [hbm4b:s1+s30], $0x80, s5, s30, $0xb8;
	[tilespmem:$0x1CF78] =	vst v63  }
0x96: {  	_ = 	snop  }
0x97: {  	[tilespmem:s31], [sflag:$0x2] =	stream.indirect.gather [hbm4b:s1+s30], $0x80, s30, s30, $0xb8;
	[tilespmem:$0x1CF78] =	vst v63  }
0x98: {  	_ =	swait.ge [sflag:s2], $0x4000  }
0x99: {  	[sflag:s2] =	ssyncset.done $0x0  }
0x9a: {  	[sflag:s2] =	ssyncadd.s32 $0xFFFFC000  }
0x9b: {  	[spmem:s3] =	stream.indirect.scatter.add.f32 [tilespmem:s23], [sflag:$0x3], $0x80, s29, s30, $0xb8;
	[tilespmem:$0x1CF78] =	vst v63  }
0x9c: {  	_ = 	snop  }
0x9d: {  	[spmem:s4] =	stream.indirect.scatter.add.f32 [tilespmem:s8], [sflag:$0x5], $0x1, s29, s30, $0xb8;
	[tilespmem:$0x1CF78] =	vst v63  }
0x9e: {  	_ =	swait.ge [sflag:s9], $0x4000  }
0x9f: {  	[sflag:s9] =	ssyncset.done $0x0  }
0xa0: {  	s14 =	simm.s32 $0x100;
	[sflag:s9] =	ssyncadd.s32 $0xFFFFC000  }
0xa1: {  	[tilespmem:s23], [sflag:$0x1] =	stream.indirect.gather [hbm4b:s1+s30], $0x80, s14, s30, $0xb8;
	[tilespmem:$0x1CF78] =	vst v63  }
0xa2: {  	_ =	swait.ge [sflag:s10], $0x4000  }
0xa3: {  	[sflag:s10] =	ssyncset.done $0x0  }
0xa4: {  	s11 =	simm.s32 $0x880;
	[sflag:s10] =	ssyncadd.s32 $0xFFFFC000  }
0xa5: {  	[spmem:s3] =	stream.indirect.scatter.add.f32 [tilespmem:s31], [sflag:$0x4], $0x80, s11, s30, $0xb8;
	[tilespmem:$0x1CF78] =	vst v63  }
0xa6: {  	_ = 	snop  }
0xa7: {  	[spmem:s4] =	stream.indirect.scatter.add.f32 [tilespmem:s8], [sflag:$0x5], $0x1, s11, s30, $0xb8;
	[tilespmem:$0x1CF78] =	vst v63  }
0xa8: {  	_ =	swait.ge [sflag:s12], $0x4000  }
0xa9: {  	[sflag:s12] =	ssyncset.done $0x0  }
0xaa: {  	s11 =	simm.s32 $0x180;
	[sflag:s12] =	ssyncadd.s32 $0xFFFFC000  }
0xab: {  	[tilespmem:s31], [sflag:$0x2] =	stream.indirect.gather [hbm4b:s1+s30], $0x80, s11, s30, $0xb8;
	[tilespmem:$0x1CF78] =	vst v63  }
0xac: {  	_ =	swait.ge [sflag:s2], $0x4000  }
0xad: {  	[sflag:s2] =	ssyncset.done $0x0  }
0xae: {  	s11 =	simm.s32 $0x900;
	[sflag:s2] =	ssyncadd.s32 $0xFFFFC000  }
0xaf: {  	[spmem:s3] =	stream.indirect.scatter.add.f32 [tilespmem:s23], [sflag:$0x3], $0x80, s11, s30, $0xb8;
	[tilespmem:$0x1CF78] =	vst v63  }
0xb0: {  	_ = 	snop  }
0xb1: {  	[spmem:s4] =	stream.indirect.scatter.add.f32 [tilespmem:s8], [sflag:$0x5], $0x1, s11, s30, $0xb8;
	[tilespmem:$0x1CF78] =	vst v63  }
0xb2: {  	_ =	swait.ge [sflag:s9], $0x4000  }
0xb3: {  	[sflag:s9] =	ssyncset.done $0x0  }
0xb4: {  	s11 =	simm.s32 $0x200;
	[sflag:s9] =	ssyncadd.s32 $0xFFFFC000  }
0xb5: {  	[tilespmem:s23], [sflag:$0x1] =	stream.indirect.gather [hbm4b:s1+s30], $0x80, s11, s30, $0xb8;
	[tilespmem:$0x1CF78] =	vst v63  }
0xb6: {  	_ =	swait.ge [sflag:s10], $0x4000  }
0xb7: {  	[sflag:s10] =	ssyncset.done $0x0  }
0xb8: {  	[sflag:s10] =	ssyncadd.s32 $0xFFFFC000  }
0xb9: {  	[spmem:s3] =	stream.indirect.scatter.add.f32 [tilespmem:s31], [sflag:$0x4], $0x80, s22, s30, $0xb8;
	[tilespmem:$0x1CF78] =	vst v63  }
0xba: {  	_ = 	snop  }
0xbb: {  	[spmem:s4] =	stream.indirect.scatter.add.f32 [tilespmem:s8], [sflag:$0x5], $0x1, s22, s30, $0xb8;
	[tilespmem:$0x1CF78] =	vst v63  }
0xbc: {  	_ =	swait.ge [sflag:s12], $0x4000  }
0xbd: {  	[sflag:s12] =	ssyncset.done $0x0  }
0xbe: {  	s11 =	simm.s32 $0x280;
	[sflag:s12] =	ssyncadd.s32 $0xFFFFC000  }
0xbf: {  	[tilespmem:s31], [sflag:$0x2] =	stream.indirect.gather [hbm4b:s1+s30], $0x80, s11, s30, $0xb8;
	[tilespmem:$0x1CF78] =	vst v63  }
0xc0: {  	_ =	swait.ge [sflag:s2], $0x4000  }
0xc1: {  	[sflag:s2] =	ssyncset.done $0x0  }
0xc2: {  	[sflag:s2] =	ssyncadd.s32 $0xFFFFC000  }
0xc3: {  	[spmem:s3] =	stream.indirect.scatter.add.f32 [tilespmem:s23], [sflag:$0x3], $0x80, s25, s30, $0xb8;
	[tilespmem:$0x1CF78] =	vst v63  }
0xc4: {  	_ = 	snop  }
0xc5: {  	[spmem:s4] =	stream.indirect.scatter.add.f32 [tilespmem:s8], [sflag:$0x5], $0x1, s25, s30, $0xb8;
	[tilespmem:$0x1CF78] =	vst v63  }
0xc6: {  	_ =	swait.ge [sflag:s9], $0x4000  }
0xc7: {  	[sflag:s9] =	ssyncset.done $0x0  }
0xc8: {  	s11 =	simm.s32 $0x300;
	[sflag:s9] =	ssyncadd.s32 $0xFFFFC000  }
0xc9: {  	[tilespmem:s23], [sflag:$0x1] =	stream.indirect.gather [hbm4b:s1+s30], $0x80, s11, s30, $0xb8;
	[tilespmem:$0x1CF78] =	vst v63  }
0xca: {  	_ =	swait.ge [sflag:s10], $0x4000  }
0xcb: {  	[sflag:s10] =	ssyncset.done $0x0  }
0xcc: {  	[sflag:s10] =	ssyncadd.s32 $0xFFFFC000  }
0xcd: {  	[spmem:s3] =	stream.indirect.scatter.add.f32 [tilespmem:s31], [sflag:$0x4], $0x80, s13, s30, $0xb8;
	[tilespmem:$0x1CF78] =	vst v63  }
0xce: {  	_ = 	snop  }
0xcf: {  	[spmem:s4] =	stream.indirect.scatter.add.f32 [tilespmem:s8], [sflag:$0x5], $0x1, s13, s30, $0xb8;
	[tilespmem:$0x1CF78] =	vst v63  }
0xd0: {  	_ =	swait.ge [sflag:s12], $0x4000  }
0xd1: {  	[sflag:s12] =	ssyncset.done $0x0  }
0xd2: {  	s11 =	simm.s32 $0x380;
	[sflag:s12] =	ssyncadd.s32 $0xFFFFC000  }
0xd3: {  	[tilespmem:s31], [sflag:$0x2] =	stream.indirect.gather [hbm4b:s1+s30], $0x80, s11, s30, $0xb8;
	[tilespmem:$0x1CF78] =	vst v63  }
0xd4: {  	_ =	swait.ge [sflag:s2], $0x4000  }
0xd5: {  	[sflag:s2] =	ssyncset.done $0x0  }
0xd6: {  	[sflag:s2] =	ssyncadd.s32 $0xFFFFC000  }
0xd7: {  	[spmem:s3] =	stream.indirect.scatter.add.f32 [tilespmem:s23], [sflag:$0x3], $0x80, s6, s30, $0xb8;
	[tilespmem:$0x1CF78] =	vst v63  }
0xd8: {  	_ = 	snop  }
0xd9: {  	[spmem:s4] =	stream.indirect.scatter.add.f32 [tilespmem:s8], [sflag:$0x5], $0x1, s6, s30, $0xb8;
	[tilespmem:$0x1CF78] =	vst v63  }
0xda: {  	_ =	swait.ge [sflag:s9], $0x4000  }
0xdb: {  	[sflag:s9] =	ssyncset.done $0x0  }
0xdc: {  	s11 =	simm.s32 $0x400;
	[sflag:s9] =	ssyncadd.s32 $0xFFFFC000  }
0xdd: {  	[tilespmem:s23], [sflag:$0x1] =	stream.indirect.gather [hbm4b:s1+s30], $0x80, s11, s30, $0xb8;
	[tilespmem:$0x1CF78] =	vst v63  }
0xde: {  	_ =	swait.ge [sflag:s10], $0x4000  }
0xdf: {  	[sflag:s10] =	ssyncset.done $0x0  }
0xe0: {  	[sflag:s10] =	ssyncadd.s32 $0xFFFFC000  }
0xe1: {  	[spmem:s3] =	stream.indirect.scatter.add.f32 [tilespmem:s31], [sflag:$0x4], $0x80, s18, s30, $0xb8;
	[tilespmem:$0x1CF78] =	vst v63  }
0xe2: {  	_ = 	snop  }
0xe3: {  	[spmem:s4] =	stream.indirect.scatter.add.f32 [tilespmem:s8], [sflag:$0x5], $0x1, s18, s30, $0xb8;
	[tilespmem:$0x1CF78] =	vst v63  }
0xe4: {  	_ =	swait.ge [sflag:s12], $0x4000  }
0xe5: {  	[sflag:s12] =	ssyncset.done $0x0  }
0xe6: {  	s11 =	simm.s32 $0x480;
	[sflag:s12] =	ssyncadd.s32 $0xFFFFC000  }
0xe7: {  	[tilespmem:s31], [sflag:$0x2] =	stream.indirect.gather [hbm4b:s1+s30], $0x80, s11, s30, $0xb8;
	[tilespmem:$0x1CF78] =	vst v63  }
0xe8: {  	_ =	swait.ge [sflag:s2], $0x4000  }
0xe9: {  	[sflag:s2] =	ssyncset.done $0x0  }
0xea: {  	[sflag:s2] =	ssyncadd.s32 $0xFFFFC000  }
0xeb: {  	[spmem:s3] =	stream.indirect.scatter.add.f32 [tilespmem:s23], [sflag:$0x3], $0x80, s16, s30, $0xb8;
	[tilespmem:$0x1CF78] =	vst v63  }
0xec: {  	_ = 	snop  }
0xed: {  	[spmem:s4] =	stream.indirect.scatter.add.f32 [tilespmem:s8], [sflag:$0x5], $0x1, s16, s30, $0xb8;
	[tilespmem:$0x1CF78] =	vst v63  }
0xee: {  	_ =	swait.ge [sflag:s9], $0x4000  }
0xef: {  	[sflag:s9] =	ssyncset.done $0x0  }
0xf0: {  	s11 =	simm.s32 $0x500;
	[sflag:s9] =	ssyncadd.s32 $0xFFFFC000  }
0xf1: {  	[tilespmem:s23], [sflag:$0x1] =	stream.indirect.gather [hbm4b:s1+s30], $0x80, s11, s30, $0xb8;
	[tilespmem:$0x1CF78] =	vst v63  }
0xf2: {  	_ =	swait.ge [sflag:s10], $0x4000  }
0xf3: {  	[sflag:s10] =	ssyncset.done $0x0  }
0xf4: {  	[sflag:s10] =	ssyncadd.s32 $0xFFFFC000  }
0xf5: {  	[spmem:s3] =	stream.indirect.scatter.add.f32 [tilespmem:s31], [sflag:$0x4], $0x80, s21, s30, $0xb8;
	[tilespmem:$0x1CF78] =	vst v63  }
0xf6: {  	_ = 	snop  }
0xf7: {  	[spmem:s4] =	stream.indirect.scatter.add.f32 [tilespmem:s8], [sflag:$0x5], $0x1, s21, s30, $0xb8;
	[tilespmem:$0x1CF78] =	vst v63  }
0xf8: {  	_ =	swait.ge [sflag:s12], $0x4000  }
0xf9: {  	[sflag:s12] =	ssyncset.done $0x0  }
0xfa: {  	s11 =	simm.s32 $0x580;
	[sflag:s12] =	ssyncadd.s32 $0xFFFFC000  }
0xfb: {  	[tilespmem:s31], [sflag:$0x2] =	stream.indirect.gather [hbm4b:s1+s30], $0x80, s11, s30, $0xb8;
	[tilespmem:$0x1CF78] =	vst v63  }
0xfc: {  	_ =	swait.ge [sflag:s2], $0x4000  }
0xfd: {  	[sflag:s2] =	ssyncset.done $0x0  }
0xfe: {  	[sflag:s2] =	ssyncadd.s32 $0xFFFFC000  }
0xff: {  	[spmem:s3] =	stream.indirect.scatter.add.f32 [tilespmem:s23], [sflag:$0x3], $0x80, s0, s30, $0xb8;
	[tilespmem:$0x1CF78] =	vst v63  }
0x100: {  	_ = 	snop  }
0x101: {  	[spmem:s4] =	stream.indirect.scatter.add.f32 [tilespmem:s8], [sflag:$0x5], $0x1, s0, s30, $0xb8;
	[tilespmem:$0x1CF78] =	vst v63  }
0x102: {  	_ =	swait.ge [sflag:s9], $0x4000  }
0x103: {  	[sflag:s9] =	ssyncset.done $0x0  }
0x104: {  	s11 =	simm.s32 $0x600;
	[sflag:s9] =	ssyncadd.s32 $0xFFFFC000  }
0x105: {  	[tilespmem:s23], [sflag:$0x1] =	stream.indirect.gather [hbm4b:s1+s30], $0x80, s11, s30, $0xb8;
	[tilespmem:$0x1CF78] =	vst v63  }
0x106: {  	_ =	swait.ge [sflag:s10], $0x4000  }
0x107: {  	[sflag:s10] =	ssyncset.done $0x0  }
0x108: {  	[sflag:s10] =	ssyncadd.s32 $0xFFFFC000  }
0x109: {  	[spmem:s3] =	stream.indirect.scatter.add.f32 [tilespmem:s31], [sflag:$0x4], $0x80, s7, s30, $0xb8;
	[tilespmem:$0x1CF78] =	vst v63  }
0x10a: {  	_ = 	snop  }
0x10b: {  	[spmem:s4] =	stream.indirect.scatter.add.f32 [tilespmem:s8], [sflag:$0x5], $0x1, s7, s30, $0xb8;
	[tilespmem:$0x1CF78] =	vst v63  }
0x10c: {  	_ =	swait.ge [sflag:s12], $0x4000  }
0x10d: {  	[sflag:s12] =	ssyncset.done $0x0  }
0x10e: {  	s11 =	simm.s32 $0x680;
	[sflag:s12] =	ssyncadd.s32 $0xFFFFC000  }
0x10f: {  	[tilespmem:s31], [sflag:$0x2] =	stream.indirect.gather [hbm4b:s1+s30], $0x80, s11, s30, $0xb8;
	[tilespmem:$0x1CF78] =	vst v63  }
0x110: {  	_ =	swait.ge [sflag:s2], $0x4000  }
0x111: {  	[sflag:s2] =	ssyncset.done $0x0  }
0x112: {  	[sflag:s2] =	ssyncadd.s32 $0xFFFFC000  }
0x113: {  	[spmem:s3] =	stream.indirect.scatter.add.f32 [tilespmem:s23], [sflag:$0x3], $0x80, s19, s30, $0xb8;
	[tilespmem:$0x1CF78] =	vst v63  }
0x114: {  	_ = 	snop  }
0x115: {  	[spmem:s4] =	stream.indirect.scatter.add.f32 [tilespmem:s8], [sflag:$0x5], $0x1, s19, s30, $0xb8;
	[tilespmem:$0x1CF78] =	vst v63  }
0x116: {  	_ =	swait.ge [sflag:s9], $0x4000  }
0x117: {  	[sflag:s9] =	ssyncset.done $0x0  }
0x118: {  	s11 =	simm.s32 $0x700;
	[sflag:s9] =	ssyncadd.s32 $0xFFFFC000  }
0x119: {  	[tilespmem:s23], [sflag:$0x1] =	stream.indirect.gather [hbm4b:s1+s30], $0x80, s11, s30, $0xb8;
	[tilespmem:$0x1CF78] =	vst v63  }
0x11a: {  	_ =	swait.ge [sflag:s10], $0x4000  }
0x11b: {  	[sflag:s10] =	ssyncset.done $0x0  }
0x11c: {  	[sflag:s10] =	ssyncadd.s32 $0xFFFFC000  }
0x11d: {  	[spmem:s3] =	stream.indirect.scatter.add.f32 [tilespmem:s31], [sflag:$0x4], $0x80, s24, s30, $0xb8;
	[tilespmem:$0x1CF78] =	vst v63  }
0x11e: {  	_ = 	snop  }
0x11f: {  	[spmem:s4] =	stream.indirect.scatter.add.f32 [tilespmem:s8], [sflag:$0x5], $0x1, s24, s30, $0xb8;
	[tilespmem:$0x1CF78] =	vst v63  }
0x120: {  	_ =	swait.ge [sflag:s12], $0x4000  }
0x121: {  	[sflag:s12] =	ssyncset.done $0x0  }
0x122: {  	s11 =	simm.s32 $0x780;
	[sflag:s12] =	ssyncadd.s32 $0xFFFFC000  }
0x123: {  	[tilespmem:s31], [sflag:$0x2] =	stream.indirect.gather [hbm4b:s1+s30], $0x80, s11, s30, $0xb8;
	[tilespmem:$0x1CF78] =	vst v63  }
0x124: {  	_ =	swait.ge [sflag:s2], $0x4000  }
0x125: {  	[sflag:s2] =	ssyncset.done $0x0  }
0x126: {  	[sflag:s2] =	ssyncadd.s32 $0xFFFFC000  }
0x127: {  	[spmem:s3] =	stream.indirect.scatter.add.f32 [tilespmem:s23], [sflag:$0x3], $0x80, s17, s30, $0xb8;
	[tilespmem:$0x1CF78] =	vst v63  }
0x128: {  	_ = 	snop  }
0x129: {  	[spmem:s4] =	stream.indirect.scatter.add.f32 [tilespmem:s8], [sflag:$0x5], $0x1, s17, s30, $0xb8;
	[tilespmem:$0x1CF78] =	vst v63  }
0x12a: {  	_ =	swait.ge [sflag:s10], $0x4000  }
0x12b: {  	[sflag:s10] =	ssyncset.done $0x0  }
0x12c: {  	[sflag:s10] =	ssyncadd.s32 $0xFFFFC000  }
0x12d: {  	[spmem:s3] =	stream.indirect.scatter.add.f32 [tilespmem:s31], [sflag:$0x4], $0x80, s20, s30, $0xb8;
	[tilespmem:$0x1CF78] =	vst v63  }
0x12e: {  	_ = 	snop  }
0x12f: {  	[spmem:s4] =	stream.indirect.scatter.add.f32 [tilespmem:s8], [sflag:$0x5], $0x1, s20, s30, $0xb8;
	[tilespmem:$0x1CF78] =	vst v63  }
0x130: {  	_ =	swait.ge [sflag:s9], $0x4000  }
0x131: {  	[sflag:s9] =	ssyncset.done $0x0  }
0x132: {  	[sflag:s9] =	ssyncadd.s32 $0xFFFFC000  }
0x133: {  	_ =	swait.ge [sflag:s12], $0x4000  }
0x134: {  	[sflag:s12] =	ssyncset.done $0x0  }
0x135: {  	[sflag:s12] =	ssyncadd.s32 $0xFFFFC000  }
0x136: {  	_ =	swait.ge [sflag:s28], $0x80  }
0x137: {  	[sflag:s28] =	ssyncset.done $0x0  }
0x138: {  	[sflag:s28] =	ssyncadd.s32 $0xFFFFFF80  }
0x139: {  	_ =	swait.ge [sflag:s28], $0x80  }
0x13a: {  	[sflag:s28] =	ssyncset.done $0x0  }
0x13b: {  	[sflag:s28] =	ssyncadd.s32 $0xFFFFFF80  }
0x13c: {  	_ =	swait.ge [sflag:s28], $0x80  }
0x13d: {  	[sflag:s28] =	ssyncset.done $0x0  }
0x13e: {  	[sflag:s28] =	ssyncadd.s32 $0xFFFFFF80  }
0x13f: {  	_ =	swait.ge [sflag:s28], $0x80  }
0x140: {  	[sflag:s28] =	ssyncset.done $0x0  }
0x141: {  	[sflag:s28] =	ssyncadd.s32 $0xFFFFFF80  }
0x142: {  	_ =	swait.ge [sflag:s28], $0x80  }
0x143: {  	[sflag:s28] =	ssyncset.done $0x0  }
0x144: {  	[sflag:s28] =	ssyncadd.s32 $0xFFFFFF80  }
0x145: {  	_ =	swait.ge [sflag:s28], $0x80  }
0x146: {  	[sflag:s28] =	ssyncset.done $0x0  }
0x147: {  	[sflag:s28] =	ssyncadd.s32 $0xFFFFFF80  }
0x148: {  	_ =	swait.ge [sflag:s28], $0x80  }
0x149: {  	[sflag:s28] =	ssyncset.done $0x0  }
0x14a: {  	[sflag:s28] =	ssyncadd.s32 $0xFFFFFF80  }
0x14b: {  	_ =	swait.ge [sflag:s28], $0x80  }
0x14c: {  	[sflag:s28] =	ssyncset.done $0x0  }
0x14d: {  	[sflag:s28] =	ssyncadd.s32 $0xFFFFFF80  }
0x14e: {  	_ =	swait.ge [sflag:s28], $0x80  }
0x14f: {  	[sflag:s28] =	ssyncset.done $0x0  }
0x150: {  	[sflag:s28] =	ssyncadd.s32 $0xFFFFFF80  }
0x151: {  	_ =	swait.ge [sflag:s28], $0x80  }
0x152: {  	[sflag:s28] =	ssyncset.done $0x0  }
0x153: {  	[sflag:s28] =	ssyncadd.s32 $0xFFFFFF80  }
0x154: {  	_ =	swait.ge [sflag:s28], $0x80  }
0x155: {  	[sflag:s28] =	ssyncset.done $0x0  }
0x156: {  	[sflag:s28] =	ssyncadd.s32 $0xFFFFFF80  }
0x157: {  	_ =	swait.ge [sflag:s28], $0x80  }
0x158: {  	[sflag:s28] =	ssyncset.done $0x0  }
0x159: {  	[sflag:s28] =	ssyncadd.s32 $0xFFFFFF80  }
0x15a: {  	_ =	swait.ge [sflag:s28], $0x80  }
0x15b: {  	[sflag:s28] =	ssyncset.done $0x0  }
0x15c: {  	[sflag:s28] =	ssyncadd.s32 $0xFFFFFF80  }
0x15d: {  	_ =	swait.ge [sflag:s28], $0x80  }
0x15e: {  	[sflag:s28] =	ssyncset.done $0x0  }
0x15f: {  	[sflag:s28] =	ssyncadd.s32 $0xFFFFFF80  }
0x160: {  	p3 =	por p2, p2;
	_ =	swait.ge [sflag:s28], $0x80  }
.Ltmp4:
0x161: {  	[sflag:s28] =	ssyncset.done $0x0;
	(pc) =	sbr.rel @p3 .LBB2_7-.Ltmp4, $4  }
0x162: {  	[sflag:s28] =	ssyncadd.s32 $0xFFFFFF80  }
0x163: {  	_ =	swait.ge [sflag:s28], $0x80  }
0x164: {  	[sflag:s28] =	ssyncset.done $0x0  }
0x165: {  	p2 =	por $0x0, $0x0;
	[sflag:s28] =	ssyncadd.s32 $0xFFFFFF80  }
.Ltmp5:
0x166: {  	_ = 	snop;
	(pc) =	sbr.rel .LBB2_8-.Ltmp5, $1  }
0x167: {  	_ =	sdelay $0x3  }
.LBB2_4:
0x168: {  	s11 =	rddreg [dreg:$0x6]  }
0x169: {  	s11 =	sadd.s32 $0x0, s11  }
0x16a: {  	[tilespmem:s5], [sflag:$0x6] =	stream.linear.gather [hbm4b:s11+s5], $0x800, $0x38;
	[tilespmem:$0x1CF78] =	vst v63  }
0x16b: {  	_ =	swait.ge [sflag:s26], $0x800  }
0x16c: {  	s15 =	rddreg [dreg:$0x5];
	[sflag:s26] =	ssyncset.done $0x0  }
0x16d: {  	[sflag:s26] =	ssyncadd.s32 $0xFFFFF800;
	s11 =	sadd.s32 $0x0, s15  }
0x16e: {  	[tilespmem:s29], [sflag:$0x6] =	stream.linear.gather [hbm4b:s11+s5], $0x800, $0x38;
	[tilespmem:$0x1CF78] =	vst v63  }
0x16f: {  	_ =	swait.ge [sflag:s26], $0x800  }
0x170: {  	[sflag:s26] =	ssyncset.done $0x0  }
0x171: {  	[sflag:s26] =	ssyncadd.s32 $0xFFFFF800  }
0x172: {  	[tilespmem:s23], [sflag:$0x1] =	stream.indirect.gather [hbm4b:s1+s30], $0x80, s5, s30, $0xb8;
	[tilespmem:$0x1CF78] =	vst v63  }
0x173: {  	_ = 	snop  }
0x174: {  	[tilespmem:s31], [sflag:$0x2] =	stream.indirect.gather [hbm4b:s1+s30], $0x80, s30, s30, $0xb8;
	[tilespmem:$0x1CF78] =	vst v63  }
0x175: {  	_ =	swait.ge [sflag:s2], $0x4000  }
0x176: {  	[sflag:s2] =	ssyncset.done $0x0  }
0x177: {  	[sflag:s2] =	ssyncadd.s32 $0xFFFFC000  }
0x178: {  	[spmem:s3] =	stream.indirect.scatter.add.f32 [tilespmem:s23], [sflag:$0x3], $0x80, s29, s30, $0xb8;
	[tilespmem:$0x1CF78] =	vst v63  }
0x179: {  	_ = 	snop  }
0x17a: {  	[spmem:s4] =	stream.indirect.scatter.add.f32 [tilespmem:s8], [sflag:$0x5], $0x1, s29, s30, $0xb8;
	[tilespmem:$0x1CF78] =	vst v63  }
0x17b: {  	_ =	swait.ge [sflag:s9], $0x4000  }
0x17c: {  	[sflag:s9] =	ssyncset.done $0x0  }
0x17d: {  	s14 =	rddreg [dreg:$0x7];
	[sflag:s9] =	ssyncadd.s32 $0xFFFFC000  }
0x17e: {  	[tilespmem:s23], [sflag:$0x1] =	stream.indirect.gather [hbm4b:s1+s30], $0x80, s14, s30, $0xb8;
	[tilespmem:$0x1CF78] =	vst v63  }
0x17f: {  	_ =	swait.ge [sflag:s10], $0x4000  }
0x180: {  	[sflag:s10] =	ssyncset.done $0x0  }
0x181: {  	s15 =	simm.s32 $0x880;
	[sflag:s10] =	ssyncadd.s32 $0xFFFFC000  }
0x182: {  	[spmem:s3] =	stream.indirect.scatter.add.f32 [tilespmem:s31], [sflag:$0x4], $0x80, s15, s30, $0xb8;
	[tilespmem:$0x1CF78] =	vst v63  }
0x183: {  	_ = 	snop  }
0x184: {  	[spmem:s4] =	stream.indirect.scatter.add.f32 [tilespmem:s8], [sflag:$0x5], $0x1, s15, s30, $0xb8;
	[tilespmem:$0x1CF78] =	vst v63  }
0x185: {  	_ =	swait.ge [sflag:s12], $0x4000  }
0x186: {  	[sflag:s12] =	ssyncset.done $0x0  }
0x187: {  	s14 =	simm.s32 $0x180;
	[sflag:s12] =	ssyncadd.s32 $0xFFFFC000  }
0x188: {  	[tilespmem:s31], [sflag:$0x2] =	stream.indirect.gather [hbm4b:s1+s30], $0x80, s14, s30, $0xb8;
	[tilespmem:$0x1CF78] =	vst v63  }
0x189: {  	_ =	swait.ge [sflag:s2], $0x4000  }
0x18a: {  	[sflag:s2] =	ssyncset.done $0x0  }
0x18b: {  	s15 =	simm.s32 $0x900;
	[sflag:s2] =	ssyncadd.s32 $0xFFFFC000  }
0x18c: {  	[spmem:s3] =	stream.indirect.scatter.add.f32 [tilespmem:s23], [sflag:$0x3], $0x80, s15, s30, $0xb8;
	[tilespmem:$0x1CF78] =	vst v63  }
0x18d: {  	_ = 	snop  }
0x18e: {  	[spmem:s4] =	stream.indirect.scatter.add.f32 [tilespmem:s8], [sflag:$0x5], $0x1, s15, s30, $0xb8;
	[tilespmem:$0x1CF78] =	vst v63  }
0x18f: {  	_ =	swait.ge [sflag:s9], $0x4000  }
0x190: {  	[sflag:s9] =	ssyncset.done $0x0  }
0x191: {  	s14 =	simm.s32 $0x200;
	[sflag:s9] =	ssyncadd.s32 $0xFFFFC000  }
0x192: {  	[tilespmem:s23], [sflag:$0x1] =	stream.indirect.gather [hbm4b:s1+s30], $0x80, s14, s30, $0xb8;
	[tilespmem:$0x1CF78] =	vst v63  }
0x193: {  	_ =	swait.ge [sflag:s10], $0x4000  }
0x194: {  	[sflag:s10] =	ssyncset.done $0x0  }
0x195: {  	[sflag:s10] =	ssyncadd.s32 $0xFFFFC000  }
0x196: {  	[spmem:s3] =	stream.indirect.scatter.add.f32 [tilespmem:s31], [sflag:$0x4], $0x80, s22, s30, $0xb8;
	[tilespmem:$0x1CF78] =	vst v63  }
0x197: {  	_ = 	snop  }
0x198: {  	[spmem:s4] =	stream.indirect.scatter.add.f32 [tilespmem:s8], [sflag:$0x5], $0x1, s22, s30, $0xb8;
	[tilespmem:$0x1CF78] =	vst v63  }
0x199: {  	_ =	swait.ge [sflag:s12], $0x4000  }
0x19a: {  	[sflag:s12] =	ssyncset.done $0x0  }
0x19b: {  	s15 =	simm.s32 $0x280;
	[sflag:s12] =	ssyncadd.s32 $0xFFFFC000  }
0x19c: {  	[tilespmem:s31], [sflag:$0x2] =	stream.indirect.gather [hbm4b:s1+s30], $0x80, s15, s30, $0xb8;
	[tilespmem:$0x1CF78] =	vst v63  }
0x19d: {  	_ =	swait.ge [sflag:s2], $0x4000  }
0x19e: {  	[sflag:s2] =	ssyncset.done $0x0  }
0x19f: {  	[sflag:s2] =	ssyncadd.s32 $0xFFFFC000  }
0x1a0: {  	[spmem:s3] =	stream.indirect.scatter.add.f32 [tilespmem:s23], [sflag:$0x3], $0x80, s25, s30, $0xb8;
	[tilespmem:$0x1CF78] =	vst v63  }
0x1a1: {  	_ = 	snop  }
0x1a2: {  	[spmem:s4] =	stream.indirect.scatter.add.f32 [tilespmem:s8], [sflag:$0x5], $0x1, s25, s30, $0xb8;
	[tilespmem:$0x1CF78] =	vst v63  }
0x1a3: {  	_ =	swait.ge [sflag:s9], $0x4000  }
0x1a4: {  	[sflag:s9] =	ssyncset.done $0x0  }
0x1a5: {  	s14 =	simm.s32 $0x300;
	[sflag:s9] =	ssyncadd.s32 $0xFFFFC000  }
0x1a6: {  	[tilespmem:s23], [sflag:$0x1] =	stream.indirect.gather [hbm4b:s1+s30], $0x80, s14, s30, $0xb8;
	[tilespmem:$0x1CF78] =	vst v63  }
0x1a7: {  	_ =	swait.ge [sflag:s10], $0x4000  }
0x1a8: {  	[sflag:s10] =	ssyncset.done $0x0  }
0x1a9: {  	[sflag:s10] =	ssyncadd.s32 $0xFFFFC000  }
0x1aa: {  	[spmem:s3] =	stream.indirect.scatter.add.f32 [tilespmem:s31], [sflag:$0x4], $0x80, s13, s30, $0xb8;
	[tilespmem:$0x1CF78] =	vst v63  }
0x1ab: {  	_ = 	snop  }
0x1ac: {  	[spmem:s4] =	stream.indirect.scatter.add.f32 [tilespmem:s8], [sflag:$0x5], $0x1, s13, s30, $0xb8;
	[tilespmem:$0x1CF78] =	vst v63  }
0x1ad: {  	_ =	swait.ge [sflag:s12], $0x4000  }
0x1ae: {  	[sflag:s12] =	ssyncset.done $0x0  }
0x1af: {  	s15 =	simm.s32 $0x380;
	[sflag:s12] =	ssyncadd.s32 $0xFFFFC000  }
0x1b0: {  	[tilespmem:s31], [sflag:$0x2] =	stream.indirect.gather [hbm4b:s1+s30], $0x80, s15, s30, $0xb8;
	[tilespmem:$0x1CF78] =	vst v63  }
0x1b1: {  	_ =	swait.ge [sflag:s2], $0x4000  }
0x1b2: {  	[sflag:s2] =	ssyncset.done $0x0  }
0x1b3: {  	[sflag:s2] =	ssyncadd.s32 $0xFFFFC000  }
0x1b4: {  	[spmem:s3] =	stream.indirect.scatter.add.f32 [tilespmem:s23], [sflag:$0x3], $0x80, s6, s30, $0xb8;
	[tilespmem:$0x1CF78] =	vst v63  }
0x1b5: {  	_ = 	snop  }
0x1b6: {  	[spmem:s4] =	stream.indirect.scatter.add.f32 [tilespmem:s8], [sflag:$0x5], $0x1, s6, s30, $0xb8;
	[tilespmem:$0x1CF78] =	vst v63  }
0x1b7: {  	_ =	swait.ge [sflag:s9], $0x4000  }
0x1b8: {  	[sflag:s9] =	ssyncset.done $0x0  }
0x1b9: {  	s14 =	simm.s32 $0x400;
	[sflag:s9] =	ssyncadd.s32 $0xFFFFC000  }
0x1ba: {  	[tilespmem:s23], [sflag:$0x1] =	stream.indirect.gather [hbm4b:s1+s30], $0x80, s14, s30, $0xb8;
	[tilespmem:$0x1CF78] =	vst v63  }
0x1bb: {  	_ =	swait.ge [sflag:s10], $0x4000  }
0x1bc: {  	[sflag:s10] =	ssyncset.done $0x0  }
0x1bd: {  	[sflag:s10] =	ssyncadd.s32 $0xFFFFC000  }
0x1be: {  	[spmem:s3] =	stream.indirect.scatter.add.f32 [tilespmem:s31], [sflag:$0x4], $0x80, s18, s30, $0xb8;
	[tilespmem:$0x1CF78] =	vst v63  }
0x1bf: {  	_ = 	snop  }
0x1c0: {  	[spmem:s4] =	stream.indirect.scatter.add.f32 [tilespmem:s8], [sflag:$0x5], $0x1, s18, s30, $0xb8;
	[tilespmem:$0x1CF78] =	vst v63  }
0x1c1: {  	_ =	swait.ge [sflag:s12], $0x4000  }
0x1c2: {  	[sflag:s12] =	ssyncset.done $0x0  }
0x1c3: {  	s15 =	simm.s32 $0x480;
	[sflag:s12] =	ssyncadd.s32 $0xFFFFC000  }
0x1c4: {  	[tilespmem:s31], [sflag:$0x2] =	stream.indirect.gather [hbm4b:s1+s30], $0x80, s15, s30, $0xb8;
	[tilespmem:$0x1CF78] =	vst v63  }
0x1c5: {  	_ =	swait.ge [sflag:s2], $0x4000  }
0x1c6: {  	[sflag:s2] =	ssyncset.done $0x0  }
0x1c7: {  	[sflag:s2] =	ssyncadd.s32 $0xFFFFC000  }
0x1c8: {  	[spmem:s3] =	stream.indirect.scatter.add.f32 [tilespmem:s23], [sflag:$0x3], $0x80, s16, s30, $0xb8;
	[tilespmem:$0x1CF78] =	vst v63  }
0x1c9: {  	_ = 	snop  }
0x1ca: {  	[spmem:s4] =	stream.indirect.scatter.add.f32 [tilespmem:s8], [sflag:$0x5], $0x1, s16, s30, $0xb8;
	[tilespmem:$0x1CF78] =	vst v63  }
0x1cb: {  	_ =	swait.ge [sflag:s9], $0x4000  }
0x1cc: {  	[sflag:s9] =	ssyncset.done $0x0  }
0x1cd: {  	s14 =	simm.s32 $0x500;
	[sflag:s9] =	ssyncadd.s32 $0xFFFFC000  }
0x1ce: {  	[tilespmem:s23], [sflag:$0x1] =	stream.indirect.gather [hbm4b:s1+s30], $0x80, s14, s30, $0xb8;
	[tilespmem:$0x1CF78] =	vst v63  }
0x1cf: {  	_ =	swait.ge [sflag:s10], $0x4000  }
0x1d0: {  	[sflag:s10] =	ssyncset.done $0x0  }
0x1d1: {  	[sflag:s10] =	ssyncadd.s32 $0xFFFFC000  }
0x1d2: {  	[spmem:s3] =	stream.indirect.scatter.add.f32 [tilespmem:s31], [sflag:$0x4], $0x80, s21, s30, $0xb8;
	[tilespmem:$0x1CF78] =	vst v63  }
0x1d3: {  	_ = 	snop  }
0x1d4: {  	[spmem:s4] =	stream.indirect.scatter.add.f32 [tilespmem:s8], [sflag:$0x5], $0x1, s21, s30, $0xb8;
	[tilespmem:$0x1CF78] =	vst v63  }
0x1d5: {  	_ =	swait.ge [sflag:s12], $0x4000  }
0x1d6: {  	[sflag:s12] =	ssyncset.done $0x0  }
0x1d7: {  	s15 =	simm.s32 $0x580;
	[sflag:s12] =	ssyncadd.s32 $0xFFFFC000  }
0x1d8: {  	[tilespmem:s31], [sflag:$0x2] =	stream.indirect.gather [hbm4b:s1+s30], $0x80, s15, s30, $0xb8;
	[tilespmem:$0x1CF78] =	vst v63  }
0x1d9: {  	_ =	swait.ge [sflag:s2], $0x4000  }
0x1da: {  	[sflag:s2] =	ssyncset.done $0x0  }
0x1db: {  	[sflag:s2] =	ssyncadd.s32 $0xFFFFC000  }
0x1dc: {  	[spmem:s3] =	stream.indirect.scatter.add.f32 [tilespmem:s23], [sflag:$0x3], $0x80, s0, s30, $0xb8;
	[tilespmem:$0x1CF78] =	vst v63  }
0x1dd: {  	_ = 	snop  }
0x1de: {  	[spmem:s4] =	stream.indirect.scatter.add.f32 [tilespmem:s8], [sflag:$0x5], $0x1, s0, s30, $0xb8;
	[tilespmem:$0x1CF78] =	vst v63  }
0x1df: {  	_ =	swait.ge [sflag:s9], $0x4000  }
0x1e0: {  	[sflag:s9] =	ssyncset.done $0x0  }
0x1e1: {  	s14 =	simm.s32 $0x600;
	[sflag:s9] =	ssyncadd.s32 $0xFFFFC000  }
0x1e2: {  	[tilespmem:s23], [sflag:$0x1] =	stream.indirect.gather [hbm4b:s1+s30], $0x80, s14, s30, $0xb8;
	[tilespmem:$0x1CF78] =	vst v63  }
0x1e3: {  	_ =	swait.ge [sflag:s10], $0x4000  }
0x1e4: {  	[sflag:s10] =	ssyncset.done $0x0  }
0x1e5: {  	[sflag:s10] =	ssyncadd.s32 $0xFFFFC000  }
0x1e6: {  	[spmem:s3] =	stream.indirect.scatter.add.f32 [tilespmem:s31], [sflag:$0x4], $0x80, s7, s30, $0xb8;
	[tilespmem:$0x1CF78] =	vst v63  }
0x1e7: {  	_ = 	snop  }
0x1e8: {  	[spmem:s4] =	stream.indirect.scatter.add.f32 [tilespmem:s8], [sflag:$0x5], $0x1, s7, s30, $0xb8;
	[tilespmem:$0x1CF78] =	vst v63  }
0x1e9: {  	_ =	swait.ge [sflag:s12], $0x4000  }
0x1ea: {  	[sflag:s12] =	ssyncset.done $0x0  }
0x1eb: {  	s15 =	simm.s32 $0x680;
	[sflag:s12] =	ssyncadd.s32 $0xFFFFC000  }
0x1ec: {  	[tilespmem:s31], [sflag:$0x2] =	stream.indirect.gather [hbm4b:s1+s30], $0x80, s15, s30, $0xb8;
	[tilespmem:$0x1CF78] =	vst v63  }
0x1ed: {  	_ =	swait.ge [sflag:s2], $0x4000  }
0x1ee: {  	[sflag:s2] =	ssyncset.done $0x0  }
0x1ef: {  	[sflag:s2] =	ssyncadd.s32 $0xFFFFC000  }
0x1f0: {  	[spmem:s3] =	stream.indirect.scatter.add.f32 [tilespmem:s23], [sflag:$0x3], $0x80, s19, s30, $0xb8;
	[tilespmem:$0x1CF78] =	vst v63  }
0x1f1: {  	_ = 	snop  }
0x1f2: {  	[spmem:s4] =	stream.indirect.scatter.add.f32 [tilespmem:s8], [sflag:$0x5], $0x1, s19, s30, $0xb8;
	[tilespmem:$0x1CF78] =	vst v63  }
0x1f3: {  	_ =	swait.ge [sflag:s9], $0x4000  }
0x1f4: {  	[sflag:s9] =	ssyncset.done $0x0  }
0x1f5: {  	s14 =	simm.s32 $0x700;
	[sflag:s9] =	ssyncadd.s32 $0xFFFFC000  }
0x1f6: {  	[tilespmem:s23], [sflag:$0x1] =	stream.indirect.gather [hbm4b:s1+s30], $0x80, s14, s30, $0xb8;
	[tilespmem:$0x1CF78] =	vst v63  }
0x1f7: {  	_ =	swait.ge [sflag:s10], $0x4000  }
0x1f8: {  	[sflag:s10] =	ssyncset.done $0x0  }
0x1f9: {  	[sflag:s10] =	ssyncadd.s32 $0xFFFFC000  }
0x1fa: {  	[spmem:s3] =	stream.indirect.scatter.add.f32 [tilespmem:s31], [sflag:$0x4], $0x80, s24, s30, $0xb8;
	[tilespmem:$0x1CF78] =	vst v63  }
0x1fb: {  	_ = 	snop  }
0x1fc: {  	[spmem:s4] =	stream.indirect.scatter.add.f32 [tilespmem:s8], [sflag:$0x5], $0x1, s24, s30, $0xb8;
	[tilespmem:$0x1CF78] =	vst v63  }
0x1fd: {  	_ =	swait.ge [sflag:s12], $0x4000  }
0x1fe: {  	[sflag:s12] =	ssyncset.done $0x0  }
0x1ff: {  	s15 =	simm.s32 $0x780;
	[sflag:s12] =	ssyncadd.s32 $0xFFFFC000  }
0x200: {  	[tilespmem:s31], [sflag:$0x2] =	stream.indirect.gather [hbm4b:s1+s30], $0x80, s15, s30, $0xb8;
	[tilespmem:$0x1CF78] =	vst v63  }
0x201: {  	_ =	swait.ge [sflag:s2], $0x4000  }
0x202: {  	[sflag:s2] =	ssyncset.done $0x0  }
0x203: {  	[sflag:s2] =	ssyncadd.s32 $0xFFFFC000  }
0x204: {  	[spmem:s3] =	stream.indirect.scatter.add.f32 [tilespmem:s23], [sflag:$0x3], $0x80, s17, s30, $0xb8;
	[tilespmem:$0x1CF78] =	vst v63  }
0x205: {  	_ = 	snop  }
0x206: {  	[spmem:s4] =	stream.indirect.scatter.add.f32 [tilespmem:s8], [sflag:$0x5], $0x1, s17, s30, $0xb8;
	[tilespmem:$0x1CF78] =	vst v63  }
0x207: {  	_ =	swait.ge [sflag:s10], $0x4000  }
0x208: {  	[sflag:s10] =	ssyncset.done $0x0  }
0x209: {  	[sflag:s10] =	ssyncadd.s32 $0xFFFFC000  }
0x20a: {  	[spmem:s3] =	stream.indirect.scatter.add.f32 [tilespmem:s31], [sflag:$0x4], $0x80, s20, s30, $0xb8;
	[tilespmem:$0x1CF78] =	vst v63  }
0x20b: {  	_ = 	snop  }
0x20c: {  	[spmem:s4] =	stream.indirect.scatter.add.f32 [tilespmem:s8], [sflag:$0x5], $0x1, s20, s30, $0xb8;
	[tilespmem:$0x1CF78] =	vst v63  }
0x20d: {  	_ =	swait.ge [sflag:s9], $0x4000  }
0x20e: {  	[sflag:s9] =	ssyncset.done $0x0  }
0x20f: {  	[sflag:s9] =	ssyncadd.s32 $0xFFFFC000  }
0x210: {  	_ =	swait.ge [sflag:s12], $0x4000  }
0x211: {  	[sflag:s12] =	ssyncset.done $0x0  }
0x212: {  	[sflag:s12] =	ssyncadd.s32 $0xFFFFC000  }
0x213: {  	_ =	swait.ge [sflag:s28], $0x80  }
0x214: {  	[sflag:s28] =	ssyncset.done $0x0  }
0x215: {  	[sflag:s28] =	ssyncadd.s32 $0xFFFFFF80  }
0x216: {  	_ =	swait.ge [sflag:s28], $0x80  }
0x217: {  	[sflag:s28] =	ssyncset.done $0x0  }
0x218: {  	[sflag:s28] =	ssyncadd.s32 $0xFFFFFF80  }
0x219: {  	_ =	swait.ge [sflag:s28], $0x80  }
0x21a: {  	[sflag:s28] =	ssyncset.done $0x0  }
0x21b: {  	[sflag:s28] =	ssyncadd.s32 $0xFFFFFF80  }
0x21c: {  	_ =	swait.ge [sflag:s28], $0x80  }
0x21d: {  	[sflag:s28] =	ssyncset.done $0x0  }
0x21e: {  	[sflag:s28] =	ssyncadd.s32 $0xFFFFFF80  }
0x21f: {  	_ =	swait.ge [sflag:s28], $0x80  }
0x220: {  	[sflag:s28] =	ssyncset.done $0x0  }
0x221: {  	[sflag:s28] =	ssyncadd.s32 $0xFFFFFF80  }
0x222: {  	_ =	swait.ge [sflag:s28], $0x80  }
0x223: {  	[sflag:s28] =	ssyncset.done $0x0  }
0x224: {  	[sflag:s28] =	ssyncadd.s32 $0xFFFFFF80  }
0x225: {  	_ =	swait.ge [sflag:s28], $0x80  }
0x226: {  	[sflag:s28] =	ssyncset.done $0x0  }
0x227: {  	[sflag:s28] =	ssyncadd.s32 $0xFFFFFF80  }
0x228: {  	_ =	swait.ge [sflag:s28], $0x80  }
0x229: {  	[sflag:s28] =	ssyncset.done $0x0  }
0x22a: {  	[sflag:s28] =	ssyncadd.s32 $0xFFFFFF80  }
0x22b: {  	_ =	swait.ge [sflag:s28], $0x80  }
0x22c: {  	[sflag:s28] =	ssyncset.done $0x0  }
0x22d: {  	[sflag:s28] =	ssyncadd.s32 $0xFFFFFF80  }
0x22e: {  	_ =	swait.ge [sflag:s28], $0x80  }
0x22f: {  	[sflag:s28] =	ssyncset.done $0x0  }
0x230: {  	[sflag:s28] =	ssyncadd.s32 $0xFFFFFF80  }
0x231: {  	_ =	swait.ge [sflag:s28], $0x80  }
0x232: {  	[sflag:s28] =	ssyncset.done $0x0  }
0x233: {  	[sflag:s28] =	ssyncadd.s32 $0xFFFFFF80  }
0x234: {  	_ =	swait.ge [sflag:s28], $0x80  }
0x235: {  	[sflag:s28] =	ssyncset.done $0x0  }
0x236: {  	[sflag:s28] =	ssyncadd.s32 $0xFFFFFF80  }
0x237: {  	_ =	swait.ge [sflag:s28], $0x80  }
0x238: {  	[sflag:s28] =	ssyncset.done $0x0  }
0x239: {  	[sflag:s28] =	ssyncadd.s32 $0xFFFFFF80  }
0x23a: {  	_ =	swait.ge [sflag:s28], $0x80  }
0x23b: {  	[sflag:s28] =	ssyncset.done $0x0  }
0x23c: {  	[sflag:s28] =	ssyncadd.s32 $0xFFFFFF80  }
0x23d: {  	_ =	swait.ge [sflag:s28], $0x80  }
0x23e: {  	[sflag:s28] =	ssyncset.done $0x0  }
0x23f: {  	[sflag:s28] =	ssyncadd.s32 $0xFFFFFF80  }
0x240: {  	s14 =	simm.s32 $0x100;
	_ =	swait.ge [sflag:s28], $0x80  }
.LBB2_5:
0x241: {  	s11 =	rddreg [dreg:$0x6];
	s15 =	smov.u32 s14;
	[sflag:s28] =	ssyncset.done $0x0  }
0x242: {  	s11 =	sadd.s32 s15, s11;
	[sflag:s28] =	ssyncadd.s32 $0xFFFFFF80  }
0x243: {  	[tilespmem:s5], [sflag:$0x6] =	stream.linear.gather [hbm4b:s11+s5], $0x800, $0x38;
	[tilespmem:$0x1CF78] =	vst v63  }
0x244: {  	_ =	swait.ge [sflag:s26], $0x800  }
0x245: {  	s11 =	rddreg [dreg:$0x5];
	[sflag:s26] =	ssyncset.done $0x0  }
0x246: {  	[sflag:s26] =	ssyncadd.s32 $0xFFFFF800;
	s11 =	sadd.s32 s15, s11  }
0x247: {  	[tilespmem:s29], [sflag:$0x6] =	stream.linear.gather [hbm4b:s11+s5], $0x800, $0x38;
	[tilespmem:$0x1CF78] =	vst v63  }
0x248: {  	_ =	swait.ge [sflag:s26], $0x800  }
0x249: {  	[sflag:s26] =	ssyncset.done $0x0  }
0x24a: {  	[sflag:s26] =	ssyncadd.s32 $0xFFFFF800  }
0x24b: {  	[tilespmem:s23], [sflag:$0x1] =	stream.indirect.gather [hbm4b:s1+s30], $0x80, s5, s30, $0xb8;
	[tilespmem:$0x1CF78] =	vst v63  }
0x24c: {  	_ = 	snop  }
0x24d: {  	[tilespmem:s31], [sflag:$0x2] =	stream.indirect.gather [hbm4b:s1+s30], $0x80, s30, s30, $0xb8;
	[tilespmem:$0x1CF78] =	vst v63  }
0x24e: {  	_ =	swait.ge [sflag:s2], $0x4000  }
0x24f: {  	[sflag:s2] =	ssyncset.done $0x0  }
0x250: {  	[sflag:s2] =	ssyncadd.s32 $0xFFFFC000  }
0x251: {  	[spmem:s3] =	stream.indirect.scatter.add.f32 [tilespmem:s23], [sflag:$0x3], $0x80, s29, s30, $0xb8;
	[tilespmem:$0x1CF78] =	vst v63  }
0x252: {  	_ = 	snop  }
0x253: {  	[spmem:s4] =	stream.indirect.scatter.add.f32 [tilespmem:s8], [sflag:$0x5], $0x1, s29, s30, $0xb8;
	[tilespmem:$0x1CF78] =	vst v63  }
0x254: {  	_ =	swait.ge [sflag:s9], $0x4000  }
0x255: {  	[sflag:s9] =	ssyncset.done $0x0  }
0x256: {  	s15 =	rddreg [dreg:$0x7];
	[sflag:s9] =	ssyncadd.s32 $0xFFFFC000  }
0x257: {  	[tilespmem:s23], [sflag:$0x1] =	stream.indirect.gather [hbm4b:s1+s30], $0x80, s15, s30, $0xb8;
	[tilespmem:$0x1CF78] =	vst v63  }
0x258: {  	_ =	swait.ge [sflag:s10], $0x4000  }
0x259: {  	[sflag:s10] =	ssyncset.done $0x0  }
0x25a: {  	s15 =	simm.s32 $0x880;
	[sflag:s10] =	ssyncadd.s32 $0xFFFFC000  }
0x25b: {  	[spmem:s3] =	stream.indirect.scatter.add.f32 [tilespmem:s31], [sflag:$0x4], $0x80, s15, s30, $0xb8;
	[tilespmem:$0x1CF78] =	vst v63  }
0x25c: {  	_ = 	snop  }
0x25d: {  	[spmem:s4] =	stream.indirect.scatter.add.f32 [tilespmem:s8], [sflag:$0x5], $0x1, s15, s30, $0xb8;
	[tilespmem:$0x1CF78] =	vst v63  }
0x25e: {  	_ =	swait.ge [sflag:s12], $0x4000  }
0x25f: {  	[sflag:s12] =	ssyncset.done $0x0  }
0x260: {  	s15 =	simm.s32 $0x180;
	[sflag:s12] =	ssyncadd.s32 $0xFFFFC000  }
0x261: {  	[tilespmem:s31], [sflag:$0x2] =	stream.indirect.gather [hbm4b:s1+s30], $0x80, s15, s30, $0xb8;
	[tilespmem:$0x1CF78] =	vst v63  }
0x262: {  	_ =	swait.ge [sflag:s2], $0x4000  }
0x263: {  	[sflag:s2] =	ssyncset.done $0x0  }
0x264: {  	s15 =	simm.s32 $0x900;
	[sflag:s2] =	ssyncadd.s32 $0xFFFFC000  }
0x265: {  	[spmem:s3] =	stream.indirect.scatter.add.f32 [tilespmem:s23], [sflag:$0x3], $0x80, s15, s30, $0xb8;
	[tilespmem:$0x1CF78] =	vst v63  }
0x266: {  	_ = 	snop  }
0x267: {  	[spmem:s4] =	stream.indirect.scatter.add.f32 [tilespmem:s8], [sflag:$0x5], $0x1, s15, s30, $0xb8;
	[tilespmem:$0x1CF78] =	vst v63  }
0x268: {  	_ =	swait.ge [sflag:s9], $0x4000  }
0x269: {  	[sflag:s9] =	ssyncset.done $0x0  }
0x26a: {  	s15 =	simm.s32 $0x200;
	[sflag:s9] =	ssyncadd.s32 $0xFFFFC000  }
0x26b: {  	[tilespmem:s23], [sflag:$0x1] =	stream.indirect.gather [hbm4b:s1+s30], $0x80, s15, s30, $0xb8;
	[tilespmem:$0x1CF78] =	vst v63  }
0x26c: {  	_ =	swait.ge [sflag:s10], $0x4000  }
0x26d: {  	[sflag:s10] =	ssyncset.done $0x0  }
0x26e: {  	[sflag:s10] =	ssyncadd.s32 $0xFFFFC000  }
0x26f: {  	[spmem:s3] =	stream.indirect.scatter.add.f32 [tilespmem:s31], [sflag:$0x4], $0x80, s22, s30, $0xb8;
	[tilespmem:$0x1CF78] =	vst v63  }
0x270: {  	_ = 	snop  }
0x271: {  	[spmem:s4] =	stream.indirect.scatter.add.f32 [tilespmem:s8], [sflag:$0x5], $0x1, s22, s30, $0xb8;
	[tilespmem:$0x1CF78] =	vst v63  }
0x272: {  	_ =	swait.ge [sflag:s12], $0x4000  }
0x273: {  	[sflag:s12] =	ssyncset.done $0x0  }
0x274: {  	s15 =	simm.s32 $0x280;
	[sflag:s12] =	ssyncadd.s32 $0xFFFFC000  }
0x275: {  	[tilespmem:s31], [sflag:$0x2] =	stream.indirect.gather [hbm4b:s1+s30], $0x80, s15, s30, $0xb8;
	[tilespmem:$0x1CF78] =	vst v63  }
0x276: {  	_ =	swait.ge [sflag:s2], $0x4000  }
0x277: {  	[sflag:s2] =	ssyncset.done $0x0  }
0x278: {  	[sflag:s2] =	ssyncadd.s32 $0xFFFFC000  }
0x279: {  	[spmem:s3] =	stream.indirect.scatter.add.f32 [tilespmem:s23], [sflag:$0x3], $0x80, s25, s30, $0xb8;
	[tilespmem:$0x1CF78] =	vst v63  }
0x27a: {  	_ = 	snop  }
0x27b: {  	[spmem:s4] =	stream.indirect.scatter.add.f32 [tilespmem:s8], [sflag:$0x5], $0x1, s25, s30, $0xb8;
	[tilespmem:$0x1CF78] =	vst v63  }
0x27c: {  	_ =	swait.ge [sflag:s9], $0x4000  }
0x27d: {  	[sflag:s9] =	ssyncset.done $0x0  }
0x27e: {  	s15 =	simm.s32 $0x300;
	[sflag:s9] =	ssyncadd.s32 $0xFFFFC000  }
0x27f: {  	[tilespmem:s23], [sflag:$0x1] =	stream.indirect.gather [hbm4b:s1+s30], $0x80, s15, s30, $0xb8;
	[tilespmem:$0x1CF78] =	vst v63  }
0x280: {  	_ =	swait.ge [sflag:s10], $0x4000  }
0x281: {  	[sflag:s10] =	ssyncset.done $0x0  }
0x282: {  	[sflag:s10] =	ssyncadd.s32 $0xFFFFC000  }
0x283: {  	[spmem:s3] =	stream.indirect.scatter.add.f32 [tilespmem:s31], [sflag:$0x4], $0x80, s13, s30, $0xb8;
	[tilespmem:$0x1CF78] =	vst v63  }
0x284: {  	_ = 	snop  }
0x285: {  	[spmem:s4] =	stream.indirect.scatter.add.f32 [tilespmem:s8], [sflag:$0x5], $0x1, s13, s30, $0xb8;
	[tilespmem:$0x1CF78] =	vst v63  }
0x286: {  	_ =	swait.ge [sflag:s12], $0x4000  }
0x287: {  	[sflag:s12] =	ssyncset.done $0x0  }
0x288: {  	s15 =	simm.s32 $0x380;
	[sflag:s12] =	ssyncadd.s32 $0xFFFFC000  }
0x289: {  	[tilespmem:s31], [sflag:$0x2] =	stream.indirect.gather [hbm4b:s1+s30], $0x80, s15, s30, $0xb8;
	[tilespmem:$0x1CF78] =	vst v63  }
0x28a: {  	_ =	swait.ge [sflag:s2], $0x4000  }
0x28b: {  	[sflag:s2] =	ssyncset.done $0x0  }
0x28c: {  	[sflag:s2] =	ssyncadd.s32 $0xFFFFC000  }
0x28d: {  	[spmem:s3] =	stream.indirect.scatter.add.f32 [tilespmem:s23], [sflag:$0x3], $0x80, s6, s30, $0xb8;
	[tilespmem:$0x1CF78] =	vst v63  }
0x28e: {  	_ = 	snop  }
0x28f: {  	[spmem:s4] =	stream.indirect.scatter.add.f32 [tilespmem:s8], [sflag:$0x5], $0x1, s6, s30, $0xb8;
	[tilespmem:$0x1CF78] =	vst v63  }
0x290: {  	_ =	swait.ge [sflag:s9], $0x4000  }
0x291: {  	[sflag:s9] =	ssyncset.done $0x0  }
0x292: {  	s15 =	simm.s32 $0x400;
	[sflag:s9] =	ssyncadd.s32 $0xFFFFC000  }
0x293: {  	[tilespmem:s23], [sflag:$0x1] =	stream.indirect.gather [hbm4b:s1+s30], $0x80, s15, s30, $0xb8;
	[tilespmem:$0x1CF78] =	vst v63  }
0x294: {  	_ =	swait.ge [sflag:s10], $0x4000  }
0x295: {  	[sflag:s10] =	ssyncset.done $0x0  }
0x296: {  	[sflag:s10] =	ssyncadd.s32 $0xFFFFC000  }
0x297: {  	[spmem:s3] =	stream.indirect.scatter.add.f32 [tilespmem:s31], [sflag:$0x4], $0x80, s18, s30, $0xb8;
	[tilespmem:$0x1CF78] =	vst v63  }
0x298: {  	_ = 	snop  }
0x299: {  	[spmem:s4] =	stream.indirect.scatter.add.f32 [tilespmem:s8], [sflag:$0x5], $0x1, s18, s30, $0xb8;
	[tilespmem:$0x1CF78] =	vst v63  }
0x29a: {  	_ =	swait.ge [sflag:s12], $0x4000  }
0x29b: {  	[sflag:s12] =	ssyncset.done $0x0  }
0x29c: {  	s15 =	simm.s32 $0x480;
	[sflag:s12] =	ssyncadd.s32 $0xFFFFC000  }
0x29d: {  	[tilespmem:s31], [sflag:$0x2] =	stream.indirect.gather [hbm4b:s1+s30], $0x80, s15, s30, $0xb8;
	[tilespmem:$0x1CF78] =	vst v63  }
0x29e: {  	_ =	swait.ge [sflag:s2], $0x4000  }
0x29f: {  	[sflag:s2] =	ssyncset.done $0x0  }
0x2a0: {  	[sflag:s2] =	ssyncadd.s32 $0xFFFFC000  }
0x2a1: {  	[spmem:s3] =	stream.indirect.scatter.add.f32 [tilespmem:s23], [sflag:$0x3], $0x80, s16, s30, $0xb8;
	[tilespmem:$0x1CF78] =	vst v63  }
0x2a2: {  	_ = 	snop  }
0x2a3: {  	[spmem:s4] =	stream.indirect.scatter.add.f32 [tilespmem:s8], [sflag:$0x5], $0x1, s16, s30, $0xb8;
	[tilespmem:$0x1CF78] =	vst v63  }
0x2a4: {  	_ =	swait.ge [sflag:s9], $0x4000  }
0x2a5: {  	[sflag:s9] =	ssyncset.done $0x0  }
0x2a6: {  	s15 =	simm.s32 $0x500;
	[sflag:s9] =	ssyncadd.s32 $0xFFFFC000  }
0x2a7: {  	[tilespmem:s23], [sflag:$0x1] =	stream.indirect.gather [hbm4b:s1+s30], $0x80, s15, s30, $0xb8;
	[tilespmem:$0x1CF78] =	vst v63  }
0x2a8: {  	_ =	swait.ge [sflag:s10], $0x4000  }
0x2a9: {  	[sflag:s10] =	ssyncset.done $0x0  }
0x2aa: {  	[sflag:s10] =	ssyncadd.s32 $0xFFFFC000  }
0x2ab: {  	[spmem:s3] =	stream.indirect.scatter.add.f32 [tilespmem:s31], [sflag:$0x4], $0x80, s21, s30, $0xb8;
	[tilespmem:$0x1CF78] =	vst v63  }
0x2ac: {  	_ = 	snop  }
0x2ad: {  	[spmem:s4] =	stream.indirect.scatter.add.f32 [tilespmem:s8], [sflag:$0x5], $0x1, s21, s30, $0xb8;
	[tilespmem:$0x1CF78] =	vst v63  }
0x2ae: {  	_ =	swait.ge [sflag:s12], $0x4000  }
0x2af: {  	[sflag:s12] =	ssyncset.done $0x0  }
0x2b0: {  	s15 =	simm.s32 $0x580;
	[sflag:s12] =	ssyncadd.s32 $0xFFFFC000  }
0x2b1: {  	[tilespmem:s31], [sflag:$0x2] =	stream.indirect.gather [hbm4b:s1+s30], $0x80, s15, s30, $0xb8;
	[tilespmem:$0x1CF78] =	vst v63  }
0x2b2: {  	_ =	swait.ge [sflag:s2], $0x4000  }
0x2b3: {  	[sflag:s2] =	ssyncset.done $0x0  }
0x2b4: {  	[sflag:s2] =	ssyncadd.s32 $0xFFFFC000  }
0x2b5: {  	[spmem:s3] =	stream.indirect.scatter.add.f32 [tilespmem:s23], [sflag:$0x3], $0x80, s0, s30, $0xb8;
	[tilespmem:$0x1CF78] =	vst v63  }
0x2b6: {  	_ = 	snop  }
0x2b7: {  	[spmem:s4] =	stream.indirect.scatter.add.f32 [tilespmem:s8], [sflag:$0x5], $0x1, s0, s30, $0xb8;
	[tilespmem:$0x1CF78] =	vst v63  }
0x2b8: {  	_ =	swait.ge [sflag:s9], $0x4000  }
0x2b9: {  	[sflag:s9] =	ssyncset.done $0x0  }
0x2ba: {  	s15 =	simm.s32 $0x600;
	[sflag:s9] =	ssyncadd.s32 $0xFFFFC000  }
0x2bb: {  	[tilespmem:s23], [sflag:$0x1] =	stream.indirect.gather [hbm4b:s1+s30], $0x80, s15, s30, $0xb8;
	[tilespmem:$0x1CF78] =	vst v63  }
0x2bc: {  	_ =	swait.ge [sflag:s10], $0x4000  }
0x2bd: {  	[sflag:s10] =	ssyncset.done $0x0  }
0x2be: {  	[sflag:s10] =	ssyncadd.s32 $0xFFFFC000  }
0x2bf: {  	[spmem:s3] =	stream.indirect.scatter.add.f32 [tilespmem:s31], [sflag:$0x4], $0x80, s7, s30, $0xb8;
	[tilespmem:$0x1CF78] =	vst v63  }
0x2c0: {  	_ = 	snop  }
0x2c1: {  	[spmem:s4] =	stream.indirect.scatter.add.f32 [tilespmem:s8], [sflag:$0x5], $0x1, s7, s30, $0xb8;
	[tilespmem:$0x1CF78] =	vst v63  }
0x2c2: {  	_ =	swait.ge [sflag:s12], $0x4000  }
0x2c3: {  	[sflag:s12] =	ssyncset.done $0x0  }
0x2c4: {  	s15 =	simm.s32 $0x680;
	[sflag:s12] =	ssyncadd.s32 $0xFFFFC000  }
0x2c5: {  	[tilespmem:s31], [sflag:$0x2] =	stream.indirect.gather [hbm4b:s1+s30], $0x80, s15, s30, $0xb8;
	[tilespmem:$0x1CF78] =	vst v63  }
0x2c6: {  	_ =	swait.ge [sflag:s2], $0x4000  }
0x2c7: {  	[sflag:s2] =	ssyncset.done $0x0  }
0x2c8: {  	[sflag:s2] =	ssyncadd.s32 $0xFFFFC000  }
0x2c9: {  	[spmem:s3] =	stream.indirect.scatter.add.f32 [tilespmem:s23], [sflag:$0x3], $0x80, s19, s30, $0xb8;
	[tilespmem:$0x1CF78] =	vst v63  }
0x2ca: {  	_ = 	snop  }
0x2cb: {  	[spmem:s4] =	stream.indirect.scatter.add.f32 [tilespmem:s8], [sflag:$0x5], $0x1, s19, s30, $0xb8;
	[tilespmem:$0x1CF78] =	vst v63  }
0x2cc: {  	_ =	swait.ge [sflag:s9], $0x4000  }
0x2cd: {  	[sflag:s9] =	ssyncset.done $0x0  }
0x2ce: {  	s15 =	simm.s32 $0x700;
	[sflag:s9] =	ssyncadd.s32 $0xFFFFC000  }
0x2cf: {  	[tilespmem:s23], [sflag:$0x1] =	stream.indirect.gather [hbm4b:s1+s30], $0x80, s15, s30, $0xb8;
	[tilespmem:$0x1CF78] =	vst v63  }
0x2d0: {  	_ =	swait.ge [sflag:s10], $0x4000  }
0x2d1: {  	[sflag:s10] =	ssyncset.done $0x0  }
0x2d2: {  	[sflag:s10] =	ssyncadd.s32 $0xFFFFC000  }
0x2d3: {  	[spmem:s3] =	stream.indirect.scatter.add.f32 [tilespmem:s31], [sflag:$0x4], $0x80, s24, s30, $0xb8;
	[tilespmem:$0x1CF78] =	vst v63  }
0x2d4: {  	_ = 	snop  }
0x2d5: {  	[spmem:s4] =	stream.indirect.scatter.add.f32 [tilespmem:s8], [sflag:$0x5], $0x1, s24, s30, $0xb8;
	[tilespmem:$0x1CF78] =	vst v63  }
0x2d6: {  	_ =	swait.ge [sflag:s12], $0x4000  }
0x2d7: {  	[sflag:s12] =	ssyncset.done $0x0  }
0x2d8: {  	s15 =	simm.s32 $0x780;
	[sflag:s12] =	ssyncadd.s32 $0xFFFFC000  }
0x2d9: {  	[tilespmem:s31], [sflag:$0x2] =	stream.indirect.gather [hbm4b:s1+s30], $0x80, s15, s30, $0xb8;
	[tilespmem:$0x1CF78] =	vst v63  }
0x2da: {  	_ =	swait.ge [sflag:s2], $0x4000  }
0x2db: {  	[sflag:s2] =	ssyncset.done $0x0  }
0x2dc: {  	[sflag:s2] =	ssyncadd.s32 $0xFFFFC000  }
0x2dd: {  	[spmem:s3] =	stream.indirect.scatter.add.f32 [tilespmem:s23], [sflag:$0x3], $0x80, s17, s30, $0xb8;
	[tilespmem:$0x1CF78] =	vst v63  }
0x2de: {  	_ = 	snop  }
0x2df: {  	[spmem:s4] =	stream.indirect.scatter.add.f32 [tilespmem:s8], [sflag:$0x5], $0x1, s17, s30, $0xb8;
	[tilespmem:$0x1CF78] =	vst v63  }
0x2e0: {  	_ =	swait.ge [sflag:s10], $0x4000  }
0x2e1: {  	[sflag:s10] =	ssyncset.done $0x0  }
0x2e2: {  	[sflag:s10] =	ssyncadd.s32 $0xFFFFC000  }
0x2e3: {  	[spmem:s3] =	stream.indirect.scatter.add.f32 [tilespmem:s31], [sflag:$0x4], $0x80, s20, s30, $0xb8;
	[tilespmem:$0x1CF78] =	vst v63  }
0x2e4: {  	_ = 	snop  }
0x2e5: {  	[spmem:s4] =	stream.indirect.scatter.add.f32 [tilespmem:s8], [sflag:$0x5], $0x1, s20, s30, $0xb8;
	[tilespmem:$0x1CF78] =	vst v63  }
0x2e6: {  	_ =	swait.ge [sflag:s9], $0x4000  }
0x2e7: {  	[sflag:s9] =	ssyncset.done $0x0  }
0x2e8: {  	[sflag:s9] =	ssyncadd.s32 $0xFFFFC000  }
0x2e9: {  	_ =	swait.ge [sflag:s12], $0x4000  }
0x2ea: {  	[sflag:s12] =	ssyncset.done $0x0  }
0x2eb: {  	[sflag:s12] =	ssyncadd.s32 $0xFFFFC000  }
0x2ec: {  	_ =	swait.ge [sflag:s28], $0x80  }
0x2ed: {  	[sflag:s28] =	ssyncset.done $0x0  }
0x2ee: {  	[sflag:s28] =	ssyncadd.s32 $0xFFFFFF80  }
0x2ef: {  	_ =	swait.ge [sflag:s28], $0x80  }
0x2f0: {  	[sflag:s28] =	ssyncset.done $0x0  }
0x2f1: {  	[sflag:s28] =	ssyncadd.s32 $0xFFFFFF80  }
0x2f2: {  	_ =	swait.ge [sflag:s28], $0x80  }
0x2f3: {  	[sflag:s28] =	ssyncset.done $0x0  }
0x2f4: {  	[sflag:s28] =	ssyncadd.s32 $0xFFFFFF80  }
0x2f5: {  	_ =	swait.ge [sflag:s28], $0x80  }
0x2f6: {  	[sflag:s28] =	ssyncset.done $0x0  }
0x2f7: {  	[sflag:s28] =	ssyncadd.s32 $0xFFFFFF80  }
0x2f8: {  	_ =	swait.ge [sflag:s28], $0x80  }
0x2f9: {  	[sflag:s28] =	ssyncset.done $0x0  }
0x2fa: {  	[sflag:s28] =	ssyncadd.s32 $0xFFFFFF80  }
0x2fb: {  	_ =	swait.ge [sflag:s28], $0x80  }
0x2fc: {  	[sflag:s28] =	ssyncset.done $0x0  }
0x2fd: {  	[sflag:s28] =	ssyncadd.s32 $0xFFFFFF80  }
0x2fe: {  	_ =	swait.ge [sflag:s28], $0x80  }
0x2ff: {  	[sflag:s28] =	ssyncset.done $0x0  }
0x300: {  	[sflag:s28] =	ssyncadd.s32 $0xFFFFFF80  }
0x301: {  	_ =	swait.ge [sflag:s28], $0x80  }
0x302: {  	[sflag:s28] =	ssyncset.done $0x0  }
0x303: {  	[sflag:s28] =	ssyncadd.s32 $0xFFFFFF80  }
0x304: {  	_ =	swait.ge [sflag:s28], $0x80  }
0x305: {  	[sflag:s28] =	ssyncset.done $0x0  }
0x306: {  	[sflag:s28] =	ssyncadd.s32 $0xFFFFFF80  }
0x307: {  	_ =	swait.ge [sflag:s28], $0x80  }
0x308: {  	[sflag:s28] =	ssyncset.done $0x0  }
0x309: {  	[sflag:s28] =	ssyncadd.s32 $0xFFFFFF80  }
0x30a: {  	_ =	swait.ge [sflag:s28], $0x80  }
0x30b: {  	[sflag:s28] =	ssyncset.done $0x0  }
0x30c: {  	[sflag:s28] =	ssyncadd.s32 $0xFFFFFF80  }
0x30d: {  	_ =	swait.ge [sflag:s28], $0x80  }
0x30e: {  	[sflag:s28] =	ssyncset.done $0x0  }
0x30f: {  	[sflag:s28] =	ssyncadd.s32 $0xFFFFFF80  }
0x310: {  	_ =	swait.ge [sflag:s28], $0x80  }
0x311: {  	[sflag:s28] =	ssyncset.done $0x0  }
0x312: {  	[sflag:s28] =	ssyncadd.s32 $0xFFFFFF80  }
0x313: {  	_ =	swait.ge [sflag:s28], $0x80  }
0x314: {  	p2 =	seq.s32 s14, $0x700;
	[sflag:s28] =	ssyncset.done $0x0  }
.Ltmp6:
0x315: {  	[sflag:s28] =	ssyncadd.s32 $0xFFFFFF80;
	(pc) =	sbr.rel @!p2 .LBB2_5-.Ltmp6, $4  }
0x316: {  	_ =	swait.ge [sflag:s28], $0x80  }
0x317: {  	[sflag:s28] =	ssyncset.done $0x0  }
0x318: {  	[sflag:s28] =	ssyncadd.s32 $0xFFFFFF80  }
0x319: {  	s14 =	sadd.s32 $0x100, s14;
	_ =	swait.ge [sflag:s28], $0x80  }
.Ltmp7:
0x31a: {  	_ = 	snop;
	(pc) =	sbr.rel .LBB2_6-.Ltmp7, $1  }
0x31b: {  	_ =	sdelay $0x3  }
.LBB2_9:
0x31c: {  	_ =	sfence.sel $0x180000  }
0x31d: {  	[bflag:$0x0] =	sbarrier.arrive $0xFFFF  }
0x31e: {  	_ =	strace $0x90000047  }
0x31f: {  	[bflag:$0x2] =	sbarrier.arrive $0xFFFF  }
0x320: {  	p0 =	sne.s32 s6, $0x0;
	s0 =	rddreg [dreg:$0x4]  }
0x321: {  	s0 =	sadd.s32 @!p0 $0x100000, s0  }
0x322: {  	[sflag:s0] =	ssyncadd.tile.s32 @!p0 $0x1;
	_ =	shalt  }
.Lfunc_end2:
_tile_overlayer_lowered:
.L_overlay_start_2:
0x323: {  	(tag) =	ssettag $0x2  }
0x324: {  	s0 =	rddreg [dreg:$0x0];
	s2 =	stileid.u32  }
0x325: {  	s1 =	rddreg [dreg:$0x1];
	p0 =	sne.s32 s2, $0x0  }
0x326: {  	s3 =	rddreg [dreg:$0x2];
	[bflag:$0x3] =	sbarrier.arrive $0xFFFF;
	s2 =	simm.s32 @!p0 $0x1C06  }
0x327: {  	[timem:s3], [sflag:s2] =	dma.local @!p0 [hbm:s0], s1  }
0x328: {  	s0 =	simm.s32 @!p0 $0x6  }
0x329: {  	_ =	swait.ge @!p0 [sflag:s0], s1  }
0x32a: {  	s1 =	ssub.s32 @!p0 $0x0, s1;
	[sflag:s0] =	ssyncset.done @!p0 $0x0  }
0x32b: {  	[sflag:s0] =	ssyncadd.s32 @!p0 s1  }
0x32c: {  	[bflag:$0x3] =	sbarrier.arrive $0xFFFF  }
0x32d: {  	_ =	shalt  }

// kernel: kernel.9.cloned.1.call-start
scs
__scs_entry_jumppad:
0x0: {  	(pc) =	sbr.rel $0x88, $3  }
0x1: {  	(tag) =	ssettag $0x0;
	lr =	simm.s32 $0x1  }
0x2: {  	[smem:$0x3F97] =	sst lr;
	_ =	strace $0xD0000000  }
0x3: {  	_ = 	snop  }
0x4: {  	_ = 	snop  }
0x5: {  	_ = 	snop  }
0x6: {  	_ = 	snop  }
0x7: {  	_ = 	snop  }
__scs_overlays_trampoline_lowered:
0x8: {  	[smem:$0x3FA6] =	sst s0  }
0x9: {  	[smem:$0x3FA7] =	sst s1  }
0xa: {  	[smem:$0x3FA8] =	sst s2  }
0xb: {  	[smem:$0x3FA9] =	sst s3  }
0xc: {  	[smem:$0x3FAA] =	sst s4  }
0xd: {  	[smem:$0x3FAB] =	sst s5  }
0xe: {  	[smem:$0x3FAC] =	sst s6  }
0xf: {  	[smem:$0x3FAD] =	sst s7  }
0x10: {  	[smem:$0x3FAE] =	sst s8  }
0x11: {  	[smem:$0x3FAF] =	sst s9;
	s0 =	simm.s32 @!p0 $0x0  }
0x12: {  	s1 =	sld [smem:$0x3F95];
	s0 =	simm.s32 @p0 $0x1  }
0x13: {  	[smem:$0x3FB0] =	sst s0;
	s0 =	simm.s32 @!p1 $0x0  }
0x14: {  	s2 =	sld [smem:$0x3F94];
	s0 =	simm.s32 @p1 $0x1  }
0x15: {  	[smem:$0x3FB1] =	sst s0;
	s0 =	simm.s32 @!p2 $0x0  }
0x16: {  	s3 =	sld [smem:$0x3FDB];
	s0 =	simm.s32 @p2 $0x1  }
0x17: {  	s4 =	simm.s32 $0x1BF5;
	[smem:$0x3FB3] =	sst s0  }
0x18: {  	s0 =	sld [smem:$0x3F96];
	_ =	swait.ge [sflag:s4], $0x0  }
0x19: {  	s7 =	sld [smem:$0x3F97]  }
0x1a: {  	s8 =	sadd.s32 $0xFFFFE003, lr  }
0x1b: {  	s9 =	sadd.s32 $0xFFFFFEF7, lr;
	s5 =	simm.s32 $0xFFFFFFFF;
	p2 =	slt.u32 s8, $0xFFFFF086  }
0x1c: {  	p1 =	slt.u32 s9, $0xF7A;
	s5 =	simm.s32 @!p2 $0x0  }
0x1d: {  	s5 =	simm.s32 @p1 $0x1;
	p0 =	seq.s32 s7, s2  }
0x1e: {  	s7 =	smul.u32 @!p0 $0xF7A, s2;
	p2 =	seq.s32 @!p0 s5, $0x0  }
0x1f: {  	s9 =	smul.u32 $0xF7A, s1;
	s8 =	simm.s32 @!p0 $0x1BF5;
	p2 =	por !p2, p0  }
0x20: {  	[sflag:s8] =	ssyncset.s32 @!p0 $0xFFFFF086;
	s6 =	sadd.s32 @!p0 s3, s7;
	s7 =	simm.s32 @!p0 $0x108  }
0x21: {  	s3 =	sadd.s32 s3, s9;
	s6 =	sadd.s32 @!p0 $0x88, s6;
	s7 =	simm.s32 @p2 $0x1082  }
0x22: {  	[simem:s7], [sflag:s8] =	dma.local @!p0 [hbm:s6], $0xF7A  }
0x23: {  	s9 =	sor.u32 $0xD0000000, s2;
	s6 =	simm.s32 $0x108;
	_ =	swait.ge @!p0 [sflag:s8], $0x0  }
0x24: {  	s3 =	sadd.s32 $0x88, s3;
	s6 =	simm.s32 @!p1 $0x1082;
	[sflag:s4] =	ssyncset.s32 $0xFFFFF086  }
0x25: {  	[simem:s6], [sflag:s4] =	dma.local [hbm:s3], $0xF7A  }
0x26: {  	[smem:$0x3F97] =	sst s1;
	(tag) =	ssettag s2;
	_ =	strace s9  }
0x27: {  	s1 =	sld [smem:$0x3FA7]  }
0x28: {  	s2 =	sld [smem:$0x3FA8]  }
0x29: {  	s4 =	sld [smem:$0x3FAA]  }
0x2a: {  	p0 =	seq.s32 s5, $0x0;
	s5 =	sld [smem:$0x3FAB]  }
0x2b: {  	s6 =	sld [smem:$0x3FAC]  }
0x2c: {  	s7 =	sld [smem:$0x3FAD]  }
0x2d: {  	s3 =	simm.s32 $0x108;
	s8 =	sld [smem:$0x3FAE]  }
0x2e: {  	s3 =	simm.s32 @!p0 $0x1082;
	s9 =	sld [smem:$0x3FAF]  }
0x2f: {  	lr =	sadd.s32 s0, s3;
	s0 =	sld [smem:$0x3FA6]  }
0x30: {  	s3 =	sld [smem:$0x3FA9]  }
0x31: {  	[smem:$0x3FB2] =	sst s10  }
0x32: {  	s10 =	sld [smem:$0x3FB0];
	_ =	sdelay $0x3  }
0x33: {  	p0 =	seq.s32 s10, $0x1;
	s10 =	sld [smem:$0x3FB2];
	_ =	sdelay $0x3  }
0x34: {  	[smem:$0x3FB2] =	sst s10  }
0x35: {  	s10 =	sld [smem:$0x3FB1];
	_ =	sdelay $0x3  }
0x36: {  	p1 =	seq.s32 s10, $0x1;
	s10 =	sld [smem:$0x3FB2];
	_ =	sdelay $0x3  }
0x37: {  	[smem:$0x3FB2] =	sst s10  }
0x38: {  	s10 =	sld [smem:$0x3FB3]  }
0x39: {  	_ = 	snop;
	(pc) =	sbr.ind lr, $3  }
0x3a: {  	_ = 	snop  }
0x3b: {  	_ = 	snop  }
0x3c: {  	p2 =	seq.s32 s10, $0x1;
	s10 =	sld [smem:$0x3FB2]  }
0x3d: {  	_ =	shalt  }
0x3e: {  	_ =	shalt  }
0x3f: {  	_ =	shalt  }
0x40: {  	_ =	shalt  }
0x41: {  	_ =	shalt  }
0x42: {  	_ =	shalt  }
0x43: {  	_ =	shalt  }
0x44: {  	_ =	shalt  }
0x45: {  	_ =	shalt  }
0x46: {  	_ =	shalt  }
0x47: {  	_ =	shalt  }
0x48: {  	_ =	shalt  }
0x49: {  	_ =	shalt  }
0x4a: {  	_ =	shalt  }
0x4b: {  	_ =	shalt  }
0x4c: {  	_ =	shalt  }
0x4d: {  	_ =	shalt  }
0x4e: {  	_ =	shalt  }
0x4f: {  	_ =	shalt  }
0x50: {  	_ =	shalt  }
0x51: {  	_ =	shalt  }
0x52: {  	_ =	shalt  }
0x53: {  	_ =	shalt  }
0x54: {  	_ =	shalt  }
0x55: {  	_ =	shalt  }
0x56: {  	_ =	shalt  }
0x57: {  	_ =	shalt  }
0x58: {  	_ =	shalt  }
0x59: {  	_ =	shalt  }
0x5a: {  	_ =	shalt  }
0x5b: {  	_ =	shalt  }
0x5c: {  	_ =	shalt  }
0x5d: {  	_ =	shalt  }
0x5e: {  	_ =	shalt  }
0x5f: {  	_ =	shalt  }
0x60: {  	_ =	shalt  }
0x61: {  	_ =	shalt  }
0x62: {  	_ =	shalt  }
0x63: {  	_ =	shalt  }
0x64: {  	_ =	shalt  }
0x65: {  	_ =	shalt  }
0x66: {  	_ =	shalt  }
0x67: {  	_ =	shalt  }
0x68: {  	_ =	shalt  }
0x69: {  	_ =	shalt  }
0x6a: {  	_ =	shalt  }
0x6b: {  	_ =	shalt  }
0x6c: {  	_ =	shalt  }
0x6d: {  	_ =	shalt  }
0x6e: {  	_ =	shalt  }
0x6f: {  	_ =	shalt  }
0x70: {  	_ =	shalt  }
0x71: {  	_ =	shalt  }
0x72: {  	_ =	shalt  }
0x73: {  	_ =	shalt  }
0x74: {  	_ =	shalt  }
0x75: {  	_ =	shalt  }
0x76: {  	_ =	shalt  }
0x77: {  	_ =	shalt  }
0x78: {  	_ =	shalt  }
0x79: {  	_ =	shalt  }
0x7a: {  	_ =	shalt  }
0x7b: {  	_ =	shalt  }
0x7c: {  	_ =	shalt  }
0x7d: {  	_ =	shalt  }
0x7e: {  	_ =	shalt  }
0x7f: {  	_ =	shalt  }
0x80: {  	_ =	shalt  }
0x81: {  	_ =	shalt  }
0x82: {  	_ =	shalt  }
0x83: {  	_ =	shalt  }
0x84: {  	_ =	shalt  }
0x85: {  	_ =	shalt  }
0x86: {  	_ =	shalt  }
0x87: {  	_ =	shalt  }
.Lfunc_end0:
.L_simem_size_0:
called_computation.1_lowered:
.L_overlay_start_0:
0x88: {  	s2 =	sld [smem:$0x3FD9]  }
0x89: {  	s3 =	sld [smem:$0x3FFE];
	_ =	sdelay $0x1  }
0x8a: {  	s1 =	srdreg.scid  }
0x8b: {  	s0 =	sand.u32 $0x1, s1  }
0x8c: {  	s16 =	sshll.u32 s0, $0xA;
	s2 =	sadd.s32 s3, s2  }
0x8d: {  	s2 =	sadd.s32 s2, s16  }
0x8e: {  	[smem:$0x3FBE] =	sst s2  }
0x8f: {  	_ = 	snop  }
0x90: {  	(tm) =	ssettm $0x1  }
0x91: {  	s17 =	sld [smem:$0x3FFB];
	_ =	sdelay $0x3  }
0x92: {  	_ =	strace s17  }
0x93: {  	s2 =	sld [smem:$0x3FFC];
	_ =	sdelay $0x3  }
0x94: {  	_ =	strace s2  }
0x95: {  	s2 =	sld [smem:$0x3FFD];
	_ =	sdelay $0x3  }
0x96: {  	_ =	strace s2  }
0x97: {  	_ =	strace $0x8FFFFFFF  }
0x98: {  	s18 =	sld [smem:$0x3FDB];
	_ =	sdelay $0x1  }
0x99: {  	s19 =	simm.s32 $_scs_section_size  }
0x9a: {  	s4 =	simm.s32 $_size__tile_overlayer_lowered;
	s5 =	simm.s32 $_tile_overlayer_lowered  }
0x9b: {  	s22 =	simm.s32 $0x1BFF;
	s21 =	sshll.u32 s5, $0x1;
	s2 =	sadd.s32 s19, s18  }
0x9c: {  	s6 =	simm.s32 $0x0;
	s20 =	sshll.u32 s4, $0x1;
	s4 =	sadd.s32 s21, s2  }
0x9d: {  	[timem:s6], [sflag:s22] =	dma.local [hbm:s4], s20  }
0x9e: {  	_ =	swait.ge [sflag:s22], s20  }
0x9f: {  	s3 =	ssub.s32 $0x0, s20;
	[sflag:s22] =	ssyncset.done $0x0  }
0xa0: {  	[sflag:s22] =	ssyncadd.s32 s3;
	_ =	sdelay $0x1  }
0xa1: {  	s23 =	simm.s32 $0x1B8B  }
0xa2: {  	_ =	swait.ge [sflag:s23], $0x1  }
0xa3: {  	[sflag:s23] =	ssyncset.done $0x0  }
0xa4: {  	s25 =	simm.s32 $0x1B8E;
	s24 =	sld [smem:$0x3FFE];
	[sflag:s23] =	ssyncadd.s32 $0xFFFFFFFF  }
0xa5: {  	s26 =	simm.s32 $execute0_lowered;
	[smem:$0x3FD2] =	sst s25  }
0xa6: {  	s4 =	sshll.u32 s26, $0x1;
	_ =	strace $0x80000049;
	[dreg:$0x1] =	wrdreg $0xFFFFFFFF  }
0xa7: {  	s28 =	simm.s32 $_size_execute0_lowered;
	s2 =	sadd.s32 s2, s4;
	[dreg:$0x0] =	wrdreg $0x0  }
0xa8: {  	s4 =	sshll.u32 s28, $0x1;
	[dreg:$0x2] =	wrdreg s2  }
0xa9: {  	[dreg:$0x3] =	wrdreg s4  }
0xaa: {  	[dreg:$0x4] =	wrdreg $0xC0  }
0xab: {  	_ =	task [dreg:s6], $0x5FFFF  }
0xac: {  	[dreg:$0x1] =	wrdreg $0xFFFFFFFF  }
0xad: {  	[dreg:$0x0] =	wrdreg $0x60  }
0xae: {  	[dreg:$0x2] =	wrdreg s24  }
0xaf: {  	[dreg:$0x3] =	wrdreg $0x90000  }
0xb0: {  	[dreg:$0x4] =	wrdreg $0x9  }
0xb1: {  	_ =	task.clear_ibuf [dreg:s6], $0x5FFFF;
	_ =	strace $0x90000049  }
0xb2: {  	s29 =	simm.s32 $0x9;
	_ =	strace $0x8000004B  }
0xb3: {  	_ =	swait.ge [sflag:s29], $0x1  }
0xb4: {  	[sflag:s29] =	ssyncadd.s32 $0xFFFFFFFF  }
0xb5: {  	_ =	strace $0x9000004B  }
0xb6: {  	_ =	sfence  }
0xb7: {  	s30 =	sld [smem:$0x0];
	_ =	sdelay $0x2  }
0xb8: {  	s31 =	sshll.u32 s1, $0xD;
	s1 =	sshrl.u32 s1, $0x2  }
0xb9: {  	s3 =	sand.u32 $0x4000, s31;
	s1 =	sadd.s32 s1, s30  }
0xba: {  	s0 =	sor.u32 s3, s0;
	s1 =	sshll.u32 s1, $0x11  }
0xbb: {  	s0 =	sor.u32 s1, s0  }
0xbc: {  	s0 =	sadd.s32 $0x8F2B, s0  }
0xbd: {  	[sflag:s0] =	ssyncadd.remote.s32 $0x1  }
0xbe: {  	_ =	sfence.sel $0xFFFF  }
0xbf: {  	[dreg:$0x0] =	wrdreg $0xFFFFFFFF;
	(pc) =	sbr.abs _section_cstart, $3  }
0xc0: {  	[dreg:$0x1] =	wrdreg $0xFFFFFFFF  }
0xc1: {  	_ =	task.clear_ibuf [dreg:s6], $0x2FFFF;
	_ =	strace $0x9FFFFFFF  }
0xc2: {  	(tm) =	ssettm $0x7FFFFFFF  }
0xc3: {  	_ =	shalt  }
tec
execute0_lowered:
.L_overlay_start_1:
0x0: {  	(tag) =	ssettag $0x1  }
0x1: {  	s0 =	rddreg [dreg:$0x0]  }
0x2: {  	s1 =	rddreg [dreg:$0x1];
	s3 =	simm.s32 $0x0;
	s12 =	stileid.u32  }
0x3: {  	s2 =	srdreg.scid;
	s26 =	simm.s32 $0x100;
	s28 =	simm.s32 $0x4  }
0x4: {  	s15 =	simm.s32 $0xC80;
	s29 =	simm.s32 $0xE80;
	s30 =	simm.s32 $0x780  }
0x5: {  	s31 =	simm.s32 $0xF00;
	[smem:$0x7FF] =	sst s3;
	s4 =	sadd.s32 $0x16600, s0  }
0x6: {  	s5 =	smul.u32 $0x4F000, s12;
	s10 =	sadd.s32 $0xC600, s0;
	s11 =	sadd.s32 $0x2600, s0  }
0x7: {  	s2 =	sand.u32 $0x1, s2;
	s0 =	sadd.s32 $0x3D800, s0;
	s18 =	smul.u32 $0x13800, s12  }
0x8: {  	s20 =	sshll.u32 s12, $0xB;
	s22 =	sshll.u32 s12, $0x9;
	p1 =	seq.s32 s12, $0xF  }
0x9: {  	s12 =	simm.s32 $0xE00;
	_ =	strace $0x8000004A;
	s6 =	ssub.s32 $0x2, s2  }
0xa: {  	s16 =	smul.u32 $0x138800, s2;
	p0 =	seq.s32 s2, $0x1;
	[dreg:$0x7] =	wrdreg s11  }
0xb: {  	s23 =	sadd.s32 s20, s11;
	[dreg:$0x6] =	wrdreg s10;
	s24 =	sadd.s32 s20, s10  }
0xc: {  	s20 =	simm.s32 $0x5000;
	[dreg:$0x5] =	wrdreg s26;
	s2 =	simm.s32 $0xB80  }
0xd: {  	s10 =	simm.s32 $0x500;
	s26 =	simm.s32 $0x700;
	[dreg:$0x3] =	wrdreg s23  }
0xe: {  	s5 =	sshrl.u32 s5, $0x2;
	s7 =	sshrl.u32 s6, $0x1;
	[dreg:$0x4] =	wrdreg s24  }
0xf: {  	s23 =	simm.s32 $0x2;
	s24 =	simm.s32 $0x580;
	s8 =	sadd.s32 s5, s1  }
0x10: {  	s6 =	ssub.s32 s6, s7;
	s21 =	sadd.s32 s18, s16;
	s5 =	sshrl.u32 s16, $0x3  }
0x11: {  	s7 =	sadd.s32 $0x124800, s1;
	s17 =	sadd.s32 $0x4000, s8;
	[dreg:$0x8] =	wrdreg s8  }
0x12: {  	s16 =	simm.s32 $0x1000;
	s9 =	sadd.s32 $0x8000, s8;
	[dreg:$0x9] =	wrdreg s17  }
0x13: {  	s19 =	sadd.s32 $0xC000, s8;
	s8 =	sadd.s32 $0x10000, s8;
	[dreg:$0xa] =	wrdreg s9  }
0x14: {  	s25 =	smax.u32 s6, $0x1;
	s6 =	simm.s32 $0x680;
	[dreg:$0xb] =	wrdreg s19  }
0x15: {  	[dreg:$0xc] =	wrdreg s8;
	s8 =	sshrl.u32 s21, $0x3;
	s9 =	sor.u32 $0x8000, s22  }
0x16: {  	[dreg:$0x10] =	wrdreg s25;
	s17 =	simm.s32 $0x5;
	s19 =	simm.s32 $0x80  }
0x17: {  	s21 =	simm.s32 $0x1;
	s22 =	simm.s32 $0x3;
	s25 =	simm.s32 $0xD00  }
0x18: {  	[dreg:$0xd] =	wrdreg s9;
	s8 =	sadd.s32 s0, s8;
	s0 =	sadd.s32 s0, s5  }
.Ltmp0:
0x19: {  	s5 =	sadd.s32 s18, s1;
	s18 =	simm.s32 $0x800;
	(pc) =	sbr.rel .LBB2_1-.Ltmp0, $4  }
0x1a: {  	s9 =	simm.s32 $0xC00;
	[dreg:$0xe] =	wrdreg s8;
	s0 =	sadd.s32 $0x24900, s0  }
0x1b: {  	s8 =	simm.s32 $0x480;
	[dreg:$0xf] =	wrdreg s0;
	s0 =	sshrl.u32 @p1 s7, $0x3  }
0x1c: {  	s7 =	simm.s32 $0x600;
	[dreg:$0x11] =	wrdreg s0;
	s0 =	sshrl.u32 @!p1 s5, $0x3  }
0x1d: {  	v0 =	vimm.f32 $0.0e+00;
	s5 =	simm.s32 $0xD80;
	[dreg:$0x12] =	wrdreg s0;
	s0 =	simm.s32 $0x0  }
.LBB2_6:
0x1e: {  	[sflag:s28] =	ssyncadd.s32 $0xFFFFC000  }
.LBB2_8:
0x1f: {  	[bflag:$0x0] =	sbarrier.arrive $0xFFFF  }
0x20: {  	s13 =	rddreg [dreg:$0xf]  }
0x21: {  	s11 =	simm.s32 @p1 $0x1FC5;
	s14 =	rddreg [dreg:$0x11]  }
0x22: {  	[hbm:s13], [sflag:s11] =	dma.local @p1 [spmem:s14], $0x2800  }
0x23: {  	s11 =	simm.s32 @p1 $0x5  }
0x24: {  	s0 =	stileid.u32;
	_ =	swait.ge @p1 [sflag:s11], $0x2800  }
0x25: {  	s13 =	sshll.u32 @!p1 s0, $0x6;
	[sflag:s11] =	ssyncset.done @p1 $0x0;
	s14 =	rddreg [dreg:$0x12]  }
0x26: {  	[sflag:s11] =	ssyncadd.s32 @p1 $0xFFFFD800;
	s11 =	sor.u32 @!p1 $0x1C05, s13;
	s13 =	rddreg [dreg:$0xe]  }
0x27: {  	[hbm:s13], [sflag:s11] =	dma.local @!p1 [spmem:s14], $0x2700  }
0x28: {  	s11 =	simm.s32 @!p1 $0x5  }
0x29: {  	_ =	swait.ge @!p1 [sflag:s11], $0x2700  }
0x2a: {  	s13 =	rddreg [dreg:$0x13]  }
0x2b: {  	s14 =	rddreg [dreg:$0x10];
	s0 =	sadd.s32 $0x1, s13  }
0x2c: {  	p2 =	sne.s32 s0, s14  }
.Ltmp1:
0x2d: {  	_ = 	snop;
	(pc) =	sbr.rel @!p2 .LBB2_9-.Ltmp1, $3  }
0x2e: {  	_ =	sdelay $0x1  }
0x2f: {  	[sflag:s11] =	ssyncset.done @!p1 $0x0  }
0x30: {  	[sflag:s11] =	ssyncadd.s32 @!p1 $0xFFFFD900  }
.LBB2_1:
0x31: {  	[dreg:$0x13] =	wrdreg s0;
	s11 =	simm.s32 $0x0;
	s13 =	simm.s32 $0x200  }
.LBB2_2:
0x32: {  	p2 =	sne.s32 s13, $0xFE00;
	[tilespmem:s11+$0x1070] =	vst v0  }
0x33: {  	[tilespmem:s11+$0x1000] =	vst v0  }
0x34: {  	[tilespmem:s11+$0x1010] =	vst v0  }
.Ltmp2:
0x35: {  	[tilespmem:s11+$0x1020] =	vst v0;
	(pc) =	sbr.rel @p2 .LBB2_2-.Ltmp2, $4  }
0x36: {  	[tilespmem:s11+$0x1030] =	vst v0  }
0x37: {  	[tilespmem:s11+$0x1040] =	vst v0  }
0x38: {  	[tilespmem:s11+$0x1050] =	vst v0  }
0x39: {  	[tilespmem:s11+$0x1060] =	vst v0;
	s11 =	sshra.s32 s13, $0x2;
	s13 =	sadd.s32 $0x200, s13  }
0x3a: {  	[tilespmem:s11+$0x1070] =	vst v0  }
0x3b: {  	[tilespmem:s11+$0x1000] =	vst v0  }
0x3c: {  	[tilespmem:s11+$0x1010] =	vst v0  }
0x3d: {  	[tilespmem:s11+$0x1020] =	vst v0  }
0x3e: {  	[tilespmem:s11+$0x1030] =	vst v0  }
0x3f: {  	[tilespmem:s11+$0x1040] =	vst v0  }
0x40: {  	[tilespmem:s11+$0x1050] =	vst v0  }
0x41: {  	[tilespmem:s11+$0x1060] =	vst v0;
	s13 =	rddreg [dreg:$0x8]  }
0x42: {  	[spmem:s13] =	stream.linear.scatter [tilespmem:s16], [sflag:$0x5], $0x4000, $0x38;
	[tilespmem:$0x1CC00] =	vst v63  }
0x43: {  	_ =	swait.ge [sflag:s17], $0x4000  }
0x44: {  	[sflag:s17] =	ssyncset.done $0x0  }
0x45: {  	s14 =	rddreg [dreg:$0x9];
	[sflag:s17] =	ssyncadd.s32 $0xFFFFC000  }
0x46: {  	[spmem:s14] =	stream.linear.scatter [tilespmem:s16], [sflag:$0x5], $0x4000, $0x38;
	[tilespmem:$0x1CC00] =	vst v63  }
0x47: {  	_ =	swait.ge [sflag:s17], $0x4000  }
0x48: {  	[sflag:s17] =	ssyncset.done $0x0  }
0x49: {  	s0 =	rddreg [dreg:$0xa];
	[sflag:s17] =	ssyncadd.s32 $0xFFFFC000  }
0x4a: {  	[spmem:s0] =	stream.linear.scatter [tilespmem:s16], [sflag:$0x5], $0x4000, $0x38;
	[tilespmem:$0x1CC00] =	vst v63  }
0x4b: {  	_ =	swait.ge [sflag:s17], $0x4000  }
0x4c: {  	[sflag:s17] =	ssyncset.done $0x0  }
0x4d: {  	s13 =	rddreg [dreg:$0xb];
	[sflag:s17] =	ssyncadd.s32 $0xFFFFC000  }
0x4e: {  	[spmem:s13] =	stream.linear.scatter [tilespmem:s16], [sflag:$0x5], $0x4000, $0x38;
	[tilespmem:$0x1CC00] =	vst v63  }
0x4f: {  	_ =	swait.ge [sflag:s17], $0x4000  }
0x50: {  	[sflag:s17] =	ssyncset.done $0x0  }
0x51: {  	s14 =	rddreg [dreg:$0xc];
	[sflag:s17] =	ssyncadd.s32 $0xFFFFC000  }
0x52: {  	[spmem:s14] =	stream.linear.scatter [tilespmem:s16], [sflag:$0x5], $0x3C00, $0x38;
	[tilespmem:$0x1CC00] =	vst v63  }
.Ltmp3:
0x53: {  	_ =	swait.ge [sflag:s17], $0x3C00;
	(pc) =	sbr.rel @!p0 .LBB2_4-.Ltmp3, $4  }
0x54: {  	[sflag:s17] =	ssyncset.done $0x0  }
0x55: {  	[sflag:s17] =	ssyncadd.s32 $0xFFFFC400  }
0x56: {  	s11 =	simm.s32 $0x0;
	[bflag:$0x0] =	sbarrier.arrive $0xFFFF  }
0x57: {  	p2 =	por $0x1, $0x1;
	s0 =	simm.s32 $0xF80;
	s14 =	rddreg [dreg:$0xd]  }
.LBB2_7:
0x58: {  	s11 =	sor.u32 s14, s11;
	s13 =	rddreg [dreg:$0x6]  }
0x59: {  	s13 =	sadd.s32 s13, s11  }
0x5a: {  	[tilespmem:s3], [sflag:$0x5] =	stream.linear.gather [hbm4b:s13+s3], $0x800, $0x38;
	[tilespmem:$0x1CC00] =	vst v63  }
0x5b: {  	_ =	swait.ge [sflag:s17], $0x800  }
0x5c: {  	[sflag:s17] =	ssyncset.done $0x0;
	s13 =	rddreg [dreg:$0x7]  }
0x5d: {  	[sflag:s17] =	ssyncadd.s32 $0xFFFFF800;
	s11 =	sadd.s32 s13, s11  }
0x5e: {  	[tilespmem:s18], [sflag:$0x5] =	stream.linear.gather [hbm4b:s11+s3], $0x800, $0x38;
	[tilespmem:$0x1CC00] =	vst v63  }
0x5f: {  	_ =	swait.ge [sflag:s17], $0x800  }
0x60: {  	[sflag:s17] =	ssyncset.done $0x0  }
0x61: {  	[sflag:s17] =	ssyncadd.s32 $0xFFFFF800  }
0x62: {  	[tilespmem:s16], [sflag:$0x1] =	stream.indirect.gather [hbm4b:s4+s19], $0x80, s3, s19, $0xb8;
	[tilespmem:$0x1CC00] =	vst v63  }
0x63: {  	_ = 	snop  }
0x64: {  	[tilespmem:s20], [sflag:$0x2] =	stream.indirect.gather [hbm4b:s4+s19], $0x80, s19, s19, $0xb8;
	[tilespmem:$0x1CC00] =	vst v63  }
0x65: {  	_ =	swait.ge [sflag:s21], $0x4000  }
0x66: {  	[sflag:s21] =	ssyncset.done $0x0  }
0x67: {  	[sflag:s21] =	ssyncadd.s32 $0xFFFFC000  }
0x68: {  	[spmem:s1] =	stream.indirect.scatter.add.f32 [tilespmem:s16], [sflag:$0x3], $0x80, s18, s19, $0xb8;
	[tilespmem:$0x1CC00] =	vst v63  }
0x69: {  	_ =	swait.ge [sflag:s22], $0x4000  }
0x6a: {  	[sflag:s22] =	ssyncset.done $0x0  }
0x6b: {  	s11 =	simm.s32 $0x100;
	[sflag:s22] =	ssyncadd.s32 $0xFFFFC000  }
0x6c: {  	[tilespmem:s16], [sflag:$0x1] =	stream.indirect.gather [hbm4b:s4+s19], $0x80, s11, s19, $0xb8;
	[tilespmem:$0x1CC00] =	vst v63  }
0x6d: {  	_ =	swait.ge [sflag:s23], $0x4000  }
0x6e: {  	[sflag:s23] =	ssyncset.done $0x0  }
0x6f: {  	s13 =	simm.s32 $0x880;
	[sflag:s23] =	ssyncadd.s32 $0xFFFFC000  }
0x70: {  	[spmem:s1] =	stream.indirect.scatter.add.f32 [tilespmem:s20], [sflag:$0x4], $0x80, s13, s19, $0xb8;
	[tilespmem:$0x1CC00] =	vst v63  }
0x71: {  	_ =	swait.ge [sflag:s28], $0x4000  }
0x72: {  	[sflag:s28] =	ssyncset.done $0x0  }
0x73: {  	s13 =	simm.s32 $0x180;
	[sflag:s28] =	ssyncadd.s32 $0xFFFFC000  }
0x74: {  	[tilespmem:s20], [sflag:$0x2] =	stream.indirect.gather [hbm4b:s4+s19], $0x80, s13, s19, $0xb8;
	[tilespmem:$0x1CC00] =	vst v63  }
0x75: {  	_ =	swait.ge [sflag:s21], $0x4000  }
0x76: {  	[sflag:s21] =	ssyncset.done $0x0  }
0x77: {  	s13 =	simm.s32 $0x900;
	[sflag:s21] =	ssyncadd.s32 $0xFFFFC000  }
0x78: {  	[spmem:s1] =	stream.indirect.scatter.add.f32 [tilespmem:s16], [sflag:$0x3], $0x80, s13, s19, $0xb8;
	[tilespmem:$0x1CC00] =	vst v63  }
0x79: {  	_ =	swait.ge [sflag:s22], $0x4000  }
0x7a: {  	[sflag:s22] =	ssyncset.done $0x0  }
0x7b: {  	s13 =	simm.s32 $0x200;
	[sflag:s22] =	ssyncadd.s32 $0xFFFFC000  }
0x7c: {  	[tilespmem:s16], [sflag:$0x1] =	stream.indirect.gather [hbm4b:s4+s19], $0x80, s13, s19, $0xb8;
	[tilespmem:$0x1CC00] =	vst v63  }
0x7d: {  	_ =	swait.ge [sflag:s23], $0x4000  }
0x7e: {  	[sflag:s23] =	ssyncset.done $0x0  }
0x7f: {  	s13 =	simm.s32 $0x980;
	[sflag:s23] =	ssyncadd.s32 $0xFFFFC000  }
0x80: {  	[spmem:s1] =	stream.indirect.scatter.add.f32 [tilespmem:s20], [sflag:$0x4], $0x80, s13, s19, $0xb8;
	[tilespmem:$0x1CC00] =	vst v63  }
0x81: {  	_ =	swait.ge [sflag:s28], $0x4000  }
0x82: {  	[sflag:s28] =	ssyncset.done $0x0  }
0x83: {  	s13 =	simm.s32 $0x280;
	[sflag:s28] =	ssyncadd.s32 $0xFFFFC000  }
0x84: {  	[tilespmem:s20], [sflag:$0x2] =	stream.indirect.gather [hbm4b:s4+s19], $0x80, s13, s19, $0xb8;
	[tilespmem:$0x1CC00] =	vst v63  }
0x85: {  	_ =	swait.ge [sflag:s21], $0x4000  }
0x86: {  	[sflag:s21] =	ssyncset.done $0x0  }
0x87: {  	s13 =	simm.s32 $0xA00;
	[sflag:s21] =	ssyncadd.s32 $0xFFFFC000  }
0x88: {  	[spmem:s1] =	stream.indirect.scatter.add.f32 [tilespmem:s16], [sflag:$0x3], $0x80, s13, s19, $0xb8;
	[tilespmem:$0x1CC00] =	vst v63  }
0x89: {  	_ =	swait.ge [sflag:s22], $0x4000  }
0x8a: {  	[sflag:s22] =	ssyncset.done $0x0  }
0x8b: {  	s13 =	simm.s32 $0x300;
	[sflag:s22] =	ssyncadd.s32 $0xFFFFC000  }
0x8c: {  	[tilespmem:s16], [sflag:$0x1] =	stream.indirect.gather [hbm4b:s4+s19], $0x80, s13, s19, $0xb8;
	[tilespmem:$0x1CC00] =	vst v63  }
0x8d: {  	_ =	swait.ge [sflag:s23], $0x4000  }
0x8e: {  	[sflag:s23] =	ssyncset.done $0x0  }
0x8f: {  	s13 =	simm.s32 $0xA80;
	[sflag:s23] =	ssyncadd.s32 $0xFFFFC000  }
0x90: {  	[spmem:s1] =	stream.indirect.scatter.add.f32 [tilespmem:s20], [sflag:$0x4], $0x80, s13, s19, $0xb8;
	[tilespmem:$0x1CC00] =	vst v63  }
0x91: {  	_ =	swait.ge [sflag:s28], $0x4000  }
0x92: {  	[sflag:s28] =	ssyncset.done $0x0  }
0x93: {  	s13 =	simm.s32 $0x380;
	[sflag:s28] =	ssyncadd.s32 $0xFFFFC000  }
0x94: {  	[tilespmem:s20], [sflag:$0x2] =	stream.indirect.gather [hbm4b:s4+s19], $0x80, s13, s19, $0xb8;
	[tilespmem:$0x1CC00] =	vst v63  }
0x95: {  	_ =	swait.ge [sflag:s21], $0x4000  }
0x96: {  	[sflag:s21] =	ssyncset.done $0x0  }
0x97: {  	s13 =	simm.s32 $0xB00;
	[sflag:s21] =	ssyncadd.s32 $0xFFFFC000  }
0x98: {  	[spmem:s1] =	stream.indirect.scatter.add.f32 [tilespmem:s16], [sflag:$0x3], $0x80, s13, s19, $0xb8;
	[tilespmem:$0x1CC00] =	vst v63  }
0x99: {  	_ =	swait.ge [sflag:s22], $0x4000  }
0x9a: {  	[sflag:s22] =	ssyncset.done $0x0  }
0x9b: {  	s13 =	simm.s32 $0x400;
	[sflag:s22] =	ssyncadd.s32 $0xFFFFC000  }
0x9c: {  	[tilespmem:s16], [sflag:$0x1] =	stream.indirect.gather [hbm4b:s4+s19], $0x80, s13, s19, $0xb8;
	[tilespmem:$0x1CC00] =	vst v63  }
0x9d: {  	_ =	swait.ge [sflag:s23], $0x4000  }
0x9e: {  	[sflag:s23] =	ssyncset.done $0x0  }
0x9f: {  	[sflag:s23] =	ssyncadd.s32 $0xFFFFC000  }
0xa0: {  	[spmem:s1] =	stream.indirect.scatter.add.f32 [tilespmem:s20], [sflag:$0x4], $0x80, s2, s19, $0xb8;
	[tilespmem:$0x1CC00] =	vst v63  }
0xa1: {  	_ =	swait.ge [sflag:s28], $0x4000  }
0xa2: {  	[sflag:s28] =	ssyncset.done $0x0  }
0xa3: {  	[sflag:s28] =	ssyncadd.s32 $0xFFFFC000  }
0xa4: {  	[tilespmem:s20], [sflag:$0x2] =	stream.indirect.gather [hbm4b:s4+s19], $0x80, s8, s19, $0xb8;
	[tilespmem:$0x1CC00] =	vst v63  }
0xa5: {  	_ =	swait.ge [sflag:s21], $0x4000  }
0xa6: {  	[sflag:s21] =	ssyncset.done $0x0  }
0xa7: {  	[sflag:s21] =	ssyncadd.s32 $0xFFFFC000  }
0xa8: {  	[spmem:s1] =	stream.indirect.scatter.add.f32 [tilespmem:s16], [sflag:$0x3], $0x80, s9, s19, $0xb8;
	[tilespmem:$0x1CC00] =	vst v63  }
0xa9: {  	_ =	swait.ge [sflag:s22], $0x4000  }
0xaa: {  	[sflag:s22] =	ssyncset.done $0x0  }
0xab: {  	[sflag:s22] =	ssyncadd.s32 $0xFFFFC000  }
0xac: {  	[tilespmem:s16], [sflag:$0x1] =	stream.indirect.gather [hbm4b:s4+s19], $0x80, s10, s19, $0xb8;
	[tilespmem:$0x1CC00] =	vst v63  }
0xad: {  	_ =	swait.ge [sflag:s23], $0x4000  }
0xae: {  	[sflag:s23] =	ssyncset.done $0x0  }
0xaf: {  	[sflag:s23] =	ssyncadd.s32 $0xFFFFC000  }
0xb0: {  	[spmem:s1] =	stream.indirect.scatter.add.f32 [tilespmem:s20], [sflag:$0x4], $0x80, s15, s19, $0xb8;
	[tilespmem:$0x1CC00] =	vst v63  }
0xb1: {  	_ =	swait.ge [sflag:s28], $0x4000  }
0xb2: {  	[sflag:s28] =	ssyncset.done $0x0  }
0xb3: {  	[sflag:s28] =	ssyncadd.s32 $0xFFFFC000  }
0xb4: {  	[tilespmem:s20], [sflag:$0x2] =	stream.indirect.gather [hbm4b:s4+s19], $0x80, s24, s19, $0xb8;
	[tilespmem:$0x1CC00] =	vst v63  }
0xb5: {  	_ =	swait.ge [sflag:s21], $0x4000  }
0xb6: {  	[sflag:s21] =	ssyncset.done $0x0  }
0xb7: {  	[sflag:s21] =	ssyncadd.s32 $0xFFFFC000  }
0xb8: {  	[spmem:s1] =	stream.indirect.scatter.add.f32 [tilespmem:s16], [sflag:$0x3], $0x80, s25, s19, $0xb8;
	[tilespmem:$0x1CC00] =	vst v63  }
0xb9: {  	_ =	swait.ge [sflag:s22], $0x4000  }
0xba: {  	[sflag:s22] =	ssyncset.done $0x0  }
0xbb: {  	[sflag:s22] =	ssyncadd.s32 $0xFFFFC000  }
0xbc: {  	[tilespmem:s16], [sflag:$0x1] =	stream.indirect.gather [hbm4b:s4+s19], $0x80, s7, s19, $0xb8;
	[tilespmem:$0x1CC00] =	vst v63  }
0xbd: {  	_ =	swait.ge [sflag:s23], $0x4000  }
0xbe: {  	[sflag:s23] =	ssyncset.done $0x0  }
0xbf: {  	[sflag:s23] =	ssyncadd.s32 $0xFFFFC000  }
0xc0: {  	[spmem:s1] =	stream.indirect.scatter.add.f32 [tilespmem:s20], [sflag:$0x4], $0x80, s5, s19, $0xb8;
	[tilespmem:$0x1CC00] =	vst v63  }
0xc1: {  	_ =	swait.ge [sflag:s28], $0x4000  }
0xc2: {  	[sflag:s28] =	ssyncset.done $0x0  }
0xc3: {  	[sflag:s28] =	ssyncadd.s32 $0xFFFFC000  }
0xc4: {  	[tilespmem:s20], [sflag:$0x2] =	stream.indirect.gather [hbm4b:s4+s19], $0x80, s6, s19, $0xb8;
	[tilespmem:$0x1CC00] =	vst v63  }
0xc5: {  	_ =	swait.ge [sflag:s21], $0x4000  }
0xc6: {  	[sflag:s21] =	ssyncset.done $0x0  }
0xc7: {  	[sflag:s21] =	ssyncadd.s32 $0xFFFFC000  }
0xc8: {  	[spmem:s1] =	stream.indirect.scatter.add.f32 [tilespmem:s16], [sflag:$0x3], $0x80, s12, s19, $0xb8;
	[tilespmem:$0x1CC00] =	vst v63  }
0xc9: {  	_ =	swait.ge [sflag:s22], $0x4000  }
0xca: {  	[sflag:s22] =	ssyncset.done $0x0  }
0xcb: {  	[sflag:s22] =	ssyncadd.s32 $0xFFFFC000  }
0xcc: {  	[tilespmem:s16], [sflag:$0x1] =	stream.indirect.gather [hbm4b:s4+s19], $0x80, s26, s19, $0xb8;
	[tilespmem:$0x1CC00] =	vst v63  }
0xcd: {  	_ =	swait.ge [sflag:s23], $0x4000  }
0xce: {  	[sflag:s23] =	ssyncset.done $0x0  }
0xcf: {  	[sflag:s23] =	ssyncadd.s32 $0xFFFFC000  }
0xd0: {  	[spmem:s1] =	stream.indirect.scatter.add.f32 [tilespmem:s20], [sflag:$0x4], $0x80, s29, s19, $0xb8;
	[tilespmem:$0x1CC00] =	vst v63  }
0xd1: {  	_ =	swait.ge [sflag:s28], $0x4000  }
0xd2: {  	[sflag:s28] =	ssyncset.done $0x0  }
0xd3: {  	[sflag:s28] =	ssyncadd.s32 $0xFFFFC000  }
0xd4: {  	[tilespmem:s20], [sflag:$0x2] =	stream.indirect.gather [hbm4b:s4+s19], $0x80, s30, s19, $0xb8;
	[tilespmem:$0x1CC00] =	vst v63  }
0xd5: {  	_ =	swait.ge [sflag:s21], $0x4000  }
0xd6: {  	[sflag:s21] =	ssyncset.done $0x0  }
0xd7: {  	[sflag:s21] =	ssyncadd.s32 $0xFFFFC000  }
0xd8: {  	[spmem:s1] =	stream.indirect.scatter.add.f32 [tilespmem:s16], [sflag:$0x3], $0x80, s31, s19, $0xb8;
	[tilespmem:$0x1CC00] =	vst v63  }
0xd9: {  	_ =	swait.ge [sflag:s23], $0x4000  }
0xda: {  	[sflag:s23] =	ssyncset.done $0x0  }
0xdb: {  	[sflag:s23] =	ssyncadd.s32 $0xFFFFC000  }
0xdc: {  	[spmem:s1] =	stream.indirect.scatter.add.f32 [tilespmem:s20], [sflag:$0x4], $0x80, s0, s19, $0xb8;
	[tilespmem:$0x1CC00] =	vst v63  }
0xdd: {  	p3 =	por p2, p2;
	_ =	swait.ge [sflag:s22], $0x4000  }
.Ltmp4:
0xde: {  	[sflag:s22] =	ssyncset.done $0x0;
	(pc) =	sbr.rel @p3 .LBB2_7-.Ltmp4, $4  }
0xdf: {  	[sflag:s22] =	ssyncadd.s32 $0xFFFFC000  }
0xe0: {  	_ =	swait.ge [sflag:s28], $0x4000  }
0xe1: {  	[sflag:s28] =	ssyncset.done $0x0  }
0xe2: {  	p2 =	por $0x0, $0x0;
	[sflag:s28] =	ssyncadd.s32 $0xFFFFC000  }
.Ltmp5:
0xe3: {  	_ = 	snop;
	(pc) =	sbr.rel .LBB2_8-.Ltmp5, $1  }
0xe4: {  	_ =	sdelay $0x3  }
.LBB2_4:
0xe5: {  	s11 =	rddreg [dreg:$0x4]  }
0xe6: {  	s11 =	sadd.s32 $0x0, s11  }
0xe7: {  	[tilespmem:s3], [sflag:$0x5] =	stream.linear.gather [hbm4b:s11+s3], $0x800, $0x38;
	[tilespmem:$0x1CC00] =	vst v63  }
0xe8: {  	_ =	swait.ge [sflag:s17], $0x800  }
0xe9: {  	s13 =	rddreg [dreg:$0x3];
	[sflag:s17] =	ssyncset.done $0x0  }
0xea: {  	[sflag:s17] =	ssyncadd.s32 $0xFFFFF800;
	s11 =	sadd.s32 $0x0, s13  }
0xeb: {  	[tilespmem:s18], [sflag:$0x5] =	stream.linear.gather [hbm4b:s11+s3], $0x800, $0x38;
	[tilespmem:$0x1CC00] =	vst v63  }
0xec: {  	_ =	swait.ge [sflag:s17], $0x800  }
0xed: {  	[sflag:s17] =	ssyncset.done $0x0  }
0xee: {  	[sflag:s17] =	ssyncadd.s32 $0xFFFFF800  }
0xef: {  	[tilespmem:s16], [sflag:$0x1] =	stream.indirect.gather [hbm4b:s4+s19], $0x80, s3, s19, $0xb8;
	[tilespmem:$0x1CC00] =	vst v63  }
0xf0: {  	_ = 	snop  }
0xf1: {  	[tilespmem:s20], [sflag:$0x2] =	stream.indirect.gather [hbm4b:s4+s19], $0x80, s19, s19, $0xb8;
	[tilespmem:$0x1CC00] =	vst v63  }
0xf2: {  	_ =	swait.ge [sflag:s21], $0x4000  }
0xf3: {  	[sflag:s21] =	ssyncset.done $0x0  }
0xf4: {  	[sflag:s21] =	ssyncadd.s32 $0xFFFFC000  }
0xf5: {  	[spmem:s1] =	stream.indirect.scatter.add.f32 [tilespmem:s16], [sflag:$0x3], $0x80, s18, s19, $0xb8;
	[tilespmem:$0x1CC00] =	vst v63  }
0xf6: {  	_ =	swait.ge [sflag:s22], $0x4000  }
0xf7: {  	[sflag:s22] =	ssyncset.done $0x0  }
0xf8: {  	s14 =	rddreg [dreg:$0x5];
	[sflag:s22] =	ssyncadd.s32 $0xFFFFC000  }
0xf9: {  	[tilespmem:s16], [sflag:$0x1] =	stream.indirect.gather [hbm4b:s4+s19], $0x80, s14, s19, $0xb8;
	[tilespmem:$0x1CC00] =	vst v63  }
0xfa: {  	_ =	swait.ge [sflag:s23], $0x4000  }
0xfb: {  	[sflag:s23] =	ssyncset.done $0x0  }
0xfc: {  	s13 =	simm.s32 $0x880;
	[sflag:s23] =	ssyncadd.s32 $0xFFFFC000  }
0xfd: {  	[spmem:s1] =	stream.indirect.scatter.add.f32 [tilespmem:s20], [sflag:$0x4], $0x80, s13, s19, $0xb8;
	[tilespmem:$0x1CC00] =	vst v63  }
0xfe: {  	_ =	swait.ge [sflag:s28], $0x4000  }
0xff: {  	[sflag:s28] =	ssyncset.done $0x0  }
0x100: {  	s14 =	simm.s32 $0x180;
	[sflag:s28] =	ssyncadd.s32 $0xFFFFC000  }
0x101: {  	[tilespmem:s20], [sflag:$0x2] =	stream.indirect.gather [hbm4b:s4+s19], $0x80, s14, s19, $0xb8;
	[tilespmem:$0x1CC00] =	vst v63  }
0x102: {  	_ =	swait.ge [sflag:s21], $0x4000  }
0x103: {  	[sflag:s21] =	ssyncset.done $0x0  }
0x104: {  	s13 =	simm.s32 $0x900;
	[sflag:s21] =	ssyncadd.s32 $0xFFFFC000  }
0x105: {  	[spmem:s1] =	stream.indirect.scatter.add.f32 [tilespmem:s16], [sflag:$0x3], $0x80, s13, s19, $0xb8;
	[tilespmem:$0x1CC00] =	vst v63  }
0x106: {  	_ =	swait.ge [sflag:s22], $0x4000  }
0x107: {  	[sflag:s22] =	ssyncset.done $0x0  }
0x108: {  	s14 =	simm.s32 $0x200;
	[sflag:s22] =	ssyncadd.s32 $0xFFFFC000  }
0x109: {  	[tilespmem:s16], [sflag:$0x1] =	stream.indirect.gather [hbm4b:s4+s19], $0x80, s14, s19, $0xb8;
	[tilespmem:$0x1CC00] =	vst v63  }
0x10a: {  	_ =	swait.ge [sflag:s23], $0x4000  }
0x10b: {  	[sflag:s23] =	ssyncset.done $0x0  }
0x10c: {  	s13 =	simm.s32 $0x980;
	[sflag:s23] =	ssyncadd.s32 $0xFFFFC000  }
0x10d: {  	[spmem:s1] =	stream.indirect.scatter.add.f32 [tilespmem:s20], [sflag:$0x4], $0x80, s13, s19, $0xb8;
	[tilespmem:$0x1CC00] =	vst v63  }
0x10e: {  	_ =	swait.ge [sflag:s28], $0x4000  }
0x10f: {  	[sflag:s28] =	ssyncset.done $0x0  }
0x110: {  	s14 =	simm.s32 $0x280;
	[sflag:s28] =	ssyncadd.s32 $0xFFFFC000  }
0x111: {  	[tilespmem:s20], [sflag:$0x2] =	stream.indirect.gather [hbm4b:s4+s19], $0x80, s14, s19, $0xb8;
	[tilespmem:$0x1CC00] =	vst v63  }
0x112: {  	_ =	swait.ge [sflag:s21], $0x4000  }
0x113: {  	[sflag:s21] =	ssyncset.done $0x0  }
0x114: {  	s13 =	simm.s32 $0xA00;
	[sflag:s21] =	ssyncadd.s32 $0xFFFFC000  }
0x115: {  	[spmem:s1] =	stream.indirect.scatter.add.f32 [tilespmem:s16], [sflag:$0x3], $0x80, s13, s19, $0xb8;
	[tilespmem:$0x1CC00] =	vst v63  }
0x116: {  	_ =	swait.ge [sflag:s22], $0x4000  }
0x117: {  	[sflag:s22] =	ssyncset.done $0x0  }
0x118: {  	s14 =	simm.s32 $0x300;
	[sflag:s22] =	ssyncadd.s32 $0xFFFFC000  }
0x119: {  	[tilespmem:s16], [sflag:$0x1] =	stream.indirect.gather [hbm4b:s4+s19], $0x80, s14, s19, $0xb8;
	[tilespmem:$0x1CC00] =	vst v63  }
0x11a: {  	_ =	swait.ge [sflag:s23], $0x4000  }
0x11b: {  	[sflag:s23] =	ssyncset.done $0x0  }
0x11c: {  	s13 =	simm.s32 $0xA80;
	[sflag:s23] =	ssyncadd.s32 $0xFFFFC000  }
0x11d: {  	[spmem:s1] =	stream.indirect.scatter.add.f32 [tilespmem:s20], [sflag:$0x4], $0x80, s13, s19, $0xb8;
	[tilespmem:$0x1CC00] =	vst v63  }
0x11e: {  	_ =	swait.ge [sflag:s28], $0x4000  }
0x11f: {  	[sflag:s28] =	ssyncset.done $0x0  }
0x120: {  	s14 =	simm.s32 $0x380;
	[sflag:s28] =	ssyncadd.s32 $0xFFFFC000  }
0x121: {  	[tilespmem:s20], [sflag:$0x2] =	stream.indirect.gather [hbm4b:s4+s19], $0x80, s14, s19, $0xb8;
	[tilespmem:$0x1CC00] =	vst v63  }
0x122: {  	_ =	swait.ge [sflag:s21], $0x4000  }
0x123: {  	[sflag:s21] =	ssyncset.done $0x0  }
0x124: {  	s13 =	simm.s32 $0xB00;
	[sflag:s21] =	ssyncadd.s32 $0xFFFFC000  }
0x125: {  	[spmem:s1] =	stream.indirect.scatter.add.f32 [tilespmem:s16], [sflag:$0x3], $0x80, s13, s19, $0xb8;
	[tilespmem:$0x1CC00] =	vst v63  }
0x126: {  	_ =	swait.ge [sflag:s22], $0x4000  }
0x127: {  	[sflag:s22] =	ssyncset.done $0x0  }
0x128: {  	s14 =	simm.s32 $0x400;
	[sflag:s22] =	ssyncadd.s32 $0xFFFFC000  }
0x129: {  	[tilespmem:s16], [sflag:$0x1] =	stream.indirect.gather [hbm4b:s4+s19], $0x80, s14, s19, $0xb8;
	[tilespmem:$0x1CC00] =	vst v63  }
0x12a: {  	_ =	swait.ge [sflag:s23], $0x4000  }
0x12b: {  	[sflag:s23] =	ssyncset.done $0x0  }
0x12c: {  	[sflag:s23] =	ssyncadd.s32 $0xFFFFC000  }
0x12d: {  	[spmem:s1] =	stream.indirect.scatter.add.f32 [tilespmem:s20], [sflag:$0x4], $0x80, s2, s19, $0xb8;
	[tilespmem:$0x1CC00] =	vst v63  }
0x12e: {  	_ =	swait.ge [sflag:s28], $0x4000  }
0x12f: {  	[sflag:s28] =	ssyncset.done $0x0  }
0x130: {  	[sflag:s28] =	ssyncadd.s32 $0xFFFFC000  }
0x131: {  	[tilespmem:s20], [sflag:$0x2] =	stream.indirect.gather [hbm4b:s4+s19], $0x80, s8, s19, $0xb8;
	[tilespmem:$0x1CC00] =	vst v63  }
0x132: {  	_ =	swait.ge [sflag:s21], $0x4000  }
0x133: {  	[sflag:s21] =	ssyncset.done $0x0  }
0x134: {  	[sflag:s21] =	ssyncadd.s32 $0xFFFFC000  }
0x135: {  	[spmem:s1] =	stream.indirect.scatter.add.f32 [tilespmem:s16], [sflag:$0x3], $0x80, s9, s19, $0xb8;
	[tilespmem:$0x1CC00] =	vst v63  }
0x136: {  	_ =	swait.ge [sflag:s22], $0x4000  }
0x137: {  	[sflag:s22] =	ssyncset.done $0x0  }
0x138: {  	[sflag:s22] =	ssyncadd.s32 $0xFFFFC000  }
0x139: {  	[tilespmem:s16], [sflag:$0x1] =	stream.indirect.gather [hbm4b:s4+s19], $0x80, s10, s19, $0xb8;
	[tilespmem:$0x1CC00] =	vst v63  }
0x13a: {  	_ =	swait.ge [sflag:s23], $0x4000  }
0x13b: {  	[sflag:s23] =	ssyncset.done $0x0  }
0x13c: {  	[sflag:s23] =	ssyncadd.s32 $0xFFFFC000  }
0x13d: {  	[spmem:s1] =	stream.indirect.scatter.add.f32 [tilespmem:s20], [sflag:$0x4], $0x80, s15, s19, $0xb8;
	[tilespmem:$0x1CC00] =	vst v63  }
0x13e: {  	_ =	swait.ge [sflag:s28], $0x4000  }
0x13f: {  	[sflag:s28] =	ssyncset.done $0x0  }
0x140: {  	[sflag:s28] =	ssyncadd.s32 $0xFFFFC000  }
0x141: {  	[tilespmem:s20], [sflag:$0x2] =	stream.indirect.gather [hbm4b:s4+s19], $0x80, s24, s19, $0xb8;
	[tilespmem:$0x1CC00] =	vst v63  }
0x142: {  	_ =	swait.ge [sflag:s21], $0x4000  }
0x143: {  	[sflag:s21] =	ssyncset.done $0x0  }
0x144: {  	[sflag:s21] =	ssyncadd.s32 $0xFFFFC000  }
0x145: {  	[spmem:s1] =	stream.indirect.scatter.add.f32 [tilespmem:s16], [sflag:$0x3], $0x80, s25, s19, $0xb8;
	[tilespmem:$0x1CC00] =	vst v63  }
0x146: {  	_ =	swait.ge [sflag:s22], $0x4000  }
0x147: {  	[sflag:s22] =	ssyncset.done $0x0  }
0x148: {  	[sflag:s22] =	ssyncadd.s32 $0xFFFFC000  }
0x149: {  	[tilespmem:s16], [sflag:$0x1] =	stream.indirect.gather [hbm4b:s4+s19], $0x80, s7, s19, $0xb8;
	[tilespmem:$0x1CC00] =	vst v63  }
0x14a: {  	_ =	swait.ge [sflag:s23], $0x4000  }
0x14b: {  	[sflag:s23] =	ssyncset.done $0x0  }
0x14c: {  	[sflag:s23] =	ssyncadd.s32 $0xFFFFC000  }
0x14d: {  	[spmem:s1] =	stream.indirect.scatter.add.f32 [tilespmem:s20], [sflag:$0x4], $0x80, s5, s19, $0xb8;
	[tilespmem:$0x1CC00] =	vst v63  }
0x14e: {  	_ =	swait.ge [sflag:s28], $0x4000  }
0x14f: {  	[sflag:s28] =	ssyncset.done $0x0  }
0x150: {  	[sflag:s28] =	ssyncadd.s32 $0xFFFFC000  }
0x151: {  	[tilespmem:s20], [sflag:$0x2] =	stream.indirect.gather [hbm4b:s4+s19], $0x80, s6, s19, $0xb8;
	[tilespmem:$0x1CC00] =	vst v63  }
0x152: {  	_ =	swait.ge [sflag:s21], $0x4000  }
0x153: {  	[sflag:s21] =	ssyncset.done $0x0  }
0x154: {  	[sflag:s21] =	ssyncadd.s32 $0xFFFFC000  }
0x155: {  	[spmem:s1] =	stream.indirect.scatter.add.f32 [tilespmem:s16], [sflag:$0x3], $0x80, s12, s19, $0xb8;
	[tilespmem:$0x1CC00] =	vst v63  }
0x156: {  	_ =	swait.ge [sflag:s22], $0x4000  }
0x157: {  	[sflag:s22] =	ssyncset.done $0x0  }
0x158: {  	[sflag:s22] =	ssyncadd.s32 $0xFFFFC000  }
0x159: {  	[tilespmem:s16], [sflag:$0x1] =	stream.indirect.gather [hbm4b:s4+s19], $0x80, s26, s19, $0xb8;
	[tilespmem:$0x1CC00] =	vst v63  }
0x15a: {  	_ =	swait.ge [sflag:s23], $0x4000  }
0x15b: {  	[sflag:s23] =	ssyncset.done $0x0  }
0x15c: {  	[sflag:s23] =	ssyncadd.s32 $0xFFFFC000  }
0x15d: {  	[spmem:s1] =	stream.indirect.scatter.add.f32 [tilespmem:s20], [sflag:$0x4], $0x80, s29, s19, $0xb8;
	[tilespmem:$0x1CC00] =	vst v63  }
0x15e: {  	_ =	swait.ge [sflag:s28], $0x4000  }
0x15f: {  	[sflag:s28] =	ssyncset.done $0x0  }
0x160: {  	[sflag:s28] =	ssyncadd.s32 $0xFFFFC000  }
0x161: {  	[tilespmem:s20], [sflag:$0x2] =	stream.indirect.gather [hbm4b:s4+s19], $0x80, s30, s19, $0xb8;
	[tilespmem:$0x1CC00] =	vst v63  }
0x162: {  	_ =	swait.ge [sflag:s21], $0x4000  }
0x163: {  	[sflag:s21] =	ssyncset.done $0x0  }
0x164: {  	[sflag:s21] =	ssyncadd.s32 $0xFFFFC000  }
0x165: {  	[spmem:s1] =	stream.indirect.scatter.add.f32 [tilespmem:s16], [sflag:$0x3], $0x80, s31, s19, $0xb8;
	[tilespmem:$0x1CC00] =	vst v63  }
0x166: {  	_ =	swait.ge [sflag:s23], $0x4000  }
0x167: {  	[sflag:s23] =	ssyncset.done $0x0  }
0x168: {  	[sflag:s23] =	ssyncadd.s32 $0xFFFFC000  }
0x169: {  	[spmem:s1] =	stream.indirect.scatter.add.f32 [tilespmem:s20], [sflag:$0x4], $0x80, s0, s19, $0xb8;
	[tilespmem:$0x1CC00] =	vst v63  }
0x16a: {  	_ =	swait.ge [sflag:s22], $0x4000  }
0x16b: {  	[sflag:s22] =	ssyncset.done $0x0  }
0x16c: {  	[sflag:s22] =	ssyncadd.s32 $0xFFFFC000  }
0x16d: {  	_ =	swait.ge [sflag:s28], $0x4000  }
0x16e: {  	s11 =	simm.s32 $0x100;
	[sflag:s28] =	ssyncset.done $0x0  }
.LBB2_5:
0x16f: {  	s13 =	rddreg [dreg:$0x4];
	s14 =	smov.u32 s11  }
0x170: {  	[sflag:s28] =	ssyncadd.s32 $0xFFFFC000;
	s13 =	sadd.s32 s14, s13  }
0x171: {  	[tilespmem:s3], [sflag:$0x5] =	stream.linear.gather [hbm4b:s13+s3], $0x800, $0x38;
	[tilespmem:$0x1CC00] =	vst v63  }
0x172: {  	_ =	swait.ge [sflag:s17], $0x800  }
0x173: {  	s13 =	rddreg [dreg:$0x3];
	[sflag:s17] =	ssyncset.done $0x0  }
0x174: {  	[sflag:s17] =	ssyncadd.s32 $0xFFFFF800;
	s13 =	sadd.s32 s14, s13  }
0x175: {  	[tilespmem:s18], [sflag:$0x5] =	stream.linear.gather [hbm4b:s13+s3], $0x800, $0x38;
	[tilespmem:$0x1CC00] =	vst v63  }
0x176: {  	_ =	swait.ge [sflag:s17], $0x800  }
0x177: {  	[sflag:s17] =	ssyncset.done $0x0  }
0x178: {  	[sflag:s17] =	ssyncadd.s32 $0xFFFFF800  }
0x179: {  	[tilespmem:s16], [sflag:$0x1] =	stream.indirect.gather [hbm4b:s4+s19], $0x80, s3, s19, $0xb8;
	[tilespmem:$0x1CC00] =	vst v63  }
0x17a: {  	_ = 	snop  }
0x17b: {  	[tilespmem:s20], [sflag:$0x2] =	stream.indirect.gather [hbm4b:s4+s19], $0x80, s19, s19, $0xb8;
	[tilespmem:$0x1CC00] =	vst v63  }
0x17c: {  	_ =	swait.ge [sflag:s21], $0x4000  }
0x17d: {  	[sflag:s21] =	ssyncset.done $0x0  }
0x17e: {  	[sflag:s21] =	ssyncadd.s32 $0xFFFFC000  }
0x17f: {  	[spmem:s1] =	stream.indirect.scatter.add.f32 [tilespmem:s16], [sflag:$0x3], $0x80, s18, s19, $0xb8;
	[tilespmem:$0x1CC00] =	vst v63  }
0x180: {  	_ =	swait.ge [sflag:s22], $0x4000  }
0x181: {  	[sflag:s22] =	ssyncset.done $0x0  }
0x182: {  	s14 =	rddreg [dreg:$0x5];
	[sflag:s22] =	ssyncadd.s32 $0xFFFFC000  }
0x183: {  	[tilespmem:s16], [sflag:$0x1] =	stream.indirect.gather [hbm4b:s4+s19], $0x80, s14, s19, $0xb8;
	[tilespmem:$0x1CC00] =	vst v63  }
0x184: {  	_ =	swait.ge [sflag:s23], $0x4000  }
0x185: {  	[sflag:s23] =	ssyncset.done $0x0  }
0x186: {  	s14 =	simm.s32 $0x880;
	[sflag:s23] =	ssyncadd.s32 $0xFFFFC000  }
0x187: {  	[spmem:s1] =	stream.indirect.scatter.add.f32 [tilespmem:s20], [sflag:$0x4], $0x80, s14, s19, $0xb8;
	[tilespmem:$0x1CC00] =	vst v63  }
0x188: {  	_ =	swait.ge [sflag:s28], $0x4000  }
0x189: {  	[sflag:s28] =	ssyncset.done $0x0  }
0x18a: {  	s14 =	simm.s32 $0x180;
	[sflag:s28] =	ssyncadd.s32 $0xFFFFC000  }
0x18b: {  	[tilespmem:s20], [sflag:$0x2] =	stream.indirect.gather [hbm4b:s4+s19], $0x80, s14, s19, $0xb8;
	[tilespmem:$0x1CC00] =	vst v63  }
0x18c: {  	_ =	swait.ge [sflag:s21], $0x4000  }
0x18d: {  	[sflag:s21] =	ssyncset.done $0x0  }
0x18e: {  	s14 =	simm.s32 $0x900;
	[sflag:s21] =	ssyncadd.s32 $0xFFFFC000  }
0x18f: {  	[spmem:s1] =	stream.indirect.scatter.add.f32 [tilespmem:s16], [sflag:$0x3], $0x80, s14, s19, $0xb8;
	[tilespmem:$0x1CC00] =	vst v63  }
0x190: {  	_ =	swait.ge [sflag:s22], $0x4000  }
0x191: {  	[sflag:s22] =	ssyncset.done $0x0  }
0x192: {  	s14 =	simm.s32 $0x200;
	[sflag:s22] =	ssyncadd.s32 $0xFFFFC000  }
0x193: {  	[tilespmem:s16], [sflag:$0x1] =	stream.indirect.gather [hbm4b:s4+s19], $0x80, s14, s19, $0xb8;
	[tilespmem:$0x1CC00] =	vst v63  }
0x194: {  	_ =	swait.ge [sflag:s23], $0x4000  }
0x195: {  	[sflag:s23] =	ssyncset.done $0x0  }
0x196: {  	s14 =	simm.s32 $0x980;
	[sflag:s23] =	ssyncadd.s32 $0xFFFFC000  }
0x197: {  	[spmem:s1] =	stream.indirect.scatter.add.f32 [tilespmem:s20], [sflag:$0x4], $0x80, s14, s19, $0xb8;
	[tilespmem:$0x1CC00] =	vst v63  }
0x198: {  	_ =	swait.ge [sflag:s28], $0x4000  }
0x199: {  	[sflag:s28] =	ssyncset.done $0x0  }
0x19a: {  	s14 =	simm.s32 $0x280;
	[sflag:s28] =	ssyncadd.s32 $0xFFFFC000  }
0x19b: {  	[tilespmem:s20], [sflag:$0x2] =	stream.indirect.gather [hbm4b:s4+s19], $0x80, s14, s19, $0xb8;
	[tilespmem:$0x1CC00] =	vst v63  }
0x19c: {  	_ =	swait.ge [sflag:s21], $0x4000  }
0x19d: {  	[sflag:s21] =	ssyncset.done $0x0  }
0x19e: {  	s14 =	simm.s32 $0xA00;
	[sflag:s21] =	ssyncadd.s32 $0xFFFFC000  }
0x19f: {  	[spmem:s1] =	stream.indirect.scatter.add.f32 [tilespmem:s16], [sflag:$0x3], $0x80, s14, s19, $0xb8;
	[tilespmem:$0x1CC00] =	vst v63  }
0x1a0: {  	_ =	swait.ge [sflag:s22], $0x4000  }
0x1a1: {  	[sflag:s22] =	ssyncset.done $0x0  }
0x1a2: {  	s14 =	simm.s32 $0x300;
	[sflag:s22] =	ssyncadd.s32 $0xFFFFC000  }
0x1a3: {  	[tilespmem:s16], [sflag:$0x1] =	stream.indirect.gather [hbm4b:s4+s19], $0x80, s14, s19, $0xb8;
	[tilespmem:$0x1CC00] =	vst v63  }
0x1a4: {  	_ =	swait.ge [sflag:s23], $0x4000  }
0x1a5: {  	[sflag:s23] =	ssyncset.done $0x0  }
0x1a6: {  	s14 =	simm.s32 $0xA80;
	[sflag:s23] =	ssyncadd.s32 $0xFFFFC000  }
0x1a7: {  	[spmem:s1] =	stream.indirect.scatter.add.f32 [tilespmem:s20], [sflag:$0x4], $0x80, s14, s19, $0xb8;
	[tilespmem:$0x1CC00] =	vst v63  }
0x1a8: {  	_ =	swait.ge [sflag:s28], $0x4000  }
0x1a9: {  	[sflag:s28] =	ssyncset.done $0x0  }
0x1aa: {  	s14 =	simm.s32 $0x380;
	[sflag:s28] =	ssyncadd.s32 $0xFFFFC000  }
0x1ab: {  	[tilespmem:s20], [sflag:$0x2] =	stream.indirect.gather [hbm4b:s4+s19], $0x80, s14, s19, $0xb8;
	[tilespmem:$0x1CC00] =	vst v63  }
0x1ac: {  	_ =	swait.ge [sflag:s21], $0x4000  }
0x1ad: {  	[sflag:s21] =	ssyncset.done $0x0  }
0x1ae: {  	s14 =	simm.s32 $0xB00;
	[sflag:s21] =	ssyncadd.s32 $0xFFFFC000  }
0x1af: {  	[spmem:s1] =	stream.indirect.scatter.add.f32 [tilespmem:s16], [sflag:$0x3], $0x80, s14, s19, $0xb8;
	[tilespmem:$0x1CC00] =	vst v63  }
0x1b0: {  	_ =	swait.ge [sflag:s22], $0x4000  }
0x1b1: {  	[sflag:s22] =	ssyncset.done $0x0  }
0x1b2: {  	s14 =	simm.s32 $0x400;
	[sflag:s22] =	ssyncadd.s32 $0xFFFFC000  }
0x1b3: {  	[tilespmem:s16], [sflag:$0x1] =	stream.indirect.gather [hbm4b:s4+s19], $0x80, s14, s19, $0xb8;
	[tilespmem:$0x1CC00] =	vst v63  }
0x1b4: {  	_ =	swait.ge [sflag:s23], $0x4000  }
0x1b5: {  	[sflag:s23] =	ssyncset.done $0x0  }
0x1b6: {  	[sflag:s23] =	ssyncadd.s32 $0xFFFFC000  }
0x1b7: {  	[spmem:s1] =	stream.indirect.scatter.add.f32 [tilespmem:s20], [sflag:$0x4], $0x80, s2, s19, $0xb8;
	[tilespmem:$0x1CC00] =	vst v63  }
0x1b8: {  	_ =	swait.ge [sflag:s28], $0x4000  }
0x1b9: {  	[sflag:s28] =	ssyncset.done $0x0  }
0x1ba: {  	[sflag:s28] =	ssyncadd.s32 $0xFFFFC000  }
0x1bb: {  	[tilespmem:s20], [sflag:$0x2] =	stream.indirect.gather [hbm4b:s4+s19], $0x80, s8, s19, $0xb8;
	[tilespmem:$0x1CC00] =	vst v63  }
0x1bc: {  	_ =	swait.ge [sflag:s21], $0x4000  }
0x1bd: {  	[sflag:s21] =	ssyncset.done $0x0  }
0x1be: {  	[sflag:s21] =	ssyncadd.s32 $0xFFFFC000  }
0x1bf: {  	[spmem:s1] =	stream.indirect.scatter.add.f32 [tilespmem:s16], [sflag:$0x3], $0x80, s9, s19, $0xb8;
	[tilespmem:$0x1CC00] =	vst v63  }
0x1c0: {  	_ =	swait.ge [sflag:s22], $0x4000  }
0x1c1: {  	[sflag:s22] =	ssyncset.done $0x0  }
0x1c2: {  	[sflag:s22] =	ssyncadd.s32 $0xFFFFC000  }
0x1c3: {  	[tilespmem:s16], [sflag:$0x1] =	stream.indirect.gather [hbm4b:s4+s19], $0x80, s10, s19, $0xb8;
	[tilespmem:$0x1CC00] =	vst v63  }
0x1c4: {  	_ =	swait.ge [sflag:s23], $0x4000  }
0x1c5: {  	[sflag:s23] =	ssyncset.done $0x0  }
0x1c6: {  	[sflag:s23] =	ssyncadd.s32 $0xFFFFC000  }
0x1c7: {  	[spmem:s1] =	stream.indirect.scatter.add.f32 [tilespmem:s20], [sflag:$0x4], $0x80, s15, s19, $0xb8;
	[tilespmem:$0x1CC00] =	vst v63  }
0x1c8: {  	_ =	swait.ge [sflag:s28], $0x4000  }
0x1c9: {  	[sflag:s28] =	ssyncset.done $0x0  }
0x1ca: {  	[sflag:s28] =	ssyncadd.s32 $0xFFFFC000  }
0x1cb: {  	[tilespmem:s20], [sflag:$0x2] =	stream.indirect.gather [hbm4b:s4+s19], $0x80, s24, s19, $0xb8;
	[tilespmem:$0x1CC00] =	vst v63  }
0x1cc: {  	_ =	swait.ge [sflag:s21], $0x4000  }
0x1cd: {  	[sflag:s21] =	ssyncset.done $0x0  }
0x1ce: {  	[sflag:s21] =	ssyncadd.s32 $0xFFFFC000  }
0x1cf: {  	[spmem:s1] =	stream.indirect.scatter.add.f32 [tilespmem:s16], [sflag:$0x3], $0x80, s25, s19, $0xb8;
	[tilespmem:$0x1CC00] =	vst v63  }
0x1d0: {  	_ =	swait.ge [sflag:s22], $0x4000  }
0x1d1: {  	[sflag:s22] =	ssyncset.done $0x0  }
0x1d2: {  	[sflag:s22] =	ssyncadd.s32 $0xFFFFC000  }
0x1d3: {  	[tilespmem:s16], [sflag:$0x1] =	stream.indirect.gather [hbm4b:s4+s19], $0x80, s7, s19, $0xb8;
	[tilespmem:$0x1CC00] =	vst v63  }
0x1d4: {  	_ =	swait.ge [sflag:s23], $0x4000  }
0x1d5: {  	[sflag:s23] =	ssyncset.done $0x0  }
0x1d6: {  	[sflag:s23] =	ssyncadd.s32 $0xFFFFC000  }
0x1d7: {  	[spmem:s1] =	stream.indirect.scatter.add.f32 [tilespmem:s20], [sflag:$0x4], $0x80, s5, s19, $0xb8;
	[tilespmem:$0x1CC00] =	vst v63  }
0x1d8: {  	_ =	swait.ge [sflag:s28], $0x4000  }
0x1d9: {  	[sflag:s28] =	ssyncset.done $0x0  }
0x1da: {  	[sflag:s28] =	ssyncadd.s32 $0xFFFFC000  }
0x1db: {  	[tilespmem:s20], [sflag:$0x2] =	stream.indirect.gather [hbm4b:s4+s19], $0x80, s6, s19, $0xb8;
	[tilespmem:$0x1CC00] =	vst v63  }
0x1dc: {  	_ =	swait.ge [sflag:s21], $0x4000  }
0x1dd: {  	[sflag:s21] =	ssyncset.done $0x0  }
0x1de: {  	[sflag:s21] =	ssyncadd.s32 $0xFFFFC000  }
0x1df: {  	[spmem:s1] =	stream.indirect.scatter.add.f32 [tilespmem:s16], [sflag:$0x3], $0x80, s12, s19, $0xb8;
	[tilespmem:$0x1CC00] =	vst v63  }
0x1e0: {  	_ =	swait.ge [sflag:s22], $0x4000  }
0x1e1: {  	[sflag:s22] =	ssyncset.done $0x0  }
0x1e2: {  	[sflag:s22] =	ssyncadd.s32 $0xFFFFC000  }
0x1e3: {  	[tilespmem:s16], [sflag:$0x1] =	stream.indirect.gather [hbm4b:s4+s19], $0x80, s26, s19, $0xb8;
	[tilespmem:$0x1CC00] =	vst v63  }
0x1e4: {  	_ =	swait.ge [sflag:s23], $0x4000  }
0x1e5: {  	[sflag:s23] =	ssyncset.done $0x0  }
0x1e6: {  	[sflag:s23] =	ssyncadd.s32 $0xFFFFC000  }
0x1e7: {  	[spmem:s1] =	stream.indirect.scatter.add.f32 [tilespmem:s20], [sflag:$0x4], $0x80, s29, s19, $0xb8;
	[tilespmem:$0x1CC00] =	vst v63  }
0x1e8: {  	_ =	swait.ge [sflag:s28], $0x4000  }
0x1e9: {  	[sflag:s28] =	ssyncset.done $0x0  }
0x1ea: {  	[sflag:s28] =	ssyncadd.s32 $0xFFFFC000  }
0x1eb: {  	[tilespmem:s20], [sflag:$0x2] =	stream.indirect.gather [hbm4b:s4+s19], $0x80, s30, s19, $0xb8;
	[tilespmem:$0x1CC00] =	vst v63  }
0x1ec: {  	_ =	swait.ge [sflag:s21], $0x4000  }
0x1ed: {  	[sflag:s21] =	ssyncset.done $0x0  }
0x1ee: {  	[sflag:s21] =	ssyncadd.s32 $0xFFFFC000  }
0x1ef: {  	[spmem:s1] =	stream.indirect.scatter.add.f32 [tilespmem:s16], [sflag:$0x3], $0x80, s31, s19, $0xb8;
	[tilespmem:$0x1CC00] =	vst v63  }
0x1f0: {  	_ =	swait.ge [sflag:s23], $0x4000  }
0x1f1: {  	[sflag:s23] =	ssyncset.done $0x0  }
0x1f2: {  	p2 =	seq.s32 s11, $0x700;
	[sflag:s23] =	ssyncadd.s32 $0xFFFFC000  }
0x1f3: {  	[spmem:s1] =	stream.indirect.scatter.add.f32 [tilespmem:s20], [sflag:$0x4], $0x80, s0, s19, $0xb8;
	[tilespmem:$0x1CC00] =	vst v63  }
.Ltmp6:
0x1f4: {  	_ =	swait.ge [sflag:s22], $0x4000;
	(pc) =	sbr.rel @!p2 .LBB2_5-.Ltmp6, $4  }
0x1f5: {  	[sflag:s22] =	ssyncset.done $0x0  }
0x1f6: {  	[sflag:s22] =	ssyncadd.s32 $0xFFFFC000  }
0x1f7: {  	_ =	swait.ge [sflag:s28], $0x4000  }
0x1f8: {  	s11 =	sadd.s32 $0x100, s11;
	[sflag:s28] =	ssyncset.done $0x0  }
.Ltmp7:
0x1f9: {  	_ = 	snop;
	(pc) =	sbr.rel .LBB2_6-.Ltmp7, $1  }
0x1fa: {  	_ =	sdelay $0x3  }
.LBB2_9:
0x1fb: {  	_ =	sfence.sel $0x180000  }
0x1fc: {  	[bflag:$0x0] =	sbarrier.arrive $0xFFFF  }
0x1fd: {  	_ =	strace $0x9000004A  }
0x1fe: {  	s0 =	stileid.u32;
	[bflag:$0x2] =	sbarrier.arrive $0xFFFF  }
0x1ff: {  	p0 =	sne.s32 s0, $0x0;
	s0 =	rddreg [dreg:$0x2]  }
0x200: {  	s0 =	sadd.s32 @!p0 $0x100000, s0  }
0x201: {  	[sflag:s0] =	ssyncadd.tile.s32 @!p0 $0x1;
	_ =	shalt  }
.Lfunc_end2:
_tile_overlayer_lowered:
.L_overlay_start_2:
0x202: {  	(tag) =	ssettag $0x2  }
0x203: {  	s0 =	rddreg [dreg:$0x0];
	s2 =	stileid.u32  }
0x204: {  	s1 =	rddreg [dreg:$0x1];
	p0 =	sne.s32 s2, $0x0  }
0x205: {  	s3 =	rddreg [dreg:$0x2];
	[bflag:$0x3] =	sbarrier.arrive $0xFFFF;
	s2 =	simm.s32 @!p0 $0x1C05  }
0x206: {  	[timem:s3], [sflag:s2] =	dma.local @!p0 [hbm:s0], s1  }
0x207: {  	s0 =	simm.s32 @!p0 $0x5  }
0x208: {  	_ =	swait.ge @!p0 [sflag:s0], s1  }
0x209: {  	s1 =	ssub.s32 @!p0 $0x0, s1;
	[sflag:s0] =	ssyncset.done @!p0 $0x0  }
0x20a: {  	[sflag:s0] =	ssyncadd.s32 @!p0 s1  }
0x20b: {  	[bflag:$0x3] =	sbarrier.arrive $0xFFFF  }
0x20c: {  	_ =	shalt  }

</sc_bundles>
